<compile_context>
chip_gen: v7x
topology: tpu7x:2x2x1
jax: 0.10.2.dev20260603
libtpu: 0.0.44.dev20260713+nightly
codegen_flags: <defaults>
</compile_context>

<pallas_src>
import functools

import jax
import jax.numpy as jnp
from jax import lax
from jax.experimental import pallas as pl
from jax.experimental.pallas import tpu as pltpu
from jax.experimental.pallas import tpu_sc as plsc

N = 10000
E = 320000
D = 128
NC = 2
NS = 16
NW = NC * NS

CHUNK = 128
NCHUNKS = E // CHUNK
BASE_CH = NCHUNKS // NW
EXTRA = NCHUNKS - BASE_CH * NW
STRIPE = 624
REM_BASE = NS * STRIPE
REM = N - REM_BASE
USERS_PER_W = 2048 // NW

_mesh = plsc.VectorSubcoreMesh(core_axis_name="c", subcore_axis_name="s")


def _worker_id():
    return lax.axis_index("s") * NC + lax.axis_index("c")


def _striped(s, fn):
    fn(s * STRIPE, STRIPE)

    @pl.when(s == NS - 1)
    def _():
        fn(REM_BASE, REM)


HBUF = 6
HGROUPS = (2500 // NW + 1 + HBUF - 1) // HBUF


@functools.partial(
    pl.kernel,
    out_type=(
        jax.ShapeDtypeStruct((NC, N, 16), jnp.float32),
        jax.ShapeDtypeStruct((NC, N, 16), jnp.float32),
    ),
    mesh=_mesh,
    compiler_params=pltpu.CompilerParams(use_tc_tiling_on_sc=False),
    scratch_types=(
        [pltpu.VMEM_SHARED((N, 16), jnp.float32)] * 2
        + [pltpu.VMEM((CHUNK, 16), jnp.float32)]
        + [pltpu.VMEM((CHUNK,), jnp.int32)] * (2 * HBUF)
        + [pltpu.SemaphoreType.DMA] * (4 * HBUF)
    ),
)
def _hist_kernel(src_hbm, dst_hbm, zeros16_hbm, ones_hbm,
                 degs_out, degd_out, acc_s, acc_d, ones_v, *bufs):
    sidx = bufs[0:HBUF]
    didx = bufs[HBUF:2 * HBUF]
    sems = bufs[2 * HBUF:]
    sem_si = sems[0:HBUF]
    sem_di = sems[HBUF:2 * HBUF]
    sem_as = sems[2 * HBUF:3 * HBUF]
    sem_ad = sems[3 * HBUF:4 * HBUF]

    c = lax.axis_index("c")
    s = lax.axis_index("s")
    w = _worker_id()

    def _zero(r0, nr):
        pltpu.sync_copy(zeros16_hbm.at[pl.ds(r0, nr)], acc_s.at[pl.ds(r0, nr)])
        pltpu.sync_copy(zeros16_hbm.at[pl.ds(r0, nr)], acc_d.at[pl.ds(r0, nr)])

    _striped(s, _zero)
    pltpu.sync_copy(ones_hbm, ones_v)
    plsc.subcore_barrier()

    n_my = BASE_CH + (w < EXTRA).astype(jnp.int32)

    def _start_idx(b, q):
        e0 = (w + q * NW) * CHUNK
        pltpu.async_copy(src_hbm.at[pl.ds(e0, CHUNK)], sidx[b], sem_si[b])
        pltpu.async_copy(dst_hbm.at[pl.ds(e0, CHUNK)], didx[b], sem_di[b])

    for b in range(HBUF):
        _start_idx(b, b)

    @pl.loop(0, HGROUPS)
    def _(g):
        q0 = g * HBUF
        for b in range(HBUF):
            @pl.when(q0 + b < n_my)
            def _(b=b):
                pltpu.make_async_copy(src_hbm.at[pl.ds(0, CHUNK)], sidx[b],
                                      sem_si[b]).wait()
                pltpu.make_async_copy(dst_hbm.at[pl.ds(0, CHUNK)], didx[b],
                                      sem_di[b]).wait()
                pltpu.async_copy(ones_v, acc_s.at[sidx[b]], sem_as[b], add=True)
                pltpu.async_copy(ones_v, acc_d.at[didx[b]], sem_ad[b], add=True)
        for b in range(HBUF):
            @pl.when(q0 + b < n_my)
            def _(b=b):
                pltpu.make_async_copy(ones_v, acc_s.at[sidx[b]], sem_as[b]).wait()
                pltpu.make_async_copy(ones_v, acc_d.at[didx[b]], sem_ad[b]).wait()

            @pl.when(q0 + b + HBUF < n_my)
            def _(b=b):
                _start_idx(b, q0 + b + HBUF)

    plsc.subcore_barrier()

    def _wout(r0, nr):
        pltpu.sync_copy(acc_s.at[pl.ds(r0, nr)], degs_out.at[c, pl.ds(r0, nr)])
        pltpu.sync_copy(acc_d.at[pl.ds(r0, nr)], degd_out.at[c, pl.ds(r0, nr)])

    _striped(s, _wout)


NBUF = 3
NGROUPS = (BASE_CH + 1 + NBUF - 1) // NBUF + 1
NGROUPS += NGROUPS % 2


@functools.partial(
    pl.kernel,
    out_type=jax.ShapeDtypeStruct((NC, N, D), jnp.float32),
    mesh=_mesh,
    compiler_params=pltpu.CompilerParams(use_tc_tiling_on_sc=False),
    scratch_types=(
        [pltpu.VMEM_SHARED((N, D), jnp.float32)]
        + [pltpu.VMEM((2, CHUNK), jnp.int32)] * (2 * NBUF)
        + [pltpu.VMEM((CHUNK, D), jnp.float32)] * NBUF
        + [pltpu.SemaphoreType.DMA] * (4 * NBUF)
    ),
)
def _scatter_kernel(table_hbm, eidx_hbm, zerosd_hbm,
                    out_hbm, acc, *bufs):
    idx = (bufs[0:NBUF], bufs[NBUF:2 * NBUF])
    rows = bufs[2 * NBUF:3 * NBUF]
    sems = bufs[3 * NBUF:]
    sem_i = (sems[0:NBUF], sems[NBUF:2 * NBUF])
    sem_g = sems[2 * NBUF:3 * NBUF]
    sem_a = sems[3 * NBUF:4 * NBUF]

    c = lax.axis_index("c")
    s = lax.axis_index("s")
    w = _worker_id()

    def _zero(r0, nr):
        pltpu.sync_copy(zerosd_hbm.at[pl.ds(r0, nr)], acc.at[pl.ds(r0, nr)])

    _striped(s, _zero)
    plsc.subcore_barrier()

    n_my = BASE_CH + (w < EXTRA).astype(jnp.int32)

    def _start_idx(st, b, q):
        pltpu.async_copy(eidx_hbm.at[w + q * NW], idx[st][b], sem_i[st][b])

    def _wait_idx(st, b):
        pltpu.make_async_copy(eidx_hbm.at[0], idx[st][b], sem_i[st][b]).wait()

    for b in range(NBUF):
        _start_idx(0, b, b)

    def _group(g, st, nst):
        q0 = g * NBUF
        for b in range(NBUF):
            @pl.when(jnp.logical_and(q0 + b - NBUF >= 0, q0 + b - NBUF < n_my))
            def _(b=b, nst=nst):
                pltpu.make_async_copy(rows[b], acc.at[idx[nst][b].at[1]],
                                      sem_a[b]).wait()

            @pl.when(q0 + b < n_my)
            def _(b=b, st=st):
                _wait_idx(st, b)
                pltpu.async_copy(table_hbm.at[idx[st][b].at[0]], rows[b], sem_g[b])

            @pl.when(q0 + NBUF + b < n_my)
            def _(b=b, nst=nst):
                _start_idx(nst, b, q0 + NBUF + b)
        for b in range(NBUF):
            @pl.when(q0 + b < n_my)
            def _(b=b, st=st):
                pltpu.make_async_copy(table_hbm.at[idx[st][b].at[0]], rows[b],
                                      sem_g[b]).wait()
                pltpu.async_copy(rows[b], acc.at[idx[st][b].at[1]], sem_a[b],
                                 add=True)

    @pl.loop(0, NGROUPS // 2)
    def _(gg):
        _group(2 * gg, 0, 1)
        _group(2 * gg + 1, 1, 0)

    plsc.subcore_barrier()

    def _wout(r0, nr):
        pltpu.sync_copy(acc.at[pl.ds(r0, nr)], out_hbm.at[c, pl.ds(r0, nr)])

    _striped(s, _wout)


@functools.partial(
    pl.kernel,
    out_type=jax.ShapeDtypeStruct((2048, D), jnp.float32),
    mesh=_mesh,
    scratch_types=[
        pltpu.VMEM((USERS_PER_W,), jnp.int32),
        pltpu.VMEM((USERS_PER_W, D), jnp.float32),
        pltpu.SemaphoreType.DMA,
    ],
)
def _user_gather_kernel(h_hbm, users_hbm, out_hbm, uidx, rows, sem):
    w = _worker_id()
    base = w * USERS_PER_W
    pltpu.sync_copy(users_hbm.at[pl.ds(base, USERS_PER_W)], uidx)
    pltpu.async_copy(h_hbm.at[uidx], rows, sem).wait()
    pltpu.sync_copy(rows, out_hbm.at[pl.ds(base, USERS_PER_W)])


_BLK = 1000


def _mm_body(x_ref, w_ref, o_ref):
    o_ref[...] = jnp.dot(x_ref[...], w_ref[...],
                         preferred_element_type=jnp.float32)


def _mm(x, w):
    n = x.shape[0]
    return pl.pallas_call(
        _mm_body,
        grid=(n // _BLK,),
        in_specs=[
            pl.BlockSpec((_BLK, x.shape[1]), lambda i: (i, 0)),
            pl.BlockSpec(w.shape, lambda i: (0, 0)),
        ],
        out_specs=pl.BlockSpec((_BLK, w.shape[1]), lambda i: (i, 0)),
        out_shape=jax.ShapeDtypeStruct((n, w.shape[1]), jnp.float32),
    )(x, w)


def _norm_from(deg_ref):
    d = deg_ref[0, :, 0:1] + deg_ref[1, :, 0:1]
    return lax.rsqrt(jnp.maximum(d, 1.0))


_DEG_SPEC = pl.BlockSpec((NC, _BLK, 16), lambda i: (0, i, 0))


def _scale_body(hw_ref, degs_ref, o_ref):
    o_ref[...] = hw_ref[...] * _norm_from(degs_ref)


def _scale(hw, degs_p):
    return pl.pallas_call(
        _scale_body,
        grid=(N // _BLK,),
        in_specs=[
            pl.BlockSpec((_BLK, D), lambda i: (i, 0)),
            _DEG_SPEC,
        ],
        out_specs=pl.BlockSpec((_BLK, D), lambda i: (i, 0)),
        out_shape=jax.ShapeDtypeStruct((N, D), jnp.float32),
    )(hw, degs_p)


def _layer_mm_body(p_ref, degd_ref, degs_ref, b_ref, w_ref, o_ref):
    agg = p_ref[0] + p_ref[1]
    h = jax.nn.relu(agg * _norm_from(degd_ref) + b_ref[...])
    o_ref[...] = jnp.dot(h, w_ref[...],
                         preferred_element_type=jnp.float32) * _norm_from(degs_ref)


def _layer_mm(p, degd_p, degs_p, b, w):
    return pl.pallas_call(
        _layer_mm_body,
        grid=(N // _BLK,),
        in_specs=[
            pl.BlockSpec((NC, _BLK, D), lambda i: (0, i, 0)),
            _DEG_SPEC,
            _DEG_SPEC,
            pl.BlockSpec((1, D), lambda i: (0, 0)),
            pl.BlockSpec((D, D), lambda i: (0, 0)),
        ],
        out_specs=pl.BlockSpec((_BLK, D), lambda i: (i, 0)),
        out_shape=jax.ShapeDtypeStruct((N, D), jnp.float32),
    )(p, degd_p, degs_p, b, w)


def _layer_out_body(p_ref, degd_ref, b_ref, o_ref):
    agg = p_ref[0] + p_ref[1]
    o_ref[...] = jax.nn.relu(agg * _norm_from(degd_ref) + b_ref[...])


def _layer_out(p, degd_p, b):
    return pl.pallas_call(
        _layer_out_body,
        grid=(N // _BLK,),
        in_specs=[
            pl.BlockSpec((NC, _BLK, D), lambda i: (0, i, 0)),
            _DEG_SPEC,
            pl.BlockSpec((1, D), lambda i: (0, 0)),
        ],
        out_specs=pl.BlockSpec((_BLK, D), lambda i: (i, 0)),
        out_shape=jax.ShapeDtypeStruct((N, D), jnp.float32),
    )(p, degd_p, b)


def _mlp_body(uh_ref, w1_ref, b1_ref, w2_ref, b2_ref, o_ref):
    t = jnp.tanh(jnp.dot(uh_ref[...], w1_ref[...],
                         preferred_element_type=jnp.float32) + b1_ref[...])
    o_ref[...] = jnp.dot(t, w2_ref[...],
                         preferred_element_type=jnp.float32) + b2_ref[...]


def _mlp(uh, w1, b1, w2, b2):
    return pl.pallas_call(
        _mlp_body,
        out_shape=jax.ShapeDtypeStruct((uh.shape[0], w2.shape[1]), jnp.float32),
    )(uh, w1, b1, w2, b2)


def kernel(features, W1, b1, W2, b2, Ws1, bs1, Ws2, bs2, edge_index, users):
    src = edge_index[0].astype(jnp.int32)
    dst = edge_index[1].astype(jnp.int32)
    users = users.astype(jnp.int32)
    zerosd = jnp.zeros((N, D), jnp.float32)
    zeros16 = jnp.zeros((N, 16), jnp.float32)
    ones16 = jnp.ones((CHUNK, 16), jnp.float32)

    eidx = jnp.stack([src.reshape(NCHUNKS, CHUNK),
                      dst.reshape(NCHUNKS, CHUNK)], axis=1)

    degs_p, degd_p = _hist_kernel(src, dst, zeros16, ones16)
    hw1 = _mm(features, W1)
    scaled1 = _scale(hw1, degs_p)
    p1 = _scatter_kernel(scaled1, eidx, zerosd)
    scaled2 = _layer_mm(p1, degd_p, degs_p, b1.reshape(1, D), W2)
    p2 = _scatter_kernel(scaled2, eidx, zerosd)
    h = _layer_out(p2, degd_p, b2.reshape(1, D))
    uh = _user_gather_kernel(h, users)
    R = _mlp(uh, Ws1, bs1.reshape(1, -1), Ws2, bs2.reshape(1, -1))
    return (R, h)

# --- scband reference (transcript-rebuilt; emitter-appended) ---
"""Pipeline reference for scband-encoder-73830487818453 (READ-ONLY COPY).

The authoritative reference and input builder live on the scoring server;
editing this copy changes nothing except your own understanding.
"""

import jax, jax.numpy as jnp
import numpy as np

N = 10000
E = 320000
D_IN = 128
D_H = 128
D_OUT = 64
N_USERS = 2048


def setup_inputs(seed: int = 0) -> dict:
    key = jax.random.key(seed)
    ks = jax.random.split(key, 12)
    features = jax.random.normal(ks[0], (N, D_IN), dtype=jnp.float32)
    src = jax.random.randint(ks[1], (E,), 0, N)
    dst = jax.random.randint(ks[2], (E,), 0, N)
    edge_index = jnp.stack([src, dst], axis=0)
    users = jax.random.randint(ks[3], (N_USERS,), 0, N)
    W1 = jax.random.normal(ks[4], (D_IN, D_H), dtype=jnp.float32) * (1.0 / np.sqrt(D_IN))
    b1 = jnp.zeros((D_H,), dtype=jnp.float32)
    W2 = jax.random.normal(ks[5], (D_H, D_H), dtype=jnp.float32) * (1.0 / np.sqrt(D_H))
    b2 = jnp.zeros((D_H,), dtype=jnp.float32)
    Ws1 = jax.random.normal(ks[6], (D_H, 64), dtype=jnp.float32) * (1.0 / np.sqrt(D_H))
    bs1 = jnp.zeros((64,), dtype=jnp.float32)
    Ws2 = jax.random.normal(ks[7], (64, D_OUT), dtype=jnp.float32) * (1.0 / np.sqrt(64.0))
    bs2 = jnp.zeros((D_OUT,), dtype=jnp.float32)
    return {"features": features, "W1": W1, "b1": b1, "W2": W2, "b2": b2,
            "Ws1": Ws1, "bs1": bs1, "Ws2": Ws2, "bs2": bs2,
            "edge_index": edge_index, "users": users}


def _graph_conv(h, W, b, edge_index, n_nodes):
    # DGL-style GraphConv with norm='both': D_out^{-1/2} A D_in^{-1/2} (h W) + b, then relu
    src = edge_index[0]
    dst = edge_index[1]
    ones = jnp.ones((src.shape[0],), dtype=jnp.float32)
    deg_out = jax.ops.segment_sum(ones, src, num_segments=n_nodes)
    deg_in = jax.ops.segment_sum(ones, dst, num_segments=n_nodes)
    norm_src = jax.lax.rsqrt(jnp.clip(deg_out, 1.0, None))
    norm_dst = jax.lax.rsqrt(jnp.clip(deg_in, 1.0, None))
    hW = h @ W
    msg = hW[src] * norm_src[src][:, None]
    agg = jax.ops.segment_sum(msg, dst, num_segments=n_nodes)
    out = agg * norm_dst[:, None] + b
    return jax.nn.relu(out)


def reference(features, W1, b1, W2, b2, Ws1, bs1, Ws2, bs2, edge_index, users):
    # isreplace=False path: h = features.clone()
    h = features
    h = _graph_conv(h, W1, b1, edge_index, N)
    # dropout p=0.0 (eval) -> identity
    h = _graph_conv(h, W2, b2, edge_index, N)
    user_h = h[users]
    R = jnp.tanh(user_h @ Ws1 + bs1) @ Ws2 + bs2
    return (R, h)

if __name__ == "__main__":
    import jax
    _d = setup_inputs()
    print(jax.jit(kernel)(*tuple(_d.values())))

</pallas_src>

<mosaic_0001>
#map = affine_map<(d0, d1) -> (0, 0)>
#map1 = affine_map<(d0, d1) -> (0)>
module attributes {stable_mosaic.version = 14 : i64} {
  func.func @_user_gather_kernel(%arg0: i32, %arg1: i32, %arg2: memref<10000x128xf32, #tpu.memory_space<hbm>>, %arg3: memref<2048xi32, #tpu.memory_space<hbm>>, %arg4: memref<2048x128xf32, #tpu.memory_space<hbm>>, %arg5: memref<64xi32, #tpu.memory_space<vmem>>, %arg6: memref<64x128xf32, #tpu.memory_space<vmem>>, %arg7: memref<!tpu.dma_semaphore, #tpu.memory_space<semaphore_mem>>) attributes {dimension_semantics = [#tpu.dimension_semantics<core_parallel>, #tpu.dimension_semantics<subcore_parallel>], iteration_bounds = array<i64: 2, 16>, scalar_prefetch = 0 : i64, scratch_operands = 3 : i64, tpu.core_type = #tpu.core_type<sc_vector_subcore>, window_params = [{transform_indices = #map}, {transform_indices = #map1}, {transform_indices = #map}]} {
    %mul3A = arith.constant 2 : i32
    %mul3A_0 = arith.muli %arg1, %mul3A : i32
    %add3A = arith.addi %mul3A_0, %arg0 : i32
    %mul3A_1 = arith.constant 64 : i32
    %mul3A_2 = arith.muli %add3A, %mul3A_1 : i32
    "tpu.region"() ({
      %run_scoped3A = tpu.sem_alloc : memref<!tpu.dma_semaphore, #tpu.memory_space<semaphore_mem>>
      %dma_start3A_7 = tpu.memref_slice %arg3[%mul3A_2] : memref<2048xi32, #tpu.memory_space<hbm>> -> memref<64xi32, #tpu.memory_space<hbm>>
      %dma_start3A_8 = tpu.memref_slice %arg3[%mul3A_2] : memref<2048xi32, #tpu.memory_space<hbm>> -> memref<64xi32, #tpu.memory_space<hbm>>
      tpu.enqueue_dma source(%dma_start3A_8 : memref<64xi32, #tpu.memory_space<hbm>>) target(%arg5 : memref<64xi32, #tpu.memory_space<vmem>>) target_semaphore(%run_scoped3A : memref<!tpu.dma_semaphore, #tpu.memory_space<semaphore_mem>>)
      %dma_wait3A_9 = tpu.memref_slice %arg3[%mul3A_2] : memref<2048xi32, #tpu.memory_space<hbm>> -> memref<64xi32, #tpu.memory_space<hbm>>
      %dma_wait3A_10 = tpu.memref_slice %arg3[%mul3A_2] : memref<2048xi32, #tpu.memory_space<hbm>> -> memref<64xi32, #tpu.memory_space<hbm>>
      tpu.wait_dma2 semaphore(%run_scoped3A : memref<!tpu.dma_semaphore, #tpu.memory_space<semaphore_mem>>) src(%dma_wait3A_10 : memref<64xi32, #tpu.memory_space<hbm>>) dst(%arg5 : memref<64xi32, #tpu.memory_space<vmem>>)
      tpu.yield
    }) : () -> ()
    %dma_start3A = arith.constant 0 : i32
    %dma_start3A_3 = arith.constant 0 : i32
    %dma_start3A_4 = tpu.memref_slice %arg2[%dma_start3A, %dma_start3A_3] : memref<10000x128xf32, #tpu.memory_space<hbm>> -> memref<10000x128xf32, #tpu.memory_space<hbm>>
    tpu.enqueue_indirect_dma source(%dma_start3A_4 : memref<10000x128xf32, #tpu.memory_space<hbm>>) target(%arg6 : memref<64x128xf32, #tpu.memory_space<vmem>>) offsets(%arg5 : memref<64xi32, #tpu.memory_space<vmem>>) semaphore(%arg7 : memref<!tpu.dma_semaphore, #tpu.memory_space<semaphore_mem>>)
    %dma_wait3A = arith.constant 0 : i32
    %dma_wait3A_5 = arith.constant 0 : i32
    %dma_wait3A_6 = tpu.memref_slice %arg2[%dma_wait3A, %dma_wait3A_5] : memref<10000x128xf32, #tpu.memory_space<hbm>> -> memref<10000x128xf32, #tpu.memory_space<hbm>>
    tpu.wait_indirect_dma semaphore(%arg7 : memref<!tpu.dma_semaphore, #tpu.memory_space<semaphore_mem>>) src(%dma_wait3A_6 : memref<10000x128xf32, #tpu.memory_space<hbm>>) dst(%arg6 : memref<64x128xf32, #tpu.memory_space<vmem>>)
    "tpu.region"() ({
      %run_scoped3A = tpu.sem_alloc : memref<!tpu.dma_semaphore, #tpu.memory_space<semaphore_mem>>
      %dma_start3A_7 = arith.constant 0 : i32
      %dma_start3A_8 = tpu.memref_slice %arg4[%mul3A_2, %dma_start3A_7] : memref<2048x128xf32, #tpu.memory_space<hbm>> -> memref<64x128xf32, #tpu.memory_space<hbm>>
      %dma_start3A_9 = arith.constant 0 : i32
      %dma_start3A_10 = tpu.memref_slice %arg4[%mul3A_2, %dma_start3A_9] : memref<2048x128xf32, #tpu.memory_space<hbm>> -> memref<64x128xf32, #tpu.memory_space<hbm>>
      tpu.enqueue_dma source(%arg6 : memref<64x128xf32, #tpu.memory_space<vmem>>) target(%dma_start3A_10 : memref<64x128xf32, #tpu.memory_space<hbm>>) target_semaphore(%run_scoped3A : memref<!tpu.dma_semaphore, #tpu.memory_space<semaphore_mem>>)
      %dma_wait3A_11 = arith.constant 0 : i32
      %dma_wait3A_12 = tpu.memref_slice %arg4[%mul3A_2, %dma_wait3A_11] : memref<2048x128xf32, #tpu.memory_space<hbm>> -> memref<64x128xf32, #tpu.memory_space<hbm>>
      %dma_wait3A_13 = arith.constant 0 : i32
      %dma_wait3A_14 = tpu.memref_slice %arg4[%mul3A_2, %dma_wait3A_13] : memref<2048x128xf32, #tpu.memory_space<hbm>> -> memref<64x128xf32, #tpu.memory_space<hbm>>
      tpu.wait_dma2 semaphore(%run_scoped3A : memref<!tpu.dma_semaphore, #tpu.memory_space<semaphore_mem>>) src(%arg6 : memref<64x128xf32, #tpu.memory_space<vmem>>) dst(%dma_wait3A_14 : memref<64x128xf32, #tpu.memory_space<hbm>>)
      tpu.yield
    }) : () -> ()
    return
  }
}

#map = affine_map<(d0, d1) -> (0)>
#map1 = affine_map<(d0, d1) -> (0, 0)>
#map2 = affine_map<(d0, d1) -> (0, 0, 0)>
module attributes {stable_mosaic.version = 14 : i64} {
  func.func @_hist_kernel(%arg0: i32, %arg1: i32, %arg2: memref<320000xi32, #tpu.memory_space<hbm>>, %arg3: memref<320000xi32, #tpu.memory_space<hbm>>, %arg4: memref<10000x16xf32, #tpu.memory_space<hbm>>, %arg5: memref<128x16xf32, #tpu.memory_space<hbm>>, %arg6: memref<2x10000x16xf32, #tpu.memory_space<hbm>>, %arg7: memref<2x10000x16xf32, #tpu.memory_space<hbm>>, %arg8: memref<10000x16xf32, #tpu.memory_space<vmem_shared>>, %arg9: memref<10000x16xf32, #tpu.memory_space<vmem_shared>>, %arg10: memref<128x16xf32, #tpu.memory_space<vmem>>, %arg11: memref<128xi32, #tpu.memory_space<vmem>>, %arg12: memref<128xi32, #tpu.memory_space<vmem>>, %arg13: memref<128xi32, #tpu.memory_space<vmem>>, %arg14: memref<128xi32, #tpu.memory_space<vmem>>, %arg15: memref<128xi32, #tpu.memory_space<vmem>>, %arg16: memref<128xi32, #tpu.memory_space<vmem>>, %arg17: memref<128xi32, #tpu.memory_space<vmem>>, %arg18: memref<128xi32, #tpu.memory_space<vmem>>, %arg19: memref<128xi32, #tpu.memory_space<vmem>>, %arg20: memref<128xi32, #tpu.memory_space<vmem>>, %arg21: memref<128xi32, #tpu.memory_space<vmem>>, %arg22: memref<128xi32, #tpu.memory_space<vmem>>, %arg23: memref<!tpu.dma_semaphore, #tpu.memory_space<semaphore_mem>>, %arg24: memref<!tpu.dma_semaphore, #tpu.memory_space<semaphore_mem>>, %arg25: memref<!tpu.dma_semaphore, #tpu.memory_space<semaphore_mem>>, %arg26: memref<!tpu.dma_semaphore, #tpu.memory_space<semaphore_mem>>, %arg27: memref<!tpu.dma_semaphore, #tpu.memory_space<semaphore_mem>>, %arg28: memref<!tpu.dma_semaphore, #tpu.memory_space<semaphore_mem>>, %arg29: memref<!tpu.dma_semaphore, #tpu.memory_space<semaphore_mem>>, %arg30: memref<!tpu.dma_semaphore, #tpu.memory_space<semaphore_mem>>, %arg31: memref<!tpu.dma_semaphore, #tpu.memory_space<semaphore_mem>>, %arg32: memref<!tpu.dma_semaphore, #tpu.memory_space<semaphore_mem>>, %arg33: memref<!tpu.dma_semaphore, #tpu.memory_space<semaphore_mem>>, %arg34: memref<!tpu.dma_semaphore, #tpu.memory_space<semaphore_mem>>, %arg35: memref<!tpu.dma_semaphore, #tpu.memory_space<semaphore_mem>>, %arg36: memref<!tpu.dma_semaphore, #tpu.memory_space<semaphore_mem>>, %arg37: memref<!tpu.dma_semaphore, #tpu.memory_space<semaphore_mem>>, %arg38: memref<!tpu.dma_semaphore, #tpu.memory_space<semaphore_mem>>, %arg39: memref<!tpu.dma_semaphore, #tpu.memory_space<semaphore_mem>>, %arg40: memref<!tpu.dma_semaphore, #tpu.memory_space<semaphore_mem>>, %arg41: memref<!tpu.dma_semaphore, #tpu.memory_space<semaphore_mem>>, %arg42: memref<!tpu.dma_semaphore, #tpu.memory_space<semaphore_mem>>, %arg43: memref<!tpu.dma_semaphore, #tpu.memory_space<semaphore_mem>>, %arg44: memref<!tpu.dma_semaphore, #tpu.memory_space<semaphore_mem>>, %arg45: memref<!tpu.dma_semaphore, #tpu.memory_space<semaphore_mem>>, %arg46: memref<!tpu.dma_semaphore, #tpu.memory_space<semaphore_mem>>) attributes {dimension_semantics = [#tpu.dimension_semantics<core_parallel>, #tpu.dimension_semantics<subcore_parallel>], iteration_bounds = array<i64: 2, 16>, scalar_prefetch = 0 : i64, scratch_operands = 39 : i64, tpu.core_type = #tpu.core_type<sc_vector_subcore>, window_params = [{transform_indices = #map}, {transform_indices = #map}, {transform_indices = #map1}, {transform_indices = #map1}, {transform_indices = #map2}, {transform_indices = #map2}]} {
    %mul3A = arith.constant 2 : i32
    %mul3A_0 = arith.muli %arg1, %mul3A : i32
    %add3A = arith.addi %mul3A_0, %arg0 : i32
    %mul3A_1 = arith.constant 624 : i32
    %mul3A_2 = arith.muli %arg1, %mul3A_1 : i32
    "tpu.region"() ({
      %run_scoped3A = tpu.sem_alloc : memref<!tpu.dma_semaphore, #tpu.memory_space<semaphore_mem>>
      %dma_start3A_68 = arith.constant 0 : i32
      %dma_start3A_69 = tpu.memref_slice %arg8[%mul3A_2, %dma_start3A_68] : memref<10000x16xf32, #tpu.memory_space<vmem_shared>> -> memref<624x16xf32, #tpu.memory_space<vmem_shared>>
      %dma_start3A_70 = arith.constant 0 : i32
      %dma_start3A_71 = tpu.memref_slice %arg4[%mul3A_2, %dma_start3A_70] : memref<10000x16xf32, #tpu.memory_space<hbm>> -> memref<624x16xf32, #tpu.memory_space<hbm>>
      tpu.enqueue_dma source(%dma_start3A_71 : memref<624x16xf32, #tpu.memory_space<hbm>>) target(%dma_start3A_69 : memref<624x16xf32, #tpu.memory_space<vmem_shared>>) target_semaphore(%run_scoped3A : memref<!tpu.dma_semaphore, #tpu.memory_space<semaphore_mem>>)
      %dma_wait3A = arith.constant 0 : i32
      %dma_wait3A_72 = tpu.memref_slice %arg8[%mul3A_2, %dma_wait3A] : memref<10000x16xf32, #tpu.memory_space<vmem_shared>> -> memref<624x16xf32, #tpu.memory_space<vmem_shared>>
      %dma_wait3A_73 = arith.constant 0 : i32
      %dma_wait3A_74 = tpu.memref_slice %arg4[%mul3A_2, %dma_wait3A_73] : memref<10000x16xf32, #tpu.memory_space<hbm>> -> memref<624x16xf32, #tpu.memory_space<hbm>>
      tpu.wait_dma2 semaphore(%run_scoped3A : memref<!tpu.dma_semaphore, #tpu.memory_space<semaphore_mem>>) src(%dma_wait3A_74 : memref<624x16xf32, #tpu.memory_space<hbm>>) dst(%dma_wait3A_72 : memref<624x16xf32, #tpu.memory_space<vmem_shared>>)
      tpu.yield
    }) : () -> ()
    "tpu.region"() ({
      %run_scoped3A = tpu.sem_alloc : memref<!tpu.dma_semaphore, #tpu.memory_space<semaphore_mem>>
      %dma_start3A_68 = arith.constant 0 : i32
      %dma_start3A_69 = tpu.memref_slice %arg9[%mul3A_2, %dma_start3A_68] : memref<10000x16xf32, #tpu.memory_space<vmem_shared>> -> memref<624x16xf32, #tpu.memory_space<vmem_shared>>
      %dma_start3A_70 = arith.constant 0 : i32
      %dma_start3A_71 = tpu.memref_slice %arg4[%mul3A_2, %dma_start3A_70] : memref<10000x16xf32, #tpu.memory_space<hbm>> -> memref<624x16xf32, #tpu.memory_space<hbm>>
      tpu.enqueue_dma source(%dma_start3A_71 : memref<624x16xf32, #tpu.memory_space<hbm>>) target(%dma_start3A_69 : memref<624x16xf32, #tpu.memory_space<vmem_shared>>) target_semaphore(%run_scoped3A : memref<!tpu.dma_semaphore, #tpu.memory_space<semaphore_mem>>)
      %dma_wait3A = arith.constant 0 : i32
      %dma_wait3A_72 = tpu.memref_slice %arg9[%mul3A_2, %dma_wait3A] : memref<10000x16xf32, #tpu.memory_space<vmem_shared>> -> memref<624x16xf32, #tpu.memory_space<vmem_shared>>
      %dma_wait3A_73 = arith.constant 0 : i32
      %dma_wait3A_74 = tpu.memref_slice %arg4[%mul3A_2, %dma_wait3A_73] : memref<10000x16xf32, #tpu.memory_space<hbm>> -> memref<624x16xf32, #tpu.memory_space<hbm>>
      tpu.wait_dma2 semaphore(%run_scoped3A : memref<!tpu.dma_semaphore, #tpu.memory_space<semaphore_mem>>) src(%dma_wait3A_74 : memref<624x16xf32, #tpu.memory_space<hbm>>) dst(%dma_wait3A_72 : memref<624x16xf32, #tpu.memory_space<vmem_shared>>)
      tpu.yield
    }) : () -> ()
    %eq3A = arith.constant 15 : i32
    %eq3A_3 = arith.cmpi eq, %arg1, %eq3A : i32
    %convert_element_type3A = arith.extui %eq3A_3 : i1 to i32
    %cond3A = arith.constant 0 : i32
    %cond3A_4 = arith.cmpi ne, %convert_element_type3A, %cond3A : i32
    scf.if %cond3A_4 {
      "tpu.region"() ({
        %run_scoped3A = tpu.sem_alloc : memref<!tpu.dma_semaphore, #tpu.memory_space<semaphore_mem>>
        %dma_start3A_68 = arith.constant 9984 : i32
        %dma_start3A_69 = arith.constant 0 : i32
        %dma_start3A_70 = tpu.memref_slice %arg8[%dma_start3A_68, %dma_start3A_69] : memref<10000x16xf32, #tpu.memory_space<vmem_shared>> -> memref<16x16xf32, #tpu.memory_space<vmem_shared>>
        %dma_start3A_71 = arith.constant 9984 : i32
        %dma_start3A_72 = arith.constant 0 : i32
        %dma_start3A_73 = tpu.memref_slice %arg4[%dma_start3A_71, %dma_start3A_72] : memref<10000x16xf32, #tpu.memory_space<hbm>> -> memref<16x16xf32, #tpu.memory_space<hbm>>
        tpu.enqueue_dma source(%dma_start3A_73 : memref<16x16xf32, #tpu.memory_space<hbm>>) target(%dma_start3A_70 : memref<16x16xf32, #tpu.memory_space<vmem_shared>>) target_semaphore(%run_scoped3A : memref<!tpu.dma_semaphore, #tpu.memory_space<semaphore_mem>>)
        %dma_wait3A = arith.constant 9984 : i32
        %dma_wait3A_74 = arith.constant 0 : i32
        %dma_wait3A_75 = tpu.memref_slice %arg8[%dma_wait3A, %dma_wait3A_74] : memref<10000x16xf32, #tpu.memory_space<vmem_shared>> -> memref<16x16xf32, #tpu.memory_space<vmem_shared>>
        %dma_wait3A_76 = arith.constant 9984 : i32
        %dma_wait3A_77 = arith.constant 0 : i32
        %dma_wait3A_78 = tpu.memref_slice %arg4[%dma_wait3A_76, %dma_wait3A_77] : memref<10000x16xf32, #tpu.memory_space<hbm>> -> memref<16x16xf32, #tpu.memory_space<hbm>>
        tpu.wait_dma2 semaphore(%run_scoped3A : memref<!tpu.dma_semaphore, #tpu.memory_space<semaphore_mem>>) src(%dma_wait3A_78 : memref<16x16xf32, #tpu.memory_space<hbm>>) dst(%dma_wait3A_75 : memref<16x16xf32, #tpu.memory_space<vmem_shared>>)
        tpu.yield
      }) : () -> ()
      "tpu.region"() ({
        %run_scoped3A = tpu.sem_alloc : memref<!tpu.dma_semaphore, #tpu.memory_space<semaphore_mem>>
        %dma_start3A_68 = arith.constant 9984 : i32
        %dma_start3A_69 = arith.constant 0 : i32
        %dma_start3A_70 = tpu.memref_slice %arg9[%dma_start3A_68, %dma_start3A_69] : memref<10000x16xf32, #tpu.memory_space<vmem_shared>> -> memref<16x16xf32, #tpu.memory_space<vmem_shared>>
        %dma_start3A_71 = arith.constant 9984 : i32
        %dma_start3A_72 = arith.constant 0 : i32
        %dma_start3A_73 = tpu.memref_slice %arg4[%dma_start3A_71, %dma_start3A_72] : memref<10000x16xf32, #tpu.memory_space<hbm>> -> memref<16x16xf32, #tpu.memory_space<hbm>>
        tpu.enqueue_dma source(%dma_start3A_73 : memref<16x16xf32, #tpu.memory_space<hbm>>) target(%dma_start3A_70 : memref<16x16xf32, #tpu.memory_space<vmem_shared>>) target_semaphore(%run_scoped3A : memref<!tpu.dma_semaphore, #tpu.memory_space<semaphore_mem>>)
        %dma_wait3A = arith.constant 9984 : i32
        %dma_wait3A_74 = arith.constant 0 : i32
        %dma_wait3A_75 = tpu.memref_slice %arg9[%dma_wait3A, %dma_wait3A_74] : memref<10000x16xf32, #tpu.memory_space<vmem_shared>> -> memref<16x16xf32, #tpu.memory_space<vmem_shared>>
        %dma_wait3A_76 = arith.constant 9984 : i32
        %dma_wait3A_77 = arith.constant 0 : i32
        %dma_wait3A_78 = tpu.memref_slice %arg4[%dma_wait3A_76, %dma_wait3A_77] : memref<10000x16xf32, #tpu.memory_space<hbm>> -> memref<16x16xf32, #tpu.memory_space<hbm>>
        tpu.wait_dma2 semaphore(%run_scoped3A : memref<!tpu.dma_semaphore, #tpu.memory_space<semaphore_mem>>) src(%dma_wait3A_78 : memref<16x16xf32, #tpu.memory_space<hbm>>) dst(%dma_wait3A_75 : memref<16x16xf32, #tpu.memory_space<vmem_shared>>)
        tpu.yield
      }) : () -> ()
    } else {
    }
    "tpu.region"() ({
      %run_scoped3A = tpu.sem_alloc : memref<!tpu.dma_semaphore, #tpu.memory_space<semaphore_mem>>
      tpu.enqueue_dma source(%arg5 : memref<128x16xf32, #tpu.memory_space<hbm>>) target(%arg10 : memref<128x16xf32, #tpu.memory_space<vmem>>) target_semaphore(%run_scoped3A : memref<!tpu.dma_semaphore, #tpu.memory_space<semaphore_mem>>)
      tpu.wait_dma2 semaphore(%run_scoped3A : memref<!tpu.dma_semaphore, #tpu.memory_space<semaphore_mem>>) src(%arg5 : memref<128x16xf32, #tpu.memory_space<hbm>>) dst(%arg10 : memref<128x16xf32, #tpu.memory_space<vmem>>)
      tpu.yield
    }) : () -> ()
    %barrier3A = arith.constant 0 : index
    tpu.barrier barrier_id(%barrier3A)
    %lt3A = arith.constant 4 : i32
    %lt3A_5 = arith.cmpi slt, %add3A, %lt3A : i32
    %convert_element_type3A_6 = arith.extui %lt3A_5 : i1 to i32
    %add3A_7 = arith.constant 78 : i32
    %add3A_8 = arith.addi %add3A_7, %convert_element_type3A_6 : i32
    %add3A_9 = arith.constant 0 : i32
    %add3A_10 = arith.addi %add3A, %add3A_9 : i32
    %mul3A_11 = arith.constant 128 : i32
    %mul3A_12 = arith.muli %add3A_10, %mul3A_11 : i32
    %dma_start3A = tpu.memref_slice %arg2[%mul3A_12] : memref<320000xi32, #tpu.memory_space<hbm>> -> memref<128xi32, #tpu.memory_space<hbm>>
    %dma_start3A_13 = tpu.memref_slice %arg2[%mul3A_12] : memref<320000xi32, #tpu.memory_space<hbm>> -> memref<128xi32, #tpu.memory_space<hbm>>
    tpu.enqueue_dma source(%dma_start3A_13 : memref<128xi32, #tpu.memory_space<hbm>>) target(%arg11 : memref<128xi32, #tpu.memory_space<vmem>>) target_semaphore(%arg23 : memref<!tpu.dma_semaphore, #tpu.memory_space<semaphore_mem>>)
    %dma_start3A_14 = tpu.memref_slice %arg3[%mul3A_12] : memref<320000xi32, #tpu.memory_space<hbm>> -> memref<128xi32, #tpu.memory_space<hbm>>
    %dma_start3A_15 = tpu.memref_slice %arg3[%mul3A_12] : memref<320000xi32, #tpu.memory_space<hbm>> -> memref<128xi32, #tpu.memory_space<hbm>>
    tpu.enqueue_dma source(%dma_start3A_15 : memref<128xi32, #tpu.memory_space<hbm>>) target(%arg17 : memref<128xi32, #tpu.memory_space<vmem>>) target_semaphore(%arg29 : memref<!tpu.dma_semaphore, #tpu.memory_space<semaphore_mem>>)
    %add3A_16 = arith.constant 32 : i32
    %add3A_17 = arith.addi %add3A, %add3A_16 : i32
    %mul3A_18 = arith.constant 128 : i32
    %mul3A_19 = arith.muli %add3A_17, %mul3A_18 : i32
    %dma_start3A_20 = tpu.memref_slice %arg2[%mul3A_19] : memref<320000xi32, #tpu.memory_space<hbm>> -> memref<128xi32, #tpu.memory_space<hbm>>
    %dma_start3A_21 = tpu.memref_slice %arg2[%mul3A_19] : memref<320000xi32, #tpu.memory_space<hbm>> -> memref<128xi32, #tpu.memory_space<hbm>>
    tpu.enqueue_dma source(%dma_start3A_21 : memref<128xi32, #tpu.memory_space<hbm>>) target(%arg12 : memref<128xi32, #tpu.memory_space<vmem>>) target_semaphore(%arg24 : memref<!tpu.dma_semaphore, #tpu.memory_space<semaphore_mem>>)
    %dma_start3A_22 = tpu.memref_slice %arg3[%mul3A_19] : memref<320000xi32, #tpu.memory_space<hbm>> -> memref<128xi32, #tpu.memory_space<hbm>>
    %dma_start3A_23 = tpu.memref_slice %arg3[%mul3A_19] : memref<320000xi32, #tpu.memory_space<hbm>> -> memref<128xi32, #tpu.memory_space<hbm>>
    tpu.enqueue_dma source(%dma_start3A_23 : memref<128xi32, #tpu.memory_space<hbm>>) target(%arg18 : memref<128xi32, #tpu.memory_space<vmem>>) target_semaphore(%arg30 : memref<!tpu.dma_semaphore, #tpu.memory_space<semaphore_mem>>)
    %add3A_24 = arith.constant 64 : i32
    %add3A_25 = arith.addi %add3A, %add3A_24 : i32
    %mul3A_26 = arith.constant 128 : i32
    %mul3A_27 = arith.muli %add3A_25, %mul3A_26 : i32
    %dma_start3A_28 = tpu.memref_slice %arg2[%mul3A_27] : memref<320000xi32, #tpu.memory_space<hbm>> -> memref<128xi32, #tpu.memory_space<hbm>>
    %dma_start3A_29 = tpu.memref_slice %arg2[%mul3A_27] : memref<320000xi32, #tpu.memory_space<hbm>> -> memref<128xi32, #tpu.memory_space<hbm>>
    tpu.enqueue_dma source(%dma_start3A_29 : memref<128xi32, #tpu.memory_space<hbm>>) target(%arg13 : memref<128xi32, #tpu.memory_space<vmem>>) target_semaphore(%arg25 : memref<!tpu.dma_semaphore, #tpu.memory_space<semaphore_mem>>)
    %dma_start3A_30 = tpu.memref_slice %arg3[%mul3A_27] : memref<320000xi32, #tpu.memory_space<hbm>> -> memref<128xi32, #tpu.memory_space<hbm>>
    %dma_start3A_31 = tpu.memref_slice %arg3[%mul3A_27] : memref<320000xi32, #tpu.memory_space<hbm>> -> memref<128xi32, #tpu.memory_space<hbm>>
    tpu.enqueue_dma source(%dma_start3A_31 : memref<128xi32, #tpu.memory_space<hbm>>) target(%arg19 : memref<128xi32, #tpu.memory_space<vmem>>) target_semaphore(%arg31 : memref<!tpu.dma_semaphore, #tpu.memory_space<semaphore_mem>>)
    %add3A_32 = arith.constant 96 : i32
    %add3A_33 = arith.addi %add3A, %add3A_32 : i32
    %mul3A_34 = arith.constant 128 : i32
    %mul3A_35 = arith.muli %add3A_33, %mul3A_34 : i32
    %dma_start3A_36 = tpu.memref_slice %arg2[%mul3A_35] : memref<320000xi32, #tpu.memory_space<hbm>> -> memref<128xi32, #tpu.memory_space<hbm>>
    %dma_start3A_37 = tpu.memref_slice %arg2[%mul3A_35] : memref<320000xi32, #tpu.memory_space<hbm>> -> memref<128xi32, #tpu.memory_space<hbm>>
    tpu.enqueue_dma source(%dma_start3A_37 : memref<128xi32, #tpu.memory_space<hbm>>) target(%arg14 : memref<128xi32, #tpu.memory_space<vmem>>) target_semaphore(%arg26 : memref<!tpu.dma_semaphore, #tpu.memory_space<semaphore_mem>>)
    %dma_start3A_38 = tpu.memref_slice %arg3[%mul3A_35] : memref<320000xi32, #tpu.memory_space<hbm>> -> memref<128xi32, #tpu.memory_space<hbm>>
    %dma_start3A_39 = tpu.memref_slice %arg3[%mul3A_35] : memref<320000xi32, #tpu.memory_space<hbm>> -> memref<128xi32, #tpu.memory_space<hbm>>
    tpu.enqueue_dma source(%dma_start3A_39 : memref<128xi32, #tpu.memory_space<hbm>>) target(%arg20 : memref<128xi32, #tpu.memory_space<vmem>>) target_semaphore(%arg32 : memref<!tpu.dma_semaphore, #tpu.memory_space<semaphore_mem>>)
    %add3A_40 = arith.constant 128 : i32
    %add3A_41 = arith.addi %add3A, %add3A_40 : i32
    %mul3A_42 = arith.constant 128 : i32
    %mul3A_43 = arith.muli %add3A_41, %mul3A_42 : i32
    %dma_start3A_44 = tpu.memref_slice %arg2[%mul3A_43] : memref<320000xi32, #tpu.memory_space<hbm>> -> memref<128xi32, #tpu.memory_space<hbm>>
    %dma_start3A_45 = tpu.memref_slice %arg2[%mul3A_43] : memref<320000xi32, #tpu.memory_space<hbm>> -> memref<128xi32, #tpu.memory_space<hbm>>
    tpu.enqueue_dma source(%dma_start3A_45 : memref<128xi32, #tpu.memory_space<hbm>>) target(%arg15 : memref<128xi32, #tpu.memory_space<vmem>>) target_semaphore(%arg27 : memref<!tpu.dma_semaphore, #tpu.memory_space<semaphore_mem>>)
    %dma_start3A_46 = tpu.memref_slice %arg3[%mul3A_43] : memref<320000xi32, #tpu.memory_space<hbm>> -> memref<128xi32, #tpu.memory_space<hbm>>
    %dma_start3A_47 = tpu.memref_slice %arg3[%mul3A_43] : memref<320000xi32, #tpu.memory_space<hbm>> -> memref<128xi32, #tpu.memory_space<hbm>>
    tpu.enqueue_dma source(%dma_start3A_47 : memref<128xi32, #tpu.memory_space<hbm>>) target(%arg21 : memref<128xi32, #tpu.memory_space<vmem>>) target_semaphore(%arg33 : memref<!tpu.dma_semaphore, #tpu.memory_space<semaphore_mem>>)
    %add3A_48 = arith.constant 160 : i32
    %add3A_49 = arith.addi %add3A, %add3A_48 : i32
    %mul3A_50 = arith.constant 128 : i32
    %mul3A_51 = arith.muli %add3A_49, %mul3A_50 : i32
    %dma_start3A_52 = tpu.memref_slice %arg2[%mul3A_51] : memref<320000xi32, #tpu.memory_space<hbm>> -> memref<128xi32, #tpu.memory_space<hbm>>
    %dma_start3A_53 = tpu.memref_slice %arg2[%mul3A_51] : memref<320000xi32, #tpu.memory_space<hbm>> -> memref<128xi32, #tpu.memory_space<hbm>>
    tpu.enqueue_dma source(%dma_start3A_53 : memref<128xi32, #tpu.memory_space<hbm>>) target(%arg16 : memref<128xi32, #tpu.memory_space<vmem>>) target_semaphore(%arg28 : memref<!tpu.dma_semaphore, #tpu.memory_space<semaphore_mem>>)
    %dma_start3A_54 = tpu.memref_slice %arg3[%mul3A_51] : memref<320000xi32, #tpu.memory_space<hbm>> -> memref<128xi32, #tpu.memory_space<hbm>>
    %dma_start3A_55 = tpu.memref_slice %arg3[%mul3A_51] : memref<320000xi32, #tpu.memory_space<hbm>> -> memref<128xi32, #tpu.memory_space<hbm>>
    tpu.enqueue_dma source(%dma_start3A_55 : memref<128xi32, #tpu.memory_space<hbm>>) target(%arg22 : memref<128xi32, #tpu.memory_space<vmem>>) target_semaphore(%arg34 : memref<!tpu.dma_semaphore, #tpu.memory_space<semaphore_mem>>)
    %scan3A = arith.constant 0 : i32
    %scan3A_56 = arith.constant 14 : i32
    %scan3A_57 = arith.addi %scan3A, %scan3A_56 : i32
    %scan3A_58 = arith.constant 1 : i32
    scf.for %scan3A_68 = %scan3A to %scan3A_57 step %scan3A_58  : i32 {
      %mul3A_69 = arith.constant 1 : i32
      %mul3A_70 = arith.muli %scan3A_68, %mul3A_69 : i32
      %add3A_71 = arith.constant 0 : i32
      %add3A_72 = arith.addi %add3A_71, %mul3A_70 : i32
      %mul3A_73 = arith.constant 6 : i32
      %mul3A_74 = arith.muli %add3A_72, %mul3A_73 : i32
      %add3A_75 = arith.constant 0 : i32
      %add3A_76 = arith.addi %mul3A_74, %add3A_75 : i32
      %lt3A_77 = arith.cmpi slt, %add3A_76, %add3A_8 : i32
      %convert_element_type3A_78 = arith.extui %lt3A_77 : i1 to i32
      %cond3A_79 = arith.constant 0 : i32
      %cond3A_80 = arith.cmpi ne, %convert_element_type3A_78, %cond3A_79 : i32
      scf.if %cond3A_80 {
        %dma_wait3A = arith.constant 0 : i32
        %dma_wait3A_195 = tpu.memref_slice %arg2[%dma_wait3A] : memref<320000xi32, #tpu.memory_space<hbm>> -> memref<128xi32, #tpu.memory_space<hbm>>
        %dma_wait3A_196 = arith.constant 0 : i32
        %dma_wait3A_197 = tpu.memref_slice %arg2[%dma_wait3A_196] : memref<320000xi32, #tpu.memory_space<hbm>> -> memref<128xi32, #tpu.memory_space<hbm>>
        tpu.wait_dma2 semaphore(%arg23 : memref<!tpu.dma_semaphore, #tpu.memory_space<semaphore_mem>>) src(%dma_wait3A_197 : memref<128xi32, #tpu.memory_space<hbm>>) dst(%arg11 : memref<128xi32, #tpu.memory_space<vmem>>)
        %dma_wait3A_198 = arith.constant 0 : i32
        %dma_wait3A_199 = tpu.memref_slice %arg3[%dma_wait3A_198] : memref<320000xi32, #tpu.memory_space<hbm>> -> memref<128xi32, #tpu.memory_space<hbm>>
        %dma_wait3A_200 = arith.constant 0 : i32
        %dma_wait3A_201 = tpu.memref_slice %arg3[%dma_wait3A_200] : memref<320000xi32, #tpu.memory_space<hbm>> -> memref<128xi32, #tpu.memory_space<hbm>>
        tpu.wait_dma2 semaphore(%arg29 : memref<!tpu.dma_semaphore, #tpu.memory_space<semaphore_mem>>) src(%dma_wait3A_201 : memref<128xi32, #tpu.memory_space<hbm>>) dst(%arg17 : memref<128xi32, #tpu.memory_space<vmem>>)
        %dma_start3A_202 = arith.constant 0 : i32
        %dma_start3A_203 = arith.constant 0 : i32
        %dma_start3A_204 = tpu.memref_slice %arg8[%dma_start3A_202, %dma_start3A_203] : memref<10000x16xf32, #tpu.memory_space<vmem_shared>> -> memref<10000x16xf32, #tpu.memory_space<vmem_shared>>
        tpu.enqueue_indirect_dma source(%arg10 : memref<128x16xf32, #tpu.memory_space<vmem>>) target(%dma_start3A_204 : memref<10000x16xf32, #tpu.memory_space<vmem_shared>>) offsets(%arg11 : memref<128xi32, #tpu.memory_space<vmem>>) semaphore(%arg35 : memref<!tpu.dma_semaphore, #tpu.memory_space<semaphore_mem>>) {add = true}
        %dma_start3A_205 = arith.constant 0 : i32
        %dma_start3A_206 = arith.constant 0 : i32
        %dma_start3A_207 = tpu.memref_slice %arg9[%dma_start3A_205, %dma_start3A_206] : memref<10000x16xf32, #tpu.memory_space<vmem_shared>> -> memref<10000x16xf32, #tpu.memory_space<vmem_shared>>
        tpu.enqueue_indirect_dma source(%arg10 : memref<128x16xf32, #tpu.memory_space<vmem>>) target(%dma_start3A_207 : memref<10000x16xf32, #tpu.memory_space<vmem_shared>>) offsets(%arg17 : memref<128xi32, #tpu.memory_space<vmem>>) semaphore(%arg41 : memref<!tpu.dma_semaphore, #tpu.memory_space<semaphore_mem>>) {add = true}
      } else {
      }
      %add3A_81 = arith.constant 1 : i32
      %add3A_82 = arith.addi %mul3A_74, %add3A_81 : i32
      %lt3A_83 = arith.cmpi slt, %add3A_82, %add3A_8 : i32
      %convert_element_type3A_84 = arith.extui %lt3A_83 : i1 to i32
      %cond3A_85 = arith.constant 0 : i32
      %cond3A_86 = arith.cmpi ne, %convert_element_type3A_84, %cond3A_85 : i32
      scf.if %cond3A_86 {
        %dma_wait3A = arith.constant 0 : i32
        %dma_wait3A_195 = tpu.memref_slice %arg2[%dma_wait3A] : memref<320000xi32, #tpu.memory_space<hbm>> -> memref<128xi32, #tpu.memory_space<hbm>>
        %dma_wait3A_196 = arith.constant 0 : i32
        %dma_wait3A_197 = tpu.memref_slice %arg2[%dma_wait3A_196] : memref<320000xi32, #tpu.memory_space<hbm>> -> memref<128xi32, #tpu.memory_space<hbm>>
        tpu.wait_dma2 semaphore(%arg24 : memref<!tpu.dma_semaphore, #tpu.memory_space<semaphore_mem>>) src(%dma_wait3A_197 : memref<128xi32, #tpu.memory_space<hbm>>) dst(%arg12 : memref<128xi32, #tpu.memory_space<vmem>>)
        %dma_wait3A_198 = arith.constant 0 : i32
        %dma_wait3A_199 = tpu.memref_slice %arg3[%dma_wait3A_198] : memref<320000xi32, #tpu.memory_space<hbm>> -> memref<128xi32, #tpu.memory_space<hbm>>
        %dma_wait3A_200 = arith.constant 0 : i32
        %dma_wait3A_201 = tpu.memref_slice %arg3[%dma_wait3A_200] : memref<320000xi32, #tpu.memory_space<hbm>> -> memref<128xi32, #tpu.memory_space<hbm>>
        tpu.wait_dma2 semaphore(%arg30 : memref<!tpu.dma_semaphore, #tpu.memory_space<semaphore_mem>>) src(%dma_wait3A_201 : memref<128xi32, #tpu.memory_space<hbm>>) dst(%arg18 : memref<128xi32, #tpu.memory_space<vmem>>)
        %dma_start3A_202 = arith.constant 0 : i32
        %dma_start3A_203 = arith.constant 0 : i32
        %dma_start3A_204 = tpu.memref_slice %arg8[%dma_start3A_202, %dma_start3A_203] : memref<10000x16xf32, #tpu.memory_space<vmem_shared>> -> memref<10000x16xf32, #tpu.memory_space<vmem_shared>>
        tpu.enqueue_indirect_dma source(%arg10 : memref<128x16xf32, #tpu.memory_space<vmem>>) target(%dma_start3A_204 : memref<10000x16xf32, #tpu.memory_space<vmem_shared>>) offsets(%arg12 : memref<128xi32, #tpu.memory_space<vmem>>) semaphore(%arg36 : memref<!tpu.dma_semaphore, #tpu.memory_space<semaphore_mem>>) {add = true}
        %dma_start3A_205 = arith.constant 0 : i32
        %dma_start3A_206 = arith.constant 0 : i32
        %dma_start3A_207 = tpu.memref_slice %arg9[%dma_start3A_205, %dma_start3A_206] : memref<10000x16xf32, #tpu.memory_space<vmem_shared>> -> memref<10000x16xf32, #tpu.memory_space<vmem_shared>>
        tpu.enqueue_indirect_dma source(%arg10 : memref<128x16xf32, #tpu.memory_space<vmem>>) target(%dma_start3A_207 : memref<10000x16xf32, #tpu.memory_space<vmem_shared>>) offsets(%arg18 : memref<128xi32, #tpu.memory_space<vmem>>) semaphore(%arg42 : memref<!tpu.dma_semaphore, #tpu.memory_space<semaphore_mem>>) {add = true}
      } else {
      }
      %add3A_87 = arith.constant 2 : i32
      %add3A_88 = arith.addi %mul3A_74, %add3A_87 : i32
      %lt3A_89 = arith.cmpi slt, %add3A_88, %add3A_8 : i32
      %convert_element_type3A_90 = arith.extui %lt3A_89 : i1 to i32
      %cond3A_91 = arith.constant 0 : i32
      %cond3A_92 = arith.cmpi ne, %convert_element_type3A_90, %cond3A_91 : i32
      scf.if %cond3A_92 {
        %dma_wait3A = arith.constant 0 : i32
        %dma_wait3A_195 = tpu.memref_slice %arg2[%dma_wait3A] : memref<320000xi32, #tpu.memory_space<hbm>> -> memref<128xi32, #tpu.memory_space<hbm>>
        %dma_wait3A_196 = arith.constant 0 : i32
        %dma_wait3A_197 = tpu.memref_slice %arg2[%dma_wait3A_196] : memref<320000xi32, #tpu.memory_space<hbm>> -> memref<128xi32, #tpu.memory_space<hbm>>
        tpu.wait_dma2 semaphore(%arg25 : memref<!tpu.dma_semaphore, #tpu.memory_space<semaphore_mem>>) src(%dma_wait3A_197 : memref<128xi32, #tpu.memory_space<hbm>>) dst(%arg13 : memref<128xi32, #tpu.memory_space<vmem>>)
        %dma_wait3A_198 = arith.constant 0 : i32
        %dma_wait3A_199 = tpu.memref_slice %arg3[%dma_wait3A_198] : memref<320000xi32, #tpu.memory_space<hbm>> -> memref<128xi32, #tpu.memory_space<hbm>>
        %dma_wait3A_200 = arith.constant 0 : i32
        %dma_wait3A_201 = tpu.memref_slice %arg3[%dma_wait3A_200] : memref<320000xi32, #tpu.memory_space<hbm>> -> memref<128xi32, #tpu.memory_space<hbm>>
        tpu.wait_dma2 semaphore(%arg31 : memref<!tpu.dma_semaphore, #tpu.memory_space<semaphore_mem>>) src(%dma_wait3A_201 : memref<128xi32, #tpu.memory_space<hbm>>) dst(%arg19 : memref<128xi32, #tpu.memory_space<vmem>>)
        %dma_start3A_202 = arith.constant 0 : i32
        %dma_start3A_203 = arith.constant 0 : i32
        %dma_start3A_204 = tpu.memref_slice %arg8[%dma_start3A_202, %dma_start3A_203] : memref<10000x16xf32, #tpu.memory_space<vmem_shared>> -> memref<10000x16xf32, #tpu.memory_space<vmem_shared>>
        tpu.enqueue_indirect_dma source(%arg10 : memref<128x16xf32, #tpu.memory_space<vmem>>) target(%dma_start3A_204 : memref<10000x16xf32, #tpu.memory_space<vmem_shared>>) offsets(%arg13 : memref<128xi32, #tpu.memory_space<vmem>>) semaphore(%arg37 : memref<!tpu.dma_semaphore, #tpu.memory_space<semaphore_mem>>) {add = true}
        %dma_start3A_205 = arith.constant 0 : i32
        %dma_start3A_206 = arith.constant 0 : i32
        %dma_start3A_207 = tpu.memref_slice %arg9[%dma_start3A_205, %dma_start3A_206] : memref<10000x16xf32, #tpu.memory_space<vmem_shared>> -> memref<10000x16xf32, #tpu.memory_space<vmem_shared>>
        tpu.enqueue_indirect_dma source(%arg10 : memref<128x16xf32, #tpu.memory_space<vmem>>) target(%dma_start3A_207 : memref<10000x16xf32, #tpu.memory_space<vmem_shared>>) offsets(%arg19 : memref<128xi32, #tpu.memory_space<vmem>>) semaphore(%arg43 : memref<!tpu.dma_semaphore, #tpu.memory_space<semaphore_mem>>) {add = true}
      } else {
      }
      %add3A_93 = arith.constant 3 : i32
      %add3A_94 = arith.addi %mul3A_74, %add3A_93 : i32
      %lt3A_95 = arith.cmpi slt, %add3A_94, %add3A_8 : i32
      %convert_element_type3A_96 = arith.extui %lt3A_95 : i1 to i32
      %cond3A_97 = arith.constant 0 : i32
      %cond3A_98 = arith.cmpi ne, %convert_element_type3A_96, %cond3A_97 : i32
      scf.if %cond3A_98 {
        %dma_wait3A = arith.constant 0 : i32
        %dma_wait3A_195 = tpu.memref_slice %arg2[%dma_wait3A] : memref<320000xi32, #tpu.memory_space<hbm>> -> memref<128xi32, #tpu.memory_space<hbm>>
        %dma_wait3A_196 = arith.constant 0 : i32
        %dma_wait3A_197 = tpu.memref_slice %arg2[%dma_wait3A_196] : memref<320000xi32, #tpu.memory_space<hbm>> -> memref<128xi32, #tpu.memory_space<hbm>>
        tpu.wait_dma2 semaphore(%arg26 : memref<!tpu.dma_semaphore, #tpu.memory_space<semaphore_mem>>) src(%dma_wait3A_197 : memref<128xi32, #tpu.memory_space<hbm>>) dst(%arg14 : memref<128xi32, #tpu.memory_space<vmem>>)
        %dma_wait3A_198 = arith.constant 0 : i32
        %dma_wait3A_199 = tpu.memref_slice %arg3[%dma_wait3A_198] : memref<320000xi32, #tpu.memory_space<hbm>> -> memref<128xi32, #tpu.memory_space<hbm>>
        %dma_wait3A_200 = arith.constant 0 : i32
        %dma_wait3A_201 = tpu.memref_slice %arg3[%dma_wait3A_200] : memref<320000xi32, #tpu.memory_space<hbm>> -> memref<128xi32, #tpu.memory_space<hbm>>
        tpu.wait_dma2 semaphore(%arg32 : memref<!tpu.dma_semaphore, #tpu.memory_space<semaphore_mem>>) src(%dma_wait3A_201 : memref<128xi32, #tpu.memory_space<hbm>>) dst(%arg20 : memref<128xi32, #tpu.memory_space<vmem>>)
        %dma_start3A_202 = arith.constant 0 : i32
        %dma_start3A_203 = arith.constant 0 : i32
        %dma_start3A_204 = tpu.memref_slice %arg8[%dma_start3A_202, %dma_start3A_203] : memref<10000x16xf32, #tpu.memory_space<vmem_shared>> -> memref<10000x16xf32, #tpu.memory_space<vmem_shared>>
        tpu.enqueue_indirect_dma source(%arg10 : memref<128x16xf32, #tpu.memory_space<vmem>>) target(%dma_start3A_204 : memref<10000x16xf32, #tpu.memory_space<vmem_shared>>) offsets(%arg14 : memref<128xi32, #tpu.memory_space<vmem>>) semaphore(%arg38 : memref<!tpu.dma_semaphore, #tpu.memory_space<semaphore_mem>>) {add = true}
        %dma_start3A_205 = arith.constant 0 : i32
        %dma_start3A_206 = arith.constant 0 : i32
        %dma_start3A_207 = tpu.memref_slice %arg9[%dma_start3A_205, %dma_start3A_206] : memref<10000x16xf32, #tpu.memory_space<vmem_shared>> -> memref<10000x16xf32, #tpu.memory_space<vmem_shared>>
        tpu.enqueue_indirect_dma source(%arg10 : memref<128x16xf32, #tpu.memory_space<vmem>>) target(%dma_start3A_207 : memref<10000x16xf32, #tpu.memory_space<vmem_shared>>) offsets(%arg20 : memref<128xi32, #tpu.memory_space<vmem>>) semaphore(%arg44 : memref<!tpu.dma_semaphore, #tpu.memory_space<semaphore_mem>>) {add = true}
      } else {
      }
      %add3A_99 = arith.constant 4 : i32
      %add3A_100 = arith.addi %mul3A_74, %add3A_99 : i32
      %lt3A_101 = arith.cmpi slt, %add3A_100, %add3A_8 : i32
      %convert_element_type3A_102 = arith.extui %lt3A_101 : i1 to i32
      %cond3A_103 = arith.constant 0 : i32
      %cond3A_104 = arith.cmpi ne, %convert_element_type3A_102, %cond3A_103 : i32
      scf.if %cond3A_104 {
        %dma_wait3A = arith.constant 0 : i32
        %dma_wait3A_195 = tpu.memref_slice %arg2[%dma_wait3A] : memref<320000xi32, #tpu.memory_space<hbm>> -> memref<128xi32, #tpu.memory_space<hbm>>
        %dma_wait3A_196 = arith.constant 0 : i32
        %dma_wait3A_197 = tpu.memref_slice %arg2[%dma_wait3A_196] : memref<320000xi32, #tpu.memory_space<hbm>> -> memref<128xi32, #tpu.memory_space<hbm>>
        tpu.wait_dma2 semaphore(%arg27 : memref<!tpu.dma_semaphore, #tpu.memory_space<semaphore_mem>>) src(%dma_wait3A_197 : memref<128xi32, #tpu.memory_space<hbm>>) dst(%arg15 : memref<128xi32, #tpu.memory_space<vmem>>)
        %dma_wait3A_198 = arith.constant 0 : i32
        %dma_wait3A_199 = tpu.memref_slice %arg3[%dma_wait3A_198] : memref<320000xi32, #tpu.memory_space<hbm>> -> memref<128xi32, #tpu.memory_space<hbm>>
        %dma_wait3A_200 = arith.constant 0 : i32
        %dma_wait3A_201 = tpu.memref_slice %arg3[%dma_wait3A_200] : memref<320000xi32, #tpu.memory_space<hbm>> -> memref<128xi32, #tpu.memory_space<hbm>>
        tpu.wait_dma2 semaphore(%arg33 : memref<!tpu.dma_semaphore, #tpu.memory_space<semaphore_mem>>) src(%dma_wait3A_201 : memref<128xi32, #tpu.memory_space<hbm>>) dst(%arg21 : memref<128xi32, #tpu.memory_space<vmem>>)
        %dma_start3A_202 = arith.constant 0 : i32
        %dma_start3A_203 = arith.constant 0 : i32
        %dma_start3A_204 = tpu.memref_slice %arg8[%dma_start3A_202, %dma_start3A_203] : memref<10000x16xf32, #tpu.memory_space<vmem_shared>> -> memref<10000x16xf32, #tpu.memory_space<vmem_shared>>
        tpu.enqueue_indirect_dma source(%arg10 : memref<128x16xf32, #tpu.memory_space<vmem>>) target(%dma_start3A_204 : memref<10000x16xf32, #tpu.memory_space<vmem_shared>>) offsets(%arg15 : memref<128xi32, #tpu.memory_space<vmem>>) semaphore(%arg39 : memref<!tpu.dma_semaphore, #tpu.memory_space<semaphore_mem>>) {add = true}
        %dma_start3A_205 = arith.constant 0 : i32
        %dma_start3A_206 = arith.constant 0 : i32
        %dma_start3A_207 = tpu.memref_slice %arg9[%dma_start3A_205, %dma_start3A_206] : memref<10000x16xf32, #tpu.memory_space<vmem_shared>> -> memref<10000x16xf32, #tpu.memory_space<vmem_shared>>
        tpu.enqueue_indirect_dma source(%arg10 : memref<128x16xf32, #tpu.memory_space<vmem>>) target(%dma_start3A_207 : memref<10000x16xf32, #tpu.memory_space<vmem_shared>>) offsets(%arg21 : memref<128xi32, #tpu.memory_space<vmem>>) semaphore(%arg45 : memref<!tpu.dma_semaphore, #tpu.memory_space<semaphore_mem>>) {add = true}
      } else {
      }
      %add3A_105 = arith.constant 5 : i32
      %add3A_106 = arith.addi %mul3A_74, %add3A_105 : i32
      %lt3A_107 = arith.cmpi slt, %add3A_106, %add3A_8 : i32
      %convert_element_type3A_108 = arith.extui %lt3A_107 : i1 to i32
      %cond3A_109 = arith.constant 0 : i32
      %cond3A_110 = arith.cmpi ne, %convert_element_type3A_108, %cond3A_109 : i32
      scf.if %cond3A_110 {
        %dma_wait3A = arith.constant 0 : i32
        %dma_wait3A_195 = tpu.memref_slice %arg2[%dma_wait3A] : memref<320000xi32, #tpu.memory_space<hbm>> -> memref<128xi32, #tpu.memory_space<hbm>>
        %dma_wait3A_196 = arith.constant 0 : i32
        %dma_wait3A_197 = tpu.memref_slice %arg2[%dma_wait3A_196] : memref<320000xi32, #tpu.memory_space<hbm>> -> memref<128xi32, #tpu.memory_space<hbm>>
        tpu.wait_dma2 semaphore(%arg28 : memref<!tpu.dma_semaphore, #tpu.memory_space<semaphore_mem>>) src(%dma_wait3A_197 : memref<128xi32, #tpu.memory_space<hbm>>) dst(%arg16 : memref<128xi32, #tpu.memory_space<vmem>>)
        %dma_wait3A_198 = arith.constant 0 : i32
        %dma_wait3A_199 = tpu.memref_slice %arg3[%dma_wait3A_198] : memref<320000xi32, #tpu.memory_space<hbm>> -> memref<128xi32, #tpu.memory_space<hbm>>
        %dma_wait3A_200 = arith.constant 0 : i32
        %dma_wait3A_201 = tpu.memref_slice %arg3[%dma_wait3A_200] : memref<320000xi32, #tpu.memory_space<hbm>> -> memref<128xi32, #tpu.memory_space<hbm>>
        tpu.wait_dma2 semaphore(%arg34 : memref<!tpu.dma_semaphore, #tpu.memory_space<semaphore_mem>>) src(%dma_wait3A_201 : memref<128xi32, #tpu.memory_space<hbm>>) dst(%arg22 : memref<128xi32, #tpu.memory_space<vmem>>)
        %dma_start3A_202 = arith.constant 0 : i32
        %dma_start3A_203 = arith.constant 0 : i32
        %dma_start3A_204 = tpu.memref_slice %arg8[%dma_start3A_202, %dma_start3A_203] : memref<10000x16xf32, #tpu.memory_space<vmem_shared>> -> memref<10000x16xf32, #tpu.memory_space<vmem_shared>>
        tpu.enqueue_indirect_dma source(%arg10 : memref<128x16xf32, #tpu.memory_space<vmem>>) target(%dma_start3A_204 : memref<10000x16xf32, #tpu.memory_space<vmem_shared>>) offsets(%arg16 : memref<128xi32, #tpu.memory_space<vmem>>) semaphore(%arg40 : memref<!tpu.dma_semaphore, #tpu.memory_space<semaphore_mem>>) {add = true}
        %dma_start3A_205 = arith.constant 0 : i32
        %dma_start3A_206 = arith.constant 0 : i32
        %dma_start3A_207 = tpu.memref_slice %arg9[%dma_start3A_205, %dma_start3A_206] : memref<10000x16xf32, #tpu.memory_space<vmem_shared>> -> memref<10000x16xf32, #tpu.memory_space<vmem_shared>>
        tpu.enqueue_indirect_dma source(%arg10 : memref<128x16xf32, #tpu.memory_space<vmem>>) target(%dma_start3A_207 : memref<10000x16xf32, #tpu.memory_space<vmem_shared>>) offsets(%arg22 : memref<128xi32, #tpu.memory_space<vmem>>) semaphore(%arg46 : memref<!tpu.dma_semaphore, #tpu.memory_space<semaphore_mem>>) {add = true}
      } else {
      }
      %add3A_111 = arith.constant 0 : i32
      %add3A_112 = arith.addi %mul3A_74, %add3A_111 : i32
      %lt3A_113 = arith.cmpi slt, %add3A_112, %add3A_8 : i32
      %convert_element_type3A_114 = arith.extui %lt3A_113 : i1 to i32
      %cond3A_115 = arith.constant 0 : i32
      %cond3A_116 = arith.cmpi ne, %convert_element_type3A_114, %cond3A_115 : i32
      scf.if %cond3A_116 {
        %dma_wait3A = arith.constant 0 : i32
        %dma_wait3A_195 = arith.constant 0 : i32
        %dma_wait3A_196 = tpu.memref_slice %arg8[%dma_wait3A, %dma_wait3A_195] : memref<10000x16xf32, #tpu.memory_space<vmem_shared>> -> memref<10000x16xf32, #tpu.memory_space<vmem_shared>>
        tpu.wait_indirect_dma semaphore(%arg35 : memref<!tpu.dma_semaphore, #tpu.memory_space<semaphore_mem>>) src(%arg10 : memref<128x16xf32, #tpu.memory_space<vmem>>) dst(%dma_wait3A_196 : memref<10000x16xf32, #tpu.memory_space<vmem_shared>>)
        %dma_wait3A_197 = arith.constant 0 : i32
        %dma_wait3A_198 = arith.constant 0 : i32
        %dma_wait3A_199 = tpu.memref_slice %arg9[%dma_wait3A_197, %dma_wait3A_198] : memref<10000x16xf32, #tpu.memory_space<vmem_shared>> -> memref<10000x16xf32, #tpu.memory_space<vmem_shared>>
        tpu.wait_indirect_dma semaphore(%arg41 : memref<!tpu.dma_semaphore, #tpu.memory_space<semaphore_mem>>) src(%arg10 : memref<128x16xf32, #tpu.memory_space<vmem>>) dst(%dma_wait3A_199 : memref<10000x16xf32, #tpu.memory_space<vmem_shared>>)
      } else {
      }
      %add3A_117 = arith.constant 0 : i32
      %add3A_118 = arith.addi %mul3A_74, %add3A_117 : i32
      %add3A_119 = arith.constant 6 : i32
      %add3A_120 = arith.addi %add3A_118, %add3A_119 : i32
      %lt3A_121 = arith.cmpi slt, %add3A_120, %add3A_8 : i32
      %convert_element_type3A_122 = arith.extui %lt3A_121 : i1 to i32
      %cond3A_123 = arith.constant 0 : i32
      %cond3A_124 = arith.cmpi ne, %convert_element_type3A_122, %cond3A_123 : i32
      scf.if %cond3A_124 {
        %add3A_195 = arith.constant 0 : i32
        %add3A_196 = arith.addi %mul3A_74, %add3A_195 : i32
        %add3A_197 = arith.constant 6 : i32
        %add3A_198 = arith.addi %add3A_196, %add3A_197 : i32
        %mul3A_199 = arith.constant 32 : i32
        %mul3A_200 = arith.muli %add3A_198, %mul3A_199 : i32
        %add3A_201 = arith.addi %add3A, %mul3A_200 : i32
        %mul3A_202 = arith.constant 128 : i32
        %mul3A_203 = arith.muli %add3A_201, %mul3A_202 : i32
        %dma_start3A_204 = tpu.memref_slice %arg2[%mul3A_203] : memref<320000xi32, #tpu.memory_space<hbm>> -> memref<128xi32, #tpu.memory_space<hbm>>
        %dma_start3A_205 = tpu.memref_slice %arg2[%mul3A_203] : memref<320000xi32, #tpu.memory_space<hbm>> -> memref<128xi32, #tpu.memory_space<hbm>>
        tpu.enqueue_dma source(%dma_start3A_205 : memref<128xi32, #tpu.memory_space<hbm>>) target(%arg11 : memref<128xi32, #tpu.memory_space<vmem>>) target_semaphore(%arg23 : memref<!tpu.dma_semaphore, #tpu.memory_space<semaphore_mem>>)
        %dma_start3A_206 = tpu.memref_slice %arg3[%mul3A_203] : memref<320000xi32, #tpu.memory_space<hbm>> -> memref<128xi32, #tpu.memory_space<hbm>>
        %dma_start3A_207 = tpu.memref_slice %arg3[%mul3A_203] : memref<320000xi32, #tpu.memory_space<hbm>> -> memref<128xi32, #tpu.memory_space<hbm>>
        tpu.enqueue_dma source(%dma_start3A_207 : memref<128xi32, #tpu.memory_space<hbm>>) target(%arg17 : memref<128xi32, #tpu.memory_space<vmem>>) target_semaphore(%arg29 : memref<!tpu.dma_semaphore, #tpu.memory_space<semaphore_mem>>)
      } else {
      }
      %add3A_125 = arith.constant 1 : i32
      %add3A_126 = arith.addi %mul3A_74, %add3A_125 : i32
      %lt3A_127 = arith.cmpi slt, %add3A_126, %add3A_8 : i32
      %convert_element_type3A_128 = arith.extui %lt3A_127 : i1 to i32
      %cond3A_129 = arith.constant 0 : i32
      %cond3A_130 = arith.cmpi ne, %convert_element_type3A_128, %cond3A_129 : i32
      scf.if %cond3A_130 {
        %dma_wait3A = arith.constant 0 : i32
        %dma_wait3A_195 = arith.constant 0 : i32
        %dma_wait3A_196 = tpu.memref_slice %arg8[%dma_wait3A, %dma_wait3A_195] : memref<10000x16xf32, #tpu.memory_space<vmem_shared>> -> memref<10000x16xf32, #tpu.memory_space<vmem_shared>>
        tpu.wait_indirect_dma semaphore(%arg36 : memref<!tpu.dma_semaphore, #tpu.memory_space<semaphore_mem>>) src(%arg10 : memref<128x16xf32, #tpu.memory_space<vmem>>) dst(%dma_wait3A_196 : memref<10000x16xf32, #tpu.memory_space<vmem_shared>>)
        %dma_wait3A_197 = arith.constant 0 : i32
        %dma_wait3A_198 = arith.constant 0 : i32
        %dma_wait3A_199 = tpu.memref_slice %arg9[%dma_wait3A_197, %dma_wait3A_198] : memref<10000x16xf32, #tpu.memory_space<vmem_shared>> -> memref<10000x16xf32, #tpu.memory_space<vmem_shared>>
        tpu.wait_indirect_dma semaphore(%arg42 : memref<!tpu.dma_semaphore, #tpu.memory_space<semaphore_mem>>) src(%arg10 : memref<128x16xf32, #tpu.memory_space<vmem>>) dst(%dma_wait3A_199 : memref<10000x16xf32, #tpu.memory_space<vmem_shared>>)
      } else {
      }
      %add3A_131 = arith.constant 1 : i32
      %add3A_132 = arith.addi %mul3A_74, %add3A_131 : i32
      %add3A_133 = arith.constant 6 : i32
      %add3A_134 = arith.addi %add3A_132, %add3A_133 : i32
      %lt3A_135 = arith.cmpi slt, %add3A_134, %add3A_8 : i32
      %convert_element_type3A_136 = arith.extui %lt3A_135 : i1 to i32
      %cond3A_137 = arith.constant 0 : i32
      %cond3A_138 = arith.cmpi ne, %convert_element_type3A_136, %cond3A_137 : i32
      scf.if %cond3A_138 {
        %add3A_195 = arith.constant 1 : i32
        %add3A_196 = arith.addi %mul3A_74, %add3A_195 : i32
        %add3A_197 = arith.constant 6 : i32
        %add3A_198 = arith.addi %add3A_196, %add3A_197 : i32
        %mul3A_199 = arith.constant 32 : i32
        %mul3A_200 = arith.muli %add3A_198, %mul3A_199 : i32
        %add3A_201 = arith.addi %add3A, %mul3A_200 : i32
        %mul3A_202 = arith.constant 128 : i32
        %mul3A_203 = arith.muli %add3A_201, %mul3A_202 : i32
        %dma_start3A_204 = tpu.memref_slice %arg2[%mul3A_203] : memref<320000xi32, #tpu.memory_space<hbm>> -> memref<128xi32, #tpu.memory_space<hbm>>
        %dma_start3A_205 = tpu.memref_slice %arg2[%mul3A_203] : memref<320000xi32, #tpu.memory_space<hbm>> -> memref<128xi32, #tpu.memory_space<hbm>>
        tpu.enqueue_dma source(%dma_start3A_205 : memref<128xi32, #tpu.memory_space<hbm>>) target(%arg12 : memref<128xi32, #tpu.memory_space<vmem>>) target_semaphore(%arg24 : memref<!tpu.dma_semaphore, #tpu.memory_space<semaphore_mem>>)
        %dma_start3A_206 = tpu.memref_slice %arg3[%mul3A_203] : memref<320000xi32, #tpu.memory_space<hbm>> -> memref<128xi32, #tpu.memory_space<hbm>>
        %dma_start3A_207 = tpu.memref_slice %arg3[%mul3A_203] : memref<320000xi32, #tpu.memory_space<hbm>> -> memref<128xi32, #tpu.memory_space<hbm>>
        tpu.enqueue_dma source(%dma_start3A_207 : memref<128xi32, #tpu.memory_space<hbm>>) target(%arg18 : memref<128xi32, #tpu.memory_space<vmem>>) target_semaphore(%arg30 : memref<!tpu.dma_semaphore, #tpu.memory_space<semaphore_mem>>)
      } else {
      }
      %add3A_139 = arith.constant 2 : i32
      %add3A_140 = arith.addi %mul3A_74, %add3A_139 : i32
      %lt3A_141 = arith.cmpi slt, %add3A_140, %add3A_8 : i32
      %convert_element_type3A_142 = arith.extui %lt3A_141 : i1 to i32
      %cond3A_143 = arith.constant 0 : i32
      %cond3A_144 = arith.cmpi ne, %convert_element_type3A_142, %cond3A_143 : i32
      scf.if %cond3A_144 {
        %dma_wait3A = arith.constant 0 : i32
        %dma_wait3A_195 = arith.constant 0 : i32
        %dma_wait3A_196 = tpu.memref_slice %arg8[%dma_wait3A, %dma_wait3A_195] : memref<10000x16xf32, #tpu.memory_space<vmem_shared>> -> memref<10000x16xf32, #tpu.memory_space<vmem_shared>>
        tpu.wait_indirect_dma semaphore(%arg37 : memref<!tpu.dma_semaphore, #tpu.memory_space<semaphore_mem>>) src(%arg10 : memref<128x16xf32, #tpu.memory_space<vmem>>) dst(%dma_wait3A_196 : memref<10000x16xf32, #tpu.memory_space<vmem_shared>>)
        %dma_wait3A_197 = arith.constant 0 : i32
        %dma_wait3A_198 = arith.constant 0 : i32
        %dma_wait3A_199 = tpu.memref_slice %arg9[%dma_wait3A_197, %dma_wait3A_198] : memref<10000x16xf32, #tpu.memory_space<vmem_shared>> -> memref<10000x16xf32, #tpu.memory_space<vmem_shared>>
        tpu.wait_indirect_dma semaphore(%arg43 : memref<!tpu.dma_semaphore, #tpu.memory_space<semaphore_mem>>) src(%arg10 : memref<128x16xf32, #tpu.memory_space<vmem>>) dst(%dma_wait3A_199 : memref<10000x16xf32, #tpu.memory_space<vmem_shared>>)
      } else {
      }
      %add3A_145 = arith.constant 2 : i32
      %add3A_146 = arith.addi %mul3A_74, %add3A_145 : i32
      %add3A_147 = arith.constant 6 : i32
      %add3A_148 = arith.addi %add3A_146, %add3A_147 : i32
      %lt3A_149 = arith.cmpi slt, %add3A_148, %add3A_8 : i32
      %convert_element_type3A_150 = arith.extui %lt3A_149 : i1 to i32
      %cond3A_151 = arith.constant 0 : i32
      %cond3A_152 = arith.cmpi ne, %convert_element_type3A_150, %cond3A_151 : i32
      scf.if %cond3A_152 {
        %add3A_195 = arith.constant 2 : i32
        %add3A_196 = arith.addi %mul3A_74, %add3A_195 : i32
        %add3A_197 = arith.constant 6 : i32
        %add3A_198 = arith.addi %add3A_196, %add3A_197 : i32
        %mul3A_199 = arith.constant 32 : i32
        %mul3A_200 = arith.muli %add3A_198, %mul3A_199 : i32
        %add3A_201 = arith.addi %add3A, %mul3A_200 : i32
        %mul3A_202 = arith.constant 128 : i32
        %mul3A_203 = arith.muli %add3A_201, %mul3A_202 : i32
        %dma_start3A_204 = tpu.memref_slice %arg2[%mul3A_203] : memref<320000xi32, #tpu.memory_space<hbm>> -> memref<128xi32, #tpu.memory_space<hbm>>
        %dma_start3A_205 = tpu.memref_slice %arg2[%mul3A_203] : memref<320000xi32, #tpu.memory_space<hbm>> -> memref<128xi32, #tpu.memory_space<hbm>>
        tpu.enqueue_dma source(%dma_start3A_205 : memref<128xi32, #tpu.memory_space<hbm>>) target(%arg13 : memref<128xi32, #tpu.memory_space<vmem>>) target_semaphore(%arg25 : memref<!tpu.dma_semaphore, #tpu.memory_space<semaphore_mem>>)
        %dma_start3A_206 = tpu.memref_slice %arg3[%mul3A_203] : memref<320000xi32, #tpu.memory_space<hbm>> -> memref<128xi32, #tpu.memory_space<hbm>>
        %dma_start3A_207 = tpu.memref_slice %arg3[%mul3A_203] : memref<320000xi32, #tpu.memory_space<hbm>> -> memref<128xi32, #tpu.memory_space<hbm>>
        tpu.enqueue_dma source(%dma_start3A_207 : memref<128xi32, #tpu.memory_space<hbm>>) target(%arg19 : memref<128xi32, #tpu.memory_space<vmem>>) target_semaphore(%arg31 : memref<!tpu.dma_semaphore, #tpu.memory_space<semaphore_mem>>)
      } else {
      }
      %add3A_153 = arith.constant 3 : i32
      %add3A_154 = arith.addi %mul3A_74, %add3A_153 : i32
      %lt3A_155 = arith.cmpi slt, %add3A_154, %add3A_8 : i32
      %convert_element_type3A_156 = arith.extui %lt3A_155 : i1 to i32
      %cond3A_157 = arith.constant 0 : i32
      %cond3A_158 = arith.cmpi ne, %convert_element_type3A_156, %cond3A_157 : i32
      scf.if %cond3A_158 {
        %dma_wait3A = arith.constant 0 : i32
        %dma_wait3A_195 = arith.constant 0 : i32
        %dma_wait3A_196 = tpu.memref_slice %arg8[%dma_wait3A, %dma_wait3A_195] : memref<10000x16xf32, #tpu.memory_space<vmem_shared>> -> memref<10000x16xf32, #tpu.memory_space<vmem_shared>>
        tpu.wait_indirect_dma semaphore(%arg38 : memref<!tpu.dma_semaphore, #tpu.memory_space<semaphore_mem>>) src(%arg10 : memref<128x16xf32, #tpu.memory_space<vmem>>) dst(%dma_wait3A_196 : memref<10000x16xf32, #tpu.memory_space<vmem_shared>>)
        %dma_wait3A_197 = arith.constant 0 : i32
        %dma_wait3A_198 = arith.constant 0 : i32
        %dma_wait3A_199 = tpu.memref_slice %arg9[%dma_wait3A_197, %dma_wait3A_198] : memref<10000x16xf32, #tpu.memory_space<vmem_shared>> -> memref<10000x16xf32, #tpu.memory_space<vmem_shared>>
        tpu.wait_indirect_dma semaphore(%arg44 : memref<!tpu.dma_semaphore, #tpu.memory_space<semaphore_mem>>) src(%arg10 : memref<128x16xf32, #tpu.memory_space<vmem>>) dst(%dma_wait3A_199 : memref<10000x16xf32, #tpu.memory_space<vmem_shared>>)
      } else {
      }
      %add3A_159 = arith.constant 3 : i32
      %add3A_160 = arith.addi %mul3A_74, %add3A_159 : i32
      %add3A_161 = arith.constant 6 : i32
      %add3A_162 = arith.addi %add3A_160, %add3A_161 : i32
      %lt3A_163 = arith.cmpi slt, %add3A_162, %add3A_8 : i32
      %convert_element_type3A_164 = arith.extui %lt3A_163 : i1 to i32
      %cond3A_165 = arith.constant 0 : i32
      %cond3A_166 = arith.cmpi ne, %convert_element_type3A_164, %cond3A_165 : i32
      scf.if %cond3A_166 {
        %add3A_195 = arith.constant 3 : i32
        %add3A_196 = arith.addi %mul3A_74, %add3A_195 : i32
        %add3A_197 = arith.constant 6 : i32
        %add3A_198 = arith.addi %add3A_196, %add3A_197 : i32
        %mul3A_199 = arith.constant 32 : i32
        %mul3A_200 = arith.muli %add3A_198, %mul3A_199 : i32
        %add3A_201 = arith.addi %add3A, %mul3A_200 : i32
        %mul3A_202 = arith.constant 128 : i32
        %mul3A_203 = arith.muli %add3A_201, %mul3A_202 : i32
        %dma_start3A_204 = tpu.memref_slice %arg2[%mul3A_203] : memref<320000xi32, #tpu.memory_space<hbm>> -> memref<128xi32, #tpu.memory_space<hbm>>
        %dma_start3A_205 = tpu.memref_slice %arg2[%mul3A_203] : memref<320000xi32, #tpu.memory_space<hbm>> -> memref<128xi32, #tpu.memory_space<hbm>>
        tpu.enqueue_dma source(%dma_start3A_205 : memref<128xi32, #tpu.memory_space<hbm>>) target(%arg14 : memref<128xi32, #tpu.memory_space<vmem>>) target_semaphore(%arg26 : memref<!tpu.dma_semaphore, #tpu.memory_space<semaphore_mem>>)
        %dma_start3A_206 = tpu.memref_slice %arg3[%mul3A_203] : memref<320000xi32, #tpu.memory_space<hbm>> -> memref<128xi32, #tpu.memory_space<hbm>>
        %dma_start3A_207 = tpu.memref_slice %arg3[%mul3A_203] : memref<320000xi32, #tpu.memory_space<hbm>> -> memref<128xi32, #tpu.memory_space<hbm>>
        tpu.enqueue_dma source(%dma_start3A_207 : memref<128xi32, #tpu.memory_space<hbm>>) target(%arg20 : memref<128xi32, #tpu.memory_space<vmem>>) target_semaphore(%arg32 : memref<!tpu.dma_semaphore, #tpu.memory_space<semaphore_mem>>)
      } else {
      }
      %add3A_167 = arith.constant 4 : i32
      %add3A_168 = arith.addi %mul3A_74, %add3A_167 : i32
      %lt3A_169 = arith.cmpi slt, %add3A_168, %add3A_8 : i32
      %convert_element_type3A_170 = arith.extui %lt3A_169 : i1 to i32
      %cond3A_171 = arith.constant 0 : i32
      %cond3A_172 = arith.cmpi ne, %convert_element_type3A_170, %cond3A_171 : i32
      scf.if %cond3A_172 {
        %dma_wait3A = arith.constant 0 : i32
        %dma_wait3A_195 = arith.constant 0 : i32
        %dma_wait3A_196 = tpu.memref_slice %arg8[%dma_wait3A, %dma_wait3A_195] : memref<10000x16xf32, #tpu.memory_space<vmem_shared>> -> memref<10000x16xf32, #tpu.memory_space<vmem_shared>>
        tpu.wait_indirect_dma semaphore(%arg39 : memref<!tpu.dma_semaphore, #tpu.memory_space<semaphore_mem>>) src(%arg10 : memref<128x16xf32, #tpu.memory_space<vmem>>) dst(%dma_wait3A_196 : memref<10000x16xf32, #tpu.memory_space<vmem_shared>>)
        %dma_wait3A_197 = arith.constant 0 : i32
        %dma_wait3A_198 = arith.constant 0 : i32
        %dma_wait3A_199 = tpu.memref_slice %arg9[%dma_wait3A_197, %dma_wait3A_198] : memref<10000x16xf32, #tpu.memory_space<vmem_shared>> -> memref<10000x16xf32, #tpu.memory_space<vmem_shared>>
        tpu.wait_indirect_dma semaphore(%arg45 : memref<!tpu.dma_semaphore, #tpu.memory_space<semaphore_mem>>) src(%arg10 : memref<128x16xf32, #tpu.memory_space<vmem>>) dst(%dma_wait3A_199 : memref<10000x16xf32, #tpu.memory_space<vmem_shared>>)
      } else {
      }
      %add3A_173 = arith.constant 4 : i32
      %add3A_174 = arith.addi %mul3A_74, %add3A_173 : i32
      %add3A_175 = arith.constant 6 : i32
      %add3A_176 = arith.addi %add3A_174, %add3A_175 : i32
      %lt3A_177 = arith.cmpi slt, %add3A_176, %add3A_8 : i32
      %convert_element_type3A_178 = arith.extui %lt3A_177 : i1 to i32
      %cond3A_179 = arith.constant 0 : i32
      %cond3A_180 = arith.cmpi ne, %convert_element_type3A_178, %cond3A_179 : i32
      scf.if %cond3A_180 {
        %add3A_195 = arith.constant 4 : i32
        %add3A_196 = arith.addi %mul3A_74, %add3A_195 : i32
        %add3A_197 = arith.constant 6 : i32
        %add3A_198 = arith.addi %add3A_196, %add3A_197 : i32
        %mul3A_199 = arith.constant 32 : i32
        %mul3A_200 = arith.muli %add3A_198, %mul3A_199 : i32
        %add3A_201 = arith.addi %add3A, %mul3A_200 : i32
        %mul3A_202 = arith.constant 128 : i32
        %mul3A_203 = arith.muli %add3A_201, %mul3A_202 : i32
        %dma_start3A_204 = tpu.memref_slice %arg2[%mul3A_203] : memref<320000xi32, #tpu.memory_space<hbm>> -> memref<128xi32, #tpu.memory_space<hbm>>
        %dma_start3A_205 = tpu.memref_slice %arg2[%mul3A_203] : memref<320000xi32, #tpu.memory_space<hbm>> -> memref<128xi32, #tpu.memory_space<hbm>>
        tpu.enqueue_dma source(%dma_start3A_205 : memref<128xi32, #tpu.memory_space<hbm>>) target(%arg15 : memref<128xi32, #tpu.memory_space<vmem>>) target_semaphore(%arg27 : memref<!tpu.dma_semaphore, #tpu.memory_space<semaphore_mem>>)
        %dma_start3A_206 = tpu.memref_slice %arg3[%mul3A_203] : memref<320000xi32, #tpu.memory_space<hbm>> -> memref<128xi32, #tpu.memory_space<hbm>>
        %dma_start3A_207 = tpu.memref_slice %arg3[%mul3A_203] : memref<320000xi32, #tpu.memory_space<hbm>> -> memref<128xi32, #tpu.memory_space<hbm>>
        tpu.enqueue_dma source(%dma_start3A_207 : memref<128xi32, #tpu.memory_space<hbm>>) target(%arg21 : memref<128xi32, #tpu.memory_space<vmem>>) target_semaphore(%arg33 : memref<!tpu.dma_semaphore, #tpu.memory_space<semaphore_mem>>)
      } else {
      }
      %add3A_181 = arith.constant 5 : i32
      %add3A_182 = arith.addi %mul3A_74, %add3A_181 : i32
      %lt3A_183 = arith.cmpi slt, %add3A_182, %add3A_8 : i32
      %convert_element_type3A_184 = arith.extui %lt3A_183 : i1 to i32
      %cond3A_185 = arith.constant 0 : i32
      %cond3A_186 = arith.cmpi ne, %convert_element_type3A_184, %cond3A_185 : i32
      scf.if %cond3A_186 {
        %dma_wait3A = arith.constant 0 : i32
        %dma_wait3A_195 = arith.constant 0 : i32
        %dma_wait3A_196 = tpu.memref_slice %arg8[%dma_wait3A, %dma_wait3A_195] : memref<10000x16xf32, #tpu.memory_space<vmem_shared>> -> memref<10000x16xf32, #tpu.memory_space<vmem_shared>>
        tpu.wait_indirect_dma semaphore(%arg40 : memref<!tpu.dma_semaphore, #tpu.memory_space<semaphore_mem>>) src(%arg10 : memref<128x16xf32, #tpu.memory_space<vmem>>) dst(%dma_wait3A_196 : memref<10000x16xf32, #tpu.memory_space<vmem_shared>>)
        %dma_wait3A_197 = arith.constant 0 : i32
        %dma_wait3A_198 = arith.constant 0 : i32
        %dma_wait3A_199 = tpu.memref_slice %arg9[%dma_wait3A_197, %dma_wait3A_198] : memref<10000x16xf32, #tpu.memory_space<vmem_shared>> -> memref<10000x16xf32, #tpu.memory_space<vmem_shared>>
        tpu.wait_indirect_dma semaphore(%arg46 : memref<!tpu.dma_semaphore, #tpu.memory_space<semaphore_mem>>) src(%arg10 : memref<128x16xf32, #tpu.memory_space<vmem>>) dst(%dma_wait3A_199 : memref<10000x16xf32, #tpu.memory_space<vmem_shared>>)
      } else {
      }
      %add3A_187 = arith.constant 5 : i32
      %add3A_188 = arith.addi %mul3A_74, %add3A_187 : i32
      %add3A_189 = arith.constant 6 : i32
      %add3A_190 = arith.addi %add3A_188, %add3A_189 : i32
      %lt3A_191 = arith.cmpi slt, %add3A_190, %add3A_8 : i32
      %convert_element_type3A_192 = arith.extui %lt3A_191 : i1 to i32
      %cond3A_193 = arith.constant 0 : i32
      %cond3A_194 = arith.cmpi ne, %convert_element_type3A_192, %cond3A_193 : i32
      scf.if %cond3A_194 {
        %add3A_195 = arith.constant 5 : i32
        %add3A_196 = arith.addi %mul3A_74, %add3A_195 : i32
        %add3A_197 = arith.constant 6 : i32
        %add3A_198 = arith.addi %add3A_196, %add3A_197 : i32
        %mul3A_199 = arith.constant 32 : i32
        %mul3A_200 = arith.muli %add3A_198, %mul3A_199 : i32
        %add3A_201 = arith.addi %add3A, %mul3A_200 : i32
        %mul3A_202 = arith.constant 128 : i32
        %mul3A_203 = arith.muli %add3A_201, %mul3A_202 : i32
        %dma_start3A_204 = tpu.memref_slice %arg2[%mul3A_203] : memref<320000xi32, #tpu.memory_space<hbm>> -> memref<128xi32, #tpu.memory_space<hbm>>
        %dma_start3A_205 = tpu.memref_slice %arg2[%mul3A_203] : memref<320000xi32, #tpu.memory_space<hbm>> -> memref<128xi32, #tpu.memory_space<hbm>>
        tpu.enqueue_dma source(%dma_start3A_205 : memref<128xi32, #tpu.memory_space<hbm>>) target(%arg16 : memref<128xi32, #tpu.memory_space<vmem>>) target_semaphore(%arg28 : memref<!tpu.dma_semaphore, #tpu.memory_space<semaphore_mem>>)
        %dma_start3A_206 = tpu.memref_slice %arg3[%mul3A_203] : memref<320000xi32, #tpu.memory_space<hbm>> -> memref<128xi32, #tpu.memory_space<hbm>>
        %dma_start3A_207 = tpu.memref_slice %arg3[%mul3A_203] : memref<320000xi32, #tpu.memory_space<hbm>> -> memref<128xi32, #tpu.memory_space<hbm>>
        tpu.enqueue_dma source(%dma_start3A_207 : memref<128xi32, #tpu.memory_space<hbm>>) target(%arg22 : memref<128xi32, #tpu.memory_space<vmem>>) target_semaphore(%arg34 : memref<!tpu.dma_semaphore, #tpu.memory_space<semaphore_mem>>)
      } else {
      }
    }
    %scan3A_59 = arith.constant 14 : i32
    %barrier3A_60 = arith.constant 0 : index
    tpu.barrier barrier_id(%barrier3A_60)
    %mul3A_61 = arith.constant 624 : i32
    %mul3A_62 = arith.muli %arg1, %mul3A_61 : i32
    "tpu.region"() ({
      %run_scoped3A = tpu.sem_alloc : memref<!tpu.dma_semaphore, #tpu.memory_space<semaphore_mem>>
      %dma_start3A_68 = arith.constant 0 : i32
      %dma_start3A_69 = tpu.memref_slice %arg6[%arg0, %mul3A_62, %dma_start3A_68] : memref<2x10000x16xf32, #tpu.memory_space<hbm>> -> memref<1x624x16xf32, #tpu.memory_space<hbm>>
      %dma_start3A_70 = tpu.memref_squeeze %dma_start3A_69 : memref<1x624x16xf32, #tpu.memory_space<hbm>> -> memref<624x16xf32, #tpu.memory_space<hbm>>
      %dma_start3A_71 = arith.constant 0 : i32
      %dma_start3A_72 = tpu.memref_slice %arg8[%mul3A_62, %dma_start3A_71] : memref<10000x16xf32, #tpu.memory_space<vmem_shared>> -> memref<624x16xf32, #tpu.memory_space<vmem_shared>>
      tpu.enqueue_dma source(%dma_start3A_72 : memref<624x16xf32, #tpu.memory_space<vmem_shared>>) target(%dma_start3A_70 : memref<624x16xf32, #tpu.memory_space<hbm>>) target_semaphore(%run_scoped3A : memref<!tpu.dma_semaphore, #tpu.memory_space<semaphore_mem>>)
      %dma_wait3A = arith.constant 0 : i32
      %dma_wait3A_73 = tpu.memref_slice %arg6[%arg0, %mul3A_62, %dma_wait3A] : memref<2x10000x16xf32, #tpu.memory_space<hbm>> -> memref<1x624x16xf32, #tpu.memory_space<hbm>>
      %dma_wait3A_74 = tpu.memref_squeeze %dma_wait3A_73 : memref<1x624x16xf32, #tpu.memory_space<hbm>> -> memref<624x16xf32, #tpu.memory_space<hbm>>
      %dma_wait3A_75 = arith.constant 0 : i32
      %dma_wait3A_76 = tpu.memref_slice %arg8[%mul3A_62, %dma_wait3A_75] : memref<10000x16xf32, #tpu.memory_space<vmem_shared>> -> memref<624x16xf32, #tpu.memory_space<vmem_shared>>
      tpu.wait_dma2 semaphore(%run_scoped3A : memref<!tpu.dma_semaphore, #tpu.memory_space<semaphore_mem>>) src(%dma_wait3A_76 : memref<624x16xf32, #tpu.memory_space<vmem_shared>>) dst(%dma_wait3A_74 : memref<624x16xf32, #tpu.memory_space<hbm>>)
      tpu.yield
    }) : () -> ()
    "tpu.region"() ({
      %run_scoped3A = tpu.sem_alloc : memref<!tpu.dma_semaphore, #tpu.memory_space<semaphore_mem>>
      %dma_start3A_68 = arith.constant 0 : i32
      %dma_start3A_69 = tpu.memref_slice %arg7[%arg0, %mul3A_62, %dma_start3A_68] : memref<2x10000x16xf32, #tpu.memory_space<hbm>> -> memref<1x624x16xf32, #tpu.memory_space<hbm>>
      %dma_start3A_70 = tpu.memref_squeeze %dma_start3A_69 : memref<1x624x16xf32, #tpu.memory_space<hbm>> -> memref<624x16xf32, #tpu.memory_space<hbm>>
      %dma_start3A_71 = arith.constant 0 : i32
      %dma_start3A_72 = tpu.memref_slice %arg9[%mul3A_62, %dma_start3A_71] : memref<10000x16xf32, #tpu.memory_space<vmem_shared>> -> memref<624x16xf32, #tpu.memory_space<vmem_shared>>
      tpu.enqueue_dma source(%dma_start3A_72 : memref<624x16xf32, #tpu.memory_space<vmem_shared>>) target(%dma_start3A_70 : memref<624x16xf32, #tpu.memory_space<hbm>>) target_semaphore(%run_scoped3A : memref<!tpu.dma_semaphore, #tpu.memory_space<semaphore_mem>>)
      %dma_wait3A = arith.constant 0 : i32
      %dma_wait3A_73 = tpu.memref_slice %arg7[%arg0, %mul3A_62, %dma_wait3A] : memref<2x10000x16xf32, #tpu.memory_space<hbm>> -> memref<1x624x16xf32, #tpu.memory_space<hbm>>
      %dma_wait3A_74 = tpu.memref_squeeze %dma_wait3A_73 : memref<1x624x16xf32, #tpu.memory_space<hbm>> -> memref<624x16xf32, #tpu.memory_space<hbm>>
      %dma_wait3A_75 = arith.constant 0 : i32
      %dma_wait3A_76 = tpu.memref_slice %arg9[%mul3A_62, %dma_wait3A_75] : memref<10000x16xf32, #tpu.memory_space<vmem_shared>> -> memref<624x16xf32, #tpu.memory_space<vmem_shared>>
      tpu.wait_dma2 semaphore(%run_scoped3A : memref<!tpu.dma_semaphore, #tpu.memory_space<semaphore_mem>>) src(%dma_wait3A_76 : memref<624x16xf32, #tpu.memory_space<vmem_shared>>) dst(%dma_wait3A_74 : memref<624x16xf32, #tpu.memory_space<hbm>>)
      tpu.yield
    }) : () -> ()
    %eq3A_63 = arith.constant 15 : i32
    %eq3A_64 = arith.cmpi eq, %arg1, %eq3A_63 : i32
    %convert_element_type3A_65 = arith.extui %eq3A_64 : i1 to i32
    %cond3A_66 = arith.constant 0 : i32
    %cond3A_67 = arith.cmpi ne, %convert_element_type3A_65, %cond3A_66 : i32
    scf.if %cond3A_67 {
      "tpu.region"() ({
        %run_scoped3A = tpu.sem_alloc : memref<!tpu.dma_semaphore, #tpu.memory_space<semaphore_mem>>
        %dma_start3A_68 = arith.constant 9984 : i32
        %dma_start3A_69 = arith.constant 0 : i32
        %dma_start3A_70 = tpu.memref_slice %arg6[%arg0, %dma_start3A_68, %dma_start3A_69] : memref<2x10000x16xf32, #tpu.memory_space<hbm>> -> memref<1x16x16xf32, #tpu.memory_space<hbm>>
        %dma_start3A_71 = tpu.memref_squeeze %dma_start3A_70 : memref<1x16x16xf32, #tpu.memory_space<hbm>> -> memref<16x16xf32, #tpu.memory_space<hbm>>
        %dma_start3A_72 = arith.constant 9984 : i32
        %dma_start3A_73 = arith.constant 0 : i32
        %dma_start3A_74 = tpu.memref_slice %arg8[%dma_start3A_72, %dma_start3A_73] : memref<10000x16xf32, #tpu.memory_space<vmem_shared>> -> memref<16x16xf32, #tpu.memory_space<vmem_shared>>
        tpu.enqueue_dma source(%dma_start3A_74 : memref<16x16xf32, #tpu.memory_space<vmem_shared>>) target(%dma_start3A_71 : memref<16x16xf32, #tpu.memory_space<hbm>>) target_semaphore(%run_scoped3A : memref<!tpu.dma_semaphore, #tpu.memory_space<semaphore_mem>>)
        %dma_wait3A = arith.constant 9984 : i32
        %dma_wait3A_75 = arith.constant 0 : i32
        %dma_wait3A_76 = tpu.memref_slice %arg6[%arg0, %dma_wait3A, %dma_wait3A_75] : memref<2x10000x16xf32, #tpu.memory_space<hbm>> -> memref<1x16x16xf32, #tpu.memory_space<hbm>>
        %dma_wait3A_77 = tpu.memref_squeeze %dma_wait3A_76 : memref<1x16x16xf32, #tpu.memory_space<hbm>> -> memref<16x16xf32, #tpu.memory_space<hbm>>
        %dma_wait3A_78 = arith.constant 9984 : i32
        %dma_wait3A_79 = arith.constant 0 : i32
        %dma_wait3A_80 = tpu.memref_slice %arg8[%dma_wait3A_78, %dma_wait3A_79] : memref<10000x16xf32, #tpu.memory_space<vmem_shared>> -> memref<16x16xf32, #tpu.memory_space<vmem_shared>>
        tpu.wait_dma2 semaphore(%run_scoped3A : memref<!tpu.dma_semaphore, #tpu.memory_space<semaphore_mem>>) src(%dma_wait3A_80 : memref<16x16xf32, #tpu.memory_space<vmem_shared>>) dst(%dma_wait3A_77 : memref<16x16xf32, #tpu.memory_space<hbm>>)
        tpu.yield
      }) : () -> ()
      "tpu.region"() ({
        %run_scoped3A = tpu.sem_alloc : memref<!tpu.dma_semaphore, #tpu.memory_space<semaphore_mem>>
        %dma_start3A_68 = arith.constant 9984 : i32
        %dma_start3A_69 = arith.constant 0 : i32
        %dma_start3A_70 = tpu.memref_slice %arg7[%arg0, %dma_start3A_68, %dma_start3A_69] : memref<2x10000x16xf32, #tpu.memory_space<hbm>> -> memref<1x16x16xf32, #tpu.memory_space<hbm>>
        %dma_start3A_71 = tpu.memref_squeeze %dma_start3A_70 : memref<1x16x16xf32, #tpu.memory_space<hbm>> -> memref<16x16xf32, #tpu.memory_space<hbm>>
        %dma_start3A_72 = arith.constant 9984 : i32
        %dma_start3A_73 = arith.constant 0 : i32
        %dma_start3A_74 = tpu.memref_slice %arg9[%dma_start3A_72, %dma_start3A_73] : memref<10000x16xf32, #tpu.memory_space<vmem_shared>> -> memref<16x16xf32, #tpu.memory_space<vmem_shared>>
        tpu.enqueue_dma source(%dma_start3A_74 : memref<16x16xf32, #tpu.memory_space<vmem_shared>>) target(%dma_start3A_71 : memref<16x16xf32, #tpu.memory_space<hbm>>) target_semaphore(%run_scoped3A : memref<!tpu.dma_semaphore, #tpu.memory_space<semaphore_mem>>)
        %dma_wait3A = arith.constant 9984 : i32
        %dma_wait3A_75 = arith.constant 0 : i32
        %dma_wait3A_76 = tpu.memref_slice %arg7[%arg0, %dma_wait3A, %dma_wait3A_75] : memref<2x10000x16xf32, #tpu.memory_space<hbm>> -> memref<1x16x16xf32, #tpu.memory_space<hbm>>
        %dma_wait3A_77 = tpu.memref_squeeze %dma_wait3A_76 : memref<1x16x16xf32, #tpu.memory_space<hbm>> -> memref<16x16xf32, #tpu.memory_space<hbm>>
        %dma_wait3A_78 = arith.constant 9984 : i32
        %dma_wait3A_79 = arith.constant 0 : i32
        %dma_wait3A_80 = tpu.memref_slice %arg9[%dma_wait3A_78, %dma_wait3A_79] : memref<10000x16xf32, #tpu.memory_space<vmem_shared>> -> memref<16x16xf32, #tpu.memory_space<vmem_shared>>
        tpu.wait_dma2 semaphore(%run_scoped3A : memref<!tpu.dma_semaphore, #tpu.memory_space<semaphore_mem>>) src(%dma_wait3A_80 : memref<16x16xf32, #tpu.memory_space<vmem_shared>>) dst(%dma_wait3A_77 : memref<16x16xf32, #tpu.memory_space<hbm>>)
        tpu.yield
      }) : () -> ()
    } else {
    }
    return
  }
}

#map = affine_map<(d0, d1) -> (0, 0)>
#map1 = affine_map<(d0, d1) -> (0, 0, 0)>
module attributes {stable_mosaic.version = 14 : i64} {
  func.func @_scatter_kernel(%arg0: i32, %arg1: i32, %arg2: memref<10000x128xf32, #tpu.memory_space<hbm>>, %arg3: memref<2500x2x128xi32, #tpu.memory_space<hbm>>, %arg4: memref<10000x128xf32, #tpu.memory_space<hbm>>, %arg5: memref<2x10000x128xf32, #tpu.memory_space<hbm>>, %arg6: memref<10000x128xf32, #tpu.memory_space<vmem_shared>>, %arg7: memref<2x128xi32, #tpu.memory_space<vmem>>, %arg8: memref<2x128xi32, #tpu.memory_space<vmem>>, %arg9: memref<2x128xi32, #tpu.memory_space<vmem>>, %arg10: memref<2x128xi32, #tpu.memory_space<vmem>>, %arg11: memref<2x128xi32, #tpu.memory_space<vmem>>, %arg12: memref<2x128xi32, #tpu.memory_space<vmem>>, %arg13: memref<128x128xf32, #tpu.memory_space<vmem>>, %arg14: memref<128x128xf32, #tpu.memory_space<vmem>>, %arg15: memref<128x128xf32, #tpu.memory_space<vmem>>, %arg16: memref<!tpu.dma_semaphore, #tpu.memory_space<semaphore_mem>>, %arg17: memref<!tpu.dma_semaphore, #tpu.memory_space<semaphore_mem>>, %arg18: memref<!tpu.dma_semaphore, #tpu.memory_space<semaphore_mem>>, %arg19: memref<!tpu.dma_semaphore, #tpu.memory_space<semaphore_mem>>, %arg20: memref<!tpu.dma_semaphore, #tpu.memory_space<semaphore_mem>>, %arg21: memref<!tpu.dma_semaphore, #tpu.memory_space<semaphore_mem>>, %arg22: memref<!tpu.dma_semaphore, #tpu.memory_space<semaphore_mem>>, %arg23: memref<!tpu.dma_semaphore, #tpu.memory_space<semaphore_mem>>, %arg24: memref<!tpu.dma_semaphore, #tpu.memory_space<semaphore_mem>>, %arg25: memref<!tpu.dma_semaphore, #tpu.memory_space<semaphore_mem>>, %arg26: memref<!tpu.dma_semaphore, #tpu.memory_space<semaphore_mem>>, %arg27: memref<!tpu.dma_semaphore, #tpu.memory_space<semaphore_mem>>) attributes {dimension_semantics = [#tpu.dimension_semantics<core_parallel>, #tpu.dimension_semantics<subcore_parallel>], iteration_bounds = array<i64: 2, 16>, scalar_prefetch = 0 : i64, scratch_operands = 22 : i64, tpu.core_type = #tpu.core_type<sc_vector_subcore>, window_params = [{transform_indices = #map}, {transform_indices = #map1}, {transform_indices = #map}, {transform_indices = #map1}]} {
    %mul3A = arith.constant 2 : i32
    %mul3A_0 = arith.muli %arg1, %mul3A : i32
    %add3A = arith.addi %mul3A_0, %arg0 : i32
    %mul3A_1 = arith.constant 624 : i32
    %mul3A_2 = arith.muli %arg1, %mul3A_1 : i32
    "tpu.region"() ({
      %run_scoped3A = tpu.sem_alloc : memref<!tpu.dma_semaphore, #tpu.memory_space<semaphore_mem>>
      %dma_start3A_50 = arith.constant 0 : i32
      %dma_start3A_51 = tpu.memref_slice %arg6[%mul3A_2, %dma_start3A_50] : memref<10000x128xf32, #tpu.memory_space<vmem_shared>> -> memref<624x128xf32, #tpu.memory_space<vmem_shared>>
      %dma_start3A_52 = arith.constant 0 : i32
      %dma_start3A_53 = tpu.memref_slice %arg4[%mul3A_2, %dma_start3A_52] : memref<10000x128xf32, #tpu.memory_space<hbm>> -> memref<624x128xf32, #tpu.memory_space<hbm>>
      tpu.enqueue_dma source(%dma_start3A_53 : memref<624x128xf32, #tpu.memory_space<hbm>>) target(%dma_start3A_51 : memref<624x128xf32, #tpu.memory_space<vmem_shared>>) target_semaphore(%run_scoped3A : memref<!tpu.dma_semaphore, #tpu.memory_space<semaphore_mem>>)
      %dma_wait3A = arith.constant 0 : i32
      %dma_wait3A_54 = tpu.memref_slice %arg6[%mul3A_2, %dma_wait3A] : memref<10000x128xf32, #tpu.memory_space<vmem_shared>> -> memref<624x128xf32, #tpu.memory_space<vmem_shared>>
      %dma_wait3A_55 = arith.constant 0 : i32
      %dma_wait3A_56 = tpu.memref_slice %arg4[%mul3A_2, %dma_wait3A_55] : memref<10000x128xf32, #tpu.memory_space<hbm>> -> memref<624x128xf32, #tpu.memory_space<hbm>>
      tpu.wait_dma2 semaphore(%run_scoped3A : memref<!tpu.dma_semaphore, #tpu.memory_space<semaphore_mem>>) src(%dma_wait3A_56 : memref<624x128xf32, #tpu.memory_space<hbm>>) dst(%dma_wait3A_54 : memref<624x128xf32, #tpu.memory_space<vmem_shared>>)
      tpu.yield
    }) : () -> ()
    %eq3A = arith.constant 15 : i32
    %eq3A_3 = arith.cmpi eq, %arg1, %eq3A : i32
    %convert_element_type3A = arith.extui %eq3A_3 : i1 to i32
    %cond3A = arith.constant 0 : i32
    %cond3A_4 = arith.cmpi ne, %convert_element_type3A, %cond3A : i32
    scf.if %cond3A_4 {
      "tpu.region"() ({
        %run_scoped3A = tpu.sem_alloc : memref<!tpu.dma_semaphore, #tpu.memory_space<semaphore_mem>>
        %dma_start3A_50 = arith.constant 9984 : i32
        %dma_start3A_51 = arith.constant 0 : i32
        %dma_start3A_52 = tpu.memref_slice %arg6[%dma_start3A_50, %dma_start3A_51] : memref<10000x128xf32, #tpu.memory_space<vmem_shared>> -> memref<16x128xf32, #tpu.memory_space<vmem_shared>>
        %dma_start3A_53 = arith.constant 9984 : i32
        %dma_start3A_54 = arith.constant 0 : i32
        %dma_start3A_55 = tpu.memref_slice %arg4[%dma_start3A_53, %dma_start3A_54] : memref<10000x128xf32, #tpu.memory_space<hbm>> -> memref<16x128xf32, #tpu.memory_space<hbm>>
        tpu.enqueue_dma source(%dma_start3A_55 : memref<16x128xf32, #tpu.memory_space<hbm>>) target(%dma_start3A_52 : memref<16x128xf32, #tpu.memory_space<vmem_shared>>) target_semaphore(%run_scoped3A : memref<!tpu.dma_semaphore, #tpu.memory_space<semaphore_mem>>)
        %dma_wait3A = arith.constant 9984 : i32
        %dma_wait3A_56 = arith.constant 0 : i32
        %dma_wait3A_57 = tpu.memref_slice %arg6[%dma_wait3A, %dma_wait3A_56] : memref<10000x128xf32, #tpu.memory_space<vmem_shared>> -> memref<16x128xf32, #tpu.memory_space<vmem_shared>>
        %dma_wait3A_58 = arith.constant 9984 : i32
        %dma_wait3A_59 = arith.constant 0 : i32
        %dma_wait3A_60 = tpu.memref_slice %arg4[%dma_wait3A_58, %dma_wait3A_59] : memref<10000x128xf32, #tpu.memory_space<hbm>> -> memref<16x128xf32, #tpu.memory_space<hbm>>
        tpu.wait_dma2 semaphore(%run_scoped3A : memref<!tpu.dma_semaphore, #tpu.memory_space<semaphore_mem>>) src(%dma_wait3A_60 : memref<16x128xf32, #tpu.memory_space<hbm>>) dst(%dma_wait3A_57 : memref<16x128xf32, #tpu.memory_space<vmem_shared>>)
        tpu.yield
      }) : () -> ()
    } else {
    }
    %barrier3A = arith.constant 0 : index
    tpu.barrier barrier_id(%barrier3A)
    %lt3A = arith.constant 4 : i32
    %lt3A_5 = arith.cmpi slt, %add3A, %lt3A : i32
    %convert_element_type3A_6 = arith.extui %lt3A_5 : i1 to i32
    %add3A_7 = arith.constant 78 : i32
    %add3A_8 = arith.addi %add3A_7, %convert_element_type3A_6 : i32
    %add3A_9 = arith.constant 0 : i32
    %add3A_10 = arith.addi %add3A, %add3A_9 : i32
    %dma_start3A = arith.constant 0 : i32
    %dma_start3A_11 = arith.constant 0 : i32
    %dma_start3A_12 = tpu.memref_slice %arg3[%add3A_10, %dma_start3A, %dma_start3A_11] : memref<2500x2x128xi32, #tpu.memory_space<hbm>> -> memref<1x2x128xi32, #tpu.memory_space<hbm>>
    %dma_start3A_13 = tpu.memref_squeeze %dma_start3A_12 : memref<1x2x128xi32, #tpu.memory_space<hbm>> -> memref<2x128xi32, #tpu.memory_space<hbm>>
    %dma_start3A_14 = arith.constant 0 : i32
    %dma_start3A_15 = arith.constant 0 : i32
    %dma_start3A_16 = tpu.memref_slice %arg3[%add3A_10, %dma_start3A_14, %dma_start3A_15] : memref<2500x2x128xi32, #tpu.memory_space<hbm>> -> memref<1x2x128xi32, #tpu.memory_space<hbm>>
    %dma_start3A_17 = tpu.memref_squeeze %dma_start3A_16 : memref<1x2x128xi32, #tpu.memory_space<hbm>> -> memref<2x128xi32, #tpu.memory_space<hbm>>
    tpu.enqueue_dma source(%dma_start3A_17 : memref<2x128xi32, #tpu.memory_space<hbm>>) target(%arg7 : memref<2x128xi32, #tpu.memory_space<vmem>>) target_semaphore(%arg16 : memref<!tpu.dma_semaphore, #tpu.memory_space<semaphore_mem>>)
    %add3A_18 = arith.constant 32 : i32
    %add3A_19 = arith.addi %add3A, %add3A_18 : i32
    %dma_start3A_20 = arith.constant 0 : i32
    %dma_start3A_21 = arith.constant 0 : i32
    %dma_start3A_22 = tpu.memref_slice %arg3[%add3A_19, %dma_start3A_20, %dma_start3A_21] : memref<2500x2x128xi32, #tpu.memory_space<hbm>> -> memref<1x2x128xi32, #tpu.memory_space<hbm>>
    %dma_start3A_23 = tpu.memref_squeeze %dma_start3A_22 : memref<1x2x128xi32, #tpu.memory_space<hbm>> -> memref<2x128xi32, #tpu.memory_space<hbm>>
    %dma_start3A_24 = arith.constant 0 : i32
    %dma_start3A_25 = arith.constant 0 : i32
    %dma_start3A_26 = tpu.memref_slice %arg3[%add3A_19, %dma_start3A_24, %dma_start3A_25] : memref<2500x2x128xi32, #tpu.memory_space<hbm>> -> memref<1x2x128xi32, #tpu.memory_space<hbm>>
    %dma_start3A_27 = tpu.memref_squeeze %dma_start3A_26 : memref<1x2x128xi32, #tpu.memory_space<hbm>> -> memref<2x128xi32, #tpu.memory_space<hbm>>
    tpu.enqueue_dma source(%dma_start3A_27 : memref<2x128xi32, #tpu.memory_space<hbm>>) target(%arg8 : memref<2x128xi32, #tpu.memory_space<vmem>>) target_semaphore(%arg17 : memref<!tpu.dma_semaphore, #tpu.memory_space<semaphore_mem>>)
    %add3A_28 = arith.constant 64 : i32
    %add3A_29 = arith.addi %add3A, %add3A_28 : i32
    %dma_start3A_30 = arith.constant 0 : i32
    %dma_start3A_31 = arith.constant 0 : i32
    %dma_start3A_32 = tpu.memref_slice %arg3[%add3A_29, %dma_start3A_30, %dma_start3A_31] : memref<2500x2x128xi32, #tpu.memory_space<hbm>> -> memref<1x2x128xi32, #tpu.memory_space<hbm>>
    %dma_start3A_33 = tpu.memref_squeeze %dma_start3A_32 : memref<1x2x128xi32, #tpu.memory_space<hbm>> -> memref<2x128xi32, #tpu.memory_space<hbm>>
    %dma_start3A_34 = arith.constant 0 : i32
    %dma_start3A_35 = arith.constant 0 : i32
    %dma_start3A_36 = tpu.memref_slice %arg3[%add3A_29, %dma_start3A_34, %dma_start3A_35] : memref<2500x2x128xi32, #tpu.memory_space<hbm>> -> memref<1x2x128xi32, #tpu.memory_space<hbm>>
    %dma_start3A_37 = tpu.memref_squeeze %dma_start3A_36 : memref<1x2x128xi32, #tpu.memory_space<hbm>> -> memref<2x128xi32, #tpu.memory_space<hbm>>
    tpu.enqueue_dma source(%dma_start3A_37 : memref<2x128xi32, #tpu.memory_space<hbm>>) target(%arg9 : memref<2x128xi32, #tpu.memory_space<vmem>>) target_semaphore(%arg18 : memref<!tpu.dma_semaphore, #tpu.memory_space<semaphore_mem>>)
    %scan3A = arith.constant 0 : i32
    %scan3A_38 = arith.constant 14 : i32
    %scan3A_39 = arith.addi %scan3A, %scan3A_38 : i32
    %scan3A_40 = arith.constant 1 : i32
    scf.for %scan3A_50 = %scan3A to %scan3A_39 step %scan3A_40  : i32 {
      %mul3A_51 = arith.constant 1 : i32
      %mul3A_52 = arith.muli %scan3A_50, %mul3A_51 : i32
      %add3A_53 = arith.constant 0 : i32
      %add3A_54 = arith.addi %add3A_53, %mul3A_52 : i32
      %mul3A_55 = arith.constant 2 : i32
      %mul3A_56 = arith.muli %mul3A_55, %add3A_54 : i32
      %mul3A_57 = arith.constant 3 : i32
      %mul3A_58 = arith.muli %mul3A_56, %mul3A_57 : i32
      %add3A_59 = arith.constant 0 : i32
      %add3A_60 = arith.addi %mul3A_58, %add3A_59 : i32
      %sub3A = arith.constant 3 : i32
      %sub3A_61 = arith.subi %add3A_60, %sub3A : i32
      %ge3A = arith.constant 0 : i32
      %ge3A_62 = arith.cmpi sge, %sub3A_61, %ge3A : i32
      %add3A_63 = arith.constant 0 : i32
      %add3A_64 = arith.addi %mul3A_58, %add3A_63 : i32
      %sub3A_65 = arith.constant 3 : i32
      %sub3A_66 = arith.subi %add3A_64, %sub3A_65 : i32
      %lt3A_67 = arith.cmpi slt, %sub3A_66, %add3A_8 : i32
      %and3A = arith.andi %ge3A_62, %lt3A_67 : i1
      %convert_element_type3A_68 = arith.extui %and3A : i1 to i32
      %cond3A_69 = arith.constant 0 : i32
      %cond3A_70 = arith.cmpi ne, %convert_element_type3A_68, %cond3A_69 : i32
      scf.if %cond3A_70 {
        %dma_wait3A = arith.constant 1 : i32
        %dma_wait3A_272 = arith.constant 0 : i32
        %dma_wait3A_273 = tpu.memref_slice %arg10[%dma_wait3A, %dma_wait3A_272] : memref<2x128xi32, #tpu.memory_space<vmem>> -> memref<1x128xi32, #tpu.memory_space<vmem>>
        %dma_wait3A_274 = tpu.memref_squeeze %dma_wait3A_273 : memref<1x128xi32, #tpu.memory_space<vmem>> -> memref<128xi32, #tpu.memory_space<vmem>>
        %dma_wait3A_275 = arith.constant 0 : i32
        %dma_wait3A_276 = arith.constant 0 : i32
        %dma_wait3A_277 = tpu.memref_slice %arg6[%dma_wait3A_275, %dma_wait3A_276] : memref<10000x128xf32, #tpu.memory_space<vmem_shared>> -> memref<10000x128xf32, #tpu.memory_space<vmem_shared>>
        tpu.wait_indirect_dma semaphore(%arg25 : memref<!tpu.dma_semaphore, #tpu.memory_space<semaphore_mem>>) src(%arg13 : memref<128x128xf32, #tpu.memory_space<vmem>>) dst(%dma_wait3A_277 : memref<10000x128xf32, #tpu.memory_space<vmem_shared>>)
      } else {
      }
      %add3A_71 = arith.constant 0 : i32
      %add3A_72 = arith.addi %mul3A_58, %add3A_71 : i32
      %lt3A_73 = arith.cmpi slt, %add3A_72, %add3A_8 : i32
      %convert_element_type3A_74 = arith.extui %lt3A_73 : i1 to i32
      %cond3A_75 = arith.constant 0 : i32
      %cond3A_76 = arith.cmpi ne, %convert_element_type3A_74, %cond3A_75 : i32
      scf.if %cond3A_76 {
        %dma_wait3A = arith.constant 0 : i32
        %dma_wait3A_272 = arith.constant 0 : i32
        %dma_wait3A_273 = arith.constant 0 : i32
        %dma_wait3A_274 = tpu.memref_slice %arg3[%dma_wait3A, %dma_wait3A_272, %dma_wait3A_273] : memref<2500x2x128xi32, #tpu.memory_space<hbm>> -> memref<1x2x128xi32, #tpu.memory_space<hbm>>
        %dma_wait3A_275 = tpu.memref_squeeze %dma_wait3A_274 : memref<1x2x128xi32, #tpu.memory_space<hbm>> -> memref<2x128xi32, #tpu.memory_space<hbm>>
        %dma_wait3A_276 = arith.constant 0 : i32
        %dma_wait3A_277 = arith.constant 0 : i32
        %dma_wait3A_278 = tpu.memref_slice %arg3[%dma_wait3A, %dma_wait3A_276, %dma_wait3A_277] : memref<2500x2x128xi32, #tpu.memory_space<hbm>> -> memref<1x2x128xi32, #tpu.memory_space<hbm>>
        %dma_wait3A_279 = tpu.memref_squeeze %dma_wait3A_278 : memref<1x2x128xi32, #tpu.memory_space<hbm>> -> memref<2x128xi32, #tpu.memory_space<hbm>>
        tpu.wait_dma2 semaphore(%arg16 : memref<!tpu.dma_semaphore, #tpu.memory_space<semaphore_mem>>) src(%dma_wait3A_279 : memref<2x128xi32, #tpu.memory_space<hbm>>) dst(%arg7 : memref<2x128xi32, #tpu.memory_space<vmem>>)
        %dma_start3A_280 = arith.constant 0 : i32
        %dma_start3A_281 = arith.constant 0 : i32
        %dma_start3A_282 = tpu.memref_slice %arg7[%dma_start3A_280, %dma_start3A_281] : memref<2x128xi32, #tpu.memory_space<vmem>> -> memref<1x128xi32, #tpu.memory_space<vmem>>
        %dma_start3A_283 = tpu.memref_squeeze %dma_start3A_282 : memref<1x128xi32, #tpu.memory_space<vmem>> -> memref<128xi32, #tpu.memory_space<vmem>>
        %dma_start3A_284 = arith.constant 0 : i32
        %dma_start3A_285 = arith.constant 0 : i32
        %dma_start3A_286 = tpu.memref_slice %arg2[%dma_start3A_284, %dma_start3A_285] : memref<10000x128xf32, #tpu.memory_space<hbm>> -> memref<10000x128xf32, #tpu.memory_space<hbm>>
        tpu.enqueue_indirect_dma source(%dma_start3A_286 : memref<10000x128xf32, #tpu.memory_space<hbm>>) target(%arg13 : memref<128x128xf32, #tpu.memory_space<vmem>>) offsets(%dma_start3A_283 : memref<128xi32, #tpu.memory_space<vmem>>) semaphore(%arg22 : memref<!tpu.dma_semaphore, #tpu.memory_space<semaphore_mem>>)
      } else {
      }
      %add3A_77 = arith.constant 3 : i32
      %add3A_78 = arith.addi %mul3A_58, %add3A_77 : i32
      %add3A_79 = arith.constant 0 : i32
      %add3A_80 = arith.addi %add3A_78, %add3A_79 : i32
      %lt3A_81 = arith.cmpi slt, %add3A_80, %add3A_8 : i32
      %convert_element_type3A_82 = arith.extui %lt3A_81 : i1 to i32
      %cond3A_83 = arith.constant 0 : i32
      %cond3A_84 = arith.cmpi ne, %convert_element_type3A_82, %cond3A_83 : i32
      scf.if %cond3A_84 {
        %add3A_272 = arith.constant 3 : i32
        %add3A_273 = arith.addi %mul3A_58, %add3A_272 : i32
        %add3A_274 = arith.constant 0 : i32
        %add3A_275 = arith.addi %add3A_273, %add3A_274 : i32
        %mul3A_276 = arith.constant 32 : i32
        %mul3A_277 = arith.muli %add3A_275, %mul3A_276 : i32
        %add3A_278 = arith.addi %add3A, %mul3A_277 : i32
        %dma_start3A_279 = arith.constant 0 : i32
        %dma_start3A_280 = arith.constant 0 : i32
        %dma_start3A_281 = tpu.memref_slice %arg3[%add3A_278, %dma_start3A_279, %dma_start3A_280] : memref<2500x2x128xi32, #tpu.memory_space<hbm>> -> memref<1x2x128xi32, #tpu.memory_space<hbm>>
        %dma_start3A_282 = tpu.memref_squeeze %dma_start3A_281 : memref<1x2x128xi32, #tpu.memory_space<hbm>> -> memref<2x128xi32, #tpu.memory_space<hbm>>
        %dma_start3A_283 = arith.constant 0 : i32
        %dma_start3A_284 = arith.constant 0 : i32
        %dma_start3A_285 = tpu.memref_slice %arg3[%add3A_278, %dma_start3A_283, %dma_start3A_284] : memref<2500x2x128xi32, #tpu.memory_space<hbm>> -> memref<1x2x128xi32, #tpu.memory_space<hbm>>
        %dma_start3A_286 = tpu.memref_squeeze %dma_start3A_285 : memref<1x2x128xi32, #tpu.memory_space<hbm>> -> memref<2x128xi32, #tpu.memory_space<hbm>>
        tpu.enqueue_dma source(%dma_start3A_286 : memref<2x128xi32, #tpu.memory_space<hbm>>) target(%arg10 : memref<2x128xi32, #tpu.memory_space<vmem>>) target_semaphore(%arg19 : memref<!tpu.dma_semaphore, #tpu.memory_space<semaphore_mem>>)
      } else {
      }
      %add3A_85 = arith.constant 1 : i32
      %add3A_86 = arith.addi %mul3A_58, %add3A_85 : i32
      %sub3A_87 = arith.constant 3 : i32
      %sub3A_88 = arith.subi %add3A_86, %sub3A_87 : i32
      %ge3A_89 = arith.constant 0 : i32
      %ge3A_90 = arith.cmpi sge, %sub3A_88, %ge3A_89 : i32
      %add3A_91 = arith.constant 1 : i32
      %add3A_92 = arith.addi %mul3A_58, %add3A_91 : i32
      %sub3A_93 = arith.constant 3 : i32
      %sub3A_94 = arith.subi %add3A_92, %sub3A_93 : i32
      %lt3A_95 = arith.cmpi slt, %sub3A_94, %add3A_8 : i32
      %and3A_96 = arith.andi %ge3A_90, %lt3A_95 : i1
      %convert_element_type3A_97 = arith.extui %and3A_96 : i1 to i32
      %cond3A_98 = arith.constant 0 : i32
      %cond3A_99 = arith.cmpi ne, %convert_element_type3A_97, %cond3A_98 : i32
      scf.if %cond3A_99 {
        %dma_wait3A = arith.constant 1 : i32
        %dma_wait3A_272 = arith.constant 0 : i32
        %dma_wait3A_273 = tpu.memref_slice %arg11[%dma_wait3A, %dma_wait3A_272] : memref<2x128xi32, #tpu.memory_space<vmem>> -> memref<1x128xi32, #tpu.memory_space<vmem>>
        %dma_wait3A_274 = tpu.memref_squeeze %dma_wait3A_273 : memref<1x128xi32, #tpu.memory_space<vmem>> -> memref<128xi32, #tpu.memory_space<vmem>>
        %dma_wait3A_275 = arith.constant 0 : i32
        %dma_wait3A_276 = arith.constant 0 : i32
        %dma_wait3A_277 = tpu.memref_slice %arg6[%dma_wait3A_275, %dma_wait3A_276] : memref<10000x128xf32, #tpu.memory_space<vmem_shared>> -> memref<10000x128xf32, #tpu.memory_space<vmem_shared>>
        tpu.wait_indirect_dma semaphore(%arg26 : memref<!tpu.dma_semaphore, #tpu.memory_space<semaphore_mem>>) src(%arg14 : memref<128x128xf32, #tpu.memory_space<vmem>>) dst(%dma_wait3A_277 : memref<10000x128xf32, #tpu.memory_space<vmem_shared>>)
      } else {
      }
      %add3A_100 = arith.constant 1 : i32
      %add3A_101 = arith.addi %mul3A_58, %add3A_100 : i32
      %lt3A_102 = arith.cmpi slt, %add3A_101, %add3A_8 : i32
      %convert_element_type3A_103 = arith.extui %lt3A_102 : i1 to i32
      %cond3A_104 = arith.constant 0 : i32
      %cond3A_105 = arith.cmpi ne, %convert_element_type3A_103, %cond3A_104 : i32
      scf.if %cond3A_105 {
        %dma_wait3A = arith.constant 0 : i32
        %dma_wait3A_272 = arith.constant 0 : i32
        %dma_wait3A_273 = arith.constant 0 : i32
        %dma_wait3A_274 = tpu.memref_slice %arg3[%dma_wait3A, %dma_wait3A_272, %dma_wait3A_273] : memref<2500x2x128xi32, #tpu.memory_space<hbm>> -> memref<1x2x128xi32, #tpu.memory_space<hbm>>
        %dma_wait3A_275 = tpu.memref_squeeze %dma_wait3A_274 : memref<1x2x128xi32, #tpu.memory_space<hbm>> -> memref<2x128xi32, #tpu.memory_space<hbm>>
        %dma_wait3A_276 = arith.constant 0 : i32
        %dma_wait3A_277 = arith.constant 0 : i32
        %dma_wait3A_278 = tpu.memref_slice %arg3[%dma_wait3A, %dma_wait3A_276, %dma_wait3A_277] : memref<2500x2x128xi32, #tpu.memory_space<hbm>> -> memref<1x2x128xi32, #tpu.memory_space<hbm>>
        %dma_wait3A_279 = tpu.memref_squeeze %dma_wait3A_278 : memref<1x2x128xi32, #tpu.memory_space<hbm>> -> memref<2x128xi32, #tpu.memory_space<hbm>>
        tpu.wait_dma2 semaphore(%arg17 : memref<!tpu.dma_semaphore, #tpu.memory_space<semaphore_mem>>) src(%dma_wait3A_279 : memref<2x128xi32, #tpu.memory_space<hbm>>) dst(%arg8 : memref<2x128xi32, #tpu.memory_space<vmem>>)
        %dma_start3A_280 = arith.constant 0 : i32
        %dma_start3A_281 = arith.constant 0 : i32
        %dma_start3A_282 = tpu.memref_slice %arg8[%dma_start3A_280, %dma_start3A_281] : memref<2x128xi32, #tpu.memory_space<vmem>> -> memref<1x128xi32, #tpu.memory_space<vmem>>
        %dma_start3A_283 = tpu.memref_squeeze %dma_start3A_282 : memref<1x128xi32, #tpu.memory_space<vmem>> -> memref<128xi32, #tpu.memory_space<vmem>>
        %dma_start3A_284 = arith.constant 0 : i32
        %dma_start3A_285 = arith.constant 0 : i32
        %dma_start3A_286 = tpu.memref_slice %arg2[%dma_start3A_284, %dma_start3A_285] : memref<10000x128xf32, #tpu.memory_space<hbm>> -> memref<10000x128xf32, #tpu.memory_space<hbm>>
        tpu.enqueue_indirect_dma source(%dma_start3A_286 : memref<10000x128xf32, #tpu.memory_space<hbm>>) target(%arg14 : memref<128x128xf32, #tpu.memory_space<vmem>>) offsets(%dma_start3A_283 : memref<128xi32, #tpu.memory_space<vmem>>) semaphore(%arg23 : memref<!tpu.dma_semaphore, #tpu.memory_space<semaphore_mem>>)
      } else {
      }
      %add3A_106 = arith.constant 3 : i32
      %add3A_107 = arith.addi %mul3A_58, %add3A_106 : i32
      %add3A_108 = arith.constant 1 : i32
      %add3A_109 = arith.addi %add3A_107, %add3A_108 : i32
      %lt3A_110 = arith.cmpi slt, %add3A_109, %add3A_8 : i32
      %convert_element_type3A_111 = arith.extui %lt3A_110 : i1 to i32
      %cond3A_112 = arith.constant 0 : i32
      %cond3A_113 = arith.cmpi ne, %convert_element_type3A_111, %cond3A_112 : i32
      scf.if %cond3A_113 {
        %add3A_272 = arith.constant 3 : i32
        %add3A_273 = arith.addi %mul3A_58, %add3A_272 : i32
        %add3A_274 = arith.constant 1 : i32
        %add3A_275 = arith.addi %add3A_273, %add3A_274 : i32
        %mul3A_276 = arith.constant 32 : i32
        %mul3A_277 = arith.muli %add3A_275, %mul3A_276 : i32
        %add3A_278 = arith.addi %add3A, %mul3A_277 : i32
        %dma_start3A_279 = arith.constant 0 : i32
        %dma_start3A_280 = arith.constant 0 : i32
        %dma_start3A_281 = tpu.memref_slice %arg3[%add3A_278, %dma_start3A_279, %dma_start3A_280] : memref<2500x2x128xi32, #tpu.memory_space<hbm>> -> memref<1x2x128xi32, #tpu.memory_space<hbm>>
        %dma_start3A_282 = tpu.memref_squeeze %dma_start3A_281 : memref<1x2x128xi32, #tpu.memory_space<hbm>> -> memref<2x128xi32, #tpu.memory_space<hbm>>
        %dma_start3A_283 = arith.constant 0 : i32
        %dma_start3A_284 = arith.constant 0 : i32
        %dma_start3A_285 = tpu.memref_slice %arg3[%add3A_278, %dma_start3A_283, %dma_start3A_284] : memref<2500x2x128xi32, #tpu.memory_space<hbm>> -> memref<1x2x128xi32, #tpu.memory_space<hbm>>
        %dma_start3A_286 = tpu.memref_squeeze %dma_start3A_285 : memref<1x2x128xi32, #tpu.memory_space<hbm>> -> memref<2x128xi32, #tpu.memory_space<hbm>>
        tpu.enqueue_dma source(%dma_start3A_286 : memref<2x128xi32, #tpu.memory_space<hbm>>) target(%arg11 : memref<2x128xi32, #tpu.memory_space<vmem>>) target_semaphore(%arg20 : memref<!tpu.dma_semaphore, #tpu.memory_space<semaphore_mem>>)
      } else {
      }
      %add3A_114 = arith.constant 2 : i32
      %add3A_115 = arith.addi %mul3A_58, %add3A_114 : i32
      %sub3A_116 = arith.constant 3 : i32
      %sub3A_117 = arith.subi %add3A_115, %sub3A_116 : i32
      %ge3A_118 = arith.constant 0 : i32
      %ge3A_119 = arith.cmpi sge, %sub3A_117, %ge3A_118 : i32
      %add3A_120 = arith.constant 2 : i32
      %add3A_121 = arith.addi %mul3A_58, %add3A_120 : i32
      %sub3A_122 = arith.constant 3 : i32
      %sub3A_123 = arith.subi %add3A_121, %sub3A_122 : i32
      %lt3A_124 = arith.cmpi slt, %sub3A_123, %add3A_8 : i32
      %and3A_125 = arith.andi %ge3A_119, %lt3A_124 : i1
      %convert_element_type3A_126 = arith.extui %and3A_125 : i1 to i32
      %cond3A_127 = arith.constant 0 : i32
      %cond3A_128 = arith.cmpi ne, %convert_element_type3A_126, %cond3A_127 : i32
      scf.if %cond3A_128 {
        %dma_wait3A = arith.constant 1 : i32
        %dma_wait3A_272 = arith.constant 0 : i32
        %dma_wait3A_273 = tpu.memref_slice %arg12[%dma_wait3A, %dma_wait3A_272] : memref<2x128xi32, #tpu.memory_space<vmem>> -> memref<1x128xi32, #tpu.memory_space<vmem>>
        %dma_wait3A_274 = tpu.memref_squeeze %dma_wait3A_273 : memref<1x128xi32, #tpu.memory_space<vmem>> -> memref<128xi32, #tpu.memory_space<vmem>>
        %dma_wait3A_275 = arith.constant 0 : i32
        %dma_wait3A_276 = arith.constant 0 : i32
        %dma_wait3A_277 = tpu.memref_slice %arg6[%dma_wait3A_275, %dma_wait3A_276] : memref<10000x128xf32, #tpu.memory_space<vmem_shared>> -> memref<10000x128xf32, #tpu.memory_space<vmem_shared>>
        tpu.wait_indirect_dma semaphore(%arg27 : memref<!tpu.dma_semaphore, #tpu.memory_space<semaphore_mem>>) src(%arg15 : memref<128x128xf32, #tpu.memory_space<vmem>>) dst(%dma_wait3A_277 : memref<10000x128xf32, #tpu.memory_space<vmem_shared>>)
      } else {
      }
      %add3A_129 = arith.constant 2 : i32
      %add3A_130 = arith.addi %mul3A_58, %add3A_129 : i32
      %lt3A_131 = arith.cmpi slt, %add3A_130, %add3A_8 : i32
      %convert_element_type3A_132 = arith.extui %lt3A_131 : i1 to i32
      %cond3A_133 = arith.constant 0 : i32
      %cond3A_134 = arith.cmpi ne, %convert_element_type3A_132, %cond3A_133 : i32
      scf.if %cond3A_134 {
        %dma_wait3A = arith.constant 0 : i32
        %dma_wait3A_272 = arith.constant 0 : i32
        %dma_wait3A_273 = arith.constant 0 : i32
        %dma_wait3A_274 = tpu.memref_slice %arg3[%dma_wait3A, %dma_wait3A_272, %dma_wait3A_273] : memref<2500x2x128xi32, #tpu.memory_space<hbm>> -> memref<1x2x128xi32, #tpu.memory_space<hbm>>
        %dma_wait3A_275 = tpu.memref_squeeze %dma_wait3A_274 : memref<1x2x128xi32, #tpu.memory_space<hbm>> -> memref<2x128xi32, #tpu.memory_space<hbm>>
        %dma_wait3A_276 = arith.constant 0 : i32
        %dma_wait3A_277 = arith.constant 0 : i32
        %dma_wait3A_278 = tpu.memref_slice %arg3[%dma_wait3A, %dma_wait3A_276, %dma_wait3A_277] : memref<2500x2x128xi32, #tpu.memory_space<hbm>> -> memref<1x2x128xi32, #tpu.memory_space<hbm>>
        %dma_wait3A_279 = tpu.memref_squeeze %dma_wait3A_278 : memref<1x2x128xi32, #tpu.memory_space<hbm>> -> memref<2x128xi32, #tpu.memory_space<hbm>>
        tpu.wait_dma2 semaphore(%arg18 : memref<!tpu.dma_semaphore, #tpu.memory_space<semaphore_mem>>) src(%dma_wait3A_279 : memref<2x128xi32, #tpu.memory_space<hbm>>) dst(%arg9 : memref<2x128xi32, #tpu.memory_space<vmem>>)
        %dma_start3A_280 = arith.constant 0 : i32
        %dma_start3A_281 = arith.constant 0 : i32
        %dma_start3A_282 = tpu.memref_slice %arg9[%dma_start3A_280, %dma_start3A_281] : memref<2x128xi32, #tpu.memory_space<vmem>> -> memref<1x128xi32, #tpu.memory_space<vmem>>
        %dma_start3A_283 = tpu.memref_squeeze %dma_start3A_282 : memref<1x128xi32, #tpu.memory_space<vmem>> -> memref<128xi32, #tpu.memory_space<vmem>>
        %dma_start3A_284 = arith.constant 0 : i32
        %dma_start3A_285 = arith.constant 0 : i32
        %dma_start3A_286 = tpu.memref_slice %arg2[%dma_start3A_284, %dma_start3A_285] : memref<10000x128xf32, #tpu.memory_space<hbm>> -> memref<10000x128xf32, #tpu.memory_space<hbm>>
        tpu.enqueue_indirect_dma source(%dma_start3A_286 : memref<10000x128xf32, #tpu.memory_space<hbm>>) target(%arg15 : memref<128x128xf32, #tpu.memory_space<vmem>>) offsets(%dma_start3A_283 : memref<128xi32, #tpu.memory_space<vmem>>) semaphore(%arg24 : memref<!tpu.dma_semaphore, #tpu.memory_space<semaphore_mem>>)
      } else {
      }
      %add3A_135 = arith.constant 3 : i32
      %add3A_136 = arith.addi %mul3A_58, %add3A_135 : i32
      %add3A_137 = arith.constant 2 : i32
      %add3A_138 = arith.addi %add3A_136, %add3A_137 : i32
      %lt3A_139 = arith.cmpi slt, %add3A_138, %add3A_8 : i32
      %convert_element_type3A_140 = arith.extui %lt3A_139 : i1 to i32
      %cond3A_141 = arith.constant 0 : i32
      %cond3A_142 = arith.cmpi ne, %convert_element_type3A_140, %cond3A_141 : i32
      scf.if %cond3A_142 {
        %add3A_272 = arith.constant 3 : i32
        %add3A_273 = arith.addi %mul3A_58, %add3A_272 : i32
        %add3A_274 = arith.constant 2 : i32
        %add3A_275 = arith.addi %add3A_273, %add3A_274 : i32
        %mul3A_276 = arith.constant 32 : i32
        %mul3A_277 = arith.muli %add3A_275, %mul3A_276 : i32
        %add3A_278 = arith.addi %add3A, %mul3A_277 : i32
        %dma_start3A_279 = arith.constant 0 : i32
        %dma_start3A_280 = arith.constant 0 : i32
        %dma_start3A_281 = tpu.memref_slice %arg3[%add3A_278, %dma_start3A_279, %dma_start3A_280] : memref<2500x2x128xi32, #tpu.memory_space<hbm>> -> memref<1x2x128xi32, #tpu.memory_space<hbm>>
        %dma_start3A_282 = tpu.memref_squeeze %dma_start3A_281 : memref<1x2x128xi32, #tpu.memory_space<hbm>> -> memref<2x128xi32, #tpu.memory_space<hbm>>
        %dma_start3A_283 = arith.constant 0 : i32
        %dma_start3A_284 = arith.constant 0 : i32
        %dma_start3A_285 = tpu.memref_slice %arg3[%add3A_278, %dma_start3A_283, %dma_start3A_284] : memref<2500x2x128xi32, #tpu.memory_space<hbm>> -> memref<1x2x128xi32, #tpu.memory_space<hbm>>
        %dma_start3A_286 = tpu.memref_squeeze %dma_start3A_285 : memref<1x2x128xi32, #tpu.memory_space<hbm>> -> memref<2x128xi32, #tpu.memory_space<hbm>>
        tpu.enqueue_dma source(%dma_start3A_286 : memref<2x128xi32, #tpu.memory_space<hbm>>) target(%arg12 : memref<2x128xi32, #tpu.memory_space<vmem>>) target_semaphore(%arg21 : memref<!tpu.dma_semaphore, #tpu.memory_space<semaphore_mem>>)
      } else {
      }
      %add3A_143 = arith.constant 0 : i32
      %add3A_144 = arith.addi %mul3A_58, %add3A_143 : i32
      %lt3A_145 = arith.cmpi slt, %add3A_144, %add3A_8 : i32
      %convert_element_type3A_146 = arith.extui %lt3A_145 : i1 to i32
      %cond3A_147 = arith.constant 0 : i32
      %cond3A_148 = arith.cmpi ne, %convert_element_type3A_146, %cond3A_147 : i32
      scf.if %cond3A_148 {
        %dma_wait3A = arith.constant 0 : i32
        %dma_wait3A_272 = arith.constant 0 : i32
        %dma_wait3A_273 = tpu.memref_slice %arg7[%dma_wait3A, %dma_wait3A_272] : memref<2x128xi32, #tpu.memory_space<vmem>> -> memref<1x128xi32, #tpu.memory_space<vmem>>
        %dma_wait3A_274 = tpu.memref_squeeze %dma_wait3A_273 : memref<1x128xi32, #tpu.memory_space<vmem>> -> memref<128xi32, #tpu.memory_space<vmem>>
        %dma_wait3A_275 = arith.constant 0 : i32
        %dma_wait3A_276 = arith.constant 0 : i32
        %dma_wait3A_277 = tpu.memref_slice %arg2[%dma_wait3A_275, %dma_wait3A_276] : memref<10000x128xf32, #tpu.memory_space<hbm>> -> memref<10000x128xf32, #tpu.memory_space<hbm>>
        tpu.wait_indirect_dma semaphore(%arg22 : memref<!tpu.dma_semaphore, #tpu.memory_space<semaphore_mem>>) src(%dma_wait3A_277 : memref<10000x128xf32, #tpu.memory_space<hbm>>) dst(%arg13 : memref<128x128xf32, #tpu.memory_space<vmem>>)
        %dma_start3A_278 = arith.constant 1 : i32
        %dma_start3A_279 = arith.constant 0 : i32
        %dma_start3A_280 = tpu.memref_slice %arg7[%dma_start3A_278, %dma_start3A_279] : memref<2x128xi32, #tpu.memory_space<vmem>> -> memref<1x128xi32, #tpu.memory_space<vmem>>
        %dma_start3A_281 = tpu.memref_squeeze %dma_start3A_280 : memref<1x128xi32, #tpu.memory_space<vmem>> -> memref<128xi32, #tpu.memory_space<vmem>>
        %dma_start3A_282 = arith.constant 0 : i32
        %dma_start3A_283 = arith.constant 0 : i32
        %dma_start3A_284 = tpu.memref_slice %arg6[%dma_start3A_282, %dma_start3A_283] : memref<10000x128xf32, #tpu.memory_space<vmem_shared>> -> memref<10000x128xf32, #tpu.memory_space<vmem_shared>>
        tpu.enqueue_indirect_dma source(%arg13 : memref<128x128xf32, #tpu.memory_space<vmem>>) target(%dma_start3A_284 : memref<10000x128xf32, #tpu.memory_space<vmem_shared>>) offsets(%dma_start3A_281 : memref<128xi32, #tpu.memory_space<vmem>>) semaphore(%arg25 : memref<!tpu.dma_semaphore, #tpu.memory_space<semaphore_mem>>) {add = true}
      } else {
      }
      %add3A_149 = arith.constant 1 : i32
      %add3A_150 = arith.addi %mul3A_58, %add3A_149 : i32
      %lt3A_151 = arith.cmpi slt, %add3A_150, %add3A_8 : i32
      %convert_element_type3A_152 = arith.extui %lt3A_151 : i1 to i32
      %cond3A_153 = arith.constant 0 : i32
      %cond3A_154 = arith.cmpi ne, %convert_element_type3A_152, %cond3A_153 : i32
      scf.if %cond3A_154 {
        %dma_wait3A = arith.constant 0 : i32
        %dma_wait3A_272 = arith.constant 0 : i32
        %dma_wait3A_273 = tpu.memref_slice %arg8[%dma_wait3A, %dma_wait3A_272] : memref<2x128xi32, #tpu.memory_space<vmem>> -> memref<1x128xi32, #tpu.memory_space<vmem>>
        %dma_wait3A_274 = tpu.memref_squeeze %dma_wait3A_273 : memref<1x128xi32, #tpu.memory_space<vmem>> -> memref<128xi32, #tpu.memory_space<vmem>>
        %dma_wait3A_275 = arith.constant 0 : i32
        %dma_wait3A_276 = arith.constant 0 : i32
        %dma_wait3A_277 = tpu.memref_slice %arg2[%dma_wait3A_275, %dma_wait3A_276] : memref<10000x128xf32, #tpu.memory_space<hbm>> -> memref<10000x128xf32, #tpu.memory_space<hbm>>
        tpu.wait_indirect_dma semaphore(%arg23 : memref<!tpu.dma_semaphore, #tpu.memory_space<semaphore_mem>>) src(%dma_wait3A_277 : memref<10000x128xf32, #tpu.memory_space<hbm>>) dst(%arg14 : memref<128x128xf32, #tpu.memory_space<vmem>>)
        %dma_start3A_278 = arith.constant 1 : i32
        %dma_start3A_279 = arith.constant 0 : i32
        %dma_start3A_280 = tpu.memref_slice %arg8[%dma_start3A_278, %dma_start3A_279] : memref<2x128xi32, #tpu.memory_space<vmem>> -> memref<1x128xi32, #tpu.memory_space<vmem>>
        %dma_start3A_281 = tpu.memref_squeeze %dma_start3A_280 : memref<1x128xi32, #tpu.memory_space<vmem>> -> memref<128xi32, #tpu.memory_space<vmem>>
        %dma_start3A_282 = arith.constant 0 : i32
        %dma_start3A_283 = arith.constant 0 : i32
        %dma_start3A_284 = tpu.memref_slice %arg6[%dma_start3A_282, %dma_start3A_283] : memref<10000x128xf32, #tpu.memory_space<vmem_shared>> -> memref<10000x128xf32, #tpu.memory_space<vmem_shared>>
        tpu.enqueue_indirect_dma source(%arg14 : memref<128x128xf32, #tpu.memory_space<vmem>>) target(%dma_start3A_284 : memref<10000x128xf32, #tpu.memory_space<vmem_shared>>) offsets(%dma_start3A_281 : memref<128xi32, #tpu.memory_space<vmem>>) semaphore(%arg26 : memref<!tpu.dma_semaphore, #tpu.memory_space<semaphore_mem>>) {add = true}
      } else {
      }
      %add3A_155 = arith.constant 2 : i32
      %add3A_156 = arith.addi %mul3A_58, %add3A_155 : i32
      %lt3A_157 = arith.cmpi slt, %add3A_156, %add3A_8 : i32
      %convert_element_type3A_158 = arith.extui %lt3A_157 : i1 to i32
      %cond3A_159 = arith.constant 0 : i32
      %cond3A_160 = arith.cmpi ne, %convert_element_type3A_158, %cond3A_159 : i32
      scf.if %cond3A_160 {
        %dma_wait3A = arith.constant 0 : i32
        %dma_wait3A_272 = arith.constant 0 : i32
        %dma_wait3A_273 = tpu.memref_slice %arg9[%dma_wait3A, %dma_wait3A_272] : memref<2x128xi32, #tpu.memory_space<vmem>> -> memref<1x128xi32, #tpu.memory_space<vmem>>
        %dma_wait3A_274 = tpu.memref_squeeze %dma_wait3A_273 : memref<1x128xi32, #tpu.memory_space<vmem>> -> memref<128xi32, #tpu.memory_space<vmem>>
        %dma_wait3A_275 = arith.constant 0 : i32
        %dma_wait3A_276 = arith.constant 0 : i32
        %dma_wait3A_277 = tpu.memref_slice %arg2[%dma_wait3A_275, %dma_wait3A_276] : memref<10000x128xf32, #tpu.memory_space<hbm>> -> memref<10000x128xf32, #tpu.memory_space<hbm>>
        tpu.wait_indirect_dma semaphore(%arg24 : memref<!tpu.dma_semaphore, #tpu.memory_space<semaphore_mem>>) src(%dma_wait3A_277 : memref<10000x128xf32, #tpu.memory_space<hbm>>) dst(%arg15 : memref<128x128xf32, #tpu.memory_space<vmem>>)
        %dma_start3A_278 = arith.constant 1 : i32
        %dma_start3A_279 = arith.constant 0 : i32
        %dma_start3A_280 = tpu.memref_slice %arg9[%dma_start3A_278, %dma_start3A_279] : memref<2x128xi32, #tpu.memory_space<vmem>> -> memref<1x128xi32, #tpu.memory_space<vmem>>
        %dma_start3A_281 = tpu.memref_squeeze %dma_start3A_280 : memref<1x128xi32, #tpu.memory_space<vmem>> -> memref<128xi32, #tpu.memory_space<vmem>>
        %dma_start3A_282 = arith.constant 0 : i32
        %dma_start3A_283 = arith.constant 0 : i32
        %dma_start3A_284 = tpu.memref_slice %arg6[%dma_start3A_282, %dma_start3A_283] : memref<10000x128xf32, #tpu.memory_space<vmem_shared>> -> memref<10000x128xf32, #tpu.memory_space<vmem_shared>>
        tpu.enqueue_indirect_dma source(%arg15 : memref<128x128xf32, #tpu.memory_space<vmem>>) target(%dma_start3A_284 : memref<10000x128xf32, #tpu.memory_space<vmem_shared>>) offsets(%dma_start3A_281 : memref<128xi32, #tpu.memory_space<vmem>>) semaphore(%arg27 : memref<!tpu.dma_semaphore, #tpu.memory_space<semaphore_mem>>) {add = true}
      } else {
      }
      %mul3A_161 = arith.constant 2 : i32
      %mul3A_162 = arith.muli %mul3A_161, %add3A_54 : i32
      %add3A_163 = arith.constant 1 : i32
      %add3A_164 = arith.addi %mul3A_162, %add3A_163 : i32
      %mul3A_165 = arith.constant 3 : i32
      %mul3A_166 = arith.muli %add3A_164, %mul3A_165 : i32
      %add3A_167 = arith.constant 0 : i32
      %add3A_168 = arith.addi %mul3A_166, %add3A_167 : i32
      %sub3A_169 = arith.constant 3 : i32
      %sub3A_170 = arith.subi %add3A_168, %sub3A_169 : i32
      %ge3A_171 = arith.constant 0 : i32
      %ge3A_172 = arith.cmpi sge, %sub3A_170, %ge3A_171 : i32
      %add3A_173 = arith.constant 0 : i32
      %add3A_174 = arith.addi %mul3A_166, %add3A_173 : i32
      %sub3A_175 = arith.constant 3 : i32
      %sub3A_176 = arith.subi %add3A_174, %sub3A_175 : i32
      %lt3A_177 = arith.cmpi slt, %sub3A_176, %add3A_8 : i32
      %and3A_178 = arith.andi %ge3A_172, %lt3A_177 : i1
      %convert_element_type3A_179 = arith.extui %and3A_178 : i1 to i32
      %cond3A_180 = arith.constant 0 : i32
      %cond3A_181 = arith.cmpi ne, %convert_element_type3A_179, %cond3A_180 : i32
      scf.if %cond3A_181 {
        %dma_wait3A = arith.constant 1 : i32
        %dma_wait3A_272 = arith.constant 0 : i32
        %dma_wait3A_273 = tpu.memref_slice %arg7[%dma_wait3A, %dma_wait3A_272] : memref<2x128xi32, #tpu.memory_space<vmem>> -> memref<1x128xi32, #tpu.memory_space<vmem>>
        %dma_wait3A_274 = tpu.memref_squeeze %dma_wait3A_273 : memref<1x128xi32, #tpu.memory_space<vmem>> -> memref<128xi32, #tpu.memory_space<vmem>>
        %dma_wait3A_275 = arith.constant 0 : i32
        %dma_wait3A_276 = arith.constant 0 : i32
        %dma_wait3A_277 = tpu.memref_slice %arg6[%dma_wait3A_275, %dma_wait3A_276] : memref<10000x128xf32, #tpu.memory_space<vmem_shared>> -> memref<10000x128xf32, #tpu.memory_space<vmem_shared>>
        tpu.wait_indirect_dma semaphore(%arg25 : memref<!tpu.dma_semaphore, #tpu.memory_space<semaphore_mem>>) src(%arg13 : memref<128x128xf32, #tpu.memory_space<vmem>>) dst(%dma_wait3A_277 : memref<10000x128xf32, #tpu.memory_space<vmem_shared>>)
      } else {
      }
      %add3A_182 = arith.constant 0 : i32
      %add3A_183 = arith.addi %mul3A_166, %add3A_182 : i32
      %lt3A_184 = arith.cmpi slt, %add3A_183, %add3A_8 : i32
      %convert_element_type3A_185 = arith.extui %lt3A_184 : i1 to i32
      %cond3A_186 = arith.constant 0 : i32
      %cond3A_187 = arith.cmpi ne, %convert_element_type3A_185, %cond3A_186 : i32
      scf.if %cond3A_187 {
        %dma_wait3A = arith.constant 0 : i32
        %dma_wait3A_272 = arith.constant 0 : i32
        %dma_wait3A_273 = arith.constant 0 : i32
        %dma_wait3A_274 = tpu.memref_slice %arg3[%dma_wait3A, %dma_wait3A_272, %dma_wait3A_273] : memref<2500x2x128xi32, #tpu.memory_space<hbm>> -> memref<1x2x128xi32, #tpu.memory_space<hbm>>
        %dma_wait3A_275 = tpu.memref_squeeze %dma_wait3A_274 : memref<1x2x128xi32, #tpu.memory_space<hbm>> -> memref<2x128xi32, #tpu.memory_space<hbm>>
        %dma_wait3A_276 = arith.constant 0 : i32
        %dma_wait3A_277 = arith.constant 0 : i32
        %dma_wait3A_278 = tpu.memref_slice %arg3[%dma_wait3A, %dma_wait3A_276, %dma_wait3A_277] : memref<2500x2x128xi32, #tpu.memory_space<hbm>> -> memref<1x2x128xi32, #tpu.memory_space<hbm>>
        %dma_wait3A_279 = tpu.memref_squeeze %dma_wait3A_278 : memref<1x2x128xi32, #tpu.memory_space<hbm>> -> memref<2x128xi32, #tpu.memory_space<hbm>>
        tpu.wait_dma2 semaphore(%arg19 : memref<!tpu.dma_semaphore, #tpu.memory_space<semaphore_mem>>) src(%dma_wait3A_279 : memref<2x128xi32, #tpu.memory_space<hbm>>) dst(%arg10 : memref<2x128xi32, #tpu.memory_space<vmem>>)
        %dma_start3A_280 = arith.constant 0 : i32
        %dma_start3A_281 = arith.constant 0 : i32
        %dma_start3A_282 = tpu.memref_slice %arg10[%dma_start3A_280, %dma_start3A_281] : memref<2x128xi32, #tpu.memory_space<vmem>> -> memref<1x128xi32, #tpu.memory_space<vmem>>
        %dma_start3A_283 = tpu.memref_squeeze %dma_start3A_282 : memref<1x128xi32, #tpu.memory_space<vmem>> -> memref<128xi32, #tpu.memory_space<vmem>>
        %dma_start3A_284 = arith.constant 0 : i32
        %dma_start3A_285 = arith.constant 0 : i32
        %dma_start3A_286 = tpu.memref_slice %arg2[%dma_start3A_284, %dma_start3A_285] : memref<10000x128xf32, #tpu.memory_space<hbm>> -> memref<10000x128xf32, #tpu.memory_space<hbm>>
        tpu.enqueue_indirect_dma source(%dma_start3A_286 : memref<10000x128xf32, #tpu.memory_space<hbm>>) target(%arg13 : memref<128x128xf32, #tpu.memory_space<vmem>>) offsets(%dma_start3A_283 : memref<128xi32, #tpu.memory_space<vmem>>) semaphore(%arg22 : memref<!tpu.dma_semaphore, #tpu.memory_space<semaphore_mem>>)
      } else {
      }
      %add3A_188 = arith.constant 3 : i32
      %add3A_189 = arith.addi %mul3A_166, %add3A_188 : i32
      %add3A_190 = arith.constant 0 : i32
      %add3A_191 = arith.addi %add3A_189, %add3A_190 : i32
      %lt3A_192 = arith.cmpi slt, %add3A_191, %add3A_8 : i32
      %convert_element_type3A_193 = arith.extui %lt3A_192 : i1 to i32
      %cond3A_194 = arith.constant 0 : i32
      %cond3A_195 = arith.cmpi ne, %convert_element_type3A_193, %cond3A_194 : i32
      scf.if %cond3A_195 {
        %add3A_272 = arith.constant 3 : i32
        %add3A_273 = arith.addi %mul3A_166, %add3A_272 : i32
        %add3A_274 = arith.constant 0 : i32
        %add3A_275 = arith.addi %add3A_273, %add3A_274 : i32
        %mul3A_276 = arith.constant 32 : i32
        %mul3A_277 = arith.muli %add3A_275, %mul3A_276 : i32
        %add3A_278 = arith.addi %add3A, %mul3A_277 : i32
        %dma_start3A_279 = arith.constant 0 : i32
        %dma_start3A_280 = arith.constant 0 : i32
        %dma_start3A_281 = tpu.memref_slice %arg3[%add3A_278, %dma_start3A_279, %dma_start3A_280] : memref<2500x2x128xi32, #tpu.memory_space<hbm>> -> memref<1x2x128xi32, #tpu.memory_space<hbm>>
        %dma_start3A_282 = tpu.memref_squeeze %dma_start3A_281 : memref<1x2x128xi32, #tpu.memory_space<hbm>> -> memref<2x128xi32, #tpu.memory_space<hbm>>
        %dma_start3A_283 = arith.constant 0 : i32
        %dma_start3A_284 = arith.constant 0 : i32
        %dma_start3A_285 = tpu.memref_slice %arg3[%add3A_278, %dma_start3A_283, %dma_start3A_284] : memref<2500x2x128xi32, #tpu.memory_space<hbm>> -> memref<1x2x128xi32, #tpu.memory_space<hbm>>
        %dma_start3A_286 = tpu.memref_squeeze %dma_start3A_285 : memref<1x2x128xi32, #tpu.memory_space<hbm>> -> memref<2x128xi32, #tpu.memory_space<hbm>>
        tpu.enqueue_dma source(%dma_start3A_286 : memref<2x128xi32, #tpu.memory_space<hbm>>) target(%arg7 : memref<2x128xi32, #tpu.memory_space<vmem>>) target_semaphore(%arg16 : memref<!tpu.dma_semaphore, #tpu.memory_space<semaphore_mem>>)
      } else {
      }
      %add3A_196 = arith.constant 1 : i32
      %add3A_197 = arith.addi %mul3A_166, %add3A_196 : i32
      %sub3A_198 = arith.constant 3 : i32
      %sub3A_199 = arith.subi %add3A_197, %sub3A_198 : i32
      %ge3A_200 = arith.constant 0 : i32
      %ge3A_201 = arith.cmpi sge, %sub3A_199, %ge3A_200 : i32
      %add3A_202 = arith.constant 1 : i32
      %add3A_203 = arith.addi %mul3A_166, %add3A_202 : i32
      %sub3A_204 = arith.constant 3 : i32
      %sub3A_205 = arith.subi %add3A_203, %sub3A_204 : i32
      %lt3A_206 = arith.cmpi slt, %sub3A_205, %add3A_8 : i32
      %and3A_207 = arith.andi %ge3A_201, %lt3A_206 : i1
      %convert_element_type3A_208 = arith.extui %and3A_207 : i1 to i32
      %cond3A_209 = arith.constant 0 : i32
      %cond3A_210 = arith.cmpi ne, %convert_element_type3A_208, %cond3A_209 : i32
      scf.if %cond3A_210 {
        %dma_wait3A = arith.constant 1 : i32
        %dma_wait3A_272 = arith.constant 0 : i32
        %dma_wait3A_273 = tpu.memref_slice %arg8[%dma_wait3A, %dma_wait3A_272] : memref<2x128xi32, #tpu.memory_space<vmem>> -> memref<1x128xi32, #tpu.memory_space<vmem>>
        %dma_wait3A_274 = tpu.memref_squeeze %dma_wait3A_273 : memref<1x128xi32, #tpu.memory_space<vmem>> -> memref<128xi32, #tpu.memory_space<vmem>>
        %dma_wait3A_275 = arith.constant 0 : i32
        %dma_wait3A_276 = arith.constant 0 : i32
        %dma_wait3A_277 = tpu.memref_slice %arg6[%dma_wait3A_275, %dma_wait3A_276] : memref<10000x128xf32, #tpu.memory_space<vmem_shared>> -> memref<10000x128xf32, #tpu.memory_space<vmem_shared>>
        tpu.wait_indirect_dma semaphore(%arg26 : memref<!tpu.dma_semaphore, #tpu.memory_space<semaphore_mem>>) src(%arg14 : memref<128x128xf32, #tpu.memory_space<vmem>>) dst(%dma_wait3A_277 : memref<10000x128xf32, #tpu.memory_space<vmem_shared>>)
      } else {
      }
      %add3A_211 = arith.constant 1 : i32
      %add3A_212 = arith.addi %mul3A_166, %add3A_211 : i32
      %lt3A_213 = arith.cmpi slt, %add3A_212, %add3A_8 : i32
      %convert_element_type3A_214 = arith.extui %lt3A_213 : i1 to i32
      %cond3A_215 = arith.constant 0 : i32
      %cond3A_216 = arith.cmpi ne, %convert_element_type3A_214, %cond3A_215 : i32
      scf.if %cond3A_216 {
        %dma_wait3A = arith.constant 0 : i32
        %dma_wait3A_272 = arith.constant 0 : i32
        %dma_wait3A_273 = arith.constant 0 : i32
        %dma_wait3A_274 = tpu.memref_slice %arg3[%dma_wait3A, %dma_wait3A_272, %dma_wait3A_273] : memref<2500x2x128xi32, #tpu.memory_space<hbm>> -> memref<1x2x128xi32, #tpu.memory_space<hbm>>
        %dma_wait3A_275 = tpu.memref_squeeze %dma_wait3A_274 : memref<1x2x128xi32, #tpu.memory_space<hbm>> -> memref<2x128xi32, #tpu.memory_space<hbm>>
        %dma_wait3A_276 = arith.constant 0 : i32
        %dma_wait3A_277 = arith.constant 0 : i32
        %dma_wait3A_278 = tpu.memref_slice %arg3[%dma_wait3A, %dma_wait3A_276, %dma_wait3A_277] : memref<2500x2x128xi32, #tpu.memory_space<hbm>> -> memref<1x2x128xi32, #tpu.memory_space<hbm>>
        %dma_wait3A_279 = tpu.memref_squeeze %dma_wait3A_278 : memref<1x2x128xi32, #tpu.memory_space<hbm>> -> memref<2x128xi32, #tpu.memory_space<hbm>>
        tpu.wait_dma2 semaphore(%arg20 : memref<!tpu.dma_semaphore, #tpu.memory_space<semaphore_mem>>) src(%dma_wait3A_279 : memref<2x128xi32, #tpu.memory_space<hbm>>) dst(%arg11 : memref<2x128xi32, #tpu.memory_space<vmem>>)
        %dma_start3A_280 = arith.constant 0 : i32
        %dma_start3A_281 = arith.constant 0 : i32
        %dma_start3A_282 = tpu.memref_slice %arg11[%dma_start3A_280, %dma_start3A_281] : memref<2x128xi32, #tpu.memory_space<vmem>> -> memref<1x128xi32, #tpu.memory_space<vmem>>
        %dma_start3A_283 = tpu.memref_squeeze %dma_start3A_282 : memref<1x128xi32, #tpu.memory_space<vmem>> -> memref<128xi32, #tpu.memory_space<vmem>>
        %dma_start3A_284 = arith.constant 0 : i32
        %dma_start3A_285 = arith.constant 0 : i32
        %dma_start3A_286 = tpu.memref_slice %arg2[%dma_start3A_284, %dma_start3A_285] : memref<10000x128xf32, #tpu.memory_space<hbm>> -> memref<10000x128xf32, #tpu.memory_space<hbm>>
        tpu.enqueue_indirect_dma source(%dma_start3A_286 : memref<10000x128xf32, #tpu.memory_space<hbm>>) target(%arg14 : memref<128x128xf32, #tpu.memory_space<vmem>>) offsets(%dma_start3A_283 : memref<128xi32, #tpu.memory_space<vmem>>) semaphore(%arg23 : memref<!tpu.dma_semaphore, #tpu.memory_space<semaphore_mem>>)
      } else {
      }
      %add3A_217 = arith.constant 3 : i32
      %add3A_218 = arith.addi %mul3A_166, %add3A_217 : i32
      %add3A_219 = arith.constant 1 : i32
      %add3A_220 = arith.addi %add3A_218, %add3A_219 : i32
      %lt3A_221 = arith.cmpi slt, %add3A_220, %add3A_8 : i32
      %convert_element_type3A_222 = arith.extui %lt3A_221 : i1 to i32
      %cond3A_223 = arith.constant 0 : i32
      %cond3A_224 = arith.cmpi ne, %convert_element_type3A_222, %cond3A_223 : i32
      scf.if %cond3A_224 {
        %add3A_272 = arith.constant 3 : i32
        %add3A_273 = arith.addi %mul3A_166, %add3A_272 : i32
        %add3A_274 = arith.constant 1 : i32
        %add3A_275 = arith.addi %add3A_273, %add3A_274 : i32
        %mul3A_276 = arith.constant 32 : i32
        %mul3A_277 = arith.muli %add3A_275, %mul3A_276 : i32
        %add3A_278 = arith.addi %add3A, %mul3A_277 : i32
        %dma_start3A_279 = arith.constant 0 : i32
        %dma_start3A_280 = arith.constant 0 : i32
        %dma_start3A_281 = tpu.memref_slice %arg3[%add3A_278, %dma_start3A_279, %dma_start3A_280] : memref<2500x2x128xi32, #tpu.memory_space<hbm>> -> memref<1x2x128xi32, #tpu.memory_space<hbm>>
        %dma_start3A_282 = tpu.memref_squeeze %dma_start3A_281 : memref<1x2x128xi32, #tpu.memory_space<hbm>> -> memref<2x128xi32, #tpu.memory_space<hbm>>
        %dma_start3A_283 = arith.constant 0 : i32
        %dma_start3A_284 = arith.constant 0 : i32
        %dma_start3A_285 = tpu.memref_slice %arg3[%add3A_278, %dma_start3A_283, %dma_start3A_284] : memref<2500x2x128xi32, #tpu.memory_space<hbm>> -> memref<1x2x128xi32, #tpu.memory_space<hbm>>
        %dma_start3A_286 = tpu.memref_squeeze %dma_start3A_285 : memref<1x2x128xi32, #tpu.memory_space<hbm>> -> memref<2x128xi32, #tpu.memory_space<hbm>>
        tpu.enqueue_dma source(%dma_start3A_286 : memref<2x128xi32, #tpu.memory_space<hbm>>) target(%arg8 : memref<2x128xi32, #tpu.memory_space<vmem>>) target_semaphore(%arg17 : memref<!tpu.dma_semaphore, #tpu.memory_space<semaphore_mem>>)
      } else {
      }
      %add3A_225 = arith.constant 2 : i32
      %add3A_226 = arith.addi %mul3A_166, %add3A_225 : i32
      %sub3A_227 = arith.constant 3 : i32
      %sub3A_228 = arith.subi %add3A_226, %sub3A_227 : i32
      %ge3A_229 = arith.constant 0 : i32
      %ge3A_230 = arith.cmpi sge, %sub3A_228, %ge3A_229 : i32
      %add3A_231 = arith.constant 2 : i32
      %add3A_232 = arith.addi %mul3A_166, %add3A_231 : i32
      %sub3A_233 = arith.constant 3 : i32
      %sub3A_234 = arith.subi %add3A_232, %sub3A_233 : i32
      %lt3A_235 = arith.cmpi slt, %sub3A_234, %add3A_8 : i32
      %and3A_236 = arith.andi %ge3A_230, %lt3A_235 : i1
      %convert_element_type3A_237 = arith.extui %and3A_236 : i1 to i32
      %cond3A_238 = arith.constant 0 : i32
      %cond3A_239 = arith.cmpi ne, %convert_element_type3A_237, %cond3A_238 : i32
      scf.if %cond3A_239 {
        %dma_wait3A = arith.constant 1 : i32
        %dma_wait3A_272 = arith.constant 0 : i32
        %dma_wait3A_273 = tpu.memref_slice %arg9[%dma_wait3A, %dma_wait3A_272] : memref<2x128xi32, #tpu.memory_space<vmem>> -> memref<1x128xi32, #tpu.memory_space<vmem>>
        %dma_wait3A_274 = tpu.memref_squeeze %dma_wait3A_273 : memref<1x128xi32, #tpu.memory_space<vmem>> -> memref<128xi32, #tpu.memory_space<vmem>>
        %dma_wait3A_275 = arith.constant 0 : i32
        %dma_wait3A_276 = arith.constant 0 : i32
        %dma_wait3A_277 = tpu.memref_slice %arg6[%dma_wait3A_275, %dma_wait3A_276] : memref<10000x128xf32, #tpu.memory_space<vmem_shared>> -> memref<10000x128xf32, #tpu.memory_space<vmem_shared>>
        tpu.wait_indirect_dma semaphore(%arg27 : memref<!tpu.dma_semaphore, #tpu.memory_space<semaphore_mem>>) src(%arg15 : memref<128x128xf32, #tpu.memory_space<vmem>>) dst(%dma_wait3A_277 : memref<10000x128xf32, #tpu.memory_space<vmem_shared>>)
      } else {
      }
      %add3A_240 = arith.constant 2 : i32
      %add3A_241 = arith.addi %mul3A_166, %add3A_240 : i32
      %lt3A_242 = arith.cmpi slt, %add3A_241, %add3A_8 : i32
      %convert_element_type3A_243 = arith.extui %lt3A_242 : i1 to i32
      %cond3A_244 = arith.constant 0 : i32
      %cond3A_245 = arith.cmpi ne, %convert_element_type3A_243, %cond3A_244 : i32
      scf.if %cond3A_245 {
        %dma_wait3A = arith.constant 0 : i32
        %dma_wait3A_272 = arith.constant 0 : i32
        %dma_wait3A_273 = arith.constant 0 : i32
        %dma_wait3A_274 = tpu.memref_slice %arg3[%dma_wait3A, %dma_wait3A_272, %dma_wait3A_273] : memref<2500x2x128xi32, #tpu.memory_space<hbm>> -> memref<1x2x128xi32, #tpu.memory_space<hbm>>
        %dma_wait3A_275 = tpu.memref_squeeze %dma_wait3A_274 : memref<1x2x128xi32, #tpu.memory_space<hbm>> -> memref<2x128xi32, #tpu.memory_space<hbm>>
        %dma_wait3A_276 = arith.constant 0 : i32
        %dma_wait3A_277 = arith.constant 0 : i32
        %dma_wait3A_278 = tpu.memref_slice %arg3[%dma_wait3A, %dma_wait3A_276, %dma_wait3A_277] : memref<2500x2x128xi32, #tpu.memory_space<hbm>> -> memref<1x2x128xi32, #tpu.memory_space<hbm>>
        %dma_wait3A_279 = tpu.memref_squeeze %dma_wait3A_278 : memref<1x2x128xi32, #tpu.memory_space<hbm>> -> memref<2x128xi32, #tpu.memory_space<hbm>>
        tpu.wait_dma2 semaphore(%arg21 : memref<!tpu.dma_semaphore, #tpu.memory_space<semaphore_mem>>) src(%dma_wait3A_279 : memref<2x128xi32, #tpu.memory_space<hbm>>) dst(%arg12 : memref<2x128xi32, #tpu.memory_space<vmem>>)
        %dma_start3A_280 = arith.constant 0 : i32
        %dma_start3A_281 = arith.constant 0 : i32
        %dma_start3A_282 = tpu.memref_slice %arg12[%dma_start3A_280, %dma_start3A_281] : memref<2x128xi32, #tpu.memory_space<vmem>> -> memref<1x128xi32, #tpu.memory_space<vmem>>
        %dma_start3A_283 = tpu.memref_squeeze %dma_start3A_282 : memref<1x128xi32, #tpu.memory_space<vmem>> -> memref<128xi32, #tpu.memory_space<vmem>>
        %dma_start3A_284 = arith.constant 0 : i32
        %dma_start3A_285 = arith.constant 0 : i32
        %dma_start3A_286 = tpu.memref_slice %arg2[%dma_start3A_284, %dma_start3A_285] : memref<10000x128xf32, #tpu.memory_space<hbm>> -> memref<10000x128xf32, #tpu.memory_space<hbm>>
        tpu.enqueue_indirect_dma source(%dma_start3A_286 : memref<10000x128xf32, #tpu.memory_space<hbm>>) target(%arg15 : memref<128x128xf32, #tpu.memory_space<vmem>>) offsets(%dma_start3A_283 : memref<128xi32, #tpu.memory_space<vmem>>) semaphore(%arg24 : memref<!tpu.dma_semaphore, #tpu.memory_space<semaphore_mem>>)
      } else {
      }
      %add3A_246 = arith.constant 3 : i32
      %add3A_247 = arith.addi %mul3A_166, %add3A_246 : i32
      %add3A_248 = arith.constant 2 : i32
      %add3A_249 = arith.addi %add3A_247, %add3A_248 : i32
      %lt3A_250 = arith.cmpi slt, %add3A_249, %add3A_8 : i32
      %convert_element_type3A_251 = arith.extui %lt3A_250 : i1 to i32
      %cond3A_252 = arith.constant 0 : i32
      %cond3A_253 = arith.cmpi ne, %convert_element_type3A_251, %cond3A_252 : i32
      scf.if %cond3A_253 {
        %add3A_272 = arith.constant 3 : i32
        %add3A_273 = arith.addi %mul3A_166, %add3A_272 : i32
        %add3A_274 = arith.constant 2 : i32
        %add3A_275 = arith.addi %add3A_273, %add3A_274 : i32
        %mul3A_276 = arith.constant 32 : i32
        %mul3A_277 = arith.muli %add3A_275, %mul3A_276 : i32
        %add3A_278 = arith.addi %add3A, %mul3A_277 : i32
        %dma_start3A_279 = arith.constant 0 : i32
        %dma_start3A_280 = arith.constant 0 : i32
        %dma_start3A_281 = tpu.memref_slice %arg3[%add3A_278, %dma_start3A_279, %dma_start3A_280] : memref<2500x2x128xi32, #tpu.memory_space<hbm>> -> memref<1x2x128xi32, #tpu.memory_space<hbm>>
        %dma_start3A_282 = tpu.memref_squeeze %dma_start3A_281 : memref<1x2x128xi32, #tpu.memory_space<hbm>> -> memref<2x128xi32, #tpu.memory_space<hbm>>
        %dma_start3A_283 = arith.constant 0 : i32
        %dma_start3A_284 = arith.constant 0 : i32
        %dma_start3A_285 = tpu.memref_slice %arg3[%add3A_278, %dma_start3A_283, %dma_start3A_284] : memref<2500x2x128xi32, #tpu.memory_space<hbm>> -> memref<1x2x128xi32, #tpu.memory_space<hbm>>
        %dma_start3A_286 = tpu.memref_squeeze %dma_start3A_285 : memref<1x2x128xi32, #tpu.memory_space<hbm>> -> memref<2x128xi32, #tpu.memory_space<hbm>>
        tpu.enqueue_dma source(%dma_start3A_286 : memref<2x128xi32, #tpu.memory_space<hbm>>) target(%arg9 : memref<2x128xi32, #tpu.memory_space<vmem>>) target_semaphore(%arg18 : memref<!tpu.dma_semaphore, #tpu.memory_space<semaphore_mem>>)
      } else {
      }
      %add3A_254 = arith.constant 0 : i32
      %add3A_255 = arith.addi %mul3A_166, %add3A_254 : i32
      %lt3A_256 = arith.cmpi slt, %add3A_255, %add3A_8 : i32
      %convert_element_type3A_257 = arith.extui %lt3A_256 : i1 to i32
      %cond3A_258 = arith.constant 0 : i32
      %cond3A_259 = arith.cmpi ne, %convert_element_type3A_257, %cond3A_258 : i32
      scf.if %cond3A_259 {
        %dma_wait3A = arith.constant 0 : i32
        %dma_wait3A_272 = arith.constant 0 : i32
        %dma_wait3A_273 = tpu.memref_slice %arg10[%dma_wait3A, %dma_wait3A_272] : memref<2x128xi32, #tpu.memory_space<vmem>> -> memref<1x128xi32, #tpu.memory_space<vmem>>
        %dma_wait3A_274 = tpu.memref_squeeze %dma_wait3A_273 : memref<1x128xi32, #tpu.memory_space<vmem>> -> memref<128xi32, #tpu.memory_space<vmem>>
        %dma_wait3A_275 = arith.constant 0 : i32
        %dma_wait3A_276 = arith.constant 0 : i32
        %dma_wait3A_277 = tpu.memref_slice %arg2[%dma_wait3A_275, %dma_wait3A_276] : memref<10000x128xf32, #tpu.memory_space<hbm>> -> memref<10000x128xf32, #tpu.memory_space<hbm>>
        tpu.wait_indirect_dma semaphore(%arg22 : memref<!tpu.dma_semaphore, #tpu.memory_space<semaphore_mem>>) src(%dma_wait3A_277 : memref<10000x128xf32, #tpu.memory_space<hbm>>) dst(%arg13 : memref<128x128xf32, #tpu.memory_space<vmem>>)
        %dma_start3A_278 = arith.constant 1 : i32
        %dma_start3A_279 = arith.constant 0 : i32
        %dma_start3A_280 = tpu.memref_slice %arg10[%dma_start3A_278, %dma_start3A_279] : memref<2x128xi32, #tpu.memory_space<vmem>> -> memref<1x128xi32, #tpu.memory_space<vmem>>
        %dma_start3A_281 = tpu.memref_squeeze %dma_start3A_280 : memref<1x128xi32, #tpu.memory_space<vmem>> -> memref<128xi32, #tpu.memory_space<vmem>>
        %dma_start3A_282 = arith.constant 0 : i32
        %dma_start3A_283 = arith.constant 0 : i32
        %dma_start3A_284 = tpu.memref_slice %arg6[%dma_start3A_282, %dma_start3A_283] : memref<10000x128xf32, #tpu.memory_space<vmem_shared>> -> memref<10000x128xf32, #tpu.memory_space<vmem_shared>>
        tpu.enqueue_indirect_dma source(%arg13 : memref<128x128xf32, #tpu.memory_space<vmem>>) target(%dma_start3A_284 : memref<10000x128xf32, #tpu.memory_space<vmem_shared>>) offsets(%dma_start3A_281 : memref<128xi32, #tpu.memory_space<vmem>>) semaphore(%arg25 : memref<!tpu.dma_semaphore, #tpu.memory_space<semaphore_mem>>) {add = true}
      } else {
      }
      %add3A_260 = arith.constant 1 : i32
      %add3A_261 = arith.addi %mul3A_166, %add3A_260 : i32
      %lt3A_262 = arith.cmpi slt, %add3A_261, %add3A_8 : i32
      %convert_element_type3A_263 = arith.extui %lt3A_262 : i1 to i32
      %cond3A_264 = arith.constant 0 : i32
      %cond3A_265 = arith.cmpi ne, %convert_element_type3A_263, %cond3A_264 : i32
      scf.if %cond3A_265 {
        %dma_wait3A = arith.constant 0 : i32
        %dma_wait3A_272 = arith.constant 0 : i32
        %dma_wait3A_273 = tpu.memref_slice %arg11[%dma_wait3A, %dma_wait3A_272] : memref<2x128xi32, #tpu.memory_space<vmem>> -> memref<1x128xi32, #tpu.memory_space<vmem>>
        %dma_wait3A_274 = tpu.memref_squeeze %dma_wait3A_273 : memref<1x128xi32, #tpu.memory_space<vmem>> -> memref<128xi32, #tpu.memory_space<vmem>>
        %dma_wait3A_275 = arith.constant 0 : i32
        %dma_wait3A_276 = arith.constant 0 : i32
        %dma_wait3A_277 = tpu.memref_slice %arg2[%dma_wait3A_275, %dma_wait3A_276] : memref<10000x128xf32, #tpu.memory_space<hbm>> -> memref<10000x128xf32, #tpu.memory_space<hbm>>
        tpu.wait_indirect_dma semaphore(%arg23 : memref<!tpu.dma_semaphore, #tpu.memory_space<semaphore_mem>>) src(%dma_wait3A_277 : memref<10000x128xf32, #tpu.memory_space<hbm>>) dst(%arg14 : memref<128x128xf32, #tpu.memory_space<vmem>>)
        %dma_start3A_278 = arith.constant 1 : i32
        %dma_start3A_279 = arith.constant 0 : i32
        %dma_start3A_280 = tpu.memref_slice %arg11[%dma_start3A_278, %dma_start3A_279] : memref<2x128xi32, #tpu.memory_space<vmem>> -> memref<1x128xi32, #tpu.memory_space<vmem>>
        %dma_start3A_281 = tpu.memref_squeeze %dma_start3A_280 : memref<1x128xi32, #tpu.memory_space<vmem>> -> memref<128xi32, #tpu.memory_space<vmem>>
        %dma_start3A_282 = arith.constant 0 : i32
        %dma_start3A_283 = arith.constant 0 : i32
        %dma_start3A_284 = tpu.memref_slice %arg6[%dma_start3A_282, %dma_start3A_283] : memref<10000x128xf32, #tpu.memory_space<vmem_shared>> -> memref<10000x128xf32, #tpu.memory_space<vmem_shared>>
        tpu.enqueue_indirect_dma source(%arg14 : memref<128x128xf32, #tpu.memory_space<vmem>>) target(%dma_start3A_284 : memref<10000x128xf32, #tpu.memory_space<vmem_shared>>) offsets(%dma_start3A_281 : memref<128xi32, #tpu.memory_space<vmem>>) semaphore(%arg26 : memref<!tpu.dma_semaphore, #tpu.memory_space<semaphore_mem>>) {add = true}
      } else {
      }
      %add3A_266 = arith.constant 2 : i32
      %add3A_267 = arith.addi %mul3A_166, %add3A_266 : i32
      %lt3A_268 = arith.cmpi slt, %add3A_267, %add3A_8 : i32
      %convert_element_type3A_269 = arith.extui %lt3A_268 : i1 to i32
      %cond3A_270 = arith.constant 0 : i32
      %cond3A_271 = arith.cmpi ne, %convert_element_type3A_269, %cond3A_270 : i32
      scf.if %cond3A_271 {
        %dma_wait3A = arith.constant 0 : i32
        %dma_wait3A_272 = arith.constant 0 : i32
        %dma_wait3A_273 = tpu.memref_slice %arg12[%dma_wait3A, %dma_wait3A_272] : memref<2x128xi32, #tpu.memory_space<vmem>> -> memref<1x128xi32, #tpu.memory_space<vmem>>
        %dma_wait3A_274 = tpu.memref_squeeze %dma_wait3A_273 : memref<1x128xi32, #tpu.memory_space<vmem>> -> memref<128xi32, #tpu.memory_space<vmem>>
        %dma_wait3A_275 = arith.constant 0 : i32
        %dma_wait3A_276 = arith.constant 0 : i32
        %dma_wait3A_277 = tpu.memref_slice %arg2[%dma_wait3A_275, %dma_wait3A_276] : memref<10000x128xf32, #tpu.memory_space<hbm>> -> memref<10000x128xf32, #tpu.memory_space<hbm>>
        tpu.wait_indirect_dma semaphore(%arg24 : memref<!tpu.dma_semaphore, #tpu.memory_space<semaphore_mem>>) src(%dma_wait3A_277 : memref<10000x128xf32, #tpu.memory_space<hbm>>) dst(%arg15 : memref<128x128xf32, #tpu.memory_space<vmem>>)
        %dma_start3A_278 = arith.constant 1 : i32
        %dma_start3A_279 = arith.constant 0 : i32
        %dma_start3A_280 = tpu.memref_slice %arg12[%dma_start3A_278, %dma_start3A_279] : memref<2x128xi32, #tpu.memory_space<vmem>> -> memref<1x128xi32, #tpu.memory_space<vmem>>
        %dma_start3A_281 = tpu.memref_squeeze %dma_start3A_280 : memref<1x128xi32, #tpu.memory_space<vmem>> -> memref<128xi32, #tpu.memory_space<vmem>>
        %dma_start3A_282 = arith.constant 0 : i32
        %dma_start3A_283 = arith.constant 0 : i32
        %dma_start3A_284 = tpu.memref_slice %arg6[%dma_start3A_282, %dma_start3A_283] : memref<10000x128xf32, #tpu.memory_space<vmem_shared>> -> memref<10000x128xf32, #tpu.memory_space<vmem_shared>>
        tpu.enqueue_indirect_dma source(%arg15 : memref<128x128xf32, #tpu.memory_space<vmem>>) target(%dma_start3A_284 : memref<10000x128xf32, #tpu.memory_space<vmem_shared>>) offsets(%dma_start3A_281 : memref<128xi32, #tpu.memory_space<vmem>>) semaphore(%arg27 : memref<!tpu.dma_semaphore, #tpu.memory_space<semaphore_mem>>) {add = true}
      } else {
      }
    }
    %scan3A_41 = arith.constant 14 : i32
    %barrier3A_42 = arith.constant 0 : index
    tpu.barrier barrier_id(%barrier3A_42)
    %mul3A_43 = arith.constant 624 : i32
    %mul3A_44 = arith.muli %arg1, %mul3A_43 : i32
    "tpu.region"() ({
      %run_scoped3A = tpu.sem_alloc : memref<!tpu.dma_semaphore, #tpu.memory_space<semaphore_mem>>
      %dma_start3A_50 = arith.constant 0 : i32
      %dma_start3A_51 = tpu.memref_slice %arg5[%arg0, %mul3A_44, %dma_start3A_50] : memref<2x10000x128xf32, #tpu.memory_space<hbm>> -> memref<1x624x128xf32, #tpu.memory_space<hbm>>
      %dma_start3A_52 = tpu.memref_squeeze %dma_start3A_51 : memref<1x624x128xf32, #tpu.memory_space<hbm>> -> memref<624x128xf32, #tpu.memory_space<hbm>>
      %dma_start3A_53 = arith.constant 0 : i32
      %dma_start3A_54 = tpu.memref_slice %arg6[%mul3A_44, %dma_start3A_53] : memref<10000x128xf32, #tpu.memory_space<vmem_shared>> -> memref<624x128xf32, #tpu.memory_space<vmem_shared>>
      tpu.enqueue_dma source(%dma_start3A_54 : memref<624x128xf32, #tpu.memory_space<vmem_shared>>) target(%dma_start3A_52 : memref<624x128xf32, #tpu.memory_space<hbm>>) target_semaphore(%run_scoped3A : memref<!tpu.dma_semaphore, #tpu.memory_space<semaphore_mem>>)
      %dma_wait3A = arith.constant 0 : i32
      %dma_wait3A_55 = tpu.memref_slice %arg5[%arg0, %mul3A_44, %dma_wait3A] : memref<2x10000x128xf32, #tpu.memory_space<hbm>> -> memref<1x624x128xf32, #tpu.memory_space<hbm>>
      %dma_wait3A_56 = tpu.memref_squeeze %dma_wait3A_55 : memref<1x624x128xf32, #tpu.memory_space<hbm>> -> memref<624x128xf32, #tpu.memory_space<hbm>>
      %dma_wait3A_57 = arith.constant 0 : i32
      %dma_wait3A_58 = tpu.memref_slice %arg6[%mul3A_44, %dma_wait3A_57] : memref<10000x128xf32, #tpu.memory_space<vmem_shared>> -> memref<624x128xf32, #tpu.memory_space<vmem_shared>>
      tpu.wait_dma2 semaphore(%run_scoped3A : memref<!tpu.dma_semaphore, #tpu.memory_space<semaphore_mem>>) src(%dma_wait3A_58 : memref<624x128xf32, #tpu.memory_space<vmem_shared>>) dst(%dma_wait3A_56 : memref<624x128xf32, #tpu.memory_space<hbm>>)
      tpu.yield
    }) : () -> ()
    %eq3A_45 = arith.constant 15 : i32
    %eq3A_46 = arith.cmpi eq, %arg1, %eq3A_45 : i32
    %convert_element_type3A_47 = arith.extui %eq3A_46 : i1 to i32
    %cond3A_48 = arith.constant 0 : i32
    %cond3A_49 = arith.cmpi ne, %convert_element_type3A_47, %cond3A_48 : i32
    scf.if %cond3A_49 {
      "tpu.region"() ({
        %run_scoped3A = tpu.sem_alloc : memref<!tpu.dma_semaphore, #tpu.memory_space<semaphore_mem>>
        %dma_start3A_50 = arith.constant 9984 : i32
        %dma_start3A_51 = arith.constant 0 : i32
        %dma_start3A_52 = tpu.memref_slice %arg5[%arg0, %dma_start3A_50, %dma_start3A_51] : memref<2x10000x128xf32, #tpu.memory_space<hbm>> -> memref<1x16x128xf32, #tpu.memory_space<hbm>>
        %dma_start3A_53 = tpu.memref_squeeze %dma_start3A_52 : memref<1x16x128xf32, #tpu.memory_space<hbm>> -> memref<16x128xf32, #tpu.memory_space<hbm>>
        %dma_start3A_54 = arith.constant 9984 : i32
        %dma_start3A_55 = arith.constant 0 : i32
        %dma_start3A_56 = tpu.memref_slice %arg6[%dma_start3A_54, %dma_start3A_55] : memref<10000x128xf32, #tpu.memory_space<vmem_shared>> -> memref<16x128xf32, #tpu.memory_space<vmem_shared>>
        tpu.enqueue_dma source(%dma_start3A_56 : memref<16x128xf32, #tpu.memory_space<vmem_shared>>) target(%dma_start3A_53 : memref<16x128xf32, #tpu.memory_space<hbm>>) target_semaphore(%run_scoped3A : memref<!tpu.dma_semaphore, #tpu.memory_space<semaphore_mem>>)
        %dma_wait3A = arith.constant 9984 : i32
        %dma_wait3A_57 = arith.constant 0 : i32
        %dma_wait3A_58 = tpu.memref_slice %arg5[%arg0, %dma_wait3A, %dma_wait3A_57] : memref<2x10000x128xf32, #tpu.memory_space<hbm>> -> memref<1x16x128xf32, #tpu.memory_space<hbm>>
        %dma_wait3A_59 = tpu.memref_squeeze %dma_wait3A_58 : memref<1x16x128xf32, #tpu.memory_space<hbm>> -> memref<16x128xf32, #tpu.memory_space<hbm>>
        %dma_wait3A_60 = arith.constant 9984 : i32
        %dma_wait3A_61 = arith.constant 0 : i32
        %dma_wait3A_62 = tpu.memref_slice %arg6[%dma_wait3A_60, %dma_wait3A_61] : memref<10000x128xf32, #tpu.memory_space<vmem_shared>> -> memref<16x128xf32, #tpu.memory_space<vmem_shared>>
        tpu.wait_dma2 semaphore(%run_scoped3A : memref<!tpu.dma_semaphore, #tpu.memory_space<semaphore_mem>>) src(%dma_wait3A_62 : memref<16x128xf32, #tpu.memory_space<vmem_shared>>) dst(%dma_wait3A_59 : memref<16x128xf32, #tpu.memory_space<hbm>>)
        tpu.yield
      }) : () -> ()
    } else {
    }
    return
  }
}

#map = affine_map<(d0, d1) -> (0, 0)>
#map1 = affine_map<(d0, d1) -> (0, 0, 0)>
module attributes {stable_mosaic.version = 14 : i64} {
  func.func @_scatter_kernel(%arg0: i32, %arg1: i32, %arg2: memref<10000x128xf32, #tpu.memory_space<hbm>>, %arg3: memref<2500x2x128xi32, #tpu.memory_space<hbm>>, %arg4: memref<10000x128xf32, #tpu.memory_space<hbm>>, %arg5: memref<2x10000x128xf32, #tpu.memory_space<hbm>>, %arg6: memref<10000x128xf32, #tpu.memory_space<vmem_shared>>, %arg7: memref<2x128xi32, #tpu.memory_space<vmem>>, %arg8: memref<2x128xi32, #tpu.memory_space<vmem>>, %arg9: memref<2x128xi32, #tpu.memory_space<vmem>>, %arg10: memref<2x128xi32, #tpu.memory_space<vmem>>, %arg11: memref<2x128xi32, #tpu.memory_space<vmem>>, %arg12: memref<2x128xi32, #tpu.memory_space<vmem>>, %arg13: memref<128x128xf32, #tpu.memory_space<vmem>>, %arg14: memref<128x128xf32, #tpu.memory_space<vmem>>, %arg15: memref<128x128xf32, #tpu.memory_space<vmem>>, %arg16: memref<!tpu.dma_semaphore, #tpu.memory_space<semaphore_mem>>, %arg17: memref<!tpu.dma_semaphore, #tpu.memory_space<semaphore_mem>>, %arg18: memref<!tpu.dma_semaphore, #tpu.memory_space<semaphore_mem>>, %arg19: memref<!tpu.dma_semaphore, #tpu.memory_space<semaphore_mem>>, %arg20: memref<!tpu.dma_semaphore, #tpu.memory_space<semaphore_mem>>, %arg21: memref<!tpu.dma_semaphore, #tpu.memory_space<semaphore_mem>>, %arg22: memref<!tpu.dma_semaphore, #tpu.memory_space<semaphore_mem>>, %arg23: memref<!tpu.dma_semaphore, #tpu.memory_space<semaphore_mem>>, %arg24: memref<!tpu.dma_semaphore, #tpu.memory_space<semaphore_mem>>, %arg25: memref<!tpu.dma_semaphore, #tpu.memory_space<semaphore_mem>>, %arg26: memref<!tpu.dma_semaphore, #tpu.memory_space<semaphore_mem>>, %arg27: memref<!tpu.dma_semaphore, #tpu.memory_space<semaphore_mem>>) attributes {dimension_semantics = [#tpu.dimension_semantics<core_parallel>, #tpu.dimension_semantics<subcore_parallel>], iteration_bounds = array<i64: 2, 16>, scalar_prefetch = 0 : i64, scratch_operands = 22 : i64, tpu.core_type = #tpu.core_type<sc_vector_subcore>, window_params = [{transform_indices = #map}, {transform_indices = #map1}, {transform_indices = #map}, {transform_indices = #map1}]} {
    %mul3A = arith.constant 2 : i32
    %mul3A_0 = arith.muli %arg1, %mul3A : i32
    %add3A = arith.addi %mul3A_0, %arg0 : i32
    %mul3A_1 = arith.constant 624 : i32
    %mul3A_2 = arith.muli %arg1, %mul3A_1 : i32
    "tpu.region"() ({
      %run_scoped3A = tpu.sem_alloc : memref<!tpu.dma_semaphore, #tpu.memory_space<semaphore_mem>>
      %dma_start3A_50 = arith.constant 0 : i32
      %dma_start3A_51 = tpu.memref_slice %arg6[%mul3A_2, %dma_start3A_50] : memref<10000x128xf32, #tpu.memory_space<vmem_shared>> -> memref<624x128xf32, #tpu.memory_space<vmem_shared>>
      %dma_start3A_52 = arith.constant 0 : i32
      %dma_start3A_53 = tpu.memref_slice %arg4[%mul3A_2, %dma_start3A_52] : memref<10000x128xf32, #tpu.memory_space<hbm>> -> memref<624x128xf32, #tpu.memory_space<hbm>>
      tpu.enqueue_dma source(%dma_start3A_53 : memref<624x128xf32, #tpu.memory_space<hbm>>) target(%dma_start3A_51 : memref<624x128xf32, #tpu.memory_space<vmem_shared>>) target_semaphore(%run_scoped3A : memref<!tpu.dma_semaphore, #tpu.memory_space<semaphore_mem>>)
      %dma_wait3A = arith.constant 0 : i32
      %dma_wait3A_54 = tpu.memref_slice %arg6[%mul3A_2, %dma_wait3A] : memref<10000x128xf32, #tpu.memory_space<vmem_shared>> -> memref<624x128xf32, #tpu.memory_space<vmem_shared>>
      %dma_wait3A_55 = arith.constant 0 : i32
      %dma_wait3A_56 = tpu.memref_slice %arg4[%mul3A_2, %dma_wait3A_55] : memref<10000x128xf32, #tpu.memory_space<hbm>> -> memref<624x128xf32, #tpu.memory_space<hbm>>
      tpu.wait_dma2 semaphore(%run_scoped3A : memref<!tpu.dma_semaphore, #tpu.memory_space<semaphore_mem>>) src(%dma_wait3A_56 : memref<624x128xf32, #tpu.memory_space<hbm>>) dst(%dma_wait3A_54 : memref<624x128xf32, #tpu.memory_space<vmem_shared>>)
      tpu.yield
    }) : () -> ()
    %eq3A = arith.constant 15 : i32
    %eq3A_3 = arith.cmpi eq, %arg1, %eq3A : i32
    %convert_element_type3A = arith.extui %eq3A_3 : i1 to i32
    %cond3A = arith.constant 0 : i32
    %cond3A_4 = arith.cmpi ne, %convert_element_type3A, %cond3A : i32
    scf.if %cond3A_4 {
      "tpu.region"() ({
        %run_scoped3A = tpu.sem_alloc : memref<!tpu.dma_semaphore, #tpu.memory_space<semaphore_mem>>
        %dma_start3A_50 = arith.constant 9984 : i32
        %dma_start3A_51 = arith.constant 0 : i32
        %dma_start3A_52 = tpu.memref_slice %arg6[%dma_start3A_50, %dma_start3A_51] : memref<10000x128xf32, #tpu.memory_space<vmem_shared>> -> memref<16x128xf32, #tpu.memory_space<vmem_shared>>
        %dma_start3A_53 = arith.constant 9984 : i32
        %dma_start3A_54 = arith.constant 0 : i32
        %dma_start3A_55 = tpu.memref_slice %arg4[%dma_start3A_53, %dma_start3A_54] : memref<10000x128xf32, #tpu.memory_space<hbm>> -> memref<16x128xf32, #tpu.memory_space<hbm>>
        tpu.enqueue_dma source(%dma_start3A_55 : memref<16x128xf32, #tpu.memory_space<hbm>>) target(%dma_start3A_52 : memref<16x128xf32, #tpu.memory_space<vmem_shared>>) target_semaphore(%run_scoped3A : memref<!tpu.dma_semaphore, #tpu.memory_space<semaphore_mem>>)
        %dma_wait3A = arith.constant 9984 : i32
        %dma_wait3A_56 = arith.constant 0 : i32
        %dma_wait3A_57 = tpu.memref_slice %arg6[%dma_wait3A, %dma_wait3A_56] : memref<10000x128xf32, #tpu.memory_space<vmem_shared>> -> memref<16x128xf32, #tpu.memory_space<vmem_shared>>
        %dma_wait3A_58 = arith.constant 9984 : i32
        %dma_wait3A_59 = arith.constant 0 : i32
        %dma_wait3A_60 = tpu.memref_slice %arg4[%dma_wait3A_58, %dma_wait3A_59] : memref<10000x128xf32, #tpu.memory_space<hbm>> -> memref<16x128xf32, #tpu.memory_space<hbm>>
        tpu.wait_dma2 semaphore(%run_scoped3A : memref<!tpu.dma_semaphore, #tpu.memory_space<semaphore_mem>>) src(%dma_wait3A_60 : memref<16x128xf32, #tpu.memory_space<hbm>>) dst(%dma_wait3A_57 : memref<16x128xf32, #tpu.memory_space<vmem_shared>>)
        tpu.yield
      }) : () -> ()
    } else {
    }
    %barrier3A = arith.constant 0 : index
    tpu.barrier barrier_id(%barrier3A)
    %lt3A = arith.constant 4 : i32
    %lt3A_5 = arith.cmpi slt, %add3A, %lt3A : i32
    %convert_element_type3A_6 = arith.extui %lt3A_5 : i1 to i32
    %add3A_7 = arith.constant 78 : i32
    %add3A_8 = arith.addi %add3A_7, %convert_element_type3A_6 : i32
    %add3A_9 = arith.constant 0 : i32
    %add3A_10 = arith.addi %add3A, %add3A_9 : i32
    %dma_start3A = arith.constant 0 : i32
    %dma_start3A_11 = arith.constant 0 : i32
    %dma_start3A_12 = tpu.memref_slice %arg3[%add3A_10, %dma_start3A, %dma_start3A_11] : memref<2500x2x128xi32, #tpu.memory_space<hbm>> -> memref<1x2x128xi32, #tpu.memory_space<hbm>>
    %dma_start3A_13 = tpu.memref_squeeze %dma_start3A_12 : memref<1x2x128xi32, #tpu.memory_space<hbm>> -> memref<2x128xi32, #tpu.memory_space<hbm>>
    %dma_start3A_14 = arith.constant 0 : i32
    %dma_start3A_15 = arith.constant 0 : i32
    %dma_start3A_16 = tpu.memref_slice %arg3[%add3A_10, %dma_start3A_14, %dma_start3A_15] : memref<2500x2x128xi32, #tpu.memory_space<hbm>> -> memref<1x2x128xi32, #tpu.memory_space<hbm>>
    %dma_start3A_17 = tpu.memref_squeeze %dma_start3A_16 : memref<1x2x128xi32, #tpu.memory_space<hbm>> -> memref<2x128xi32, #tpu.memory_space<hbm>>
    tpu.enqueue_dma source(%dma_start3A_17 : memref<2x128xi32, #tpu.memory_space<hbm>>) target(%arg7 : memref<2x128xi32, #tpu.memory_space<vmem>>) target_semaphore(%arg16 : memref<!tpu.dma_semaphore, #tpu.memory_space<semaphore_mem>>)
    %add3A_18 = arith.constant 32 : i32
    %add3A_19 = arith.addi %add3A, %add3A_18 : i32
    %dma_start3A_20 = arith.constant 0 : i32
    %dma_start3A_21 = arith.constant 0 : i32
    %dma_start3A_22 = tpu.memref_slice %arg3[%add3A_19, %dma_start3A_20, %dma_start3A_21] : memref<2500x2x128xi32, #tpu.memory_space<hbm>> -> memref<1x2x128xi32, #tpu.memory_space<hbm>>
    %dma_start3A_23 = tpu.memref_squeeze %dma_start3A_22 : memref<1x2x128xi32, #tpu.memory_space<hbm>> -> memref<2x128xi32, #tpu.memory_space<hbm>>
    %dma_start3A_24 = arith.constant 0 : i32
    %dma_start3A_25 = arith.constant 0 : i32
    %dma_start3A_26 = tpu.memref_slice %arg3[%add3A_19, %dma_start3A_24, %dma_start3A_25] : memref<2500x2x128xi32, #tpu.memory_space<hbm>> -> memref<1x2x128xi32, #tpu.memory_space<hbm>>
    %dma_start3A_27 = tpu.memref_squeeze %dma_start3A_26 : memref<1x2x128xi32, #tpu.memory_space<hbm>> -> memref<2x128xi32, #tpu.memory_space<hbm>>
    tpu.enqueue_dma source(%dma_start3A_27 : memref<2x128xi32, #tpu.memory_space<hbm>>) target(%arg8 : memref<2x128xi32, #tpu.memory_space<vmem>>) target_semaphore(%arg17 : memref<!tpu.dma_semaphore, #tpu.memory_space<semaphore_mem>>)
    %add3A_28 = arith.constant 64 : i32
    %add3A_29 = arith.addi %add3A, %add3A_28 : i32
    %dma_start3A_30 = arith.constant 0 : i32
    %dma_start3A_31 = arith.constant 0 : i32
    %dma_start3A_32 = tpu.memref_slice %arg3[%add3A_29, %dma_start3A_30, %dma_start3A_31] : memref<2500x2x128xi32, #tpu.memory_space<hbm>> -> memref<1x2x128xi32, #tpu.memory_space<hbm>>
    %dma_start3A_33 = tpu.memref_squeeze %dma_start3A_32 : memref<1x2x128xi32, #tpu.memory_space<hbm>> -> memref<2x128xi32, #tpu.memory_space<hbm>>
    %dma_start3A_34 = arith.constant 0 : i32
    %dma_start3A_35 = arith.constant 0 : i32
    %dma_start3A_36 = tpu.memref_slice %arg3[%add3A_29, %dma_start3A_34, %dma_start3A_35] : memref<2500x2x128xi32, #tpu.memory_space<hbm>> -> memref<1x2x128xi32, #tpu.memory_space<hbm>>
    %dma_start3A_37 = tpu.memref_squeeze %dma_start3A_36 : memref<1x2x128xi32, #tpu.memory_space<hbm>> -> memref<2x128xi32, #tpu.memory_space<hbm>>
    tpu.enqueue_dma source(%dma_start3A_37 : memref<2x128xi32, #tpu.memory_space<hbm>>) target(%arg9 : memref<2x128xi32, #tpu.memory_space<vmem>>) target_semaphore(%arg18 : memref<!tpu.dma_semaphore, #tpu.memory_space<semaphore_mem>>)
    %scan3A = arith.constant 0 : i32
    %scan3A_38 = arith.constant 14 : i32
    %scan3A_39 = arith.addi %scan3A, %scan3A_38 : i32
    %scan3A_40 = arith.constant 1 : i32
    scf.for %scan3A_50 = %scan3A to %scan3A_39 step %scan3A_40  : i32 {
      %mul3A_51 = arith.constant 1 : i32
      %mul3A_52 = arith.muli %scan3A_50, %mul3A_51 : i32
      %add3A_53 = arith.constant 0 : i32
      %add3A_54 = arith.addi %add3A_53, %mul3A_52 : i32
      %mul3A_55 = arith.constant 2 : i32
      %mul3A_56 = arith.muli %mul3A_55, %add3A_54 : i32
      %mul3A_57 = arith.constant 3 : i32
      %mul3A_58 = arith.muli %mul3A_56, %mul3A_57 : i32
      %add3A_59 = arith.constant 0 : i32
      %add3A_60 = arith.addi %mul3A_58, %add3A_59 : i32
      %sub3A = arith.constant 3 : i32
      %sub3A_61 = arith.subi %add3A_60, %sub3A : i32
      %ge3A = arith.constant 0 : i32
      %ge3A_62 = arith.cmpi sge, %sub3A_61, %ge3A : i32
      %add3A_63 = arith.constant 0 : i32
      %add3A_64 = arith.addi %mul3A_58, %add3A_63 : i32
      %sub3A_65 = arith.constant 3 : i32
      %sub3A_66 = arith.subi %add3A_64, %sub3A_65 : i32
      %lt3A_67 = arith.cmpi slt, %sub3A_66, %add3A_8 : i32
      %and3A = arith.andi %ge3A_62, %lt3A_67 : i1
      %convert_element_type3A_68 = arith.extui %and3A : i1 to i32
      %cond3A_69 = arith.constant 0 : i32
      %cond3A_70 = arith.cmpi ne, %convert_element_type3A_68, %cond3A_69 : i32
      scf.if %cond3A_70 {
        %dma_wait3A = arith.constant 1 : i32
        %dma_wait3A_272 = arith.constant 0 : i32
        %dma_wait3A_273 = tpu.memref_slice %arg10[%dma_wait3A, %dma_wait3A_272] : memref<2x128xi32, #tpu.memory_space<vmem>> -> memref<1x128xi32, #tpu.memory_space<vmem>>
        %dma_wait3A_274 = tpu.memref_squeeze %dma_wait3A_273 : memref<1x128xi32, #tpu.memory_space<vmem>> -> memref<128xi32, #tpu.memory_space<vmem>>
        %dma_wait3A_275 = arith.constant 0 : i32
        %dma_wait3A_276 = arith.constant 0 : i32
        %dma_wait3A_277 = tpu.memref_slice %arg6[%dma_wait3A_275, %dma_wait3A_276] : memref<10000x128xf32, #tpu.memory_space<vmem_shared>> -> memref<10000x128xf32, #tpu.memory_space<vmem_shared>>
        tpu.wait_indirect_dma semaphore(%arg25 : memref<!tpu.dma_semaphore, #tpu.memory_space<semaphore_mem>>) src(%arg13 : memref<128x128xf32, #tpu.memory_space<vmem>>) dst(%dma_wait3A_277 : memref<10000x128xf32, #tpu.memory_space<vmem_shared>>)
      } else {
      }
      %add3A_71 = arith.constant 0 : i32
      %add3A_72 = arith.addi %mul3A_58, %add3A_71 : i32
      %lt3A_73 = arith.cmpi slt, %add3A_72, %add3A_8 : i32
      %convert_element_type3A_74 = arith.extui %lt3A_73 : i1 to i32
      %cond3A_75 = arith.constant 0 : i32
      %cond3A_76 = arith.cmpi ne, %convert_element_type3A_74, %cond3A_75 : i32
      scf.if %cond3A_76 {
        %dma_wait3A = arith.constant 0 : i32
        %dma_wait3A_272 = arith.constant 0 : i32
        %dma_wait3A_273 = arith.constant 0 : i32
        %dma_wait3A_274 = tpu.memref_slice %arg3[%dma_wait3A, %dma_wait3A_272, %dma_wait3A_273] : memref<2500x2x128xi32, #tpu.memory_space<hbm>> -> memref<1x2x128xi32, #tpu.memory_space<hbm>>
        %dma_wait3A_275 = tpu.memref_squeeze %dma_wait3A_274 : memref<1x2x128xi32, #tpu.memory_space<hbm>> -> memref<2x128xi32, #tpu.memory_space<hbm>>
        %dma_wait3A_276 = arith.constant 0 : i32
        %dma_wait3A_277 = arith.constant 0 : i32
        %dma_wait3A_278 = tpu.memref_slice %arg3[%dma_wait3A, %dma_wait3A_276, %dma_wait3A_277] : memref<2500x2x128xi32, #tpu.memory_space<hbm>> -> memref<1x2x128xi32, #tpu.memory_space<hbm>>
        %dma_wait3A_279 = tpu.memref_squeeze %dma_wait3A_278 : memref<1x2x128xi32, #tpu.memory_space<hbm>> -> memref<2x128xi32, #tpu.memory_space<hbm>>
        tpu.wait_dma2 semaphore(%arg16 : memref<!tpu.dma_semaphore, #tpu.memory_space<semaphore_mem>>) src(%dma_wait3A_279 : memref<2x128xi32, #tpu.memory_space<hbm>>) dst(%arg7 : memref<2x128xi32, #tpu.memory_space<vmem>>)
        %dma_start3A_280 = arith.constant 0 : i32
        %dma_start3A_281 = arith.constant 0 : i32
        %dma_start3A_282 = tpu.memref_slice %arg7[%dma_start3A_280, %dma_start3A_281] : memref<2x128xi32, #tpu.memory_space<vmem>> -> memref<1x128xi32, #tpu.memory_space<vmem>>
        %dma_start3A_283 = tpu.memref_squeeze %dma_start3A_282 : memref<1x128xi32, #tpu.memory_space<vmem>> -> memref<128xi32, #tpu.memory_space<vmem>>
        %dma_start3A_284 = arith.constant 0 : i32
        %dma_start3A_285 = arith.constant 0 : i32
        %dma_start3A_286 = tpu.memref_slice %arg2[%dma_start3A_284, %dma_start3A_285] : memref<10000x128xf32, #tpu.memory_space<hbm>> -> memref<10000x128xf32, #tpu.memory_space<hbm>>
        tpu.enqueue_indirect_dma source(%dma_start3A_286 : memref<10000x128xf32, #tpu.memory_space<hbm>>) target(%arg13 : memref<128x128xf32, #tpu.memory_space<vmem>>) offsets(%dma_start3A_283 : memref<128xi32, #tpu.memory_space<vmem>>) semaphore(%arg22 : memref<!tpu.dma_semaphore, #tpu.memory_space<semaphore_mem>>)
      } else {
      }
      %add3A_77 = arith.constant 3 : i32
      %add3A_78 = arith.addi %mul3A_58, %add3A_77 : i32
      %add3A_79 = arith.constant 0 : i32
      %add3A_80 = arith.addi %add3A_78, %add3A_79 : i32
      %lt3A_81 = arith.cmpi slt, %add3A_80, %add3A_8 : i32
      %convert_element_type3A_82 = arith.extui %lt3A_81 : i1 to i32
      %cond3A_83 = arith.constant 0 : i32
      %cond3A_84 = arith.cmpi ne, %convert_element_type3A_82, %cond3A_83 : i32
      scf.if %cond3A_84 {
        %add3A_272 = arith.constant 3 : i32
        %add3A_273 = arith.addi %mul3A_58, %add3A_272 : i32
        %add3A_274 = arith.constant 0 : i32
        %add3A_275 = arith.addi %add3A_273, %add3A_274 : i32
        %mul3A_276 = arith.constant 32 : i32
        %mul3A_277 = arith.muli %add3A_275, %mul3A_276 : i32
        %add3A_278 = arith.addi %add3A, %mul3A_277 : i32
        %dma_start3A_279 = arith.constant 0 : i32
        %dma_start3A_280 = arith.constant 0 : i32
        %dma_start3A_281 = tpu.memref_slice %arg3[%add3A_278, %dma_start3A_279, %dma_start3A_280] : memref<2500x2x128xi32, #tpu.memory_space<hbm>> -> memref<1x2x128xi32, #tpu.memory_space<hbm>>
        %dma_start3A_282 = tpu.memref_squeeze %dma_start3A_281 : memref<1x2x128xi32, #tpu.memory_space<hbm>> -> memref<2x128xi32, #tpu.memory_space<hbm>>
        %dma_start3A_283 = arith.constant 0 : i32
        %dma_start3A_284 = arith.constant 0 : i32
        %dma_start3A_285 = tpu.memref_slice %arg3[%add3A_278, %dma_start3A_283, %dma_start3A_284] : memref<2500x2x128xi32, #tpu.memory_space<hbm>> -> memref<1x2x128xi32, #tpu.memory_space<hbm>>
        %dma_start3A_286 = tpu.memref_squeeze %dma_start3A_285 : memref<1x2x128xi32, #tpu.memory_space<hbm>> -> memref<2x128xi32, #tpu.memory_space<hbm>>
        tpu.enqueue_dma source(%dma_start3A_286 : memref<2x128xi32, #tpu.memory_space<hbm>>) target(%arg10 : memref<2x128xi32, #tpu.memory_space<vmem>>) target_semaphore(%arg19 : memref<!tpu.dma_semaphore, #tpu.memory_space<semaphore_mem>>)
      } else {
      }
      %add3A_85 = arith.constant 1 : i32
      %add3A_86 = arith.addi %mul3A_58, %add3A_85 : i32
      %sub3A_87 = arith.constant 3 : i32
      %sub3A_88 = arith.subi %add3A_86, %sub3A_87 : i32
      %ge3A_89 = arith.constant 0 : i32
      %ge3A_90 = arith.cmpi sge, %sub3A_88, %ge3A_89 : i32
      %add3A_91 = arith.constant 1 : i32
      %add3A_92 = arith.addi %mul3A_58, %add3A_91 : i32
      %sub3A_93 = arith.constant 3 : i32
      %sub3A_94 = arith.subi %add3A_92, %sub3A_93 : i32
      %lt3A_95 = arith.cmpi slt, %sub3A_94, %add3A_8 : i32
      %and3A_96 = arith.andi %ge3A_90, %lt3A_95 : i1
      %convert_element_type3A_97 = arith.extui %and3A_96 : i1 to i32
      %cond3A_98 = arith.constant 0 : i32
      %cond3A_99 = arith.cmpi ne, %convert_element_type3A_97, %cond3A_98 : i32
      scf.if %cond3A_99 {
        %dma_wait3A = arith.constant 1 : i32
        %dma_wait3A_272 = arith.constant 0 : i32
        %dma_wait3A_273 = tpu.memref_slice %arg11[%dma_wait3A, %dma_wait3A_272] : memref<2x128xi32, #tpu.memory_space<vmem>> -> memref<1x128xi32, #tpu.memory_space<vmem>>
        %dma_wait3A_274 = tpu.memref_squeeze %dma_wait3A_273 : memref<1x128xi32, #tpu.memory_space<vmem>> -> memref<128xi32, #tpu.memory_space<vmem>>
        %dma_wait3A_275 = arith.constant 0 : i32
        %dma_wait3A_276 = arith.constant 0 : i32
        %dma_wait3A_277 = tpu.memref_slice %arg6[%dma_wait3A_275, %dma_wait3A_276] : memref<10000x128xf32, #tpu.memory_space<vmem_shared>> -> memref<10000x128xf32, #tpu.memory_space<vmem_shared>>
        tpu.wait_indirect_dma semaphore(%arg26 : memref<!tpu.dma_semaphore, #tpu.memory_space<semaphore_mem>>) src(%arg14 : memref<128x128xf32, #tpu.memory_space<vmem>>) dst(%dma_wait3A_277 : memref<10000x128xf32, #tpu.memory_space<vmem_shared>>)
      } else {
      }
      %add3A_100 = arith.constant 1 : i32
      %add3A_101 = arith.addi %mul3A_58, %add3A_100 : i32
      %lt3A_102 = arith.cmpi slt, %add3A_101, %add3A_8 : i32
      %convert_element_type3A_103 = arith.extui %lt3A_102 : i1 to i32
      %cond3A_104 = arith.constant 0 : i32
      %cond3A_105 = arith.cmpi ne, %convert_element_type3A_103, %cond3A_104 : i32
      scf.if %cond3A_105 {
        %dma_wait3A = arith.constant 0 : i32
        %dma_wait3A_272 = arith.constant 0 : i32
        %dma_wait3A_273 = arith.constant 0 : i32
        %dma_wait3A_274 = tpu.memref_slice %arg3[%dma_wait3A, %dma_wait3A_272, %dma_wait3A_273] : memref<2500x2x128xi32, #tpu.memory_space<hbm>> -> memref<1x2x128xi32, #tpu.memory_space<hbm>>
        %dma_wait3A_275 = tpu.memref_squeeze %dma_wait3A_274 : memref<1x2x128xi32, #tpu.memory_space<hbm>> -> memref<2x128xi32, #tpu.memory_space<hbm>>
        %dma_wait3A_276 = arith.constant 0 : i32
        %dma_wait3A_277 = arith.constant 0 : i32
        %dma_wait3A_278 = tpu.memref_slice %arg3[%dma_wait3A, %dma_wait3A_276, %dma_wait3A_277] : memref<2500x2x128xi32, #tpu.memory_space<hbm>> -> memref<1x2x128xi32, #tpu.memory_space<hbm>>
        %dma_wait3A_279 = tpu.memref_squeeze %dma_wait3A_278 : memref<1x2x128xi32, #tpu.memory_space<hbm>> -> memref<2x128xi32, #tpu.memory_space<hbm>>
        tpu.wait_dma2 semaphore(%arg17 : memref<!tpu.dma_semaphore, #tpu.memory_space<semaphore_mem>>) src(%dma_wait3A_279 : memref<2x128xi32, #tpu.memory_space<hbm>>) dst(%arg8 : memref<2x128xi32, #tpu.memory_space<vmem>>)
        %dma_start3A_280 = arith.constant 0 : i32
        %dma_start3A_281 = arith.constant 0 : i32
        %dma_start3A_282 = tpu.memref_slice %arg8[%dma_start3A_280, %dma_start3A_281] : memref<2x128xi32, #tpu.memory_space<vmem>> -> memref<1x128xi32, #tpu.memory_space<vmem>>
        %dma_start3A_283 = tpu.memref_squeeze %dma_start3A_282 : memref<1x128xi32, #tpu.memory_space<vmem>> -> memref<128xi32, #tpu.memory_space<vmem>>
        %dma_start3A_284 = arith.constant 0 : i32
        %dma_start3A_285 = arith.constant 0 : i32
        %dma_start3A_286 = tpu.memref_slice %arg2[%dma_start3A_284, %dma_start3A_285] : memref<10000x128xf32, #tpu.memory_space<hbm>> -> memref<10000x128xf32, #tpu.memory_space<hbm>>
        tpu.enqueue_indirect_dma source(%dma_start3A_286 : memref<10000x128xf32, #tpu.memory_space<hbm>>) target(%arg14 : memref<128x128xf32, #tpu.memory_space<vmem>>) offsets(%dma_start3A_283 : memref<128xi32, #tpu.memory_space<vmem>>) semaphore(%arg23 : memref<!tpu.dma_semaphore, #tpu.memory_space<semaphore_mem>>)
      } else {
      }
      %add3A_106 = arith.constant 3 : i32
      %add3A_107 = arith.addi %mul3A_58, %add3A_106 : i32
      %add3A_108 = arith.constant 1 : i32
      %add3A_109 = arith.addi %add3A_107, %add3A_108 : i32
      %lt3A_110 = arith.cmpi slt, %add3A_109, %add3A_8 : i32
      %convert_element_type3A_111 = arith.extui %lt3A_110 : i1 to i32
      %cond3A_112 = arith.constant 0 : i32
      %cond3A_113 = arith.cmpi ne, %convert_element_type3A_111, %cond3A_112 : i32
      scf.if %cond3A_113 {
        %add3A_272 = arith.constant 3 : i32
        %add3A_273 = arith.addi %mul3A_58, %add3A_272 : i32
        %add3A_274 = arith.constant 1 : i32
        %add3A_275 = arith.addi %add3A_273, %add3A_274 : i32
        %mul3A_276 = arith.constant 32 : i32
        %mul3A_277 = arith.muli %add3A_275, %mul3A_276 : i32
        %add3A_278 = arith.addi %add3A, %mul3A_277 : i32
        %dma_start3A_279 = arith.constant 0 : i32
        %dma_start3A_280 = arith.constant 0 : i32
        %dma_start3A_281 = tpu.memref_slice %arg3[%add3A_278, %dma_start3A_279, %dma_start3A_280] : memref<2500x2x128xi32, #tpu.memory_space<hbm>> -> memref<1x2x128xi32, #tpu.memory_space<hbm>>
        %dma_start3A_282 = tpu.memref_squeeze %dma_start3A_281 : memref<1x2x128xi32, #tpu.memory_space<hbm>> -> memref<2x128xi32, #tpu.memory_space<hbm>>
        %dma_start3A_283 = arith.constant 0 : i32
        %dma_start3A_284 = arith.constant 0 : i32
        %dma_start3A_285 = tpu.memref_slice %arg3[%add3A_278, %dma_start3A_283, %dma_start3A_284] : memref<2500x2x128xi32, #tpu.memory_space<hbm>> -> memref<1x2x128xi32, #tpu.memory_space<hbm>>
        %dma_start3A_286 = tpu.memref_squeeze %dma_start3A_285 : memref<1x2x128xi32, #tpu.memory_space<hbm>> -> memref<2x128xi32, #tpu.memory_space<hbm>>
        tpu.enqueue_dma source(%dma_start3A_286 : memref<2x128xi32, #tpu.memory_space<hbm>>) target(%arg11 : memref<2x128xi32, #tpu.memory_space<vmem>>) target_semaphore(%arg20 : memref<!tpu.dma_semaphore, #tpu.memory_space<semaphore_mem>>)
      } else {
      }
      %add3A_114 = arith.constant 2 : i32
      %add3A_115 = arith.addi %mul3A_58, %add3A_114 : i32
      %sub3A_116 = arith.constant 3 : i32
      %sub3A_117 = arith.subi %add3A_115, %sub3A_116 : i32
      %ge3A_118 = arith.constant 0 : i32
      %ge3A_119 = arith.cmpi sge, %sub3A_117, %ge3A_118 : i32
      %add3A_120 = arith.constant 2 : i32
      %add3A_121 = arith.addi %mul3A_58, %add3A_120 : i32
      %sub3A_122 = arith.constant 3 : i32
      %sub3A_123 = arith.subi %add3A_121, %sub3A_122 : i32
      %lt3A_124 = arith.cmpi slt, %sub3A_123, %add3A_8 : i32
      %and3A_125 = arith.andi %ge3A_119, %lt3A_124 : i1
      %convert_element_type3A_126 = arith.extui %and3A_125 : i1 to i32
      %cond3A_127 = arith.constant 0 : i32
      %cond3A_128 = arith.cmpi ne, %convert_element_type3A_126, %cond3A_127 : i32
      scf.if %cond3A_128 {
        %dma_wait3A = arith.constant 1 : i32
        %dma_wait3A_272 = arith.constant 0 : i32
        %dma_wait3A_273 = tpu.memref_slice %arg12[%dma_wait3A, %dma_wait3A_272] : memref<2x128xi32, #tpu.memory_space<vmem>> -> memref<1x128xi32, #tpu.memory_space<vmem>>
        %dma_wait3A_274 = tpu.memref_squeeze %dma_wait3A_273 : memref<1x128xi32, #tpu.memory_space<vmem>> -> memref<128xi32, #tpu.memory_space<vmem>>
        %dma_wait3A_275 = arith.constant 0 : i32
        %dma_wait3A_276 = arith.constant 0 : i32
        %dma_wait3A_277 = tpu.memref_slice %arg6[%dma_wait3A_275, %dma_wait3A_276] : memref<10000x128xf32, #tpu.memory_space<vmem_shared>> -> memref<10000x128xf32, #tpu.memory_space<vmem_shared>>
        tpu.wait_indirect_dma semaphore(%arg27 : memref<!tpu.dma_semaphore, #tpu.memory_space<semaphore_mem>>) src(%arg15 : memref<128x128xf32, #tpu.memory_space<vmem>>) dst(%dma_wait3A_277 : memref<10000x128xf32, #tpu.memory_space<vmem_shared>>)
      } else {
      }
      %add3A_129 = arith.constant 2 : i32
      %add3A_130 = arith.addi %mul3A_58, %add3A_129 : i32
      %lt3A_131 = arith.cmpi slt, %add3A_130, %add3A_8 : i32
      %convert_element_type3A_132 = arith.extui %lt3A_131 : i1 to i32
      %cond3A_133 = arith.constant 0 : i32
      %cond3A_134 = arith.cmpi ne, %convert_element_type3A_132, %cond3A_133 : i32
      scf.if %cond3A_134 {
        %dma_wait3A = arith.constant 0 : i32
        %dma_wait3A_272 = arith.constant 0 : i32
        %dma_wait3A_273 = arith.constant 0 : i32
        %dma_wait3A_274 = tpu.memref_slice %arg3[%dma_wait3A, %dma_wait3A_272, %dma_wait3A_273] : memref<2500x2x128xi32, #tpu.memory_space<hbm>> -> memref<1x2x128xi32, #tpu.memory_space<hbm>>
        %dma_wait3A_275 = tpu.memref_squeeze %dma_wait3A_274 : memref<1x2x128xi32, #tpu.memory_space<hbm>> -> memref<2x128xi32, #tpu.memory_space<hbm>>
        %dma_wait3A_276 = arith.constant 0 : i32
        %dma_wait3A_277 = arith.constant 0 : i32
        %dma_wait3A_278 = tpu.memref_slice %arg3[%dma_wait3A, %dma_wait3A_276, %dma_wait3A_277] : memref<2500x2x128xi32, #tpu.memory_space<hbm>> -> memref<1x2x128xi32, #tpu.memory_space<hbm>>
        %dma_wait3A_279 = tpu.memref_squeeze %dma_wait3A_278 : memref<1x2x128xi32, #tpu.memory_space<hbm>> -> memref<2x128xi32, #tpu.memory_space<hbm>>
        tpu.wait_dma2 semaphore(%arg18 : memref<!tpu.dma_semaphore, #tpu.memory_space<semaphore_mem>>) src(%dma_wait3A_279 : memref<2x128xi32, #tpu.memory_space<hbm>>) dst(%arg9 : memref<2x128xi32, #tpu.memory_space<vmem>>)
        %dma_start3A_280 = arith.constant 0 : i32
        %dma_start3A_281 = arith.constant 0 : i32
        %dma_start3A_282 = tpu.memref_slice %arg9[%dma_start3A_280, %dma_start3A_281] : memref<2x128xi32, #tpu.memory_space<vmem>> -> memref<1x128xi32, #tpu.memory_space<vmem>>
        %dma_start3A_283 = tpu.memref_squeeze %dma_start3A_282 : memref<1x128xi32, #tpu.memory_space<vmem>> -> memref<128xi32, #tpu.memory_space<vmem>>
        %dma_start3A_284 = arith.constant 0 : i32
        %dma_start3A_285 = arith.constant 0 : i32
        %dma_start3A_286 = tpu.memref_slice %arg2[%dma_start3A_284, %dma_start3A_285] : memref<10000x128xf32, #tpu.memory_space<hbm>> -> memref<10000x128xf32, #tpu.memory_space<hbm>>
        tpu.enqueue_indirect_dma source(%dma_start3A_286 : memref<10000x128xf32, #tpu.memory_space<hbm>>) target(%arg15 : memref<128x128xf32, #tpu.memory_space<vmem>>) offsets(%dma_start3A_283 : memref<128xi32, #tpu.memory_space<vmem>>) semaphore(%arg24 : memref<!tpu.dma_semaphore, #tpu.memory_space<semaphore_mem>>)
      } else {
      }
      %add3A_135 = arith.constant 3 : i32
      %add3A_136 = arith.addi %mul3A_58, %add3A_135 : i32
      %add3A_137 = arith.constant 2 : i32
      %add3A_138 = arith.addi %add3A_136, %add3A_137 : i32
      %lt3A_139 = arith.cmpi slt, %add3A_138, %add3A_8 : i32
      %convert_element_type3A_140 = arith.extui %lt3A_139 : i1 to i32
      %cond3A_141 = arith.constant 0 : i32
      %cond3A_142 = arith.cmpi ne, %convert_element_type3A_140, %cond3A_141 : i32
      scf.if %cond3A_142 {
        %add3A_272 = arith.constant 3 : i32
        %add3A_273 = arith.addi %mul3A_58, %add3A_272 : i32
        %add3A_274 = arith.constant 2 : i32
        %add3A_275 = arith.addi %add3A_273, %add3A_274 : i32
        %mul3A_276 = arith.constant 32 : i32
        %mul3A_277 = arith.muli %add3A_275, %mul3A_276 : i32
        %add3A_278 = arith.addi %add3A, %mul3A_277 : i32
        %dma_start3A_279 = arith.constant 0 : i32
        %dma_start3A_280 = arith.constant 0 : i32
        %dma_start3A_281 = tpu.memref_slice %arg3[%add3A_278, %dma_start3A_279, %dma_start3A_280] : memref<2500x2x128xi32, #tpu.memory_space<hbm>> -> memref<1x2x128xi32, #tpu.memory_space<hbm>>
        %dma_start3A_282 = tpu.memref_squeeze %dma_start3A_281 : memref<1x2x128xi32, #tpu.memory_space<hbm>> -> memref<2x128xi32, #tpu.memory_space<hbm>>
        %dma_start3A_283 = arith.constant 0 : i32
        %dma_start3A_284 = arith.constant 0 : i32
        %dma_start3A_285 = tpu.memref_slice %arg3[%add3A_278, %dma_start3A_283, %dma_start3A_284] : memref<2500x2x128xi32, #tpu.memory_space<hbm>> -> memref<1x2x128xi32, #tpu.memory_space<hbm>>
        %dma_start3A_286 = tpu.memref_squeeze %dma_start3A_285 : memref<1x2x128xi32, #tpu.memory_space<hbm>> -> memref<2x128xi32, #tpu.memory_space<hbm>>
        tpu.enqueue_dma source(%dma_start3A_286 : memref<2x128xi32, #tpu.memory_space<hbm>>) target(%arg12 : memref<2x128xi32, #tpu.memory_space<vmem>>) target_semaphore(%arg21 : memref<!tpu.dma_semaphore, #tpu.memory_space<semaphore_mem>>)
      } else {
      }
      %add3A_143 = arith.constant 0 : i32
      %add3A_144 = arith.addi %mul3A_58, %add3A_143 : i32
      %lt3A_145 = arith.cmpi slt, %add3A_144, %add3A_8 : i32
      %convert_element_type3A_146 = arith.extui %lt3A_145 : i1 to i32
      %cond3A_147 = arith.constant 0 : i32
      %cond3A_148 = arith.cmpi ne, %convert_element_type3A_146, %cond3A_147 : i32
      scf.if %cond3A_148 {
        %dma_wait3A = arith.constant 0 : i32
        %dma_wait3A_272 = arith.constant 0 : i32
        %dma_wait3A_273 = tpu.memref_slice %arg7[%dma_wait3A, %dma_wait3A_272] : memref<2x128xi32, #tpu.memory_space<vmem>> -> memref<1x128xi32, #tpu.memory_space<vmem>>
        %dma_wait3A_274 = tpu.memref_squeeze %dma_wait3A_273 : memref<1x128xi32, #tpu.memory_space<vmem>> -> memref<128xi32, #tpu.memory_space<vmem>>
        %dma_wait3A_275 = arith.constant 0 : i32
        %dma_wait3A_276 = arith.constant 0 : i32
        %dma_wait3A_277 = tpu.memref_slice %arg2[%dma_wait3A_275, %dma_wait3A_276] : memref<10000x128xf32, #tpu.memory_space<hbm>> -> memref<10000x128xf32, #tpu.memory_space<hbm>>
        tpu.wait_indirect_dma semaphore(%arg22 : memref<!tpu.dma_semaphore, #tpu.memory_space<semaphore_mem>>) src(%dma_wait3A_277 : memref<10000x128xf32, #tpu.memory_space<hbm>>) dst(%arg13 : memref<128x128xf32, #tpu.memory_space<vmem>>)
        %dma_start3A_278 = arith.constant 1 : i32
        %dma_start3A_279 = arith.constant 0 : i32
        %dma_start3A_280 = tpu.memref_slice %arg7[%dma_start3A_278, %dma_start3A_279] : memref<2x128xi32, #tpu.memory_space<vmem>> -> memref<1x128xi32, #tpu.memory_space<vmem>>
        %dma_start3A_281 = tpu.memref_squeeze %dma_start3A_280 : memref<1x128xi32, #tpu.memory_space<vmem>> -> memref<128xi32, #tpu.memory_space<vmem>>
        %dma_start3A_282 = arith.constant 0 : i32
        %dma_start3A_283 = arith.constant 0 : i32
        %dma_start3A_284 = tpu.memref_slice %arg6[%dma_start3A_282, %dma_start3A_283] : memref<10000x128xf32, #tpu.memory_space<vmem_shared>> -> memref<10000x128xf32, #tpu.memory_space<vmem_shared>>
        tpu.enqueue_indirect_dma source(%arg13 : memref<128x128xf32, #tpu.memory_space<vmem>>) target(%dma_start3A_284 : memref<10000x128xf32, #tpu.memory_space<vmem_shared>>) offsets(%dma_start3A_281 : memref<128xi32, #tpu.memory_space<vmem>>) semaphore(%arg25 : memref<!tpu.dma_semaphore, #tpu.memory_space<semaphore_mem>>) {add = true}
      } else {
      }
      %add3A_149 = arith.constant 1 : i32
      %add3A_150 = arith.addi %mul3A_58, %add3A_149 : i32
      %lt3A_151 = arith.cmpi slt, %add3A_150, %add3A_8 : i32
      %convert_element_type3A_152 = arith.extui %lt3A_151 : i1 to i32
      %cond3A_153 = arith.constant 0 : i32
      %cond3A_154 = arith.cmpi ne, %convert_element_type3A_152, %cond3A_153 : i32
      scf.if %cond3A_154 {
        %dma_wait3A = arith.constant 0 : i32
        %dma_wait3A_272 = arith.constant 0 : i32
        %dma_wait3A_273 = tpu.memref_slice %arg8[%dma_wait3A, %dma_wait3A_272] : memref<2x128xi32, #tpu.memory_space<vmem>> -> memref<1x128xi32, #tpu.memory_space<vmem>>
        %dma_wait3A_274 = tpu.memref_squeeze %dma_wait3A_273 : memref<1x128xi32, #tpu.memory_space<vmem>> -> memref<128xi32, #tpu.memory_space<vmem>>
        %dma_wait3A_275 = arith.constant 0 : i32
        %dma_wait3A_276 = arith.constant 0 : i32
        %dma_wait3A_277 = tpu.memref_slice %arg2[%dma_wait3A_275, %dma_wait3A_276] : memref<10000x128xf32, #tpu.memory_space<hbm>> -> memref<10000x128xf32, #tpu.memory_space<hbm>>
        tpu.wait_indirect_dma semaphore(%arg23 : memref<!tpu.dma_semaphore, #tpu.memory_space<semaphore_mem>>) src(%dma_wait3A_277 : memref<10000x128xf32, #tpu.memory_space<hbm>>) dst(%arg14 : memref<128x128xf32, #tpu.memory_space<vmem>>)
        %dma_start3A_278 = arith.constant 1 : i32
        %dma_start3A_279 = arith.constant 0 : i32
        %dma_start3A_280 = tpu.memref_slice %arg8[%dma_start3A_278, %dma_start3A_279] : memref<2x128xi32, #tpu.memory_space<vmem>> -> memref<1x128xi32, #tpu.memory_space<vmem>>
        %dma_start3A_281 = tpu.memref_squeeze %dma_start3A_280 : memref<1x128xi32, #tpu.memory_space<vmem>> -> memref<128xi32, #tpu.memory_space<vmem>>
        %dma_start3A_282 = arith.constant 0 : i32
        %dma_start3A_283 = arith.constant 0 : i32
        %dma_start3A_284 = tpu.memref_slice %arg6[%dma_start3A_282, %dma_start3A_283] : memref<10000x128xf32, #tpu.memory_space<vmem_shared>> -> memref<10000x128xf32, #tpu.memory_space<vmem_shared>>
        tpu.enqueue_indirect_dma source(%arg14 : memref<128x128xf32, #tpu.memory_space<vmem>>) target(%dma_start3A_284 : memref<10000x128xf32, #tpu.memory_space<vmem_shared>>) offsets(%dma_start3A_281 : memref<128xi32, #tpu.memory_space<vmem>>) semaphore(%arg26 : memref<!tpu.dma_semaphore, #tpu.memory_space<semaphore_mem>>) {add = true}
      } else {
      }
      %add3A_155 = arith.constant 2 : i32
      %add3A_156 = arith.addi %mul3A_58, %add3A_155 : i32
      %lt3A_157 = arith.cmpi slt, %add3A_156, %add3A_8 : i32
      %convert_element_type3A_158 = arith.extui %lt3A_157 : i1 to i32
      %cond3A_159 = arith.constant 0 : i32
      %cond3A_160 = arith.cmpi ne, %convert_element_type3A_158, %cond3A_159 : i32
      scf.if %cond3A_160 {
        %dma_wait3A = arith.constant 0 : i32
        %dma_wait3A_272 = arith.constant 0 : i32
        %dma_wait3A_273 = tpu.memref_slice %arg9[%dma_wait3A, %dma_wait3A_272] : memref<2x128xi32, #tpu.memory_space<vmem>> -> memref<1x128xi32, #tpu.memory_space<vmem>>
        %dma_wait3A_274 = tpu.memref_squeeze %dma_wait3A_273 : memref<1x128xi32, #tpu.memory_space<vmem>> -> memref<128xi32, #tpu.memory_space<vmem>>
        %dma_wait3A_275 = arith.constant 0 : i32
        %dma_wait3A_276 = arith.constant 0 : i32
        %dma_wait3A_277 = tpu.memref_slice %arg2[%dma_wait3A_275, %dma_wait3A_276] : memref<10000x128xf32, #tpu.memory_space<hbm>> -> memref<10000x128xf32, #tpu.memory_space<hbm>>
        tpu.wait_indirect_dma semaphore(%arg24 : memref<!tpu.dma_semaphore, #tpu.memory_space<semaphore_mem>>) src(%dma_wait3A_277 : memref<10000x128xf32, #tpu.memory_space<hbm>>) dst(%arg15 : memref<128x128xf32, #tpu.memory_space<vmem>>)
        %dma_start3A_278 = arith.constant 1 : i32
        %dma_start3A_279 = arith.constant 0 : i32
        %dma_start3A_280 = tpu.memref_slice %arg9[%dma_start3A_278, %dma_start3A_279] : memref<2x128xi32, #tpu.memory_space<vmem>> -> memref<1x128xi32, #tpu.memory_space<vmem>>
        %dma_start3A_281 = tpu.memref_squeeze %dma_start3A_280 : memref<1x128xi32, #tpu.memory_space<vmem>> -> memref<128xi32, #tpu.memory_space<vmem>>
        %dma_start3A_282 = arith.constant 0 : i32
        %dma_start3A_283 = arith.constant 0 : i32
        %dma_start3A_284 = tpu.memref_slice %arg6[%dma_start3A_282, %dma_start3A_283] : memref<10000x128xf32, #tpu.memory_space<vmem_shared>> -> memref<10000x128xf32, #tpu.memory_space<vmem_shared>>
        tpu.enqueue_indirect_dma source(%arg15 : memref<128x128xf32, #tpu.memory_space<vmem>>) target(%dma_start3A_284 : memref<10000x128xf32, #tpu.memory_space<vmem_shared>>) offsets(%dma_start3A_281 : memref<128xi32, #tpu.memory_space<vmem>>) semaphore(%arg27 : memref<!tpu.dma_semaphore, #tpu.memory_space<semaphore_mem>>) {add = true}
      } else {
      }
      %mul3A_161 = arith.constant 2 : i32
      %mul3A_162 = arith.muli %mul3A_161, %add3A_54 : i32
      %add3A_163 = arith.constant 1 : i32
      %add3A_164 = arith.addi %mul3A_162, %add3A_163 : i32
      %mul3A_165 = arith.constant 3 : i32
      %mul3A_166 = arith.muli %add3A_164, %mul3A_165 : i32
      %add3A_167 = arith.constant 0 : i32
      %add3A_168 = arith.addi %mul3A_166, %add3A_167 : i32
      %sub3A_169 = arith.constant 3 : i32
      %sub3A_170 = arith.subi %add3A_168, %sub3A_169 : i32
      %ge3A_171 = arith.constant 0 : i32
      %ge3A_172 = arith.cmpi sge, %sub3A_170, %ge3A_171 : i32
      %add3A_173 = arith.constant 0 : i32
      %add3A_174 = arith.addi %mul3A_166, %add3A_173 : i32
      %sub3A_175 = arith.constant 3 : i32
      %sub3A_176 = arith.subi %add3A_174, %sub3A_175 : i32
      %lt3A_177 = arith.cmpi slt, %sub3A_176, %add3A_8 : i32
      %and3A_178 = arith.andi %ge3A_172, %lt3A_177 : i1
      %convert_element_type3A_179 = arith.extui %and3A_178 : i1 to i32
      %cond3A_180 = arith.constant 0 : i32
      %cond3A_181 = arith.cmpi ne, %convert_element_type3A_179, %cond3A_180 : i32
      scf.if %cond3A_181 {
        %dma_wait3A = arith.constant 1 : i32
        %dma_wait3A_272 = arith.constant 0 : i32
        %dma_wait3A_273 = tpu.memref_slice %arg7[%dma_wait3A, %dma_wait3A_272] : memref<2x128xi32, #tpu.memory_space<vmem>> -> memref<1x128xi32, #tpu.memory_space<vmem>>
        %dma_wait3A_274 = tpu.memref_squeeze %dma_wait3A_273 : memref<1x128xi32, #tpu.memory_space<vmem>> -> memref<128xi32, #tpu.memory_space<vmem>>
        %dma_wait3A_275 = arith.constant 0 : i32
        %dma_wait3A_276 = arith.constant 0 : i32
        %dma_wait3A_277 = tpu.memref_slice %arg6[%dma_wait3A_275, %dma_wait3A_276] : memref<10000x128xf32, #tpu.memory_space<vmem_shared>> -> memref<10000x128xf32, #tpu.memory_space<vmem_shared>>
        tpu.wait_indirect_dma semaphore(%arg25 : memref<!tpu.dma_semaphore, #tpu.memory_space<semaphore_mem>>) src(%arg13 : memref<128x128xf32, #tpu.memory_space<vmem>>) dst(%dma_wait3A_277 : memref<10000x128xf32, #tpu.memory_space<vmem_shared>>)
      } else {
      }
      %add3A_182 = arith.constant 0 : i32
      %add3A_183 = arith.addi %mul3A_166, %add3A_182 : i32
      %lt3A_184 = arith.cmpi slt, %add3A_183, %add3A_8 : i32
      %convert_element_type3A_185 = arith.extui %lt3A_184 : i1 to i32
      %cond3A_186 = arith.constant 0 : i32
      %cond3A_187 = arith.cmpi ne, %convert_element_type3A_185, %cond3A_186 : i32
      scf.if %cond3A_187 {
        %dma_wait3A = arith.constant 0 : i32
        %dma_wait3A_272 = arith.constant 0 : i32
        %dma_wait3A_273 = arith.constant 0 : i32
        %dma_wait3A_274 = tpu.memref_slice %arg3[%dma_wait3A, %dma_wait3A_272, %dma_wait3A_273] : memref<2500x2x128xi32, #tpu.memory_space<hbm>> -> memref<1x2x128xi32, #tpu.memory_space<hbm>>
        %dma_wait3A_275 = tpu.memref_squeeze %dma_wait3A_274 : memref<1x2x128xi32, #tpu.memory_space<hbm>> -> memref<2x128xi32, #tpu.memory_space<hbm>>
        %dma_wait3A_276 = arith.constant 0 : i32
        %dma_wait3A_277 = arith.constant 0 : i32
        %dma_wait3A_278 = tpu.memref_slice %arg3[%dma_wait3A, %dma_wait3A_276, %dma_wait3A_277] : memref<2500x2x128xi32, #tpu.memory_space<hbm>> -> memref<1x2x128xi32, #tpu.memory_space<hbm>>
        %dma_wait3A_279 = tpu.memref_squeeze %dma_wait3A_278 : memref<1x2x128xi32, #tpu.memory_space<hbm>> -> memref<2x128xi32, #tpu.memory_space<hbm>>
        tpu.wait_dma2 semaphore(%arg19 : memref<!tpu.dma_semaphore, #tpu.memory_space<semaphore_mem>>) src(%dma_wait3A_279 : memref<2x128xi32, #tpu.memory_space<hbm>>) dst(%arg10 : memref<2x128xi32, #tpu.memory_space<vmem>>)
        %dma_start3A_280 = arith.constant 0 : i32
        %dma_start3A_281 = arith.constant 0 : i32
        %dma_start3A_282 = tpu.memref_slice %arg10[%dma_start3A_280, %dma_start3A_281] : memref<2x128xi32, #tpu.memory_space<vmem>> -> memref<1x128xi32, #tpu.memory_space<vmem>>
        %dma_start3A_283 = tpu.memref_squeeze %dma_start3A_282 : memref<1x128xi32, #tpu.memory_space<vmem>> -> memref<128xi32, #tpu.memory_space<vmem>>
        %dma_start3A_284 = arith.constant 0 : i32
        %dma_start3A_285 = arith.constant 0 : i32
        %dma_start3A_286 = tpu.memref_slice %arg2[%dma_start3A_284, %dma_start3A_285] : memref<10000x128xf32, #tpu.memory_space<hbm>> -> memref<10000x128xf32, #tpu.memory_space<hbm>>
        tpu.enqueue_indirect_dma source(%dma_start3A_286 : memref<10000x128xf32, #tpu.memory_space<hbm>>) target(%arg13 : memref<128x128xf32, #tpu.memory_space<vmem>>) offsets(%dma_start3A_283 : memref<128xi32, #tpu.memory_space<vmem>>) semaphore(%arg22 : memref<!tpu.dma_semaphore, #tpu.memory_space<semaphore_mem>>)
      } else {
      }
      %add3A_188 = arith.constant 3 : i32
      %add3A_189 = arith.addi %mul3A_166, %add3A_188 : i32
      %add3A_190 = arith.constant 0 : i32
      %add3A_191 = arith.addi %add3A_189, %add3A_190 : i32
      %lt3A_192 = arith.cmpi slt, %add3A_191, %add3A_8 : i32
      %convert_element_type3A_193 = arith.extui %lt3A_192 : i1 to i32
      %cond3A_194 = arith.constant 0 : i32
      %cond3A_195 = arith.cmpi ne, %convert_element_type3A_193, %cond3A_194 : i32
      scf.if %cond3A_195 {
        %add3A_272 = arith.constant 3 : i32
        %add3A_273 = arith.addi %mul3A_166, %add3A_272 : i32
        %add3A_274 = arith.constant 0 : i32
        %add3A_275 = arith.addi %add3A_273, %add3A_274 : i32
        %mul3A_276 = arith.constant 32 : i32
        %mul3A_277 = arith.muli %add3A_275, %mul3A_276 : i32
        %add3A_278 = arith.addi %add3A, %mul3A_277 : i32
        %dma_start3A_279 = arith.constant 0 : i32
        %dma_start3A_280 = arith.constant 0 : i32
        %dma_start3A_281 = tpu.memref_slice %arg3[%add3A_278, %dma_start3A_279, %dma_start3A_280] : memref<2500x2x128xi32, #tpu.memory_space<hbm>> -> memref<1x2x128xi32, #tpu.memory_space<hbm>>
        %dma_start3A_282 = tpu.memref_squeeze %dma_start3A_281 : memref<1x2x128xi32, #tpu.memory_space<hbm>> -> memref<2x128xi32, #tpu.memory_space<hbm>>
        %dma_start3A_283 = arith.constant 0 : i32
        %dma_start3A_284 = arith.constant 0 : i32
        %dma_start3A_285 = tpu.memref_slice %arg3[%add3A_278, %dma_start3A_283, %dma_start3A_284] : memref<2500x2x128xi32, #tpu.memory_space<hbm>> -> memref<1x2x128xi32, #tpu.memory_space<hbm>>
        %dma_start3A_286 = tpu.memref_squeeze %dma_start3A_285 : memref<1x2x128xi32, #tpu.memory_space<hbm>> -> memref<2x128xi32, #tpu.memory_space<hbm>>
        tpu.enqueue_dma source(%dma_start3A_286 : memref<2x128xi32, #tpu.memory_space<hbm>>) target(%arg7 : memref<2x128xi32, #tpu.memory_space<vmem>>) target_semaphore(%arg16 : memref<!tpu.dma_semaphore, #tpu.memory_space<semaphore_mem>>)
      } else {
      }
      %add3A_196 = arith.constant 1 : i32
      %add3A_197 = arith.addi %mul3A_166, %add3A_196 : i32
      %sub3A_198 = arith.constant 3 : i32
      %sub3A_199 = arith.subi %add3A_197, %sub3A_198 : i32
      %ge3A_200 = arith.constant 0 : i32
      %ge3A_201 = arith.cmpi sge, %sub3A_199, %ge3A_200 : i32
      %add3A_202 = arith.constant 1 : i32
      %add3A_203 = arith.addi %mul3A_166, %add3A_202 : i32
      %sub3A_204 = arith.constant 3 : i32
      %sub3A_205 = arith.subi %add3A_203, %sub3A_204 : i32
      %lt3A_206 = arith.cmpi slt, %sub3A_205, %add3A_8 : i32
      %and3A_207 = arith.andi %ge3A_201, %lt3A_206 : i1
      %convert_element_type3A_208 = arith.extui %and3A_207 : i1 to i32
      %cond3A_209 = arith.constant 0 : i32
      %cond3A_210 = arith.cmpi ne, %convert_element_type3A_208, %cond3A_209 : i32
      scf.if %cond3A_210 {
        %dma_wait3A = arith.constant 1 : i32
        %dma_wait3A_272 = arith.constant 0 : i32
        %dma_wait3A_273 = tpu.memref_slice %arg8[%dma_wait3A, %dma_wait3A_272] : memref<2x128xi32, #tpu.memory_space<vmem>> -> memref<1x128xi32, #tpu.memory_space<vmem>>
        %dma_wait3A_274 = tpu.memref_squeeze %dma_wait3A_273 : memref<1x128xi32, #tpu.memory_space<vmem>> -> memref<128xi32, #tpu.memory_space<vmem>>
        %dma_wait3A_275 = arith.constant 0 : i32
        %dma_wait3A_276 = arith.constant 0 : i32
        %dma_wait3A_277 = tpu.memref_slice %arg6[%dma_wait3A_275, %dma_wait3A_276] : memref<10000x128xf32, #tpu.memory_space<vmem_shared>> -> memref<10000x128xf32, #tpu.memory_space<vmem_shared>>
        tpu.wait_indirect_dma semaphore(%arg26 : memref<!tpu.dma_semaphore, #tpu.memory_space<semaphore_mem>>) src(%arg14 : memref<128x128xf32, #tpu.memory_space<vmem>>) dst(%dma_wait3A_277 : memref<10000x128xf32, #tpu.memory_space<vmem_shared>>)
      } else {
      }
      %add3A_211 = arith.constant 1 : i32
      %add3A_212 = arith.addi %mul3A_166, %add3A_211 : i32
      %lt3A_213 = arith.cmpi slt, %add3A_212, %add3A_8 : i32
      %convert_element_type3A_214 = arith.extui %lt3A_213 : i1 to i32
      %cond3A_215 = arith.constant 0 : i32
      %cond3A_216 = arith.cmpi ne, %convert_element_type3A_214, %cond3A_215 : i32
      scf.if %cond3A_216 {
        %dma_wait3A = arith.constant 0 : i32
        %dma_wait3A_272 = arith.constant 0 : i32
        %dma_wait3A_273 = arith.constant 0 : i32
        %dma_wait3A_274 = tpu.memref_slice %arg3[%dma_wait3A, %dma_wait3A_272, %dma_wait3A_273] : memref<2500x2x128xi32, #tpu.memory_space<hbm>> -> memref<1x2x128xi32, #tpu.memory_space<hbm>>
        %dma_wait3A_275 = tpu.memref_squeeze %dma_wait3A_274 : memref<1x2x128xi32, #tpu.memory_space<hbm>> -> memref<2x128xi32, #tpu.memory_space<hbm>>
        %dma_wait3A_276 = arith.constant 0 : i32
        %dma_wait3A_277 = arith.constant 0 : i32
        %dma_wait3A_278 = tpu.memref_slice %arg3[%dma_wait3A, %dma_wait3A_276, %dma_wait3A_277] : memref<2500x2x128xi32, #tpu.memory_space<hbm>> -> memref<1x2x128xi32, #tpu.memory_space<hbm>>
        %dma_wait3A_279 = tpu.memref_squeeze %dma_wait3A_278 : memref<1x2x128xi32, #tpu.memory_space<hbm>> -> memref<2x128xi32, #tpu.memory_space<hbm>>
        tpu.wait_dma2 semaphore(%arg20 : memref<!tpu.dma_semaphore, #tpu.memory_space<semaphore_mem>>) src(%dma_wait3A_279 : memref<2x128xi32, #tpu.memory_space<hbm>>) dst(%arg11 : memref<2x128xi32, #tpu.memory_space<vmem>>)
        %dma_start3A_280 = arith.constant 0 : i32
        %dma_start3A_281 = arith.constant 0 : i32
        %dma_start3A_282 = tpu.memref_slice %arg11[%dma_start3A_280, %dma_start3A_281] : memref<2x128xi32, #tpu.memory_space<vmem>> -> memref<1x128xi32, #tpu.memory_space<vmem>>
        %dma_start3A_283 = tpu.memref_squeeze %dma_start3A_282 : memref<1x128xi32, #tpu.memory_space<vmem>> -> memref<128xi32, #tpu.memory_space<vmem>>
        %dma_start3A_284 = arith.constant 0 : i32
        %dma_start3A_285 = arith.constant 0 : i32
        %dma_start3A_286 = tpu.memref_slice %arg2[%dma_start3A_284, %dma_start3A_285] : memref<10000x128xf32, #tpu.memory_space<hbm>> -> memref<10000x128xf32, #tpu.memory_space<hbm>>
        tpu.enqueue_indirect_dma source(%dma_start3A_286 : memref<10000x128xf32, #tpu.memory_space<hbm>>) target(%arg14 : memref<128x128xf32, #tpu.memory_space<vmem>>) offsets(%dma_start3A_283 : memref<128xi32, #tpu.memory_space<vmem>>) semaphore(%arg23 : memref<!tpu.dma_semaphore, #tpu.memory_space<semaphore_mem>>)
      } else {
      }
      %add3A_217 = arith.constant 3 : i32
      %add3A_218 = arith.addi %mul3A_166, %add3A_217 : i32
      %add3A_219 = arith.constant 1 : i32
      %add3A_220 = arith.addi %add3A_218, %add3A_219 : i32
      %lt3A_221 = arith.cmpi slt, %add3A_220, %add3A_8 : i32
      %convert_element_type3A_222 = arith.extui %lt3A_221 : i1 to i32
      %cond3A_223 = arith.constant 0 : i32
      %cond3A_224 = arith.cmpi ne, %convert_element_type3A_222, %cond3A_223 : i32
      scf.if %cond3A_224 {
        %add3A_272 = arith.constant 3 : i32
        %add3A_273 = arith.addi %mul3A_166, %add3A_272 : i32
        %add3A_274 = arith.constant 1 : i32
        %add3A_275 = arith.addi %add3A_273, %add3A_274 : i32
        %mul3A_276 = arith.constant 32 : i32
        %mul3A_277 = arith.muli %add3A_275, %mul3A_276 : i32
        %add3A_278 = arith.addi %add3A, %mul3A_277 : i32
        %dma_start3A_279 = arith.constant 0 : i32
        %dma_start3A_280 = arith.constant 0 : i32
        %dma_start3A_281 = tpu.memref_slice %arg3[%add3A_278, %dma_start3A_279, %dma_start3A_280] : memref<2500x2x128xi32, #tpu.memory_space<hbm>> -> memref<1x2x128xi32, #tpu.memory_space<hbm>>
        %dma_start3A_282 = tpu.memref_squeeze %dma_start3A_281 : memref<1x2x128xi32, #tpu.memory_space<hbm>> -> memref<2x128xi32, #tpu.memory_space<hbm>>
        %dma_start3A_283 = arith.constant 0 : i32
        %dma_start3A_284 = arith.constant 0 : i32
        %dma_start3A_285 = tpu.memref_slice %arg3[%add3A_278, %dma_start3A_283, %dma_start3A_284] : memref<2500x2x128xi32, #tpu.memory_space<hbm>> -> memref<1x2x128xi32, #tpu.memory_space<hbm>>
        %dma_start3A_286 = tpu.memref_squeeze %dma_start3A_285 : memref<1x2x128xi32, #tpu.memory_space<hbm>> -> memref<2x128xi32, #tpu.memory_space<hbm>>
        tpu.enqueue_dma source(%dma_start3A_286 : memref<2x128xi32, #tpu.memory_space<hbm>>) target(%arg8 : memref<2x128xi32, #tpu.memory_space<vmem>>) target_semaphore(%arg17 : memref<!tpu.dma_semaphore, #tpu.memory_space<semaphore_mem>>)
      } else {
      }
      %add3A_225 = arith.constant 2 : i32
      %add3A_226 = arith.addi %mul3A_166, %add3A_225 : i32
      %sub3A_227 = arith.constant 3 : i32
      %sub3A_228 = arith.subi %add3A_226, %sub3A_227 : i32
      %ge3A_229 = arith.constant 0 : i32
      %ge3A_230 = arith.cmpi sge, %sub3A_228, %ge3A_229 : i32
      %add3A_231 = arith.constant 2 : i32
      %add3A_232 = arith.addi %mul3A_166, %add3A_231 : i32
      %sub3A_233 = arith.constant 3 : i32
      %sub3A_234 = arith.subi %add3A_232, %sub3A_233 : i32
      %lt3A_235 = arith.cmpi slt, %sub3A_234, %add3A_8 : i32
      %and3A_236 = arith.andi %ge3A_230, %lt3A_235 : i1
      %convert_element_type3A_237 = arith.extui %and3A_236 : i1 to i32
      %cond3A_238 = arith.constant 0 : i32
      %cond3A_239 = arith.cmpi ne, %convert_element_type3A_237, %cond3A_238 : i32
      scf.if %cond3A_239 {
        %dma_wait3A = arith.constant 1 : i32
        %dma_wait3A_272 = arith.constant 0 : i32
        %dma_wait3A_273 = tpu.memref_slice %arg9[%dma_wait3A, %dma_wait3A_272] : memref<2x128xi32, #tpu.memory_space<vmem>> -> memref<1x128xi32, #tpu.memory_space<vmem>>
        %dma_wait3A_274 = tpu.memref_squeeze %dma_wait3A_273 : memref<1x128xi32, #tpu.memory_space<vmem>> -> memref<128xi32, #tpu.memory_space<vmem>>
        %dma_wait3A_275 = arith.constant 0 : i32
        %dma_wait3A_276 = arith.constant 0 : i32
        %dma_wait3A_277 = tpu.memref_slice %arg6[%dma_wait3A_275, %dma_wait3A_276] : memref<10000x128xf32, #tpu.memory_space<vmem_shared>> -> memref<10000x128xf32, #tpu.memory_space<vmem_shared>>
        tpu.wait_indirect_dma semaphore(%arg27 : memref<!tpu.dma_semaphore, #tpu.memory_space<semaphore_mem>>) src(%arg15 : memref<128x128xf32, #tpu.memory_space<vmem>>) dst(%dma_wait3A_277 : memref<10000x128xf32, #tpu.memory_space<vmem_shared>>)
      } else {
      }
      %add3A_240 = arith.constant 2 : i32
      %add3A_241 = arith.addi %mul3A_166, %add3A_240 : i32
      %lt3A_242 = arith.cmpi slt, %add3A_241, %add3A_8 : i32
      %convert_element_type3A_243 = arith.extui %lt3A_242 : i1 to i32
      %cond3A_244 = arith.constant 0 : i32
      %cond3A_245 = arith.cmpi ne, %convert_element_type3A_243, %cond3A_244 : i32
      scf.if %cond3A_245 {
        %dma_wait3A = arith.constant 0 : i32
        %dma_wait3A_272 = arith.constant 0 : i32
        %dma_wait3A_273 = arith.constant 0 : i32
        %dma_wait3A_274 = tpu.memref_slice %arg3[%dma_wait3A, %dma_wait3A_272, %dma_wait3A_273] : memref<2500x2x128xi32, #tpu.memory_space<hbm>> -> memref<1x2x128xi32, #tpu.memory_space<hbm>>
        %dma_wait3A_275 = tpu.memref_squeeze %dma_wait3A_274 : memref<1x2x128xi32, #tpu.memory_space<hbm>> -> memref<2x128xi32, #tpu.memory_space<hbm>>
        %dma_wait3A_276 = arith.constant 0 : i32
        %dma_wait3A_277 = arith.constant 0 : i32
        %dma_wait3A_278 = tpu.memref_slice %arg3[%dma_wait3A, %dma_wait3A_276, %dma_wait3A_277] : memref<2500x2x128xi32, #tpu.memory_space<hbm>> -> memref<1x2x128xi32, #tpu.memory_space<hbm>>
        %dma_wait3A_279 = tpu.memref_squeeze %dma_wait3A_278 : memref<1x2x128xi32, #tpu.memory_space<hbm>> -> memref<2x128xi32, #tpu.memory_space<hbm>>
        tpu.wait_dma2 semaphore(%arg21 : memref<!tpu.dma_semaphore, #tpu.memory_space<semaphore_mem>>) src(%dma_wait3A_279 : memref<2x128xi32, #tpu.memory_space<hbm>>) dst(%arg12 : memref<2x128xi32, #tpu.memory_space<vmem>>)
        %dma_start3A_280 = arith.constant 0 : i32
        %dma_start3A_281 = arith.constant 0 : i32
        %dma_start3A_282 = tpu.memref_slice %arg12[%dma_start3A_280, %dma_start3A_281] : memref<2x128xi32, #tpu.memory_space<vmem>> -> memref<1x128xi32, #tpu.memory_space<vmem>>
        %dma_start3A_283 = tpu.memref_squeeze %dma_start3A_282 : memref<1x128xi32, #tpu.memory_space<vmem>> -> memref<128xi32, #tpu.memory_space<vmem>>
        %dma_start3A_284 = arith.constant 0 : i32
        %dma_start3A_285 = arith.constant 0 : i32
        %dma_start3A_286 = tpu.memref_slice %arg2[%dma_start3A_284, %dma_start3A_285] : memref<10000x128xf32, #tpu.memory_space<hbm>> -> memref<10000x128xf32, #tpu.memory_space<hbm>>
        tpu.enqueue_indirect_dma source(%dma_start3A_286 : memref<10000x128xf32, #tpu.memory_space<hbm>>) target(%arg15 : memref<128x128xf32, #tpu.memory_space<vmem>>) offsets(%dma_start3A_283 : memref<128xi32, #tpu.memory_space<vmem>>) semaphore(%arg24 : memref<!tpu.dma_semaphore, #tpu.memory_space<semaphore_mem>>)
      } else {
      }
      %add3A_246 = arith.constant 3 : i32
      %add3A_247 = arith.addi %mul3A_166, %add3A_246 : i32
      %add3A_248 = arith.constant 2 : i32
      %add3A_249 = arith.addi %add3A_247, %add3A_248 : i32
      %lt3A_250 = arith.cmpi slt, %add3A_249, %add3A_8 : i32
      %convert_element_type3A_251 = arith.extui %lt3A_250 : i1 to i32
      %cond3A_252 = arith.constant 0 : i32
      %cond3A_253 = arith.cmpi ne, %convert_element_type3A_251, %cond3A_252 : i32
      scf.if %cond3A_253 {
        %add3A_272 = arith.constant 3 : i32
        %add3A_273 = arith.addi %mul3A_166, %add3A_272 : i32
        %add3A_274 = arith.constant 2 : i32
        %add3A_275 = arith.addi %add3A_273, %add3A_274 : i32
        %mul3A_276 = arith.constant 32 : i32
        %mul3A_277 = arith.muli %add3A_275, %mul3A_276 : i32
        %add3A_278 = arith.addi %add3A, %mul3A_277 : i32
        %dma_start3A_279 = arith.constant 0 : i32
        %dma_start3A_280 = arith.constant 0 : i32
        %dma_start3A_281 = tpu.memref_slice %arg3[%add3A_278, %dma_start3A_279, %dma_start3A_280] : memref<2500x2x128xi32, #tpu.memory_space<hbm>> -> memref<1x2x128xi32, #tpu.memory_space<hbm>>
        %dma_start3A_282 = tpu.memref_squeeze %dma_start3A_281 : memref<1x2x128xi32, #tpu.memory_space<hbm>> -> memref<2x128xi32, #tpu.memory_space<hbm>>
        %dma_start3A_283 = arith.constant 0 : i32
        %dma_start3A_284 = arith.constant 0 : i32
        %dma_start3A_285 = tpu.memref_slice %arg3[%add3A_278, %dma_start3A_283, %dma_start3A_284] : memref<2500x2x128xi32, #tpu.memory_space<hbm>> -> memref<1x2x128xi32, #tpu.memory_space<hbm>>
        %dma_start3A_286 = tpu.memref_squeeze %dma_start3A_285 : memref<1x2x128xi32, #tpu.memory_space<hbm>> -> memref<2x128xi32, #tpu.memory_space<hbm>>
        tpu.enqueue_dma source(%dma_start3A_286 : memref<2x128xi32, #tpu.memory_space<hbm>>) target(%arg9 : memref<2x128xi32, #tpu.memory_space<vmem>>) target_semaphore(%arg18 : memref<!tpu.dma_semaphore, #tpu.memory_space<semaphore_mem>>)
      } else {
      }
      %add3A_254 = arith.constant 0 : i32
      %add3A_255 = arith.addi %mul3A_166, %add3A_254 : i32
      %lt3A_256 = arith.cmpi slt, %add3A_255, %add3A_8 : i32
      %convert_element_type3A_257 = arith.extui %lt3A_256 : i1 to i32
      %cond3A_258 = arith.constant 0 : i32
      %cond3A_259 = arith.cmpi ne, %convert_element_type3A_257, %cond3A_258 : i32
      scf.if %cond3A_259 {
        %dma_wait3A = arith.constant 0 : i32
        %dma_wait3A_272 = arith.constant 0 : i32
        %dma_wait3A_273 = tpu.memref_slice %arg10[%dma_wait3A, %dma_wait3A_272] : memref<2x128xi32, #tpu.memory_space<vmem>> -> memref<1x128xi32, #tpu.memory_space<vmem>>
        %dma_wait3A_274 = tpu.memref_squeeze %dma_wait3A_273 : memref<1x128xi32, #tpu.memory_space<vmem>> -> memref<128xi32, #tpu.memory_space<vmem>>
        %dma_wait3A_275 = arith.constant 0 : i32
        %dma_wait3A_276 = arith.constant 0 : i32
        %dma_wait3A_277 = tpu.memref_slice %arg2[%dma_wait3A_275, %dma_wait3A_276] : memref<10000x128xf32, #tpu.memory_space<hbm>> -> memref<10000x128xf32, #tpu.memory_space<hbm>>
        tpu.wait_indirect_dma semaphore(%arg22 : memref<!tpu.dma_semaphore, #tpu.memory_space<semaphore_mem>>) src(%dma_wait3A_277 : memref<10000x128xf32, #tpu.memory_space<hbm>>) dst(%arg13 : memref<128x128xf32, #tpu.memory_space<vmem>>)
        %dma_start3A_278 = arith.constant 1 : i32
        %dma_start3A_279 = arith.constant 0 : i32
        %dma_start3A_280 = tpu.memref_slice %arg10[%dma_start3A_278, %dma_start3A_279] : memref<2x128xi32, #tpu.memory_space<vmem>> -> memref<1x128xi32, #tpu.memory_space<vmem>>
        %dma_start3A_281 = tpu.memref_squeeze %dma_start3A_280 : memref<1x128xi32, #tpu.memory_space<vmem>> -> memref<128xi32, #tpu.memory_space<vmem>>
        %dma_start3A_282 = arith.constant 0 : i32
        %dma_start3A_283 = arith.constant 0 : i32
        %dma_start3A_284 = tpu.memref_slice %arg6[%dma_start3A_282, %dma_start3A_283] : memref<10000x128xf32, #tpu.memory_space<vmem_shared>> -> memref<10000x128xf32, #tpu.memory_space<vmem_shared>>
        tpu.enqueue_indirect_dma source(%arg13 : memref<128x128xf32, #tpu.memory_space<vmem>>) target(%dma_start3A_284 : memref<10000x128xf32, #tpu.memory_space<vmem_shared>>) offsets(%dma_start3A_281 : memref<128xi32, #tpu.memory_space<vmem>>) semaphore(%arg25 : memref<!tpu.dma_semaphore, #tpu.memory_space<semaphore_mem>>) {add = true}
      } else {
      }
      %add3A_260 = arith.constant 1 : i32
      %add3A_261 = arith.addi %mul3A_166, %add3A_260 : i32
      %lt3A_262 = arith.cmpi slt, %add3A_261, %add3A_8 : i32
      %convert_element_type3A_263 = arith.extui %lt3A_262 : i1 to i32
      %cond3A_264 = arith.constant 0 : i32
      %cond3A_265 = arith.cmpi ne, %convert_element_type3A_263, %cond3A_264 : i32
      scf.if %cond3A_265 {
        %dma_wait3A = arith.constant 0 : i32
        %dma_wait3A_272 = arith.constant 0 : i32
        %dma_wait3A_273 = tpu.memref_slice %arg11[%dma_wait3A, %dma_wait3A_272] : memref<2x128xi32, #tpu.memory_space<vmem>> -> memref<1x128xi32, #tpu.memory_space<vmem>>
        %dma_wait3A_274 = tpu.memref_squeeze %dma_wait3A_273 : memref<1x128xi32, #tpu.memory_space<vmem>> -> memref<128xi32, #tpu.memory_space<vmem>>
        %dma_wait3A_275 = arith.constant 0 : i32
        %dma_wait3A_276 = arith.constant 0 : i32
        %dma_wait3A_277 = tpu.memref_slice %arg2[%dma_wait3A_275, %dma_wait3A_276] : memref<10000x128xf32, #tpu.memory_space<hbm>> -> memref<10000x128xf32, #tpu.memory_space<hbm>>
        tpu.wait_indirect_dma semaphore(%arg23 : memref<!tpu.dma_semaphore, #tpu.memory_space<semaphore_mem>>) src(%dma_wait3A_277 : memref<10000x128xf32, #tpu.memory_space<hbm>>) dst(%arg14 : memref<128x128xf32, #tpu.memory_space<vmem>>)
        %dma_start3A_278 = arith.constant 1 : i32
        %dma_start3A_279 = arith.constant 0 : i32
        %dma_start3A_280 = tpu.memref_slice %arg11[%dma_start3A_278, %dma_start3A_279] : memref<2x128xi32, #tpu.memory_space<vmem>> -> memref<1x128xi32, #tpu.memory_space<vmem>>
        %dma_start3A_281 = tpu.memref_squeeze %dma_start3A_280 : memref<1x128xi32, #tpu.memory_space<vmem>> -> memref<128xi32, #tpu.memory_space<vmem>>
        %dma_start3A_282 = arith.constant 0 : i32
        %dma_start3A_283 = arith.constant 0 : i32
        %dma_start3A_284 = tpu.memref_slice %arg6[%dma_start3A_282, %dma_start3A_283] : memref<10000x128xf32, #tpu.memory_space<vmem_shared>> -> memref<10000x128xf32, #tpu.memory_space<vmem_shared>>
        tpu.enqueue_indirect_dma source(%arg14 : memref<128x128xf32, #tpu.memory_space<vmem>>) target(%dma_start3A_284 : memref<10000x128xf32, #tpu.memory_space<vmem_shared>>) offsets(%dma_start3A_281 : memref<128xi32, #tpu.memory_space<vmem>>) semaphore(%arg26 : memref<!tpu.dma_semaphore, #tpu.memory_space<semaphore_mem>>) {add = true}
      } else {
      }
      %add3A_266 = arith.constant 2 : i32
      %add3A_267 = arith.addi %mul3A_166, %add3A_266 : i32
      %lt3A_268 = arith.cmpi slt, %add3A_267, %add3A_8 : i32
      %convert_element_type3A_269 = arith.extui %lt3A_268 : i1 to i32
      %cond3A_270 = arith.constant 0 : i32
      %cond3A_271 = arith.cmpi ne, %convert_element_type3A_269, %cond3A_270 : i32
      scf.if %cond3A_271 {
        %dma_wait3A = arith.constant 0 : i32
        %dma_wait3A_272 = arith.constant 0 : i32
        %dma_wait3A_273 = tpu.memref_slice %arg12[%dma_wait3A, %dma_wait3A_272] : memref<2x128xi32, #tpu.memory_space<vmem>> -> memref<1x128xi32, #tpu.memory_space<vmem>>
        %dma_wait3A_274 = tpu.memref_squeeze %dma_wait3A_273 : memref<1x128xi32, #tpu.memory_space<vmem>> -> memref<128xi32, #tpu.memory_space<vmem>>
        %dma_wait3A_275 = arith.constant 0 : i32
        %dma_wait3A_276 = arith.constant 0 : i32
        %dma_wait3A_277 = tpu.memref_slice %arg2[%dma_wait3A_275, %dma_wait3A_276] : memref<10000x128xf32, #tpu.memory_space<hbm>> -> memref<10000x128xf32, #tpu.memory_space<hbm>>
        tpu.wait_indirect_dma semaphore(%arg24 : memref<!tpu.dma_semaphore, #tpu.memory_space<semaphore_mem>>) src(%dma_wait3A_277 : memref<10000x128xf32, #tpu.memory_space<hbm>>) dst(%arg15 : memref<128x128xf32, #tpu.memory_space<vmem>>)
        %dma_start3A_278 = arith.constant 1 : i32
        %dma_start3A_279 = arith.constant 0 : i32
        %dma_start3A_280 = tpu.memref_slice %arg12[%dma_start3A_278, %dma_start3A_279] : memref<2x128xi32, #tpu.memory_space<vmem>> -> memref<1x128xi32, #tpu.memory_space<vmem>>
        %dma_start3A_281 = tpu.memref_squeeze %dma_start3A_280 : memref<1x128xi32, #tpu.memory_space<vmem>> -> memref<128xi32, #tpu.memory_space<vmem>>
        %dma_start3A_282 = arith.constant 0 : i32
        %dma_start3A_283 = arith.constant 0 : i32
        %dma_start3A_284 = tpu.memref_slice %arg6[%dma_start3A_282, %dma_start3A_283] : memref<10000x128xf32, #tpu.memory_space<vmem_shared>> -> memref<10000x128xf32, #tpu.memory_space<vmem_shared>>
        tpu.enqueue_indirect_dma source(%arg15 : memref<128x128xf32, #tpu.memory_space<vmem>>) target(%dma_start3A_284 : memref<10000x128xf32, #tpu.memory_space<vmem_shared>>) offsets(%dma_start3A_281 : memref<128xi32, #tpu.memory_space<vmem>>) semaphore(%arg27 : memref<!tpu.dma_semaphore, #tpu.memory_space<semaphore_mem>>) {add = true}
      } else {
      }
    }
    %scan3A_41 = arith.constant 14 : i32
    %barrier3A_42 = arith.constant 0 : index
    tpu.barrier barrier_id(%barrier3A_42)
    %mul3A_43 = arith.constant 624 : i32
    %mul3A_44 = arith.muli %arg1, %mul3A_43 : i32
    "tpu.region"() ({
      %run_scoped3A = tpu.sem_alloc : memref<!tpu.dma_semaphore, #tpu.memory_space<semaphore_mem>>
      %dma_start3A_50 = arith.constant 0 : i32
      %dma_start3A_51 = tpu.memref_slice %arg5[%arg0, %mul3A_44, %dma_start3A_50] : memref<2x10000x128xf32, #tpu.memory_space<hbm>> -> memref<1x624x128xf32, #tpu.memory_space<hbm>>
      %dma_start3A_52 = tpu.memref_squeeze %dma_start3A_51 : memref<1x624x128xf32, #tpu.memory_space<hbm>> -> memref<624x128xf32, #tpu.memory_space<hbm>>
      %dma_start3A_53 = arith.constant 0 : i32
      %dma_start3A_54 = tpu.memref_slice %arg6[%mul3A_44, %dma_start3A_53] : memref<10000x128xf32, #tpu.memory_space<vmem_shared>> -> memref<624x128xf32, #tpu.memory_space<vmem_shared>>
      tpu.enqueue_dma source(%dma_start3A_54 : memref<624x128xf32, #tpu.memory_space<vmem_shared>>) target(%dma_start3A_52 : memref<624x128xf32, #tpu.memory_space<hbm>>) target_semaphore(%run_scoped3A : memref<!tpu.dma_semaphore, #tpu.memory_space<semaphore_mem>>)
      %dma_wait3A = arith.constant 0 : i32
      %dma_wait3A_55 = tpu.memref_slice %arg5[%arg0, %mul3A_44, %dma_wait3A] : memref<2x10000x128xf32, #tpu.memory_space<hbm>> -> memref<1x624x128xf32, #tpu.memory_space<hbm>>
      %dma_wait3A_56 = tpu.memref_squeeze %dma_wait3A_55 : memref<1x624x128xf32, #tpu.memory_space<hbm>> -> memref<624x128xf32, #tpu.memory_space<hbm>>
      %dma_wait3A_57 = arith.constant 0 : i32
      %dma_wait3A_58 = tpu.memref_slice %arg6[%mul3A_44, %dma_wait3A_57] : memref<10000x128xf32, #tpu.memory_space<vmem_shared>> -> memref<624x128xf32, #tpu.memory_space<vmem_shared>>
      tpu.wait_dma2 semaphore(%run_scoped3A : memref<!tpu.dma_semaphore, #tpu.memory_space<semaphore_mem>>) src(%dma_wait3A_58 : memref<624x128xf32, #tpu.memory_space<vmem_shared>>) dst(%dma_wait3A_56 : memref<624x128xf32, #tpu.memory_space<hbm>>)
      tpu.yield
    }) : () -> ()
    %eq3A_45 = arith.constant 15 : i32
    %eq3A_46 = arith.cmpi eq, %arg1, %eq3A_45 : i32
    %convert_element_type3A_47 = arith.extui %eq3A_46 : i1 to i32
    %cond3A_48 = arith.constant 0 : i32
    %cond3A_49 = arith.cmpi ne, %convert_element_type3A_47, %cond3A_48 : i32
    scf.if %cond3A_49 {
      "tpu.region"() ({
        %run_scoped3A = tpu.sem_alloc : memref<!tpu.dma_semaphore, #tpu.memory_space<semaphore_mem>>
        %dma_start3A_50 = arith.constant 9984 : i32
        %dma_start3A_51 = arith.constant 0 : i32
        %dma_start3A_52 = tpu.memref_slice %arg5[%arg0, %dma_start3A_50, %dma_start3A_51] : memref<2x10000x128xf32, #tpu.memory_space<hbm>> -> memref<1x16x128xf32, #tpu.memory_space<hbm>>
        %dma_start3A_53 = tpu.memref_squeeze %dma_start3A_52 : memref<1x16x128xf32, #tpu.memory_space<hbm>> -> memref<16x128xf32, #tpu.memory_space<hbm>>
        %dma_start3A_54 = arith.constant 9984 : i32
        %dma_start3A_55 = arith.constant 0 : i32
        %dma_start3A_56 = tpu.memref_slice %arg6[%dma_start3A_54, %dma_start3A_55] : memref<10000x128xf32, #tpu.memory_space<vmem_shared>> -> memref<16x128xf32, #tpu.memory_space<vmem_shared>>
        tpu.enqueue_dma source(%dma_start3A_56 : memref<16x128xf32, #tpu.memory_space<vmem_shared>>) target(%dma_start3A_53 : memref<16x128xf32, #tpu.memory_space<hbm>>) target_semaphore(%run_scoped3A : memref<!tpu.dma_semaphore, #tpu.memory_space<semaphore_mem>>)
        %dma_wait3A = arith.constant 9984 : i32
        %dma_wait3A_57 = arith.constant 0 : i32
        %dma_wait3A_58 = tpu.memref_slice %arg5[%arg0, %dma_wait3A, %dma_wait3A_57] : memref<2x10000x128xf32, #tpu.memory_space<hbm>> -> memref<1x16x128xf32, #tpu.memory_space<hbm>>
        %dma_wait3A_59 = tpu.memref_squeeze %dma_wait3A_58 : memref<1x16x128xf32, #tpu.memory_space<hbm>> -> memref<16x128xf32, #tpu.memory_space<hbm>>
        %dma_wait3A_60 = arith.constant 9984 : i32
        %dma_wait3A_61 = arith.constant 0 : i32
        %dma_wait3A_62 = tpu.memref_slice %arg6[%dma_wait3A_60, %dma_wait3A_61] : memref<10000x128xf32, #tpu.memory_space<vmem_shared>> -> memref<16x128xf32, #tpu.memory_space<vmem_shared>>
        tpu.wait_dma2 semaphore(%run_scoped3A : memref<!tpu.dma_semaphore, #tpu.memory_space<semaphore_mem>>) src(%dma_wait3A_62 : memref<16x128xf32, #tpu.memory_space<vmem_shared>>) dst(%dma_wait3A_59 : memref<16x128xf32, #tpu.memory_space<hbm>>)
        tpu.yield
      }) : () -> ()
    } else {
    }
    return
  }
}

module attributes {stable_mosaic.version = 14 : i64} {
  func.func @_mm_body(%arg0: i32, %arg1: memref<1000x128xf32, #tpu.memory_space<vmem>>, %arg2: memref<128x128xf32, #tpu.memory_space<vmem>>, %arg3: memref<1000x128xf32, #tpu.memory_space<vmem>>) attributes {dimension_semantics = [#tpu.dimension_semantics<arbitrary>], iteration_bounds = array<i64: 10>, scalar_prefetch = 0 : i64, scratch_operands = 0 : i64, tpu.core_type = #tpu.core_type<tc>, window_params = [{transform_indices = @transform_0, window_bounds = array<i64: 1000, 128>}, {pipeline_mode = #tpu.pipeline_mode<synchronous>, transform_indices = @transform_1, window_bounds = array<i64: 128, 128>}, {transform_indices = @transform_2, window_bounds = array<i64: 1000, 128>}]} {
    %get3A = arith.constant 0 : index
    %get3A_0 = arith.constant 0 : index
    %get3A_1 = vector.load %arg1[%get3A, %get3A_0] : memref<1000x128xf32, #tpu.memory_space<vmem>>, vector<1000x128xf32>
    %get3A_2 = arith.constant 0 : index
    %get3A_3 = arith.constant 0 : index
    %get3A_4 = vector.load %arg2[%get3A_2, %get3A_3] : memref<128x128xf32, #tpu.memory_space<vmem>>, vector<128x128xf32>
    %dot_general3A = arith.constant dense<0.000000e+00> : vector<1000x128xf32>
    %dot_general3A_5 = tpu.matmul %get3A_1, %get3A_4, %dot_general3A {dimension_numbers = #tpu.dot_dimension_numbers<[1], [0], [0], [1], [0, 0, 1, 1], [], []>, transpose_lhs_hint = false} : vector<1000x128xf32>, vector<128x128xf32>, vector<1000x128xf32> -> vector<1000x128xf32>
    %swap3A = arith.constant 0 : index
    %swap3A_6 = arith.constant 0 : index
    %swap3A_7 = vector.load %arg3[%swap3A, %swap3A_6] : memref<1000x128xf32, #tpu.memory_space<vmem>>, vector<1000x128xf32>
    tpu.vector_store %arg3[%swap3A, %swap3A_6], %dot_general3A_5 {strides = array<i32>} : memref<1000x128xf32, #tpu.memory_space<vmem>>, vector<1000x128xf32>,
    return
  }
  func.func @transform_0(%arg0: i32) -> (i32, i32) {
    %c0_i32 = arith.constant 0 : i32
    %c0_i32_0 = arith.constant 0 : i32
    return %arg0, %c0_i32 : i32, i32
  }
  func.func @transform_1(%arg0: i32) -> (i32, i32) {
    %c0_i32 = arith.constant 0 : i32
    %c0_i32_0 = arith.constant 0 : i32
    %c0_i32_1 = arith.constant 0 : i32
    return %c0_i32, %c0_i32_0 : i32, i32
  }
  func.func @transform_2(%arg0: i32) -> (i32, i32) {
    %c0_i32 = arith.constant 0 : i32
    %c0_i32_0 = arith.constant 0 : i32
    return %arg0, %c0_i32 : i32, i32
  }
}

module attributes {stable_mosaic.version = 14 : i64} {
  func.func @_scale_body(%arg0: i32, %arg1: memref<1000x128xf32, #tpu.memory_space<vmem>>, %arg2: memref<2x1000x16xf32, #tpu.memory_space<vmem>>, %arg3: memref<1000x128xf32, #tpu.memory_space<vmem>>) attributes {dimension_semantics = [#tpu.dimension_semantics<arbitrary>], iteration_bounds = array<i64: 10>, scalar_prefetch = 0 : i64, scratch_operands = 0 : i64, tpu.core_type = #tpu.core_type<tc>, window_params = [{transform_indices = @transform_0, window_bounds = array<i64: 1000, 128>}, {transform_indices = @transform_1, window_bounds = array<i64: 2, 1000, 16>}, {transform_indices = @transform_2, window_bounds = array<i64: 1000, 128>}]} {
    %get3A = arith.constant 0 : index
    %get3A_0 = arith.constant 0 : index
    %get3A_1 = vector.load %arg1[%get3A, %get3A_0] : memref<1000x128xf32, #tpu.memory_space<vmem>>, vector<1000x128xf32>
    %get3A_2 = arith.constant 0 : index
    %get3A_3 = arith.constant 0 : index
    %get3A_4 = arith.constant 0 : index
    %get3A_5 = vector.load %arg2[%get3A_2, %get3A_3, %get3A_4] : memref<2x1000x16xf32, #tpu.memory_space<vmem>>, vector<1x1000x1xf32>
    %get3A_6 = vector.shape_cast %get3A_5 : vector<1x1000x1xf32> to vector<1000x1xf32>
    %get3A_7 = arith.constant 1 : index
    %get3A_8 = arith.constant 0 : index
    %get3A_9 = arith.constant 0 : index
    %get3A_10 = vector.load %arg2[%get3A_7, %get3A_8, %get3A_9] : memref<2x1000x16xf32, #tpu.memory_space<vmem>>, vector<1x1000x1xf32>
    %get3A_11 = vector.shape_cast %get3A_10 : vector<1x1000x1xf32> to vector<1000x1xf32>
    %add3A = arith.addf %get3A_6, %get3A_11 : vector<1000x1xf32>
    %max3A = arith.constant 1.000000e+00 : f32
    %max3A_12 = vector.broadcast %max3A : f32 to vector<1000x1xf32>
    %max3A_13 = arith.maximumf %add3A, %max3A_12 : vector<1000x1xf32>
    %rsqrt3A = math.rsqrt %max3A_13 : vector<1000x1xf32>
    %mul3A = vector.broadcast %rsqrt3A : vector<1000x1xf32> to vector<1000x128xf32>
    %mul3A_14 = arith.mulf %get3A_1, %mul3A : vector<1000x128xf32>
    %swap3A = arith.constant 0 : index
    %swap3A_15 = arith.constant 0 : index
    %swap3A_16 = vector.load %arg3[%swap3A, %swap3A_15] : memref<1000x128xf32, #tpu.memory_space<vmem>>, vector<1000x128xf32>
    tpu.vector_store %arg3[%swap3A, %swap3A_15], %mul3A_14 {strides = array<i32>} : memref<1000x128xf32, #tpu.memory_space<vmem>>, vector<1000x128xf32>,
    return
  }
  func.func @transform_0(%arg0: i32) -> (i32, i32) {
    %c0_i32 = arith.constant 0 : i32
    %c0_i32_0 = arith.constant 0 : i32
    return %arg0, %c0_i32 : i32, i32
  }
  func.func @transform_1(%arg0: i32) -> (i32, i32, i32) {
    %c0_i32 = arith.constant 0 : i32
    %c0_i32_0 = arith.constant 0 : i32
    %c0_i32_1 = arith.constant 0 : i32
    return %c0_i32, %arg0, %c0_i32_0 : i32, i32, i32
  }
  func.func @transform_2(%arg0: i32) -> (i32, i32) {
    %c0_i32 = arith.constant 0 : i32
    %c0_i32_0 = arith.constant 0 : i32
    return %arg0, %c0_i32 : i32, i32
  }
}

module attributes {stable_mosaic.version = 14 : i64} {
  func.func @_layer_mm_body(%arg0: i32, %arg1: memref<2x1000x128xf32, #tpu.memory_space<vmem>>, %arg2: memref<2x1000x16xf32, #tpu.memory_space<vmem>>, %arg3: memref<2x1000x16xf32, #tpu.memory_space<vmem>>, %arg4: memref<1x128xf32, #tpu.memory_space<vmem>>, %arg5: memref<128x128xf32, #tpu.memory_space<vmem>>, %arg6: memref<1000x128xf32, #tpu.memory_space<vmem>>) attributes {dimension_semantics = [#tpu.dimension_semantics<arbitrary>], iteration_bounds = array<i64: 10>, scalar_prefetch = 0 : i64, scratch_operands = 0 : i64, tpu.core_type = #tpu.core_type<tc>, window_params = [{transform_indices = @transform_0, window_bounds = array<i64: 2, 1000, 128>}, {transform_indices = @transform_1, window_bounds = array<i64: 2, 1000, 16>}, {transform_indices = @transform_2, window_bounds = array<i64: 2, 1000, 16>}, {pipeline_mode = #tpu.pipeline_mode<synchronous>, transform_indices = @transform_3, window_bounds = array<i64: 1, 128>}, {pipeline_mode = #tpu.pipeline_mode<synchronous>, transform_indices = @transform_4, window_bounds = array<i64: 128, 128>}, {transform_indices = @transform_5, window_bounds = array<i64: 1000, 128>}]} {
    %get3A = arith.constant 0 : index
    %get3A_0 = arith.constant 0 : index
    %get3A_1 = arith.constant 0 : index
    %get3A_2 = vector.load %arg1[%get3A, %get3A_0, %get3A_1] : memref<2x1000x128xf32, #tpu.memory_space<vmem>>, vector<1x1000x128xf32>
    %get3A_3 = vector.shape_cast %get3A_2 : vector<1x1000x128xf32> to vector<1000x128xf32>
    %get3A_4 = arith.constant 1 : index
    %get3A_5 = arith.constant 0 : index
    %get3A_6 = arith.constant 0 : index
    %get3A_7 = vector.load %arg1[%get3A_4, %get3A_5, %get3A_6] : memref<2x1000x128xf32, #tpu.memory_space<vmem>>, vector<1x1000x128xf32>
    %get3A_8 = vector.shape_cast %get3A_7 : vector<1x1000x128xf32> to vector<1000x128xf32>
    %add3A = arith.addf %get3A_3, %get3A_8 : vector<1000x128xf32>
    %get3A_9 = arith.constant 0 : index
    %get3A_10 = arith.constant 0 : index
    %get3A_11 = arith.constant 0 : index
    %get3A_12 = vector.load %arg2[%get3A_9, %get3A_10, %get3A_11] : memref<2x1000x16xf32, #tpu.memory_space<vmem>>, vector<1x1000x1xf32>
    %get3A_13 = vector.shape_cast %get3A_12 : vector<1x1000x1xf32> to vector<1000x1xf32>
    %get3A_14 = arith.constant 1 : index
    %get3A_15 = arith.constant 0 : index
    %get3A_16 = arith.constant 0 : index
    %get3A_17 = vector.load %arg2[%get3A_14, %get3A_15, %get3A_16] : memref<2x1000x16xf32, #tpu.memory_space<vmem>>, vector<1x1000x1xf32>
    %get3A_18 = vector.shape_cast %get3A_17 : vector<1x1000x1xf32> to vector<1000x1xf32>
    %add3A_19 = arith.addf %get3A_13, %get3A_18 : vector<1000x1xf32>
    %max3A = arith.constant 1.000000e+00 : f32
    %max3A_20 = vector.broadcast %max3A : f32 to vector<1000x1xf32>
    %max3A_21 = arith.maximumf %add3A_19, %max3A_20 : vector<1000x1xf32>
    %rsqrt3A = math.rsqrt %max3A_21 : vector<1000x1xf32>
    %mul3A = vector.broadcast %rsqrt3A : vector<1000x1xf32> to vector<1000x128xf32>
    %mul3A_22 = arith.mulf %add3A, %mul3A : vector<1000x128xf32>
    %get3A_23 = arith.constant 0 : index
    %get3A_24 = arith.constant 0 : index
    %get3A_25 = vector.load %arg4[%get3A_23, %get3A_24] : memref<1x128xf32, #tpu.memory_space<vmem>>, vector<1x128xf32>
    %add3A_26 = vector.broadcast %get3A_25 : vector<1x128xf32> to vector<1000x128xf32>
    %add3A_27 = arith.addf %mul3A_22, %add3A_26 : vector<1000x128xf32>
    %max3A_28 = arith.constant 0.000000e+00 : f32
    %max3A_29 = vector.broadcast %max3A_28 : f32 to vector<1000x128xf32>
    %max3A_30 = arith.maximumf %add3A_27, %max3A_29 : vector<1000x128xf32>
    %get3A_31 = arith.constant 0 : index
    %get3A_32 = arith.constant 0 : index
    %get3A_33 = vector.load %arg5[%get3A_31, %get3A_32] : memref<128x128xf32, #tpu.memory_space<vmem>>, vector<128x128xf32>
    %dot_general3A = arith.constant dense<0.000000e+00> : vector<1000x128xf32>
    %dot_general3A_34 = tpu.matmul %max3A_30, %get3A_33, %dot_general3A {dimension_numbers = #tpu.dot_dimension_numbers<[1], [0], [0], [1], [0, 0, 1, 1], [], []>, transpose_lhs_hint = false} : vector<1000x128xf32>, vector<128x128xf32>, vector<1000x128xf32> -> vector<1000x128xf32>
    %get3A_35 = arith.constant 0 : index
    %get3A_36 = arith.constant 0 : index
    %get3A_37 = arith.constant 0 : index
    %get3A_38 = vector.load %arg3[%get3A_35, %get3A_36, %get3A_37] : memref<2x1000x16xf32, #tpu.memory_space<vmem>>, vector<1x1000x1xf32>
    %get3A_39 = vector.shape_cast %get3A_38 : vector<1x1000x1xf32> to vector<1000x1xf32>
    %get3A_40 = arith.constant 1 : index
    %get3A_41 = arith.constant 0 : index
    %get3A_42 = arith.constant 0 : index
    %get3A_43 = vector.load %arg3[%get3A_40, %get3A_41, %get3A_42] : memref<2x1000x16xf32, #tpu.memory_space<vmem>>, vector<1x1000x1xf32>
    %get3A_44 = vector.shape_cast %get3A_43 : vector<1x1000x1xf32> to vector<1000x1xf32>
    %add3A_45 = arith.addf %get3A_39, %get3A_44 : vector<1000x1xf32>
    %max3A_46 = arith.constant 1.000000e+00 : f32
    %max3A_47 = vector.broadcast %max3A_46 : f32 to vector<1000x1xf32>
    %max3A_48 = arith.maximumf %add3A_45, %max3A_47 : vector<1000x1xf32>
    %rsqrt3A_49 = math.rsqrt %max3A_48 : vector<1000x1xf32>
    %mul3A_50 = vector.broadcast %rsqrt3A_49 : vector<1000x1xf32> to vector<1000x128xf32>
    %mul3A_51 = arith.mulf %dot_general3A_34, %mul3A_50 : vector<1000x128xf32>
    %swap3A = arith.constant 0 : index
    %swap3A_52 = arith.constant 0 : index
    %swap3A_53 = vector.load %arg6[%swap3A, %swap3A_52] : memref<1000x128xf32, #tpu.memory_space<vmem>>, vector<1000x128xf32>
    tpu.vector_store %arg6[%swap3A, %swap3A_52], %mul3A_51 {strides = array<i32>} : memref<1000x128xf32, #tpu.memory_space<vmem>>, vector<1000x128xf32>,
    return
  }
  func.func @transform_0(%arg0: i32) -> (i32, i32, i32) {
    %c0_i32 = arith.constant 0 : i32
    %c0_i32_0 = arith.constant 0 : i32
    %c0_i32_1 = arith.constant 0 : i32
    return %c0_i32, %arg0, %c0_i32_0 : i32, i32, i32
  }
  func.func @transform_1(%arg0: i32) -> (i32, i32, i32) {
    %c0_i32 = arith.constant 0 : i32
    %c0_i32_0 = arith.constant 0 : i32
    %c0_i32_1 = arith.constant 0 : i32
    return %c0_i32, %arg0, %c0_i32_0 : i32, i32, i32
  }
  func.func @transform_2(%arg0: i32) -> (i32, i32, i32) {
    %c0_i32 = arith.constant 0 : i32
    %c0_i32_0 = arith.constant 0 : i32
    %c0_i32_1 = arith.constant 0 : i32
    return %c0_i32, %arg0, %c0_i32_0 : i32, i32, i32
  }
  func.func @transform_3(%arg0: i32) -> (i32, i32) {
    %c0_i32 = arith.constant 0 : i32
    %c0_i32_0 = arith.constant 0 : i32
    %c0_i32_1 = arith.constant 0 : i32
    return %c0_i32, %c0_i32_0 : i32, i32
  }
  func.func @transform_4(%arg0: i32) -> (i32, i32) {
    %c0_i32 = arith.constant 0 : i32
    %c0_i32_0 = arith.constant 0 : i32
    %c0_i32_1 = arith.constant 0 : i32
    return %c0_i32, %c0_i32_0 : i32, i32
  }
  func.func @transform_5(%arg0: i32) -> (i32, i32) {
    %c0_i32 = arith.constant 0 : i32
    %c0_i32_0 = arith.constant 0 : i32
    return %arg0, %c0_i32 : i32, i32
  }
}

module attributes {stable_mosaic.version = 14 : i64} {
  func.func @_layer_out_body(%arg0: i32, %arg1: memref<2x1000x128xf32, #tpu.memory_space<vmem>>, %arg2: memref<2x1000x16xf32, #tpu.memory_space<vmem>>, %arg3: memref<1x128xf32, #tpu.memory_space<vmem>>, %arg4: memref<1000x128xf32, #tpu.memory_space<vmem>>) attributes {dimension_semantics = [#tpu.dimension_semantics<arbitrary>], iteration_bounds = array<i64: 10>, scalar_prefetch = 0 : i64, scratch_operands = 0 : i64, tpu.core_type = #tpu.core_type<tc>, window_params = [{transform_indices = @transform_0, window_bounds = array<i64: 2, 1000, 128>}, {transform_indices = @transform_1, window_bounds = array<i64: 2, 1000, 16>}, {pipeline_mode = #tpu.pipeline_mode<synchronous>, transform_indices = @transform_2, window_bounds = array<i64: 1, 128>}, {transform_indices = @transform_3, window_bounds = array<i64: 1000, 128>}]} {
    %get3A = arith.constant 0 : index
    %get3A_0 = arith.constant 0 : index
    %get3A_1 = arith.constant 0 : index
    %get3A_2 = vector.load %arg1[%get3A, %get3A_0, %get3A_1] : memref<2x1000x128xf32, #tpu.memory_space<vmem>>, vector<1x1000x128xf32>
    %get3A_3 = vector.shape_cast %get3A_2 : vector<1x1000x128xf32> to vector<1000x128xf32>
    %get3A_4 = arith.constant 1 : index
    %get3A_5 = arith.constant 0 : index
    %get3A_6 = arith.constant 0 : index
    %get3A_7 = vector.load %arg1[%get3A_4, %get3A_5, %get3A_6] : memref<2x1000x128xf32, #tpu.memory_space<vmem>>, vector<1x1000x128xf32>
    %get3A_8 = vector.shape_cast %get3A_7 : vector<1x1000x128xf32> to vector<1000x128xf32>
    %add3A = arith.addf %get3A_3, %get3A_8 : vector<1000x128xf32>
    %get3A_9 = arith.constant 0 : index
    %get3A_10 = arith.constant 0 : index
    %get3A_11 = arith.constant 0 : index
    %get3A_12 = vector.load %arg2[%get3A_9, %get3A_10, %get3A_11] : memref<2x1000x16xf32, #tpu.memory_space<vmem>>, vector<1x1000x1xf32>
    %get3A_13 = vector.shape_cast %get3A_12 : vector<1x1000x1xf32> to vector<1000x1xf32>
    %get3A_14 = arith.constant 1 : index
    %get3A_15 = arith.constant 0 : index
    %get3A_16 = arith.constant 0 : index
    %get3A_17 = vector.load %arg2[%get3A_14, %get3A_15, %get3A_16] : memref<2x1000x16xf32, #tpu.memory_space<vmem>>, vector<1x1000x1xf32>
    %get3A_18 = vector.shape_cast %get3A_17 : vector<1x1000x1xf32> to vector<1000x1xf32>
    %add3A_19 = arith.addf %get3A_13, %get3A_18 : vector<1000x1xf32>
    %max3A = arith.constant 1.000000e+00 : f32
    %max3A_20 = vector.broadcast %max3A : f32 to vector<1000x1xf32>
    %max3A_21 = arith.maximumf %add3A_19, %max3A_20 : vector<1000x1xf32>
    %rsqrt3A = math.rsqrt %max3A_21 : vector<1000x1xf32>
    %mul3A = vector.broadcast %rsqrt3A : vector<1000x1xf32> to vector<1000x128xf32>
    %mul3A_22 = arith.mulf %add3A, %mul3A : vector<1000x128xf32>
    %get3A_23 = arith.constant 0 : index
    %get3A_24 = arith.constant 0 : index
    %get3A_25 = vector.load %arg3[%get3A_23, %get3A_24] : memref<1x128xf32, #tpu.memory_space<vmem>>, vector<1x128xf32>
    %add3A_26 = vector.broadcast %get3A_25 : vector<1x128xf32> to vector<1000x128xf32>
    %add3A_27 = arith.addf %mul3A_22, %add3A_26 : vector<1000x128xf32>
    %max3A_28 = arith.constant 0.000000e+00 : f32
    %max3A_29 = vector.broadcast %max3A_28 : f32 to vector<1000x128xf32>
    %max3A_30 = arith.maximumf %add3A_27, %max3A_29 : vector<1000x128xf32>
    %swap3A = arith.constant 0 : index
    %swap3A_31 = arith.constant 0 : index
    %swap3A_32 = vector.load %arg4[%swap3A, %swap3A_31] : memref<1000x128xf32, #tpu.memory_space<vmem>>, vector<1000x128xf32>
    tpu.vector_store %arg4[%swap3A, %swap3A_31], %max3A_30 {strides = array<i32>} : memref<1000x128xf32, #tpu.memory_space<vmem>>, vector<1000x128xf32>,
    return
  }
  func.func @transform_0(%arg0: i32) -> (i32, i32, i32) {
    %c0_i32 = arith.constant 0 : i32
    %c0_i32_0 = arith.constant 0 : i32
    %c0_i32_1 = arith.constant 0 : i32
    return %c0_i32, %arg0, %c0_i32_0 : i32, i32, i32
  }
  func.func @transform_1(%arg0: i32) -> (i32, i32, i32) {
    %c0_i32 = arith.constant 0 : i32
    %c0_i32_0 = arith.constant 0 : i32
    %c0_i32_1 = arith.constant 0 : i32
    return %c0_i32, %arg0, %c0_i32_0 : i32, i32, i32
  }
  func.func @transform_2(%arg0: i32) -> (i32, i32) {
    %c0_i32 = arith.constant 0 : i32
    %c0_i32_0 = arith.constant 0 : i32
    %c0_i32_1 = arith.constant 0 : i32
    return %c0_i32, %c0_i32_0 : i32, i32
  }
  func.func @transform_3(%arg0: i32) -> (i32, i32) {
    %c0_i32 = arith.constant 0 : i32
    %c0_i32_0 = arith.constant 0 : i32
    return %arg0, %c0_i32 : i32, i32
  }
}

module attributes {stable_mosaic.version = 14 : i64} {
  func.func @_mlp_body(%arg0: memref<2048x128xf32, #tpu.memory_space<vmem>>, %arg1: memref<128x64xf32, #tpu.memory_space<vmem>>, %arg2: memref<1x64xf32, #tpu.memory_space<vmem>>, %arg3: memref<64x64xf32, #tpu.memory_space<vmem>>, %arg4: memref<1x64xf32, #tpu.memory_space<vmem>>, %arg5: memref<2048x64xf32, #tpu.memory_space<vmem>>) attributes {dimension_semantics = [], scalar_prefetch = 0 : i64, scratch_operands = 0 : i64, tpu.core_type = #tpu.core_type<tc>} {
    %get3A = arith.constant 0 : index
    %get3A_0 = arith.constant 0 : index
    %get3A_1 = vector.load %arg0[%get3A, %get3A_0] : memref<2048x128xf32, #tpu.memory_space<vmem>>, vector<2048x128xf32>
    %get3A_2 = arith.constant 0 : index
    %get3A_3 = arith.constant 0 : index
    %get3A_4 = vector.load %arg1[%get3A_2, %get3A_3] : memref<128x64xf32, #tpu.memory_space<vmem>>, vector<128x64xf32>
    %dot_general3A = arith.constant dense<0.000000e+00> : vector<2048x64xf32>
    %dot_general3A_5 = tpu.matmul %get3A_1, %get3A_4, %dot_general3A {dimension_numbers = #tpu.dot_dimension_numbers<[1], [0], [0], [1], [0, 0, 1, 1], [], []>, transpose_lhs_hint = false} : vector<2048x128xf32>, vector<128x64xf32>, vector<2048x64xf32> -> vector<2048x64xf32>
    %get3A_6 = arith.constant 0 : index
    %get3A_7 = arith.constant 0 : index
    %get3A_8 = vector.load %arg2[%get3A_6, %get3A_7] : memref<1x64xf32, #tpu.memory_space<vmem>>, vector<1x64xf32>
    %add3A = vector.broadcast %get3A_8 : vector<1x64xf32> to vector<2048x64xf32>
    %add3A_9 = arith.addf %dot_general3A_5, %add3A : vector<2048x64xf32>
    %tanh3A = math.tanh %add3A_9 : vector<2048x64xf32>
    %get3A_10 = arith.constant 0 : index
    %get3A_11 = arith.constant 0 : index
    %get3A_12 = vector.load %arg3[%get3A_10, %get3A_11] : memref<64x64xf32, #tpu.memory_space<vmem>>, vector<64x64xf32>
    %dot_general3A_13 = arith.constant dense<0.000000e+00> : vector<2048x64xf32>
    %dot_general3A_14 = tpu.matmul %tanh3A, %get3A_12, %dot_general3A_13 {dimension_numbers = #tpu.dot_dimension_numbers<[1], [0], [0], [1], [0, 0, 1, 1], [], []>, transpose_lhs_hint = false} : vector<2048x64xf32>, vector<64x64xf32>, vector<2048x64xf32> -> vector<2048x64xf32>
    %get3A_15 = arith.constant 0 : index
    %get3A_16 = arith.constant 0 : index
    %get3A_17 = vector.load %arg4[%get3A_15, %get3A_16] : memref<1x64xf32, #tpu.memory_space<vmem>>, vector<1x64xf32>
    %add3A_18 = vector.broadcast %get3A_17 : vector<1x64xf32> to vector<2048x64xf32>
    %add3A_19 = arith.addf %dot_general3A_14, %add3A_18 : vector<2048x64xf32>
    %swap3A = arith.constant 0 : index
    %swap3A_20 = arith.constant 0 : index
    %swap3A_21 = vector.load %arg5[%swap3A, %swap3A_20] : memref<2048x64xf32, #tpu.memory_space<vmem>>, vector<2048x64xf32>
    tpu.vector_store %arg5[%swap3A, %swap3A_20], %add3A_19 {strides = array<i32>} : memref<2048x64xf32, #tpu.memory_space<vmem>>, vector<2048x64xf32>,
    return
  }
}

</mosaic_0001>

<sc_bundles>
// kernel: kernel.11.cloned.1.call-start
scs
__scs_entry_jumppad:
0x0: {  	(pc) =	sbr.rel $0x88, $3  }
0x1: {  	(tag) =	ssettag $0x0;
	lr =	simm.s32 $0x1  }
0x2: {  	[smem:$0x3F96] =	sst lr;
	_ =	strace $0xD0000000  }
0x3: {  	_ = 	snop  }
0x4: {  	_ = 	snop  }
0x5: {  	_ = 	snop  }
0x6: {  	_ = 	snop  }
0x7: {  	_ = 	snop  }
__scs_overlays_trampoline_lowered:
0x8: {  	[smem:$0x3FA5] =	sst s0  }
0x9: {  	[smem:$0x3FA6] =	sst s1  }
0xa: {  	[smem:$0x3FA7] =	sst s2  }
0xb: {  	[smem:$0x3FA8] =	sst s3  }
0xc: {  	[smem:$0x3FA9] =	sst s4  }
0xd: {  	[smem:$0x3FAA] =	sst s5  }
0xe: {  	[smem:$0x3FAB] =	sst s6  }
0xf: {  	[smem:$0x3FAC] =	sst s7  }
0x10: {  	[smem:$0x3FAD] =	sst s8  }
0x11: {  	[smem:$0x3FAE] =	sst s9;
	s0 =	simm.s32 @!p0 $0x0  }
0x12: {  	s1 =	sld [smem:$0x3F94];
	s0 =	simm.s32 @p0 $0x1  }
0x13: {  	[smem:$0x3FAF] =	sst s0;
	s0 =	simm.s32 @!p1 $0x0  }
0x14: {  	s2 =	sld [smem:$0x3F93];
	s0 =	simm.s32 @p1 $0x1  }
0x15: {  	[smem:$0x3FB0] =	sst s0;
	s0 =	simm.s32 @!p2 $0x0  }
0x16: {  	s3 =	sld [smem:$0x3FDB];
	s0 =	simm.s32 @p2 $0x1  }
0x17: {  	s4 =	simm.s32 $0x1BF5;
	[smem:$0x3FB2] =	sst s0  }
0x18: {  	s0 =	sld [smem:$0x3F95];
	_ =	swait.ge [sflag:s4], $0x0  }
0x19: {  	s7 =	sld [smem:$0x3F96]  }
0x1a: {  	s8 =	sadd.s32 $0xFFFFE003, lr  }
0x1b: {  	s9 =	sadd.s32 $0xFFFFFEF7, lr;
	s5 =	simm.s32 $0xFFFFFFFF;
	p2 =	slt.u32 s8, $0xFFFFF086  }
0x1c: {  	p1 =	slt.u32 s9, $0xF7A;
	s5 =	simm.s32 @!p2 $0x0  }
0x1d: {  	s5 =	simm.s32 @p1 $0x1;
	p0 =	seq.s32 s7, s2  }
0x1e: {  	s7 =	smul.u32 @!p0 $0xF7A, s2;
	p2 =	seq.s32 @!p0 s5, $0x0  }
0x1f: {  	s9 =	smul.u32 $0xF7A, s1;
	s8 =	simm.s32 @!p0 $0x1BF5;
	p2 =	por !p2, p0  }
0x20: {  	[sflag:s8] =	ssyncset.s32 @!p0 $0xFFFFF086;
	s6 =	sadd.s32 @!p0 s3, s7;
	s7 =	simm.s32 @!p0 $0x108  }
0x21: {  	s3 =	sadd.s32 s3, s9;
	s6 =	sadd.s32 @!p0 $0x88, s6;
	s7 =	simm.s32 @p2 $0x1082  }
0x22: {  	[simem:s7], [sflag:s8] =	dma.local @!p0 [hbm:s6], $0xF7A  }
0x23: {  	s9 =	sor.u32 $0xD0000000, s2;
	s6 =	simm.s32 $0x108;
	_ =	swait.ge @!p0 [sflag:s8], $0x0  }
0x24: {  	s3 =	sadd.s32 $0x88, s3;
	s6 =	simm.s32 @!p1 $0x1082;
	[sflag:s4] =	ssyncset.s32 $0xFFFFF086  }
0x25: {  	[simem:s6], [sflag:s4] =	dma.local [hbm:s3], $0xF7A  }
0x26: {  	[smem:$0x3F96] =	sst s1;
	(tag) =	ssettag s2;
	_ =	strace s9  }
0x27: {  	s1 =	sld [smem:$0x3FA6]  }
0x28: {  	s2 =	sld [smem:$0x3FA7]  }
0x29: {  	s4 =	sld [smem:$0x3FA9]  }
0x2a: {  	p0 =	seq.s32 s5, $0x0;
	s5 =	sld [smem:$0x3FAA]  }
0x2b: {  	s6 =	sld [smem:$0x3FAB]  }
0x2c: {  	s7 =	sld [smem:$0x3FAC]  }
0x2d: {  	s3 =	simm.s32 $0x108;
	s8 =	sld [smem:$0x3FAD]  }
0x2e: {  	s3 =	simm.s32 @!p0 $0x1082;
	s9 =	sld [smem:$0x3FAE]  }
0x2f: {  	lr =	sadd.s32 s0, s3;
	s0 =	sld [smem:$0x3FA5]  }
0x30: {  	s3 =	sld [smem:$0x3FA8]  }
0x31: {  	[smem:$0x3FB1] =	sst s10  }
0x32: {  	s10 =	sld [smem:$0x3FAF];
	_ =	sdelay $0x3  }
0x33: {  	p0 =	seq.s32 s10, $0x1;
	s10 =	sld [smem:$0x3FB1];
	_ =	sdelay $0x3  }
0x34: {  	[smem:$0x3FB1] =	sst s10  }
0x35: {  	s10 =	sld [smem:$0x3FB0];
	_ =	sdelay $0x3  }
0x36: {  	p1 =	seq.s32 s10, $0x1;
	s10 =	sld [smem:$0x3FB1];
	_ =	sdelay $0x3  }
0x37: {  	[smem:$0x3FB1] =	sst s10  }
0x38: {  	s10 =	sld [smem:$0x3FB2]  }
0x39: {  	_ = 	snop;
	(pc) =	sbr.ind lr, $3  }
0x3a: {  	_ = 	snop  }
0x3b: {  	_ = 	snop  }
0x3c: {  	p2 =	seq.s32 s10, $0x1;
	s10 =	sld [smem:$0x3FB1]  }
0x3d: {  	_ =	shalt  }
0x3e: {  	_ =	shalt  }
0x3f: {  	_ =	shalt  }
0x40: {  	_ =	shalt  }
0x41: {  	_ =	shalt  }
0x42: {  	_ =	shalt  }
0x43: {  	_ =	shalt  }
0x44: {  	_ =	shalt  }
0x45: {  	_ =	shalt  }
0x46: {  	_ =	shalt  }
0x47: {  	_ =	shalt  }
0x48: {  	_ =	shalt  }
0x49: {  	_ =	shalt  }
0x4a: {  	_ =	shalt  }
0x4b: {  	_ =	shalt  }
0x4c: {  	_ =	shalt  }
0x4d: {  	_ =	shalt  }
0x4e: {  	_ =	shalt  }
0x4f: {  	_ =	shalt  }
0x50: {  	_ =	shalt  }
0x51: {  	_ =	shalt  }
0x52: {  	_ =	shalt  }
0x53: {  	_ =	shalt  }
0x54: {  	_ =	shalt  }
0x55: {  	_ =	shalt  }
0x56: {  	_ =	shalt  }
0x57: {  	_ =	shalt  }
0x58: {  	_ =	shalt  }
0x59: {  	_ =	shalt  }
0x5a: {  	_ =	shalt  }
0x5b: {  	_ =	shalt  }
0x5c: {  	_ =	shalt  }
0x5d: {  	_ =	shalt  }
0x5e: {  	_ =	shalt  }
0x5f: {  	_ =	shalt  }
0x60: {  	_ =	shalt  }
0x61: {  	_ =	shalt  }
0x62: {  	_ =	shalt  }
0x63: {  	_ =	shalt  }
0x64: {  	_ =	shalt  }
0x65: {  	_ =	shalt  }
0x66: {  	_ =	shalt  }
0x67: {  	_ =	shalt  }
0x68: {  	_ =	shalt  }
0x69: {  	_ =	shalt  }
0x6a: {  	_ =	shalt  }
0x6b: {  	_ =	shalt  }
0x6c: {  	_ =	shalt  }
0x6d: {  	_ =	shalt  }
0x6e: {  	_ =	shalt  }
0x6f: {  	_ =	shalt  }
0x70: {  	_ =	shalt  }
0x71: {  	_ =	shalt  }
0x72: {  	_ =	shalt  }
0x73: {  	_ =	shalt  }
0x74: {  	_ =	shalt  }
0x75: {  	_ =	shalt  }
0x76: {  	_ =	shalt  }
0x77: {  	_ =	shalt  }
0x78: {  	_ =	shalt  }
0x79: {  	_ =	shalt  }
0x7a: {  	_ =	shalt  }
0x7b: {  	_ =	shalt  }
0x7c: {  	_ =	shalt  }
0x7d: {  	_ =	shalt  }
0x7e: {  	_ =	shalt  }
0x7f: {  	_ =	shalt  }
0x80: {  	_ =	shalt  }
0x81: {  	_ =	shalt  }
0x82: {  	_ =	shalt  }
0x83: {  	_ =	shalt  }
0x84: {  	_ =	shalt  }
0x85: {  	_ =	shalt  }
0x86: {  	_ =	shalt  }
0x87: {  	_ =	shalt  }
.Lfunc_end0:
.L_simem_size_0:
called_computation_lowered:
.L_overlay_start_0:
0x88: {  	s2 =	sld [smem:$0x3FD9]  }
0x89: {  	s3 =	sld [smem:$0x3FFE];
	_ =	sdelay $0x1  }
0x8a: {  	s1 =	srdreg.scid  }
0x8b: {  	s0 =	sand.u32 $0x1, s1  }
0x8c: {  	s14 =	sshll.u32 s0, $0xA;
	s2 =	sadd.s32 s3, s2  }
0x8d: {  	s2 =	sadd.s32 s2, s14  }
0x8e: {  	[smem:$0x3FBD] =	sst s2  }
0x8f: {  	_ = 	snop  }
0x90: {  	s2 =	sld [smem:$0x3FD0];
	_ =	sdelay $0x2  }
0x91: {  	s15 =	simm.s32 $0xA;
	s4 =	simm.s32 $0x10  }
0x92: {  	[smem:s4], [sflag:s15] =	dma.local [hbm:s2], $0x1  }
0x93: {  	_ =	swait.eq [sflag:s15], $0x1  }
0x94: {  	[sflag:s15] =	ssyncset.done $0x0  }
0x95: {  	s16 =	sld [smem:$0x10];
	[sflag:s15] =	ssyncadd.s32 $0xFFFFFFFF  }
0x96: {  	s17 =	sld [smem:$0x11];
	(tm) =	ssettm $0x1  }
0x97: {  	s18 =	sld [smem:$0x3FFB];
	_ =	sdelay $0x3  }
0x98: {  	_ =	strace s18  }
0x99: {  	s4 =	sld [smem:$0x3FFC];
	_ =	sdelay $0x3  }
0x9a: {  	_ =	strace s4  }
0x9b: {  	s4 =	sld [smem:$0x3FFD];
	_ =	sdelay $0x3  }
0x9c: {  	_ =	strace s4  }
0x9d: {  	_ =	strace $0x8FFFFFFF  }
0x9e: {  	s19 =	sld [smem:$0x3FDB];
	_ =	sdelay $0x1  }
0x9f: {  	s5 =	simm.s32 $_scs_section_size  }
0xa0: {  	s6 =	simm.s32 $_size__tile_overlayer_lowered;
	s7 =	simm.s32 $_tile_overlayer_lowered  }
0xa1: {  	s22 =	simm.s32 $0x1BFF;
	s21 =	sshll.u32 s7, $0x1;
	s4 =	sadd.s32 s5, s19  }
0xa2: {  	s8 =	simm.s32 $0x0;
	s20 =	sshll.u32 s6, $0x1;
	s6 =	sadd.s32 s21, s4  }
0xa3: {  	[timem:s8], [sflag:s22] =	dma.local [hbm:s6], s20  }
0xa4: {  	_ =	swait.ge [sflag:s22], s20  }
0xa5: {  	s5 =	ssub.s32 $0x0, s20;
	[sflag:s22] =	ssyncset.done $0x0  }
0xa6: {  	[sflag:s22] =	ssyncadd.s32 s5;
	_ =	sdelay $0x1  }
0xa7: {  	s23 =	simm.s32 $0x1B8B  }
0xa8: {  	_ =	swait.ge [sflag:s23], $0x1  }
0xa9: {  	[sflag:s23] =	ssyncset.done $0x0  }
0xaa: {  	s25 =	simm.s32 $0x1B8E;
	s24 =	sld [smem:$0x3FFE];
	[sflag:s23] =	ssyncadd.s32 $0xFFFFFFFF  }
0xab: {  	s26 =	simm.s32 $execute0_lowered;
	[smem:$0x3FD2] =	sst s25  }
0xac: {  	s6 =	sshll.u32 s26, $0x1;
	_ =	strace $0x80000046;
	[dreg:$0x1] =	wrdreg $0xFFFFFFFF  }
0xad: {  	s28 =	simm.s32 $_size_execute0_lowered;
	s4 =	sadd.s32 s4, s6;
	[dreg:$0x0] =	wrdreg $0x0  }
0xae: {  	s6 =	sshll.u32 s28, $0x1;
	[dreg:$0x2] =	wrdreg s4  }
0xaf: {  	[dreg:$0x3] =	wrdreg s6  }
0xb0: {  	[dreg:$0x4] =	wrdreg $0xC0  }
0xb1: {  	_ =	task [dreg:s8], $0x5FFFF  }
0xb2: {  	[dreg:$0x1] =	wrdreg $0xFFFFFFFF  }
0xb3: {  	[dreg:$0x0] =	wrdreg $0x60  }
0xb4: {  	[dreg:$0x2] =	wrdreg s17  }
0xb5: {  	[dreg:$0x3] =	wrdreg s24  }
0xb6: {  	[dreg:$0x4] =	wrdreg s16  }
0xb7: {  	[dreg:$0x5] =	wrdreg $0x0  }
0xb8: {  	[dreg:$0x6] =	wrdreg $0x27100  }
0xb9: {  	[dreg:$0x7] =	wrdreg $0x9  }
0xba: {  	_ =	task.clear_ibuf [dreg:s8], $0x8FFFF;
	_ =	strace $0x90000046  }
0xbb: {  	s29 =	simm.s32 $0x9;
	_ =	strace $0x80000048  }
0xbc: {  	_ =	swait.ge [sflag:s29], $0x1  }
0xbd: {  	[sflag:s29] =	ssyncadd.s32 $0xFFFFFFFF  }
0xbe: {  	_ =	strace $0x90000048  }
0xbf: {  	_ =	sfence  }
0xc0: {  	s30 =	sld [smem:$0x0];
	_ =	sdelay $0x2  }
0xc1: {  	s31 =	sshll.u32 s1, $0xD;
	s1 =	sshrl.u32 s1, $0x2  }
0xc2: {  	s3 =	sand.u32 $0x4000, s31;
	s1 =	sadd.s32 s1, s30  }
0xc3: {  	s0 =	sor.u32 s3, s0;
	s1 =	sshll.u32 s1, $0x11  }
0xc4: {  	s0 =	sor.u32 s1, s0  }
0xc5: {  	s0 =	sadd.s32 $0x8F2B, s0  }
0xc6: {  	[sflag:s0] =	ssyncadd.remote.s32 $0x1  }
0xc7: {  	_ =	sfence.sel $0xFFFF  }
0xc8: {  	[dreg:$0x0] =	wrdreg $0xFFFFFFFF;
	(pc) =	sbr.abs _section_cstart, $3  }
0xc9: {  	[dreg:$0x1] =	wrdreg $0xFFFFFFFF  }
0xca: {  	_ =	task.clear_ibuf [dreg:s8], $0x2FFFF;
	_ =	strace $0x9FFFFFFF  }
0xcb: {  	(tm) =	ssettm $0x7FFFFFFF  }
tec
execute0_lowered:
.L_overlay_start_1:
0x0: {  	(tag) =	ssettag $0x1  }
0x1: {  	s1 =	rddreg [dreg:$0x0]  }
0x2: {  	s0 =	rddreg [dreg:$0x1]  }
0x3: {  	s2 =	rddreg [dreg:$0x3]  }
0x4: {  	s3 =	rddreg [dreg:$0x4]  }
0x5: {  	s5 =	simm.s32 $0x0;
	s18 =	stileid.u32;
	s4 =	srdreg.scid  }
0x6: {  	s6 =	simm.s32 $0x4F;
	[smem:$0x7FF] =	sst s5;
	s7 =	sadd.s32 $0x3E00, s0  }
0x7: {  	s8 =	smul.u32 $0x2700, s18;
	s4 =	sand.u32 $0x1, s4;
	p0 =	slt.u32 s18, $0x2  }
0x8: {  	s9 =	sadd.s32 $0x12C00, s0;
	s13 =	sshll.u32 s18, $0x5;
	s6 =	simm.s32 @!p0 $0x4E  }
0x9: {  	_ =	strace $0x80000047;
	s11 =	ssub.s32 $0x2, s4;
	s22 =	sadd.s32 $0xFFFFFFFF, s6  }
0xa: {  	s14 =	sshll.u32 s4, $0x4;
	s24 =	sadd.s32 $0xFFFFFFFE, s6;
	[dreg:$0x6] =	wrdreg s22  }
0xb: {  	s4 =	smul.u32 $0x27100, s4;
	s25 =	sadd.s32 $0xFFFFFFFD, s6;
	[dreg:$0x7] =	wrdreg s24  }
0xc: {  	s12 =	sshrl.u32 s11, $0x1;
	s26 =	sadd.s32 $0xFFFFFFFC, s6;
	[dreg:$0x8] =	wrdreg s25  }
0xd: {  	s15 =	sor.u32 s14, s13;
	s28 =	sadd.s32 $0xFFFFFFFB, s6;
	[dreg:$0x9] =	wrdreg s26  }
0xe: {  	s19 =	sor.u32 $0x200, s15;
	[dreg:$0xa] =	wrdreg s28;
	s28 =	sadd.s32 s8, s2  }
0xf: {  	s11 =	ssub.s32 s11, s12;
	s16 =	sadd.s32 s1, s19;
	[dreg:$0x1b] =	wrdreg s28  }
0x10: {  	s20 =	sor.u32 $0x400, s15;
	s12 =	sadd.s32 s7, s19;
	[dreg:$0xb] =	wrdreg s16  }
0x11: {  	s23 =	sor.u32 $0x600, s15;
	s21 =	sadd.s32 s1, s20;
	[dreg:$0xc] =	wrdreg s12  }
0x12: {  	s29 =	sadd.s32 s8, s4;
	s17 =	sadd.s32 s1, s23;
	[dreg:$0xd] =	wrdreg s21  }
0x13: {  	s31 =	sshrl.u32 s29, $0x3;
	s29 =	sadd.s32 s8, s3;
	[dreg:$0xf] =	wrdreg s17  }
0x14: {  	s4 =	sshrl.u32 s4, $0x3;
	s12 =	sadd.s32 s7, s20;
	[dreg:$0x1c] =	wrdreg s29  }
0x15: {  	s4 =	sadd.s32 $0x4E00, s4;
	s17 =	sadd.s32 s9, s31;
	[dreg:$0xe] =	wrdreg s12  }
0x16: {  	s10 =	sadd.s32 $0x1CA00, s0;
	s9 =	sadd.s32 s9, s4;
	[dreg:$0x10] =	wrdreg s17  }
0x17: {  	p1 =	sne.s32 s18, $0xF;
	s4 =	sadd.s32 s10, s4;
	[dreg:$0x12] =	wrdreg s9  }
0x18: {  	s25 =	sshrl.u32 s8, $0x3;
	s20 =	sadd.s32 s1, s15;
	[dreg:$0x13] =	wrdreg s4  }
0x19: {  	s8 =	simm.s32 @!p1 $0x0;
	s21 =	sadd.s32 s7, s15;
	[dreg:$0x17] =	wrdreg s20  }
0x1a: {  	s8 =	simm.s32 @p1 $0x1;
	[dreg:$0x18] =	wrdreg s21  }
0x1b: {  	s30 =	sadd.s32 $0x12A00, s0;
	s12 =	sadd.s32 s10, s31;
	[smem:$0x7FD] =	sst s8  }
0x1c: {  	s22 =	sor.u32 $0xA00, s15;
	s17 =	sadd.s32 s7, s23;
	[dreg:$0x11] =	wrdreg s12  }
0x1d: {  	s24 =	sadd.s32 s13, s7;
	s23 =	sadd.s32 s1, s22;
	[dreg:$0x14] =	wrdreg s17  }
0x1e: {  	s31 =	smax.u32 s11, $0x1;
	s12 =	sor.u32 $0x800, s15;
	[dreg:$0x19] =	wrdreg s23  }
0x1f: {  	s26 =	sshll.u32 s18, $0x6;
	[dreg:$0x1d] =	wrdreg s31;
	s19 =	sadd.s32 s1, s12  }
0x20: {  	s24 =	sadd.s32 s14, s24;
	s4 =	sadd.s32 s7, s12;
	[dreg:$0x15] =	wrdreg s19  }
0x21: {  	s26 =	sor.u32 $0x1C19, s26;
	s1 =	sadd.s32 s13, s1;
	[dreg:$0x16] =	wrdreg s4  }
0x22: {  	s4 =	sadd.s32 s7, s22;
	s23 =	sadd.s32 s14, s1;
	s1 =	sadd.s32 s25, s0  }
0x23: {  	s0 =	sadd.s32 $0x27000, s2;
	s7 =	simm.s32 $0x0;
	[dreg:$0x1a] =	wrdreg s4  }
0x24: {  	s25 =	sadd.s32 $0xDC00, s1;
	s4 =	sadd.s32 $0x27000, s3;
	s1 =	simm.s32 $0x19  }
.LBB2_1:
0x25: {  	s8 =	rddreg [dreg:$0x1b]  }
0x26: {  	s8 =	sshrl.u32 s8, $0x3  }
0x27: {  	[spmem:s8], [sflag:s26] =	dma.local [hbm:s25], $0x4E0  }
0x28: {  	_ =	swait.ge [sflag:s1], $0x4E0  }
0x29: {  	[sflag:s1] =	ssyncset.done $0x0;
	s9 =	rddreg [dreg:$0x1c]  }
0x2a: {  	[sflag:s1] =	ssyncadd.s32 $0xFFFFFB20;
	s9 =	sshrl.u32 s9, $0x3  }
0x2b: {  	[spmem:s9], [sflag:s26] =	dma.local [hbm:s25], $0x4E0  }
0x2c: {  	_ =	swait.ge [sflag:s1], $0x4E0  }
0x2d: {  	[sflag:s1] =	ssyncset.done $0x0  }
0x2e: {  	s10 =	sshrl.u32 @!p1 s0, $0x3;
	s12 =	simm.s32 @!p1 $0x19;
	[sflag:s1] =	ssyncadd.s32 $0xFFFFFB20  }
0x2f: {  	[spmem:s10], [sflag:s26] =	dma.local @!p1 [hbm:s30], $0x20  }
0x30: {  	_ =	swait.ge @!p1 [sflag:s12], $0x20  }
0x31: {  	[sflag:s12] =	ssyncset.done @!p1 $0x0  }
0x32: {  	s11 =	sshrl.u32 @!p1 s4, $0x3;
	[sflag:s12] =	ssyncadd.s32 @!p1 $0xFFFFFFE0  }
0x33: {  	[spmem:s11], [sflag:s26] =	dma.local @!p1 [hbm:s30], $0x20  }
0x34: {  	_ =	swait.ge @!p1 [sflag:s12], $0x20  }
0x35: {  	[sflag:s12] =	ssyncset.done @!p1 $0x0  }
0x36: {  	[sflag:s12] =	ssyncadd.s32 @!p1 $0xFFFFFFE0  }
0x37: {  	s13 =	simm.s32 $0x4E20;
	s12 =	rddreg [dreg:$0x2]  }
0x38: {  	[tilespmem:s13], [sflag:$0x19] =	stream.linear.gather [hbm4b:s12+s5], $0x800, $0x38;
	[tilespmem:$0x5C20] =	vst v63  }
0x39: {  	_ =	swait.ge [sflag:s1], $0x800  }
0x3a: {  	[sflag:s1] =	ssyncset.done $0x0  }
0x3b: {  	[sflag:s1] =	ssyncadd.s32 $0xFFFFF800  }
0x3c: {  	[bflag:$0x0] =	sbarrier.arrive $0xFFFF  }
0x3d: {  	s28 =	simm.s32 $0x5620;
	s22 =	rddreg [dreg:$0x17]  }
0x3e: {  	[tilespmem:s28], [sflag:$0x1] =	stream.linear.gather [hbm4b:s22+s5], $0x80, $0x38;
	[tilespmem:$0x5C20] =	vst v63  }
0x3f: {  	s31 =	simm.s32 $0x5920;
	s29 =	rddreg [dreg:$0x18]  }
0x40: {  	[tilespmem:s31], [sflag:$0x7] =	stream.linear.gather [hbm4b:s29+s5], $0x80, $0x38;
	[tilespmem:$0x5C20] =	vst v63  }
0x41: {  	s15 =	simm.s32 $0x56A0;
	s14 =	rddreg [dreg:$0xb]  }
0x42: {  	[tilespmem:s15], [sflag:$0x2] =	stream.linear.gather [hbm4b:s14+s5], $0x80, $0x38;
	[tilespmem:$0x5C20] =	vst v63  }
0x43: {  	s17 =	simm.s32 $0x59A0;
	s16 =	rddreg [dreg:$0xc]  }
0x44: {  	[tilespmem:s17], [sflag:$0x8] =	stream.linear.gather [hbm4b:s16+s5], $0x80, $0x38;
	[tilespmem:$0x5C20] =	vst v63  }
0x45: {  	s19 =	simm.s32 $0x5720;
	s18 =	rddreg [dreg:$0xd]  }
0x46: {  	[tilespmem:s19], [sflag:$0x3] =	stream.linear.gather [hbm4b:s18+s5], $0x80, $0x38;
	[tilespmem:$0x5C20] =	vst v63  }
0x47: {  	s21 =	simm.s32 $0x5A20;
	s20 =	rddreg [dreg:$0xe]  }
0x48: {  	[tilespmem:s21], [sflag:$0x9] =	stream.linear.gather [hbm4b:s20+s5], $0x80, $0x38;
	[tilespmem:$0x5C20] =	vst v63  }
0x49: {  	s22 =	rddreg [dreg:$0xf];
	s28 =	simm.s32 $0x57A0  }
0x4a: {  	[tilespmem:s28], [sflag:$0x4] =	stream.linear.gather [hbm4b:s22+s5], $0x80, $0x38;
	[tilespmem:$0x5C20] =	vst v63  }
0x4b: {  	s29 =	rddreg [dreg:$0x14];
	s31 =	simm.s32 $0x5AA0  }
0x4c: {  	[tilespmem:s31], [sflag:$0xA] =	stream.linear.gather [hbm4b:s29+s5], $0x80, $0x38;
	[tilespmem:$0x5C20] =	vst v63  }
0x4d: {  	s14 =	rddreg [dreg:$0x15];
	s15 =	simm.s32 $0x5820  }
0x4e: {  	[tilespmem:s15], [sflag:$0x5] =	stream.linear.gather [hbm4b:s14+s5], $0x80, $0x38;
	[tilespmem:$0x5C20] =	vst v63  }
0x4f: {  	s16 =	rddreg [dreg:$0x16];
	s17 =	simm.s32 $0x5B20  }
0x50: {  	[tilespmem:s17], [sflag:$0xB] =	stream.linear.gather [hbm4b:s16+s5], $0x80, $0x38;
	[tilespmem:$0x5C20] =	vst v63  }
0x51: {  	p5 =	sle.u32 s6, $0x0;
	s18 =	rddreg [dreg:$0x19];
	s19 =	simm.s32 $0x58A0  }
0x52: {  	[tilespmem:s19], [sflag:$0x6] =	stream.linear.gather [hbm4b:s18+s5], $0x80, $0x38;
	[tilespmem:$0x5C20] =	vst v63  }
0x53: {  	s12 =	simm.s32 @!p5 $0x1;
	s20 =	rddreg [dreg:$0x1a];
	s21 =	simm.s32 $0x5BA0  }
0x54: {  	[tilespmem:s21], [sflag:$0xC] =	stream.linear.gather [hbm4b:s20+s5], $0x80, $0x38;
	[tilespmem:$0x5C20] =	vst v63  }
0x55: {  	_ =	swait.ge @!p5 [sflag:s12], $0x80  }
0x56: {  	[sflag:s12] =	ssyncset.done @!p5 $0x0  }
0x57: {  	s13 =	simm.s32 @!p5 $0x7;
	[sflag:s12] =	ssyncadd.s32 @!p5 $0xFFFFFF80  }
0x58: {  	s15 =	simm.s32 @!p5 $0x5620;
	_ =	swait.ge @!p5 [sflag:s13], $0x80  }
0x59: {  	s12 =	simm.s32 @!p5 $0x4E20;
	[sflag:s13] =	ssyncset.done @!p5 $0x0;
	s14 =	rddreg [dreg:$0x6]  }
0x5a: {  	[sflag:s13] =	ssyncadd.s32 @!p5 $0xFFFFFF80;
	s13 =	simm.s32 @!p5 $0x80;
	p1 =	sle.u32 s14, $0x0  }
0x5b: {  	[spmem:s2] =	stream.indirect.scatter.add.f32 @!p5 [tilespmem:s12], [sflag:$0xD], $0x10, s15, s13, $0xb8;
	[tilespmem:$0x5C20] =	vst v63  }
0x5c: {  	s14 =	simm.s32 @!p5 $0x5920;
	s15 =	simm.s32 @!p1 $0x2  }
0x5d: {  	[spmem:s3] =	stream.indirect.scatter.add.f32 @!p5 [tilespmem:s12], [sflag:$0x13], $0x10, s14, s13, $0xb8;
	[tilespmem:$0x5C20] =	vst v63  }
0x5e: {  	_ =	swait.ge @!p1 [sflag:s15], $0x80  }
0x5f: {  	[sflag:s15] =	ssyncset.done @!p1 $0x0  }
0x60: {  	s12 =	simm.s32 @!p1 $0x8;
	[sflag:s15] =	ssyncadd.s32 @!p1 $0xFFFFFF80  }
0x61: {  	_ =	swait.ge @!p1 [sflag:s12], $0x80  }
0x62: {  	s13 =	simm.s32 @!p1 $0x4E20;
	s15 =	simm.s32 @!p1 $0x56A0;
	[sflag:s12] =	ssyncset.done @!p1 $0x0  }
0x63: {  	s22 =	rddreg [dreg:$0x7];
	[sflag:s12] =	ssyncadd.s32 @!p1 $0xFFFFFF80;
	s12 =	simm.s32 @!p1 $0x80  }
0x64: {  	[spmem:s2] =	stream.indirect.scatter.add.f32 @!p1 [tilespmem:s13], [sflag:$0xE], $0x10, s15, s12, $0xb8;
	[tilespmem:$0x5C20] =	vst v63  }
0x65: {  	p0 =	sle.u32 s22, $0x0;
	s15 =	simm.s32 @!p1 $0x59A0  }
0x66: {  	[spmem:s3] =	stream.indirect.scatter.add.f32 @!p1 [tilespmem:s13], [sflag:$0x14], $0x10, s15, s12, $0xb8;
	[tilespmem:$0x5C20] =	vst v63  }
0x67: {  	s12 =	simm.s32 @!p0 $0x3  }
0x68: {  	_ =	swait.ge @!p0 [sflag:s12], $0x80  }
0x69: {  	[sflag:s12] =	ssyncset.done @!p0 $0x0  }
0x6a: {  	[sflag:s12] =	ssyncadd.s32 @!p0 $0xFFFFFF80;
	s12 =	simm.s32 @!p0 $0x9  }
0x6b: {  	_ =	swait.ge @!p0 [sflag:s12], $0x80  }
0x6c: {  	s13 =	simm.s32 @!p0 $0x4E20;
	s15 =	simm.s32 @!p0 $0x5720;
	[sflag:s12] =	ssyncset.done @!p0 $0x0  }
0x6d: {  	s28 =	rddreg [dreg:$0x8];
	[sflag:s12] =	ssyncadd.s32 @!p0 $0xFFFFFF80;
	s12 =	simm.s32 @!p0 $0x80  }
0x6e: {  	[spmem:s2] =	stream.indirect.scatter.add.f32 @!p0 [tilespmem:s13], [sflag:$0xF], $0x10, s15, s12, $0xb8;
	[tilespmem:$0x5C20] =	vst v63  }
0x6f: {  	p3 =	sle.u32 s28, $0x0;
	s15 =	simm.s32 @!p0 $0x5A20  }
0x70: {  	[spmem:s3] =	stream.indirect.scatter.add.f32 @!p0 [tilespmem:s13], [sflag:$0x15], $0x10, s15, s12, $0xb8;
	[tilespmem:$0x5C20] =	vst v63  }
0x71: {  	s12 =	simm.s32 @!p3 $0x4  }
0x72: {  	_ =	swait.ge @!p3 [sflag:s12], $0x80  }
0x73: {  	[sflag:s12] =	ssyncset.done @!p3 $0x0  }
0x74: {  	[sflag:s12] =	ssyncadd.s32 @!p3 $0xFFFFFF80;
	s12 =	simm.s32 @!p3 $0xA  }
0x75: {  	_ =	swait.ge @!p3 [sflag:s12], $0x80  }
0x76: {  	s13 =	simm.s32 @!p3 $0x4E20;
	s15 =	simm.s32 @!p3 $0x57A0;
	[sflag:s12] =	ssyncset.done @!p3 $0x0  }
0x77: {  	s29 =	rddreg [dreg:$0x9];
	[sflag:s12] =	ssyncadd.s32 @!p3 $0xFFFFFF80;
	s12 =	simm.s32 @!p3 $0x80  }
0x78: {  	[spmem:s2] =	stream.indirect.scatter.add.f32 @!p3 [tilespmem:s13], [sflag:$0x10], $0x10, s15, s12, $0xb8;
	[tilespmem:$0x5C20] =	vst v63  }
0x79: {  	p2 =	sle.u32 s29, $0x0;
	s15 =	simm.s32 @!p3 $0x5AA0  }
0x7a: {  	[spmem:s3] =	stream.indirect.scatter.add.f32 @!p3 [tilespmem:s13], [sflag:$0x16], $0x10, s15, s12, $0xb8;
	[tilespmem:$0x5C20] =	vst v63  }
0x7b: {  	s12 =	simm.s32 @!p2 $0x5  }
0x7c: {  	_ =	swait.ge @!p2 [sflag:s12], $0x80  }
0x7d: {  	[sflag:s12] =	ssyncset.done @!p2 $0x0  }
0x7e: {  	[sflag:s12] =	ssyncadd.s32 @!p2 $0xFFFFFF80;
	s12 =	simm.s32 @!p2 $0xB  }
0x7f: {  	s16 =	simm.s32 @!p2 $0x80;
	_ =	swait.ge @!p2 [sflag:s12], $0x80  }
0x80: {  	s13 =	simm.s32 @!p2 $0x4E20;
	[sflag:s12] =	ssyncset.done @!p2 $0x0;
	s31 =	rddreg [dreg:$0xa]  }
0x81: {  	s15 =	simm.s32 @!p2 $0x5820;
	[sflag:s12] =	ssyncadd.s32 @!p2 $0xFFFFFF80;
	p6 =	sle.u32 s31, $0x0  }
0x82: {  	[spmem:s2] =	stream.indirect.scatter.add.f32 @!p2 [tilespmem:s13], [sflag:$0x11], $0x10, s15, s16, $0xb8;
	[tilespmem:$0x5C20] =	vst v63  }
0x83: {  	s12 =	simm.s32 @!p2 $0x5B20;
	s14 =	simm.s32 @!p6 $0x6  }
0x84: {  	[spmem:s3] =	stream.indirect.scatter.add.f32 @!p2 [tilespmem:s13], [sflag:$0x17], $0x10, s12, s16, $0xb8;
	[tilespmem:$0x5C20] =	vst v63  }
0x85: {  	_ =	swait.ge @!p6 [sflag:s14], $0x80  }
0x86: {  	[sflag:s14] =	ssyncset.done @!p6 $0x0  }
0x87: {  	s12 =	simm.s32 @!p6 $0xC;
	[sflag:s14] =	ssyncadd.s32 @!p6 $0xFFFFFF80  }
0x88: {  	_ =	swait.ge @!p6 [sflag:s12], $0x80  }
0x89: {  	s13 =	simm.s32 @!p6 $0x4E20;
	[sflag:s12] =	ssyncset.done @!p6 $0x0  }
0x8a: {  	s14 =	simm.s32 @!p6 $0x58A0;
	[sflag:s12] =	ssyncadd.s32 @!p6 $0xFFFFFF80;
	s12 =	simm.s32 @!p6 $0x80  }
0x8b: {  	[spmem:s2] =	stream.indirect.scatter.add.f32 @!p6 [tilespmem:s13], [sflag:$0x12], $0x10, s14, s12, $0xb8;
	[tilespmem:$0x5C20] =	vst v63  }
0x8c: {  	s15 =	simm.s32 @!p5 $0xD;
	s14 =	simm.s32 @!p6 $0x5BA0  }
0x8d: {  	[spmem:s3] =	stream.indirect.scatter.add.f32 @!p6 [tilespmem:s13], [sflag:$0x18], $0x10, s14, s12, $0xb8;
	[tilespmem:$0x5C20] =	vst v63  }
0x8e: {  	_ =	swait.ge @!p5 [sflag:s15], $0x800  }
0x8f: {  	[sflag:s15] =	ssyncset.done @!p5 $0x0  }
0x90: {  	p4 =	sle.u32 s6, $0x6;
	s12 =	simm.s32 @!p5 $0x13;
	[sflag:s15] =	ssyncadd.s32 @!p5 $0xFFFFF800  }
0x91: {  	s13 =	sadd.s32 @!p4 $0x0, s23;
	_ =	swait.ge @!p5 [sflag:s12], $0x800  }
0x92: {  	s14 =	simm.s32 @!p4 $0x0;
	s15 =	simm.s32 @!p4 $0x5620;
	[sflag:s12] =	ssyncset.done @!p5 $0x0  }
0x93: {  	[sflag:s12] =	ssyncadd.s32 @!p5 $0xFFFFF800;
	s12 =	sadd.s32 @!p4 $0xC00, s13;
	s13 =	sadd.s32 @!p4 $0x0, s24  }
0x94: {  	[tilespmem:s15], [sflag:$0x1] =	stream.linear.gather @!p4 [hbm4b:s12+s14], $0x80, $0x38;
	[tilespmem:$0x5C20] =	vst v63  }
0x95: {  	s12 =	sadd.s32 @!p4 $0xC00, s13;
	s13 =	simm.s32 @!p4 $0x5920;
	s15 =	simm.s32 @!p1 $0xE  }
0x96: {  	[tilespmem:s13], [sflag:$0x7] =	stream.linear.gather @!p4 [hbm4b:s12+s14], $0x80, $0x38;
	[tilespmem:$0x5C20] =	vst v63  }
0x97: {  	_ =	swait.ge @!p1 [sflag:s15], $0x800  }
0x98: {  	[sflag:s15] =	ssyncset.done @!p1 $0x0  }
0x99: {  	s12 =	simm.s32 @!p1 $0x14;
	p4 =	sle.u32 s6, $0x7;
	[sflag:s15] =	ssyncadd.s32 @!p1 $0xFFFFF800  }
0x9a: {  	s13 =	sadd.s32 @!p4 $0x0, s23;
	_ =	swait.ge @!p1 [sflag:s12], $0x800  }
0x9b: {  	s14 =	simm.s32 @!p4 $0x56A0;
	s13 =	sadd.s32 @!p4 $0xE00, s13;
	[sflag:s12] =	ssyncset.done @!p1 $0x0  }
0x9c: {  	s15 =	simm.s32 @!p4 $0x0;
	[sflag:s12] =	ssyncadd.s32 @!p1 $0xFFFFF800;
	s12 =	sadd.s32 @!p4 $0x0, s24  }
0x9d: {  	[tilespmem:s14], [sflag:$0x2] =	stream.linear.gather @!p4 [hbm4b:s13+s15], $0x80, $0x38;
	[tilespmem:$0x5C20] =	vst v63  }
0x9e: {  	s12 =	sadd.s32 @!p4 $0xE00, s12;
	s13 =	simm.s32 @!p4 $0x59A0;
	s14 =	simm.s32 @!p0 $0xF  }
0x9f: {  	[tilespmem:s13], [sflag:$0x8] =	stream.linear.gather @!p4 [hbm4b:s12+s15], $0x80, $0x38;
	[tilespmem:$0x5C20] =	vst v63  }
0xa0: {  	_ =	swait.ge @!p0 [sflag:s14], $0x800  }
0xa1: {  	[sflag:s14] =	ssyncset.done @!p0 $0x0  }
0xa2: {  	p1 =	sle.u32 s6, $0x8;
	s12 =	simm.s32 @!p0 $0x15;
	[sflag:s14] =	ssyncadd.s32 @!p0 $0xFFFFF800  }
0xa3: {  	s21 =	simm.s32 @!p3 $0x16;
	s13 =	sadd.s32 @!p1 $0x0, s23;
	_ =	swait.ge @!p0 [sflag:s12], $0x800  }
0xa4: {  	s15 =	simm.s32 @!p1 $0x5720;
	s14 =	simm.s32 @!p1 $0x0;
	[sflag:s12] =	ssyncset.done @!p0 $0x0  }
0xa5: {  	[sflag:s12] =	ssyncadd.s32 @!p0 $0xFFFFF800;
	s12 =	sadd.s32 @!p1 $0x1000, s13;
	s13 =	sadd.s32 @!p1 $0x0, s24  }
0xa6: {  	[tilespmem:s15], [sflag:$0x3] =	stream.linear.gather @!p1 [hbm4b:s12+s14], $0x80, $0x38;
	[tilespmem:$0x5C20] =	vst v63  }
0xa7: {  	s20 =	simm.s32 @!p2 $0x11;
	p0 =	sle.u32 s6, $0x9;
	s12 =	sadd.s32 @!p1 $0x1000, s13  }
0xa8: {  	s13 =	simm.s32 @!p1 $0x5A20;
	s15 =	simm.s32 @!p3 $0x10;
	s16 =	sadd.s32 @!p0 $0x0, s24  }
0xa9: {  	s19 =	simm.s32 @!p0 $0x5AA0;
	s17 =	sadd.s32 @!p0 $0x1200, s16;
	s16 =	simm.s32 @!p2 $0x17  }
0xaa: {  	[tilespmem:s13], [sflag:$0x9] =	stream.linear.gather @!p1 [hbm4b:s12+s14], $0x80, $0x38;
	[tilespmem:$0x5C20] =	vst v63  }
0xab: {  	s13 =	simm.s32 $0xC00;
	s12 =	sadd.s32 @!p0 $0x0, s23;
	_ =	swait.ge @!p3 [sflag:s15], $0x800  }
0xac: {  	s14 =	simm.s32 $0x6;
	s18 =	sadd.s32 @!p0 $0x1200, s12;
	[sflag:s15] =	ssyncset.done @!p3 $0x0  }
0xad: {  	s12 =	simm.s32 $0x0;
	[sflag:s15] =	ssyncadd.s32 @!p3 $0xFFFFF800;
	s15 =	simm.s32 $0x0  }
.LBB2_2:
0xae: {  	_ =	swait.ge @!p3 [sflag:s21], $0x800  }
0xaf: {  	[sflag:s21] =	ssyncset.done @!p3 $0x0  }
0xb0: {  	s29 =	simm.s32 @!p0 $0x57A0;
	[sflag:s21] =	ssyncadd.s32 @!p3 $0xFFFFF800;
	s21 =	simm.s32 @!p0 $0x0  }
0xb1: {  	[tilespmem:s29], [sflag:$0x4] =	stream.linear.gather @!p0 [hbm4b:s18+s21], $0x80, $0x38;
	[tilespmem:$0x5C20] =	vst v63  }
0xb2: {  	s28 =	smov.u32 s13;
	s13 =	sadd.s32 $0xC00, s13  }
0xb3: {  	[tilespmem:s19], [sflag:$0xA] =	stream.linear.gather @!p0 [hbm4b:s17+s21], $0x80, $0x38;
	[tilespmem:$0x5C20] =	vst v63  }
0xb4: {  	p0 =	sne.s32 s13, $0xA800  }
0xb5: {  	s17 =	simm.s32 @!p0 $0x0  }
0xb6: {  	s17 =	simm.s32 @p0 $0x1  }
0xb7: {  	[smem:$0x7FC] =	sst s17  }
0xb8: {  	_ =	swait.ge @!p2 [sflag:s20], $0x800  }
0xb9: {  	s22 =	sadd.s32 $0xA, s15;
	[sflag:s20] =	ssyncset.done @!p2 $0x0  }
0xba: {  	p1 =	sge.u32 s22, s6;
	[sflag:s20] =	ssyncadd.s32 @!p2 $0xFFFFF800  }
0xbb: {  	s31 =	sadd.s32 $0xB, s15;
	s22 =	sadd.s32 @!p1 s12, s23;
	_ =	swait.ge @!p2 [sflag:s16], $0x800  }
0xbc: {  	s18 =	sadd.s32 @!p1 $0x1400, s22;
	s22 =	simm.s32 @!p1 $0x0;
	[sflag:s16] =	ssyncset.done @!p2 $0x0  }
0xbd: {  	s29 =	sadd.s32 @!p1 s12, s24;
	s21 =	simm.s32 @!p1 $0x5820;
	[sflag:s16] =	ssyncadd.s32 @!p2 $0xFFFFF800  }
0xbe: {  	[tilespmem:s21], [sflag:$0x5] =	stream.linear.gather @!p1 [hbm4b:s18+s22], $0x80, $0x38;
	[tilespmem:$0x5C20] =	vst v63  }
0xbf: {  	s15 =	simm.s32 @!p6 $0x12;
	s19 =	simm.s32 @!p1 $0x5B20;
	s17 =	sadd.s32 @!p1 $0x1400, s29  }
0xc0: {  	[tilespmem:s19], [sflag:$0xB] =	stream.linear.gather @!p1 [hbm4b:s17+s22], $0x80, $0x38;
	[tilespmem:$0x5C20] =	vst v63  }
0xc1: {  	_ =	swait.ge @!p6 [sflag:s15], $0x800  }
0xc2: {  	[sflag:s15] =	ssyncset.done @!p6 $0x0  }
0xc3: {  	p0 =	sge.u32 s31, s6;
	s20 =	simm.s32 @!p6 $0x18;
	[sflag:s15] =	ssyncadd.s32 @!p6 $0xFFFFF800  }
0xc4: {  	p5 =	sge.u32 s14, s6;
	s16 =	sadd.s32 @!p0 s12, s23;
	_ =	swait.ge @!p6 [sflag:s20], $0x800  }
0xc5: {  	s12 =	sadd.s32 @!p0 s12, s24;
	s18 =	simm.s32 @!p0 $0x0;
	[sflag:s20] =	ssyncset.done @!p6 $0x0  }
0xc6: {  	s21 =	simm.s32 @!p0 $0x58A0;
	s16 =	sadd.s32 @!p0 $0x1600, s16;
	[sflag:s20] =	ssyncadd.s32 @!p6 $0xFFFFF800  }
0xc7: {  	[tilespmem:s21], [sflag:$0x6] =	stream.linear.gather @!p0 [hbm4b:s16+s18], $0x80, $0x38;
	[tilespmem:$0x5C20] =	vst v63  }
0xc8: {  	s17 =	sadd.s32 @!p0 $0x1600, s12;
	s19 =	simm.s32 @!p0 $0x5BA0;
	s16 =	simm.s32 @!p5 $0x1  }
0xc9: {  	[tilespmem:s19], [sflag:$0xC] =	stream.linear.gather @!p0 [hbm4b:s17+s18], $0x80, $0x38;
	[tilespmem:$0x5C20] =	vst v63  }
0xca: {  	_ =	swait.ge @!p5 [sflag:s16], $0x80  }
0xcb: {  	[sflag:s16] =	ssyncset.done @!p5 $0x0  }
0xcc: {  	s29 =	simm.s32 @!p5 $0x7;
	[sflag:s16] =	ssyncadd.s32 @!p5 $0xFFFFFF80  }
0xcd: {  	s31 =	simm.s32 @!p5 $0x4E20;
	_ =	swait.ge @!p5 [sflag:s29], $0x80  }
0xce: {  	s17 =	simm.s32 @!p5 $0x80;
	[sflag:s29] =	ssyncset.done @!p5 $0x0;
	s21 =	rddreg [dreg:$0x6]  }
0xcf: {  	s18 =	simm.s32 @!p5 $0x5620;
	[sflag:s29] =	ssyncadd.s32 @!p5 $0xFFFFFF80;
	p0 =	sge.u32 s14, s21  }
0xd0: {  	[spmem:s2] =	stream.indirect.scatter.add.f32 @!p5 [tilespmem:s31], [sflag:$0xD], $0x10, s18, s17, $0xb8;
	[tilespmem:$0x5C20] =	vst v63  }
0xd1: {  	s16 =	simm.s32 @!p5 $0x5920;
	s18 =	simm.s32 @!p0 $0x2  }
0xd2: {  	[spmem:s3] =	stream.indirect.scatter.add.f32 @!p5 [tilespmem:s31], [sflag:$0x13], $0x10, s16, s17, $0xb8;
	[tilespmem:$0x5C20] =	vst v63  }
0xd3: {  	_ =	swait.ge @!p0 [sflag:s18], $0x80  }
0xd4: {  	[sflag:s18] =	ssyncset.done @!p0 $0x0  }
0xd5: {  	s16 =	simm.s32 @!p0 $0x8;
	[sflag:s18] =	ssyncadd.s32 @!p0 $0xFFFFFF80  }
0xd6: {  	_ =	swait.ge @!p0 [sflag:s16], $0x80  }
0xd7: {  	s19 =	simm.s32 @!p0 $0x56A0;
	s17 =	simm.s32 @!p0 $0x4E20;
	[sflag:s16] =	ssyncset.done @!p0 $0x0  }
0xd8: {  	s22 =	rddreg [dreg:$0x7];
	[sflag:s16] =	ssyncadd.s32 @!p0 $0xFFFFFF80;
	s16 =	simm.s32 @!p0 $0x80  }
0xd9: {  	[spmem:s2] =	stream.indirect.scatter.add.f32 @!p0 [tilespmem:s17], [sflag:$0xE], $0x10, s19, s16, $0xb8;
	[tilespmem:$0x5C20] =	vst v63  }
0xda: {  	p2 =	sge.u32 s14, s22;
	s19 =	simm.s32 @!p0 $0x59A0  }
0xdb: {  	[spmem:s3] =	stream.indirect.scatter.add.f32 @!p0 [tilespmem:s17], [sflag:$0x14], $0x10, s19, s16, $0xb8;
	[tilespmem:$0x5C20] =	vst v63  }
0xdc: {  	s16 =	simm.s32 @!p2 $0x3  }
0xdd: {  	_ =	swait.ge @!p2 [sflag:s16], $0x80  }
0xde: {  	[sflag:s16] =	ssyncset.done @!p2 $0x0  }
0xdf: {  	[sflag:s16] =	ssyncadd.s32 @!p2 $0xFFFFFF80;
	s16 =	simm.s32 @!p2 $0x9  }
0xe0: {  	s12 =	smov.u32 s28;
	s17 =	simm.s32 @!p2 $0x4E20;
	_ =	swait.ge @!p2 [sflag:s16], $0x80  }
0xe1: {  	s19 =	simm.s32 @!p2 $0x5720;
	[sflag:s16] =	ssyncset.done @!p2 $0x0;
	s28 =	rddreg [dreg:$0x8]  }
0xe2: {  	[sflag:s16] =	ssyncadd.s32 @!p2 $0xFFFFFF80;
	s16 =	simm.s32 @!p2 $0x80;
	p1 =	sge.u32 s14, s28  }
0xe3: {  	[spmem:s2] =	stream.indirect.scatter.add.f32 @!p2 [tilespmem:s17], [sflag:$0xF], $0x10, s19, s16, $0xb8;
	[tilespmem:$0x5C20] =	vst v63  }
0xe4: {  	s18 =	simm.s32 @!p1 $0x0  }
0xe5: {  	s19 =	simm.s32 @!p2 $0x5A20;
	s18 =	simm.s32 @p1 $0x1  }
0xe6: {  	[spmem:s3] =	stream.indirect.scatter.add.f32 @!p2 [tilespmem:s17], [sflag:$0x15], $0x10, s19, s16, $0xb8;
	[tilespmem:$0x5C20] =	vst v63  }
0xe7: {  	[smem:$0x7FB] =	sst s18;
	s16 =	simm.s32 @!p1 $0x4  }
0xe8: {  	_ =	swait.ge @!p1 [sflag:s16], $0x80  }
0xe9: {  	[sflag:s16] =	ssyncset.done @!p1 $0x0  }
0xea: {  	[sflag:s16] =	ssyncadd.s32 @!p1 $0xFFFFFF80;
	s16 =	simm.s32 @!p1 $0xA  }
0xeb: {  	_ =	swait.ge @!p1 [sflag:s16], $0x80  }
0xec: {  	s17 =	simm.s32 @!p1 $0x4E20;
	s19 =	simm.s32 @!p1 $0x57A0;
	[sflag:s16] =	ssyncset.done @!p1 $0x0  }
0xed: {  	s29 =	rddreg [dreg:$0x9];
	[sflag:s16] =	ssyncadd.s32 @!p1 $0xFFFFFF80;
	s16 =	simm.s32 @!p1 $0x80  }
0xee: {  	[spmem:s2] =	stream.indirect.scatter.add.f32 @!p1 [tilespmem:s17], [sflag:$0x10], $0x10, s19, s16, $0xb8;
	[tilespmem:$0x5C20] =	vst v63  }
0xef: {  	p3 =	sge.u32 s14, s29;
	s19 =	simm.s32 @!p1 $0x5AA0  }
0xf0: {  	[spmem:s3] =	stream.indirect.scatter.add.f32 @!p1 [tilespmem:s17], [sflag:$0x16], $0x10, s19, s16, $0xb8;
	[tilespmem:$0x5C20] =	vst v63  }
0xf1: {  	s16 =	simm.s32 @!p3 $0x5  }
0xf2: {  	_ =	swait.ge @!p3 [sflag:s16], $0x80  }
0xf3: {  	[sflag:s16] =	ssyncset.done @!p3 $0x0  }
0xf4: {  	[sflag:s16] =	ssyncadd.s32 @!p3 $0xFFFFFF80;
	s16 =	simm.s32 @!p3 $0xB  }
0xf5: {  	s15 =	smov.u32 s14;
	s18 =	simm.s32 @!p3 $0x5820;
	_ =	swait.ge @!p3 [sflag:s16], $0x80  }
0xf6: {  	s17 =	simm.s32 @!p3 $0x4E20;
	[sflag:s16] =	ssyncset.done @!p3 $0x0;
	s31 =	rddreg [dreg:$0xa]  }
0xf7: {  	s19 =	simm.s32 @!p3 $0x80;
	[sflag:s16] =	ssyncadd.s32 @!p3 $0xFFFFFF80;
	p6 =	sge.u32 s15, s31  }
0xf8: {  	[spmem:s2] =	stream.indirect.scatter.add.f32 @!p3 [tilespmem:s17], [sflag:$0x11], $0x10, s18, s19, $0xb8;
	[tilespmem:$0x5C20] =	vst v63  }
0xf9: {  	s18 =	simm.s32 @!p3 $0x5B20;
	s20 =	simm.s32 @!p6 $0x6  }
0xfa: {  	[spmem:s3] =	stream.indirect.scatter.add.f32 @!p3 [tilespmem:s17], [sflag:$0x17], $0x10, s18, s19, $0xb8;
	[tilespmem:$0x5C20] =	vst v63  }
0xfb: {  	_ =	swait.ge @!p6 [sflag:s20], $0x80  }
0xfc: {  	s14 =	sadd.s32 $0x6, s14;
	[sflag:s20] =	ssyncset.done @!p6 $0x0  }
0xfd: {  	p1 =	sge.u32 s14, s6;
	s19 =	simm.s32 @!p6 $0xC;
	[sflag:s20] =	ssyncadd.s32 @!p6 $0xFFFFFF80  }
0xfe: {  	s21 =	sadd.s32 @!p1 s12, s23;
	_ =	swait.ge @!p6 [sflag:s19], $0x80  }
0xff: {  	s17 =	sadd.s32 @!p1 $0xC00, s21;
	s21 =	simm.s32 @!p6 $0x58A0;
	[sflag:s19] =	ssyncset.done @!p6 $0x0  }
0x100: {  	s20 =	simm.s32 @!p6 $0x4E20;
	[sflag:s19] =	ssyncadd.s32 @!p6 $0xFFFFFF80;
	s19 =	simm.s32 @!p6 $0x80  }
0x101: {  	[spmem:s2] =	stream.indirect.scatter.add.f32 @!p6 [tilespmem:s20], [sflag:$0x12], $0x10, s21, s19, $0xb8;
	[tilespmem:$0x5C20] =	vst v63  }
0x102: {  	s22 =	simm.s32 @!p5 $0xD;
	s21 =	simm.s32 @!p6 $0x5BA0  }
0x103: {  	[spmem:s3] =	stream.indirect.scatter.add.f32 @!p6 [tilespmem:s20], [sflag:$0x18], $0x10, s21, s19, $0xb8;
	[tilespmem:$0x5C20] =	vst v63  }
0x104: {  	_ =	swait.ge @!p5 [sflag:s22], $0x800  }
0x105: {  	[sflag:s22] =	ssyncset.done @!p5 $0x0  }
0x106: {  	s16 =	simm.s32 @!p5 $0x13;
	[sflag:s22] =	ssyncadd.s32 @!p5 $0xFFFFF800  }
0x107: {  	s18 =	sadd.s32 @!p1 s12, s24;
	_ =	swait.ge @!p5 [sflag:s16], $0x800  }
0x108: {  	s18 =	sadd.s32 @!p1 $0xC00, s18;
	[sflag:s16] =	ssyncset.done @!p5 $0x0  }
0x109: {  	s20 =	simm.s32 @!p1 $0x5620;
	[sflag:s16] =	ssyncadd.s32 @!p5 $0xFFFFF800;
	s16 =	simm.s32 @!p1 $0x0  }
0x10a: {  	[tilespmem:s20], [sflag:$0x1] =	stream.linear.gather @!p1 [hbm4b:s17+s16], $0x80, $0x38;
	[tilespmem:$0x5C20] =	vst v63  }
0x10b: {  	s21 =	sadd.s32 $0x7, s15;
	s17 =	simm.s32 @!p1 $0x5920;
	s20 =	simm.s32 @!p0 $0xE  }
0x10c: {  	[tilespmem:s17], [sflag:$0x7] =	stream.linear.gather @!p1 [hbm4b:s18+s16], $0x80, $0x38;
	[tilespmem:$0x5C20] =	vst v63  }
0x10d: {  	p4 =	sge.u32 s21, s6;
	_ =	swait.ge @!p0 [sflag:s20], $0x800  }
0x10e: {  	s19 =	sadd.s32 @!p4 s12, s24;
	s22 =	sadd.s32 $0x8, s15;
	[sflag:s20] =	ssyncset.done @!p0 $0x0  }
0x10f: {  	p1 =	sge.u32 s22, s6;
	s16 =	simm.s32 @!p0 $0x14;
	[sflag:s20] =	ssyncadd.s32 @!p0 $0xFFFFF800  }
0x110: {  	s17 =	simm.s32 @!p4 $0x56A0;
	s18 =	sadd.s32 @!p1 s12, s23;
	_ =	swait.ge @!p0 [sflag:s16], $0x800  }
0x111: {  	s21 =	sadd.s32 @!p1 $0x1000, s18;
	s18 =	sadd.s32 @!p4 s12, s23;
	[sflag:s16] =	ssyncset.done @!p0 $0x0  }
0x112: {  	s20 =	simm.s32 @!p4 $0x0;
	[sflag:s16] =	ssyncadd.s32 @!p0 $0xFFFFF800;
	s16 =	sadd.s32 @!p4 $0xE00, s18  }
0x113: {  	[tilespmem:s17], [sflag:$0x2] =	stream.linear.gather @!p4 [hbm4b:s16+s20], $0x80, $0x38;
	[tilespmem:$0x5C20] =	vst v63  }
0x114: {  	s19 =	sadd.s32 @!p4 $0xE00, s19;
	s16 =	simm.s32 @!p4 $0x59A0;
	s17 =	simm.s32 @!p2 $0xF  }
0x115: {  	[tilespmem:s16], [sflag:$0x8] =	stream.linear.gather @!p4 [hbm4b:s19+s20], $0x80, $0x38;
	[tilespmem:$0x5C20] =	vst v63  }
0x116: {  	_ =	swait.ge @!p2 [sflag:s17], $0x800  }
0x117: {  	s28 =	sadd.s32 $0x9, s15;
	[sflag:s17] =	ssyncset.done @!p2 $0x0  }
0x118: {  	p0 =	sge.u32 s28, s6;
	s20 =	simm.s32 @!p2 $0x15;
	[sflag:s17] =	ssyncadd.s32 @!p2 $0xFFFFF800  }
0x119: {  	s16 =	sadd.s32 @!p0 s12, s23;
	_ =	swait.ge @!p2 [sflag:s20], $0x800  }
0x11a: {  	s18 =	sadd.s32 @!p0 $0x1200, s16;
	[sflag:s20] =	ssyncset.done @!p2 $0x0;
	s29 =	sld [smem:$0x7FB]  }
0x11b: {  	s16 =	simm.s32 @!p1 $0x0;
	[sflag:s20] =	ssyncadd.s32 @!p2 $0xFFFFF800;
	s20 =	simm.s32 @!p1 $0x5720  }
0x11c: {  	[tilespmem:s20], [sflag:$0x3] =	stream.linear.gather @!p1 [hbm4b:s21+s16], $0x80, $0x38;
	[tilespmem:$0x5C20] =	vst v63  }
0x11d: {  	s22 =	sadd.s32 @!p1 s12, s24;
	p2 =	por p3, p3;
	p3 =	seq.s32 s29, $0x1  }
0x11e: {  	s22 =	sadd.s32 @!p1 $0x1000, s22;
	s20 =	simm.s32 @!p1 $0x5A20;
	s28 =	simm.s32 @!p3 $0x10  }
0x11f: {  	[tilespmem:s20], [sflag:$0x9] =	stream.linear.gather @!p1 [hbm4b:s22+s16], $0x80, $0x38;
	[tilespmem:$0x5C20] =	vst v63  }
0x120: {  	_ =	swait.ge @!p3 [sflag:s28], $0x800  }
0x121: {  	s31 =	sld [smem:$0x7FC];
	_ =	sdelay $0x2  }
0x122: {  	p1 =	seq.s32 s31, $0x1  }
.Ltmp0:
0x123: {  	_ = 	snop;
	(pc) =	sbr.rel @p1 .LBB2_2-.Ltmp0, $4  }
0x124: {  	_ = 	snop  }
0x125: {  	s19 =	simm.s32 @!p0 $0x5AA0;
	s17 =	sadd.s32 @!p0 s12, s24  }
0x126: {  	s17 =	sadd.s32 @!p0 $0x1200, s17;
	s21 =	simm.s32 @!p3 $0x16;
	[sflag:s28] =	ssyncset.done @!p3 $0x0  }
0x127: {  	s20 =	simm.s32 @!p2 $0x11;
	s16 =	simm.s32 @!p2 $0x17;
	[sflag:s28] =	ssyncadd.s32 @!p3 $0xFFFFF800  }
0x128: {  	_ =	swait.ge @!p3 [sflag:s21], $0x800  }
0x129: {  	[sflag:s21] =	ssyncset.done @!p3 $0x0  }
0x12a: {  	s13 =	simm.s32 @!p0 $0x57A0;
	s14 =	simm.s32 @!p0 $0x0;
	[sflag:s21] =	ssyncadd.s32 @!p3 $0xFFFFF800  }
0x12b: {  	[tilespmem:s13], [sflag:$0x4] =	stream.linear.gather @!p0 [hbm4b:s18+s14], $0x80, $0x38;
	[tilespmem:$0x5C20] =	vst v63  }
0x12c: {  	_ = 	snop  }
0x12d: {  	[tilespmem:s19], [sflag:$0xA] =	stream.linear.gather @!p0 [hbm4b:s17+s14], $0x80, $0x38;
	[tilespmem:$0x5C20] =	vst v63  }
0x12e: {  	_ =	swait.ge @!p2 [sflag:s20], $0x800  }
0x12f: {  	s19 =	sadd.s32 $0xA, s15;
	[sflag:s20] =	ssyncset.done @!p2 $0x0  }
0x130: {  	p0 =	sge.u32 s19, s6;
	[sflag:s20] =	ssyncadd.s32 @!p2 $0xFFFFF800  }
0x131: {  	s13 =	sadd.s32 @!p0 s12, s23;
	_ =	swait.ge @!p2 [sflag:s16], $0x800  }
0x132: {  	s14 =	simm.s32 @!p0 $0x0;
	s17 =	sadd.s32 @!p0 s12, s24;
	[sflag:s16] =	ssyncset.done @!p2 $0x0  }
0x133: {  	s18 =	simm.s32 @!p0 $0x5820;
	s13 =	sadd.s32 @!p0 $0x1400, s13;
	[sflag:s16] =	ssyncadd.s32 @!p2 $0xFFFFF800  }
0x134: {  	[tilespmem:s18], [sflag:$0x5] =	stream.linear.gather @!p0 [hbm4b:s13+s14], $0x80, $0x38;
	[tilespmem:$0x5C20] =	vst v63  }
0x135: {  	s16 =	simm.s32 @!p0 $0x5B20;
	s13 =	sadd.s32 @!p0 $0x1400, s17;
	s17 =	simm.s32 @!p6 $0x12  }
0x136: {  	[tilespmem:s16], [sflag:$0xB] =	stream.linear.gather @!p0 [hbm4b:s13+s14], $0x80, $0x38;
	[tilespmem:$0x5C20] =	vst v63  }
0x137: {  	_ =	swait.ge @!p6 [sflag:s17], $0x800  }
0x138: {  	s21 =	sadd.s32 $0xB, s15;
	[sflag:s17] =	ssyncset.done @!p6 $0x0  }
0x139: {  	s14 =	simm.s32 @!p6 $0x18;
	p0 =	sge.u32 s21, s6;
	[sflag:s17] =	ssyncadd.s32 @!p6 $0xFFFFF800  }
0x13a: {  	s13 =	sadd.s32 @!p0 s12, s23;
	_ =	swait.ge @!p6 [sflag:s14], $0x800  }
0x13b: {  	s15 =	simm.s32 @!p0 $0x0;
	s16 =	simm.s32 @!p0 $0x58A0;
	[sflag:s14] =	ssyncset.done @!p6 $0x0  }
0x13c: {  	s12 =	sadd.s32 @!p0 s12, s24;
	s13 =	sadd.s32 @!p0 $0x1600, s13;
	[sflag:s14] =	ssyncadd.s32 @!p6 $0xFFFFF800  }
0x13d: {  	[tilespmem:s16], [sflag:$0x6] =	stream.linear.gather @!p0 [hbm4b:s13+s15], $0x80, $0x38;
	[tilespmem:$0x5C20] =	vst v63  }
0x13e: {  	s12 =	sadd.s32 @!p0 $0x1600, s12;
	s13 =	simm.s32 @!p0 $0x5BA0  }
0x13f: {  	[tilespmem:s13], [sflag:$0xC] =	stream.linear.gather @!p0 [hbm4b:s12+s15], $0x80, $0x38;
	[tilespmem:$0x5C20] =	vst v63  }
0x140: {  	[bflag:$0x0] =	sbarrier.arrive $0xFFFF  }
0x141: {  	s22 =	rddreg [dreg:$0x10]  }
0x142: {  	[hbm:s22], [sflag:s26] =	dma.local [spmem:s8], $0x4E0  }
0x143: {  	_ =	swait.ge [sflag:s1], $0x4E0  }
0x144: {  	[sflag:s1] =	ssyncset.done $0x0  }
0x145: {  	s28 =	rddreg [dreg:$0x11];
	[sflag:s1] =	ssyncadd.s32 $0xFFFFFB20  }
0x146: {  	[hbm:s28], [sflag:s26] =	dma.local [spmem:s9], $0x4E0  }
0x147: {  	_ =	swait.ge [sflag:s1], $0x4E0  }
0x148: {  	s29 =	sld [smem:$0x7FD];
	_ =	sdelay $0x1  }
0x149: {  	[sflag:s1] =	ssyncset.done $0x0  }
0x14a: {  	s8 =	rddreg [dreg:$0x12];
	[sflag:s1] =	ssyncadd.s32 $0xFFFFFB20;
	p1 =	seq.s32 s29, $0x1  }
0x14b: {  	[hbm:s8], [sflag:s26] =	dma.local @!p1 [spmem:s10], $0x20  }
0x14c: {  	s8 =	simm.s32 @!p1 $0x19  }
0x14d: {  	_ =	swait.ge @!p1 [sflag:s8], $0x20  }
0x14e: {  	[sflag:s8] =	ssyncset.done @!p1 $0x0  }
0x14f: {  	s9 =	rddreg [dreg:$0x13];
	[sflag:s8] =	ssyncadd.s32 @!p1 $0xFFFFFFE0  }
0x150: {  	[hbm:s9], [sflag:s26] =	dma.local @!p1 [spmem:s11], $0x20  }
0x151: {  	_ =	swait.ge @!p1 [sflag:s8], $0x20  }
0x152: {  	s7 =	sadd.s32 $0x1, s7;
	s31 =	rddreg [dreg:$0x1d]  }
0x153: {  	p0 =	sne.s32 s7, s31  }
.Ltmp1:
0x154: {  	_ = 	snop;
	(pc) =	sbr.rel @p0 .LBB2_1-.Ltmp1, $3  }
0x155: {  	_ =	sdelay $0x1  }
0x156: {  	[sflag:s8] =	ssyncset.done @!p1 $0x0  }
0x157: {  	[sflag:s8] =	ssyncadd.s32 @!p1 $0xFFFFFFE0  }
0x158: {  	_ =	sfence.sel $0x180000  }
0x159: {  	[bflag:$0x0] =	sbarrier.arrive $0xFFFF  }
0x15a: {  	_ =	strace $0x90000047  }
0x15b: {  	s0 =	stileid.u32;
	[bflag:$0x2] =	sbarrier.arrive $0xFFFF  }
0x15c: {  	p0 =	sne.s32 s0, $0x0;
	s0 =	rddreg [dreg:$0x5]  }
0x15d: {  	s0 =	sadd.s32 @!p0 $0x100000, s0  }
0x15e: {  	[sflag:s0] =	ssyncadd.tile.s32 @!p0 $0x1;
	_ =	shalt  }
.Lfunc_end2:
_tile_overlayer_lowered:
.L_overlay_start_2:
0x15f: {  	(tag) =	ssettag $0x2  }
0x160: {  	s0 =	rddreg [dreg:$0x0];
	s2 =	stileid.u32  }
0x161: {  	s1 =	rddreg [dreg:$0x1];
	p0 =	sne.s32 s2, $0x0  }
0x162: {  	s3 =	rddreg [dreg:$0x2];
	[bflag:$0x3] =	sbarrier.arrive $0xFFFF;
	s2 =	simm.s32 @!p0 $0x1C19  }
0x163: {  	[timem:s3], [sflag:s2] =	dma.local @!p0 [hbm:s0], s1  }
0x164: {  	s0 =	simm.s32 @!p0 $0x19  }
0x165: {  	_ =	swait.ge @!p0 [sflag:s0], s1  }
0x166: {  	s1 =	ssub.s32 @!p0 $0x0, s1;
	[sflag:s0] =	ssyncset.done @!p0 $0x0  }
0x167: {  	[sflag:s0] =	ssyncadd.s32 @!p0 s1  }
0x168: {  	[bflag:$0x3] =	sbarrier.arrive $0xFFFF  }
0x169: {  	_ =	shalt  }

// kernel: kernel.14.cloned.1.call-start
scs
__scs_entry_jumppad:
0x0: {  	(pc) =	sbr.rel $0x88, $3  }
0x1: {  	(tag) =	ssettag $0x0;
	lr =	simm.s32 $0x1  }
0x2: {  	[smem:$0x3F96] =	sst lr;
	_ =	strace $0xD0000000  }
0x3: {  	_ = 	snop  }
0x4: {  	_ = 	snop  }
0x5: {  	_ = 	snop  }
0x6: {  	_ = 	snop  }
0x7: {  	_ = 	snop  }
__scs_overlays_trampoline_lowered:
0x8: {  	[smem:$0x3FA5] =	sst s0  }
0x9: {  	[smem:$0x3FA6] =	sst s1  }
0xa: {  	[smem:$0x3FA7] =	sst s2  }
0xb: {  	[smem:$0x3FA8] =	sst s3  }
0xc: {  	[smem:$0x3FA9] =	sst s4  }
0xd: {  	[smem:$0x3FAA] =	sst s5  }
0xe: {  	[smem:$0x3FAB] =	sst s6  }
0xf: {  	[smem:$0x3FAC] =	sst s7  }
0x10: {  	[smem:$0x3FAD] =	sst s8  }
0x11: {  	[smem:$0x3FAE] =	sst s9;
	s0 =	simm.s32 @!p0 $0x0  }
0x12: {  	s1 =	sld [smem:$0x3F94];
	s0 =	simm.s32 @p0 $0x1  }
0x13: {  	[smem:$0x3FAF] =	sst s0;
	s0 =	simm.s32 @!p1 $0x0  }
0x14: {  	s2 =	sld [smem:$0x3F93];
	s0 =	simm.s32 @p1 $0x1  }
0x15: {  	[smem:$0x3FB0] =	sst s0;
	s0 =	simm.s32 @!p2 $0x0  }
0x16: {  	s3 =	sld [smem:$0x3FDB];
	s0 =	simm.s32 @p2 $0x1  }
0x17: {  	s4 =	simm.s32 $0x1BF5;
	[smem:$0x3FB2] =	sst s0  }
0x18: {  	s0 =	sld [smem:$0x3F95];
	_ =	swait.ge [sflag:s4], $0x0  }
0x19: {  	s7 =	sld [smem:$0x3F96]  }
0x1a: {  	s8 =	sadd.s32 $0xFFFFE003, lr  }
0x1b: {  	s9 =	sadd.s32 $0xFFFFFEF7, lr;
	s5 =	simm.s32 $0xFFFFFFFF;
	p2 =	slt.u32 s8, $0xFFFFF086  }
0x1c: {  	p1 =	slt.u32 s9, $0xF7A;
	s5 =	simm.s32 @!p2 $0x0  }
0x1d: {  	s5 =	simm.s32 @p1 $0x1;
	p0 =	seq.s32 s7, s2  }
0x1e: {  	s7 =	smul.u32 @!p0 $0xF7A, s2;
	p2 =	seq.s32 @!p0 s5, $0x0  }
0x1f: {  	s9 =	smul.u32 $0xF7A, s1;
	s8 =	simm.s32 @!p0 $0x1BF5;
	p2 =	por !p2, p0  }
0x20: {  	[sflag:s8] =	ssyncset.s32 @!p0 $0xFFFFF086;
	s6 =	sadd.s32 @!p0 s3, s7;
	s7 =	simm.s32 @!p0 $0x108  }
0x21: {  	s3 =	sadd.s32 s3, s9;
	s6 =	sadd.s32 @!p0 $0x88, s6;
	s7 =	simm.s32 @p2 $0x1082  }
0x22: {  	[simem:s7], [sflag:s8] =	dma.local @!p0 [hbm:s6], $0xF7A  }
0x23: {  	s9 =	sor.u32 $0xD0000000, s2;
	s6 =	simm.s32 $0x108;
	_ =	swait.ge @!p0 [sflag:s8], $0x0  }
0x24: {  	s3 =	sadd.s32 $0x88, s3;
	s6 =	simm.s32 @!p1 $0x1082;
	[sflag:s4] =	ssyncset.s32 $0xFFFFF086  }
0x25: {  	[simem:s6], [sflag:s4] =	dma.local [hbm:s3], $0xF7A  }
0x26: {  	[smem:$0x3F96] =	sst s1;
	(tag) =	ssettag s2;
	_ =	strace s9  }
0x27: {  	s1 =	sld [smem:$0x3FA6]  }
0x28: {  	s2 =	sld [smem:$0x3FA7]  }
0x29: {  	s4 =	sld [smem:$0x3FA9]  }
0x2a: {  	p0 =	seq.s32 s5, $0x0;
	s5 =	sld [smem:$0x3FAA]  }
0x2b: {  	s6 =	sld [smem:$0x3FAB]  }
0x2c: {  	s7 =	sld [smem:$0x3FAC]  }
0x2d: {  	s3 =	simm.s32 $0x108;
	s8 =	sld [smem:$0x3FAD]  }
0x2e: {  	s3 =	simm.s32 @!p0 $0x1082;
	s9 =	sld [smem:$0x3FAE]  }
0x2f: {  	lr =	sadd.s32 s0, s3;
	s0 =	sld [smem:$0x3FA5]  }
0x30: {  	s3 =	sld [smem:$0x3FA8]  }
0x31: {  	[smem:$0x3FB1] =	sst s10  }
0x32: {  	s10 =	sld [smem:$0x3FAF];
	_ =	sdelay $0x3  }
0x33: {  	p0 =	seq.s32 s10, $0x1;
	s10 =	sld [smem:$0x3FB1];
	_ =	sdelay $0x3  }
0x34: {  	[smem:$0x3FB1] =	sst s10  }
0x35: {  	s10 =	sld [smem:$0x3FB0];
	_ =	sdelay $0x3  }
0x36: {  	p1 =	seq.s32 s10, $0x1;
	s10 =	sld [smem:$0x3FB1];
	_ =	sdelay $0x3  }
0x37: {  	[smem:$0x3FB1] =	sst s10  }
0x38: {  	s10 =	sld [smem:$0x3FB2]  }
0x39: {  	_ = 	snop;
	(pc) =	sbr.ind lr, $3  }
0x3a: {  	_ = 	snop  }
0x3b: {  	_ = 	snop  }
0x3c: {  	p2 =	seq.s32 s10, $0x1;
	s10 =	sld [smem:$0x3FB1]  }
0x3d: {  	_ =	shalt  }
0x3e: {  	_ =	shalt  }
0x3f: {  	_ =	shalt  }
0x40: {  	_ =	shalt  }
0x41: {  	_ =	shalt  }
0x42: {  	_ =	shalt  }
0x43: {  	_ =	shalt  }
0x44: {  	_ =	shalt  }
0x45: {  	_ =	shalt  }
0x46: {  	_ =	shalt  }
0x47: {  	_ =	shalt  }
0x48: {  	_ =	shalt  }
0x49: {  	_ =	shalt  }
0x4a: {  	_ =	shalt  }
0x4b: {  	_ =	shalt  }
0x4c: {  	_ =	shalt  }
0x4d: {  	_ =	shalt  }
0x4e: {  	_ =	shalt  }
0x4f: {  	_ =	shalt  }
0x50: {  	_ =	shalt  }
0x51: {  	_ =	shalt  }
0x52: {  	_ =	shalt  }
0x53: {  	_ =	shalt  }
0x54: {  	_ =	shalt  }
0x55: {  	_ =	shalt  }
0x56: {  	_ =	shalt  }
0x57: {  	_ =	shalt  }
0x58: {  	_ =	shalt  }
0x59: {  	_ =	shalt  }
0x5a: {  	_ =	shalt  }
0x5b: {  	_ =	shalt  }
0x5c: {  	_ =	shalt  }
0x5d: {  	_ =	shalt  }
0x5e: {  	_ =	shalt  }
0x5f: {  	_ =	shalt  }
0x60: {  	_ =	shalt  }
0x61: {  	_ =	shalt  }
0x62: {  	_ =	shalt  }
0x63: {  	_ =	shalt  }
0x64: {  	_ =	shalt  }
0x65: {  	_ =	shalt  }
0x66: {  	_ =	shalt  }
0x67: {  	_ =	shalt  }
0x68: {  	_ =	shalt  }
0x69: {  	_ =	shalt  }
0x6a: {  	_ =	shalt  }
0x6b: {  	_ =	shalt  }
0x6c: {  	_ =	shalt  }
0x6d: {  	_ =	shalt  }
0x6e: {  	_ =	shalt  }
0x6f: {  	_ =	shalt  }
0x70: {  	_ =	shalt  }
0x71: {  	_ =	shalt  }
0x72: {  	_ =	shalt  }
0x73: {  	_ =	shalt  }
0x74: {  	_ =	shalt  }
0x75: {  	_ =	shalt  }
0x76: {  	_ =	shalt  }
0x77: {  	_ =	shalt  }
0x78: {  	_ =	shalt  }
0x79: {  	_ =	shalt  }
0x7a: {  	_ =	shalt  }
0x7b: {  	_ =	shalt  }
0x7c: {  	_ =	shalt  }
0x7d: {  	_ =	shalt  }
0x7e: {  	_ =	shalt  }
0x7f: {  	_ =	shalt  }
0x80: {  	_ =	shalt  }
0x81: {  	_ =	shalt  }
0x82: {  	_ =	shalt  }
0x83: {  	_ =	shalt  }
0x84: {  	_ =	shalt  }
0x85: {  	_ =	shalt  }
0x86: {  	_ =	shalt  }
0x87: {  	_ =	shalt  }
.Lfunc_end0:
.L_simem_size_0:
called_computation.1_lowered:
.L_overlay_start_0:
0x88: {  	s2 =	sld [smem:$0x3FD9]  }
0x89: {  	s3 =	sld [smem:$0x3FFE];
	_ =	sdelay $0x1  }
0x8a: {  	s1 =	srdreg.scid  }
0x8b: {  	s0 =	sand.u32 $0x1, s1  }
0x8c: {  	s14 =	sshll.u32 s0, $0xA;
	s2 =	sadd.s32 s3, s2  }
0x8d: {  	s2 =	sadd.s32 s2, s14  }
0x8e: {  	[smem:$0x3FBD] =	sst s2  }
0x8f: {  	_ = 	snop  }
0x90: {  	s2 =	sld [smem:$0x3FD0];
	_ =	sdelay $0x2  }
0x91: {  	s15 =	simm.s32 $0xA;
	s4 =	simm.s32 $0x10  }
0x92: {  	[smem:s4], [sflag:s15] =	dma.local [hbm:s2], $0x1  }
0x93: {  	_ =	swait.eq [sflag:s15], $0x1  }
0x94: {  	[sflag:s15] =	ssyncset.done $0x0  }
0x95: {  	[sflag:s15] =	ssyncadd.s32 $0xFFFFFFFF  }
0x96: {  	s16 =	sld [smem:$0x11];
	(tm) =	ssettm $0x1  }
0x97: {  	s17 =	sld [smem:$0x3FFB];
	_ =	sdelay $0x3  }
0x98: {  	_ =	strace s17  }
0x99: {  	s3 =	sld [smem:$0x3FFC];
	_ =	sdelay $0x3  }
0x9a: {  	_ =	strace s3  }
0x9b: {  	s3 =	sld [smem:$0x3FFD];
	_ =	sdelay $0x3  }
0x9c: {  	_ =	strace s3  }
0x9d: {  	_ =	strace $0x8FFFFFFF  }
0x9e: {  	s18 =	sld [smem:$0x3FDB];
	_ =	sdelay $0x1  }
0x9f: {  	s19 =	simm.s32 $_scs_section_size  }
0xa0: {  	s5 =	simm.s32 $_size__tile_overlayer_lowered;
	s6 =	simm.s32 $_tile_overlayer_lowered  }
0xa1: {  	s22 =	simm.s32 $0x1BFF;
	s21 =	sshll.u32 s6, $0x1;
	s3 =	sadd.s32 s19, s18  }
0xa2: {  	s7 =	simm.s32 $0x0;
	s20 =	sshll.u32 s5, $0x1;
	s5 =	sadd.s32 s21, s3  }
0xa3: {  	[timem:s7], [sflag:s22] =	dma.local [hbm:s5], s20  }
0xa4: {  	_ =	swait.ge [sflag:s22], s20  }
0xa5: {  	s4 =	ssub.s32 $0x0, s20;
	[sflag:s22] =	ssyncset.done $0x0  }
0xa6: {  	[sflag:s22] =	ssyncadd.s32 s4;
	_ =	sdelay $0x1  }
0xa7: {  	s23 =	simm.s32 $0x1B8B  }
0xa8: {  	_ =	swait.ge [sflag:s23], $0x1  }
0xa9: {  	[sflag:s23] =	ssyncset.done $0x0  }
0xaa: {  	s25 =	simm.s32 $0x1B8E;
	s24 =	sld [smem:$0x3FFE];
	[sflag:s23] =	ssyncadd.s32 $0xFFFFFFFF  }
0xab: {  	s26 =	simm.s32 $execute0_lowered;
	[smem:$0x3FD2] =	sst s25  }
0xac: {  	s5 =	sshll.u32 s26, $0x1;
	_ =	strace $0x80000049;
	[dreg:$0x1] =	wrdreg $0xFFFFFFFF  }
0xad: {  	s28 =	simm.s32 $_size_execute0_lowered;
	s3 =	sadd.s32 s3, s5;
	[dreg:$0x0] =	wrdreg $0x0  }
0xae: {  	s5 =	sshll.u32 s28, $0x1;
	[dreg:$0x2] =	wrdreg s3  }
0xaf: {  	[dreg:$0x3] =	wrdreg s5  }
0xb0: {  	[dreg:$0x4] =	wrdreg $0xC0  }
0xb1: {  	_ =	task [dreg:s7], $0x5FFFF  }
0xb2: {  	[dreg:$0x1] =	wrdreg $0xFFFFFFFF  }
0xb3: {  	[dreg:$0x0] =	wrdreg $0x60  }
0xb4: {  	[dreg:$0x2] =	wrdreg s16  }
0xb5: {  	[dreg:$0x3] =	wrdreg s24  }
0xb6: {  	[dreg:$0x4] =	wrdreg $0x0  }
0xb7: {  	[dreg:$0x5] =	wrdreg $0x9  }
0xb8: {  	_ =	task.clear_ibuf [dreg:s7], $0x6FFFF;
	_ =	strace $0x90000049  }
0xb9: {  	s29 =	simm.s32 $0x9;
	_ =	strace $0x8000004B  }
0xba: {  	_ =	swait.ge [sflag:s29], $0x1  }
0xbb: {  	[sflag:s29] =	ssyncadd.s32 $0xFFFFFFFF  }
0xbc: {  	_ =	strace $0x9000004B  }
0xbd: {  	_ =	sfence  }
0xbe: {  	s30 =	sld [smem:$0x0];
	_ =	sdelay $0x2  }
0xbf: {  	s31 =	sshll.u32 s1, $0xD;
	s1 =	sshrl.u32 s1, $0x2  }
0xc0: {  	s3 =	sand.u32 $0x4000, s31;
	s1 =	sadd.s32 s1, s30  }
0xc1: {  	s0 =	sor.u32 s3, s0;
	s1 =	sshll.u32 s1, $0x11  }
0xc2: {  	s0 =	sor.u32 s1, s0  }
0xc3: {  	s0 =	sadd.s32 $0x8F2B, s0  }
0xc4: {  	[sflag:s0] =	ssyncadd.remote.s32 $0x1  }
0xc5: {  	_ =	sfence.sel $0xFFFF  }
0xc6: {  	[dreg:$0x0] =	wrdreg $0xFFFFFFFF;
	(pc) =	sbr.abs _section_cstart, $3  }
0xc7: {  	[dreg:$0x1] =	wrdreg $0xFFFFFFFF  }
0xc8: {  	_ =	task.clear_ibuf [dreg:s7], $0x2FFFF;
	_ =	strace $0x9FFFFFFF  }
0xc9: {  	(tm) =	ssettm $0x7FFFFFFF  }
tec
execute0_lowered:
.L_overlay_start_1:
0x0: {  	(tag) =	ssettag $0x1  }
0x1: {  	s1 =	rddreg [dreg:$0x0]  }
0x2: {  	s0 =	rddreg [dreg:$0x1]  }
0x3: {  	s3 =	rddreg [dreg:$0x2];
	s4 =	simm.s32 $0x0;
	s11 =	stileid.u32  }
0x4: {  	s2 =	srdreg.scid;
	s18 =	simm.s32 $0xD;
	[smem:$0x7FF] =	sst s4  }
0x5: {  	s5 =	smul.u32 $0x13800, s11;
	s2 =	sand.u32 $0x1, s2;
	s7 =	sadd.s32 $0x26800, s0  }
0x6: {  	s13 =	sadd.s32 $0xAF600, s0;
	s14 =	sshll.u32 s11, $0x6;
	s23 =	sadd.s32 $0x138000, s3  }
0x7: {  	p0 =	slt.u32 s11, $0x2;
	p1 =	sne.s32 s11, $0xF;
	_ =	strace $0x8000004A  }
0x8: {  	s6 =	ssub.s32 $0x2, s2;
	[dreg:$0x7] =	wrdreg s23;
	s16 =	sshll.u32 s2, $0x5  }
0x9: {  	s2 =	smul.u32 $0x138800, s2;
	s30 =	sadd.s32 s14, s7;
	s8 =	sshrl.u32 s5, $0x3  }
0xa: {  	s9 =	sshrl.u32 s6, $0x1;
	s17 =	sadd.s32 s5, s3;
	s10 =	sor.u32 s16, s14  }
0xb: {  	s31 =	sadd.s32 s16, s30;
	s8 =	sadd.s32 s8, s0;
	s15 =	ssub.s32 s6, s9  }
0xc: {  	s6 =	sor.u32 $0x1C0D, s14;
	s0 =	sadd.s32 $0xAF400, s0;
	s10 =	sadd.s32 s7, s10  }
0xd: {  	s29 =	sadd.s32 s5, s2;
	s2 =	sshrl.u32 s2, $0x3;
	s16 =	sadd.s32 $0x2000, s31  }
0xe: {  	s17 =	sshrl.u32 s17, $0x3;
	s22 =	sadd.s32 $0x88400, s8;
	[dreg:$0x8] =	wrdreg s0  }
0xf: {  	s8 =	simm.s32 $0x4F;
	s24 =	sadd.s32 $0x400, s10;
	[dreg:$0x6] =	wrdreg s22  }
0x10: {  	s26 =	sadd.s32 $0x800, s10;
	s0 =	sshrl.u32 s29, $0x3;
	[dreg:$0x9] =	wrdreg s24  }
0x11: {  	s8 =	simm.s32 @!p0 $0x4E;
	[dreg:$0xa] =	wrdreg s26;
	s0 =	sadd.s32 s13, s0  }
0x12: {  	s2 =	sadd.s32 s13, s2;
	s25 =	sadd.s32 $0xFFFFFFFF, s8;
	[dreg:$0xb] =	wrdreg s0  }
0x13: {  	s28 =	sadd.s32 $0xFFFFFFFE, s8;
	s0 =	simm.s32 @!p1 $0x0;
	[dreg:$0x4] =	wrdreg s25  }
0x14: {  	s15 =	smax.u32 s15, $0x1;
	[dreg:$0x5] =	wrdreg s28;
	s0 =	simm.s32 @p1 $0x1  }
0x15: {  	s14 =	sadd.s32 $0x27000, s2;
	s22 =	simm.s32 $0x0;
	[smem:$0x7FD] =	sst s0  }
.LBB2_1:
0x16: {  	s0 =	rddreg [dreg:$0x6]  }
0x17: {  	[spmem:s17], [sflag:s6] =	dma.local [hbm:s0], $0x2700  }
0x18: {  	_ =	swait.ge [sflag:s18], $0x2700  }
0x19: {  	[sflag:s18] =	ssyncset.done $0x0;
	s0 =	rddreg [dreg:$0x7]  }
0x1a: {  	[sflag:s18] =	ssyncadd.s32 $0xFFFFD900;
	s23 =	sshrl.u32 @!p1 s0, $0x3;
	s0 =	rddreg [dreg:$0x8]  }
0x1b: {  	[spmem:s23], [sflag:s6] =	dma.local @!p1 [hbm:s0], $0x100  }
0x1c: {  	s0 =	simm.s32 @!p1 $0xD  }
0x1d: {  	_ =	swait.ge @!p1 [sflag:s0], $0x100  }
0x1e: {  	[sflag:s0] =	ssyncset.done @!p1 $0x0  }
0x1f: {  	[sflag:s0] =	ssyncadd.s32 @!p1 $0xFFFFFF00  }
0x20: {  	s20 =	simm.s32 $0x13880;
	[bflag:$0x0] =	sbarrier.arrive $0xFFFF  }
0x21: {  	[tilespmem:s20], [sflag:$0x1] =	stream.linear.gather [hbm4b:s10+s4], $0x100, $0x38;
	[tilespmem:$0x1FE80] =	vst v63  }
0x22: {  	s2 =	simm.s32 $0x13980;
	p1 =	sle.u32 s8, $0xFFFFFFFD;
	s21 =	rddreg [dreg:$0x9]  }
0x23: {  	[tilespmem:s2], [sflag:$0x2] =	stream.linear.gather [hbm4b:s21+s4], $0x100, $0x38;
	[tilespmem:$0x1FE80] =	vst v63  }
0x24: {  	s25 =	simm.s32 $0x13A80;
	s0 =	simm.s32 @!p1 $0xA;
	s24 =	rddreg [dreg:$0xa]  }
0x25: {  	[tilespmem:s25], [sflag:$0x3] =	stream.linear.gather [hbm4b:s24+s4], $0x100, $0x38;
	[tilespmem:$0x1FE80] =	vst v63  }
0x26: {  	_ =	swait.ge @!p1 [sflag:s0], $0x4000  }
0x27: {  	p0 =	sle.u32 s8, $0x0;
	[sflag:s0] =	ssyncset.done @!p1 $0x0  }
0x28: {  	s2 =	simm.s32 @!p0 $0x1;
	[sflag:s0] =	ssyncadd.s32 @!p1 $0xFFFFC000  }
0x29: {  	p3 =	sle.u32 s8, $0x3;
	s7 =	simm.s32 @!p0 $0x80;
	_ =	swait.ge @!p0 [sflag:s2], $0x100  }
0x2a: {  	s19 =	simm.s32 @!p0 $0x13E80;
	s20 =	simm.s32 @!p3 $0x0;
	[sflag:s2] =	ssyncset.done @!p0 $0x0  }
0x2b: {  	p1 =	sle.u32 s8, $0xFFFFFFFE;
	s0 =	simm.s32 @!p0 $0x13880;
	[sflag:s2] =	ssyncadd.s32 @!p0 $0xFFFFFF00  }
0x2c: {  	[tilespmem:s19], [sflag:$0x7] =	stream.indirect.gather @!p0 [hbm4b:s1+s7], $0x80, s0, s7, $0xb8;
	[tilespmem:$0x1FE80] =	vst v63  }
0x2d: {  	s5 =	simm.s32 @!p1 $0xB;
	s2 =	sadd.s32 @!p3 $0xFFFFEC00, s16;
	s0 =	simm.s32 @!p3 $0x13B80  }
0x2e: {  	[tilespmem:s0], [sflag:$0x4] =	stream.linear.gather @!p3 [hbm4b:s2+s20], $0x100, $0x38;
	[tilespmem:$0x1FE80] =	vst v63  }
0x2f: {  	_ =	swait.ge @!p1 [sflag:s5], $0x4000  }
0x30: {  	s26 =	rddreg [dreg:$0x4]  }
0x31: {  	[sflag:s5] =	ssyncset.done @!p1 $0x0;
	p4 =	sle.u32 s26, $0x0  }
0x32: {  	p2 =	sle.u32 s8, $0xFFFFFFFF;
	[sflag:s5] =	ssyncadd.s32 @!p1 $0xFFFFC000;
	s2 =	simm.s32 @!p4 $0x2  }
0x33: {  	s5 =	simm.s32 @!p2 $0xC;
	_ =	swait.ge @!p4 [sflag:s2], $0x100  }
0x34: {  	p1 =	sle.u32 s8, $0x4;
	s20 =	simm.s32 @!p4 $0x13980;
	[sflag:s2] =	ssyncset.done @!p4 $0x0  }
0x35: {  	s21 =	simm.s32 @!p4 $0x17E80;
	s24 =	simm.s32 @!p4 $0x80;
	[sflag:s2] =	ssyncadd.s32 @!p4 $0xFFFFFF00  }
0x36: {  	[tilespmem:s21], [sflag:$0x8] =	stream.indirect.gather @!p4 [hbm4b:s1+s24], $0x80, s20, s24, $0xb8;
	[tilespmem:$0x1FE80] =	vst v63  }
0x37: {  	s25 =	simm.s32 @!p1 $0x0;
	s2 =	simm.s32 @!p1 $0x13C80;
	s20 =	sadd.s32 @!p1 $0xFFFFF000, s16  }
0x38: {  	[tilespmem:s2], [sflag:$0x5] =	stream.linear.gather @!p1 [hbm4b:s20+s25], $0x100, $0x38;
	[tilespmem:$0x1FE80] =	vst v63  }
0x39: {  	_ =	swait.ge @!p2 [sflag:s5], $0x4000  }
0x3a: {  	s29 =	rddreg [dreg:$0x5]  }
0x3b: {  	[sflag:s5] =	ssyncset.done @!p2 $0x0;
	p5 =	sle.u32 s29, $0x0  }
0x3c: {  	[sflag:s5] =	ssyncadd.s32 @!p2 $0xFFFFC000;
	s5 =	simm.s32 @!p5 $0x3  }
0x3d: {  	_ =	swait.ge @!p5 [sflag:s5], $0x100  }
0x3e: {  	p2 =	sle.u32 s8, $0x5;
	s20 =	simm.s32 @!p5 $0x1BE80;
	[sflag:s5] =	ssyncset.done @!p5 $0x0  }
0x3f: {  	s25 =	simm.s32 @!p5 $0x80;
	[sflag:s5] =	ssyncadd.s32 @!p5 $0xFFFFFF00;
	s5 =	simm.s32 @!p5 $0x13A80  }
0x40: {  	[tilespmem:s20], [sflag:$0x9] =	stream.indirect.gather @!p5 [hbm4b:s1+s25], $0x80, s5, s25, $0xb8;
	[tilespmem:$0x1FE80] =	vst v63  }
0x41: {  	s26 =	sadd.s32 @!p2 $0xFFFFF400, s16;
	s28 =	simm.s32 @!p2 $0x0;
	s5 =	simm.s32 @!p2 $0x13D80  }
0x42: {  	[tilespmem:s5], [sflag:$0x6] =	stream.linear.gather @!p2 [hbm4b:s26+s28], $0x100, $0x38;
	[tilespmem:$0x1FE80] =	vst v63  }
0x43: {  	s26 =	simm.s32 @!p0 $0x7  }
0x44: {  	_ =	swait.ge @!p0 [sflag:s26], $0x4000  }
0x45: {  	[sflag:s26] =	ssyncset.done @!p0 $0x0  }
0x46: {  	s28 =	simm.s32 @!p0 $0x13900;
	[sflag:s26] =	ssyncadd.s32 @!p0 $0xFFFFC000;
	s26 =	simm.s32 @!p4 $0x8  }
0x47: {  	[spmem:s3] =	stream.indirect.scatter.add.f32 @!p0 [tilespmem:s19], [sflag:$0xA], $0x80, s28, s7, $0xb8;
	[tilespmem:$0x1FE80] =	vst v63  }
0x48: {  	_ =	swait.ge @!p4 [sflag:s26], $0x4000  }
0x49: {  	[sflag:s26] =	ssyncset.done @!p4 $0x0  }
0x4a: {  	s7 =	simm.s32 @!p4 $0x13A00;
	s19 =	simm.s32 @!p5 $0x9;
	[sflag:s26] =	ssyncadd.s32 @!p4 $0xFFFFC000  }
0x4b: {  	[spmem:s3] =	stream.indirect.scatter.add.f32 @!p4 [tilespmem:s21], [sflag:$0xB], $0x80, s7, s24, $0xb8;
	[tilespmem:$0x1FE80] =	vst v63  }
0x4c: {  	_ =	swait.ge @!p5 [sflag:s19], $0x4000  }
0x4d: {  	[sflag:s19] =	ssyncset.done @!p5 $0x0  }
0x4e: {  	s7 =	simm.s32 @!p0 $0xA;
	s21 =	simm.s32 @!p5 $0x13B00;
	[sflag:s19] =	ssyncadd.s32 @!p5 $0xFFFFC000  }
0x4f: {  	[spmem:s3] =	stream.indirect.scatter.add.f32 @!p5 [tilespmem:s20], [sflag:$0xC], $0x80, s21, s25, $0xb8;
	[tilespmem:$0x1FE80] =	vst v63  }
0x50: {  	_ =	swait.ge @!p0 [sflag:s7], $0x4000  }
0x51: {  	[sflag:s7] =	ssyncset.done @!p0 $0x0  }
0x52: {  	s19 =	simm.s32 @!p3 $0x4;
	[sflag:s7] =	ssyncadd.s32 @!p0 $0xFFFFC000  }
0x53: {  	_ =	swait.ge @!p3 [sflag:s19], $0x100  }
0x54: {  	s24 =	simm.s32 @!p4 $0xB;
	s21 =	simm.s32 @!p3 $0x13E80;
	[sflag:s19] =	ssyncset.done @!p3 $0x0  }
0x55: {  	s7 =	simm.s32 @!p3 $0x80;
	p0 =	sle.u32 s8, $0x6;
	[sflag:s19] =	ssyncadd.s32 @!p3 $0xFFFFFF00  }
0x56: {  	[tilespmem:s21], [sflag:$0x7] =	stream.indirect.gather @!p3 [hbm4b:s1+s7], $0x80, s0, s7, $0xb8;
	[tilespmem:$0x1FE80] =	vst v63  }
0x57: {  	s20 =	sadd.s32 @!p0 $0xFFFFF800, s16;
	s19 =	simm.s32 @!p0 $0x13880;
	s0 =	simm.s32 @!p0 $0x0  }
0x58: {  	[tilespmem:s19], [sflag:$0x1] =	stream.linear.gather @!p0 [hbm4b:s20+s0], $0x100, $0x38;
	[tilespmem:$0x1FE80] =	vst v63  }
0x59: {  	_ =	swait.ge @!p4 [sflag:s24], $0x4000  }
0x5a: {  	[sflag:s24] =	ssyncset.done @!p4 $0x0  }
0x5b: {  	s19 =	simm.s32 @!p1 $0x5;
	[sflag:s24] =	ssyncadd.s32 @!p4 $0xFFFFC000  }
0x5c: {  	_ =	swait.ge @!p1 [sflag:s19], $0x100  }
0x5d: {  	s31 =	simm.s32 @!p1 $0x80;
	p0 =	sle.u32 s8, $0x7;
	[sflag:s19] =	ssyncset.done @!p1 $0x0  }
0x5e: {  	s0 =	simm.s32 @!p1 $0x17E80;
	s20 =	simm.s32 @!p0 $0x13980;
	[sflag:s19] =	ssyncadd.s32 @!p1 $0xFFFFFF00  }
0x5f: {  	[tilespmem:s0], [sflag:$0x8] =	stream.indirect.gather @!p1 [hbm4b:s1+s31], $0x80, s2, s31, $0xb8;
	[tilespmem:$0x1FE80] =	vst v63  }
0x60: {  	s24 =	simm.s32 @!p5 $0xC;
	s19 =	sadd.s32 @!p0 $0xFFFFFC00, s16;
	s2 =	simm.s32 @!p0 $0x0  }
0x61: {  	[tilespmem:s20], [sflag:$0x2] =	stream.linear.gather @!p0 [hbm4b:s19+s2], $0x100, $0x38;
	[tilespmem:$0x1FE80] =	vst v63  }
0x62: {  	_ =	swait.ge @!p5 [sflag:s24], $0x4000  }
0x63: {  	[sflag:s24] =	ssyncset.done @!p5 $0x0  }
0x64: {  	s19 =	simm.s32 @!p2 $0x6;
	[sflag:s24] =	ssyncadd.s32 @!p5 $0xFFFFC000  }
0x65: {  	_ =	swait.ge @!p2 [sflag:s19], $0x100  }
0x66: {  	s2 =	simm.s32 @!p2 $0x80;
	[sflag:s19] =	ssyncset.done @!p2 $0x0  }
0x67: {  	s20 =	simm.s32 @!p2 $0x1BE80;
	p0 =	sle.u32 s8, $0x8;
	[sflag:s19] =	ssyncadd.s32 @!p2 $0xFFFFFF00  }
0x68: {  	[tilespmem:s20], [sflag:$0x9] =	stream.indirect.gather @!p2 [hbm4b:s1+s2], $0x80, s5, s2, $0xb8;
	[tilespmem:$0x1FE80] =	vst v63  }
0x69: {  	s24 =	simm.s32 @!p3 $0x7;
	s19 =	simm.s32 @!p0 $0x13A80;
	s5 =	simm.s32 @!p0 $0x0  }
0x6a: {  	[tilespmem:s19], [sflag:$0x3] =	stream.linear.gather @!p0 [hbm4b:s16+s5], $0x100, $0x38;
	[tilespmem:$0x1FE80] =	vst v63  }
0x6b: {  	s30 =	simm.s32 @!p1 $0x13D00;
	_ =	swait.ge @!p3 [sflag:s24], $0x4000  }
0x6c: {  	s28 =	simm.s32 $0xC;
	s26 =	smov.u32 s16;
	[sflag:s24] =	ssyncset.done @!p3 $0x0  }
0x6d: {  	s25 =	simm.s32 $0xC;
	s5 =	simm.s32 @!p3 $0x13C00;
	[sflag:s24] =	ssyncadd.s32 @!p3 $0xFFFFC000  }
0x6e: {  	[spmem:s3] =	stream.indirect.scatter.add.f32 @!p3 [tilespmem:s21], [sflag:$0xA], $0x80, s5, s7, $0xb8;
	[tilespmem:$0x1FE80] =	vst v63  }
0x6f: {  	s19 =	simm.s32 $0x3;
	s24 =	simm.s32 $0x6;
	s7 =	simm.s32 @!p1 $0x8  }
.LBB2_2:
0x70: {  	_ =	swait.ge @!p1 [sflag:s7], $0x4000  }
0x71: {  	[sflag:s7] =	ssyncset.done @!p1 $0x0  }
0x72: {  	s5 =	simm.s32 @!p2 $0x9;
	[sflag:s7] =	ssyncadd.s32 @!p1 $0xFFFFC000  }
0x73: {  	[spmem:s3] =	stream.indirect.scatter.add.f32 @!p1 [tilespmem:s0], [sflag:$0xB], $0x80, s30, s31, $0xb8;
	[tilespmem:$0x1FE80] =	vst v63  }
0x74: {  	_ =	swait.ge @!p2 [sflag:s5], $0x4000  }
0x75: {  	p6 =	sge.u32 s19, s8;
	[sflag:s5] =	ssyncset.done @!p2 $0x0  }
0x76: {  	s21 =	simm.s32 @!p2 $0x13E00;
	s7 =	simm.s32 @!p6 $0xA;
	[sflag:s5] =	ssyncadd.s32 @!p2 $0xFFFFC000  }
0x77: {  	[spmem:s3] =	stream.indirect.scatter.add.f32 @!p2 [tilespmem:s20], [sflag:$0xC], $0x80, s21, s2, $0xb8;
	[tilespmem:$0x1FE80] =	vst v63  }
0x78: {  	s26 =	sadd.s32 $0x1800, s26;
	_ =	swait.ge @!p6 [sflag:s7], $0x4000  }
0x79: {  	p5 =	sge.u32 s24, s8;
	s11 =	sadd.s32 $0xFFFFFFFE, s24;
	[sflag:s7] =	ssyncset.done @!p6 $0x0  }
0x7a: {  	s19 =	simm.s32 @!p5 $0x1;
	s30 =	sadd.s32 $0x3, s24;
	[sflag:s7] =	ssyncadd.s32 @!p6 $0xFFFFC000  }
0x7b: {  	p0 =	sge.u32 s11, s8;
	p4 =	sge.u32 s30, s8;
	_ =	swait.ge @!p5 [sflag:s19], $0x100  }
0x7c: {  	s0 =	simm.s32 @!p5 $0x80;
	s31 =	simm.s32 @!p4 $0x13B80;
	[sflag:s19] =	ssyncset.done @!p5 $0x0  }
0x7d: {  	s5 =	simm.s32 @!p5 $0x13880;
	s20 =	simm.s32 @!p5 $0x13E80;
	[sflag:s19] =	ssyncadd.s32 @!p5 $0xFFFFFF00  }
0x7e: {  	[tilespmem:s20], [sflag:$0x7] =	stream.indirect.gather @!p5 [hbm4b:s1+s0], $0x80, s5, s0, $0xb8;
	[tilespmem:$0x1FE80] =	vst v63  }
0x7f: {  	s2 =	simm.s32 @!p0 $0xB;
	s7 =	simm.s32 @!p4 $0x0;
	s5 =	sadd.s32 @!p4 $0xFFFFEC00, s26  }
0x80: {  	[tilespmem:s31], [sflag:$0x4] =	stream.linear.gather @!p4 [hbm4b:s5+s7], $0x100, $0x38;
	[tilespmem:$0x1FE80] =	vst v63  }
0x81: {  	_ =	swait.ge @!p0 [sflag:s2], $0x4000  }
0x82: {  	s12 =	rddreg [dreg:$0x4]  }
0x83: {  	s13 =	sadd.s32 $0x4, s24;
	[sflag:s2] =	ssyncset.done @!p0 $0x0;
	p6 =	sge.u32 s24, s12  }
0x84: {  	p1 =	sge.u32 s13, s8;
	[sflag:s2] =	ssyncadd.s32 @!p0 $0xFFFFC000;
	s2 =	simm.s32 @!p6 $0x2  }
0x85: {  	s9 =	simm.s32 @!p1 $0x0;
	s21 =	sadd.s32 $0xFFFFFFFF, s24;
	_ =	swait.ge @!p6 [sflag:s2], $0x100  }
0x86: {  	p0 =	sge.u32 s21, s8;
	s7 =	simm.s32 @!p6 $0x13980;
	[sflag:s2] =	ssyncset.done @!p6 $0x0  }
0x87: {  	s5 =	simm.s32 @!p6 $0x17E80;
	s21 =	simm.s32 @!p6 $0x80;
	[sflag:s2] =	ssyncadd.s32 @!p6 $0xFFFFFF00  }
0x88: {  	[tilespmem:s5], [sflag:$0x8] =	stream.indirect.gather @!p6 [hbm4b:s1+s21], $0x80, s7, s21, $0xb8;
	[tilespmem:$0x1FE80] =	vst v63  }
0x89: {  	s19 =	simm.s32 @!p0 $0xC;
	s2 =	simm.s32 @!p1 $0x13C80;
	s7 =	sadd.s32 @!p1 $0xFFFFF000, s26  }
0x8a: {  	[tilespmem:s2], [sflag:$0x5] =	stream.linear.gather @!p1 [hbm4b:s7+s9], $0x100, $0x38;
	[tilespmem:$0x1FE80] =	vst v63  }
0x8b: {  	_ =	swait.ge @!p0 [sflag:s19], $0x4000  }
0x8c: {  	[sflag:s19] =	ssyncset.done @!p0 $0x0;
	s9 =	rddreg [dreg:$0x5]  }
0x8d: {  	[sflag:s19] =	ssyncadd.s32 @!p0 $0xFFFFC000;
	p0 =	sge.u32 s24, s9  }
0x8e: {  	s7 =	simm.s32 @!p0 $0x3  }
0x8f: {  	s11 =	sadd.s32 $0x5, s24;
	s13 =	simm.s32 @!p5 $0x7;
	_ =	swait.ge @!p0 [sflag:s7], $0x100  }
0x90: {  	p2 =	sge.u32 s11, s8;
	s12 =	simm.s32 @!p0 $0x1BE80;
	[sflag:s7] =	ssyncset.done @!p0 $0x0  }
0x91: {  	s19 =	simm.s32 @!p0 $0x13A80;
	[sflag:s7] =	ssyncadd.s32 @!p0 $0xFFFFFF00;
	s7 =	simm.s32 @!p0 $0x80  }
0x92: {  	[tilespmem:s12], [sflag:$0x9] =	stream.indirect.gather @!p0 [hbm4b:s1+s7], $0x80, s19, s7, $0xb8;
	[tilespmem:$0x1FE80] =	vst v63  }
0x93: {  	s11 =	simm.s32 @!p2 $0x0;
	s9 =	sadd.s32 @!p2 $0xFFFFF400, s26;
	s19 =	simm.s32 @!p2 $0x13D80  }
0x94: {  	[tilespmem:s19], [sflag:$0x6] =	stream.linear.gather @!p2 [hbm4b:s9+s11], $0x100, $0x38;
	[tilespmem:$0x1FE80] =	vst v63  }
0x95: {  	_ =	swait.ge @!p5 [sflag:s13], $0x4000  }
0x96: {  	[sflag:s13] =	ssyncset.done @!p5 $0x0  }
0x97: {  	s9 =	simm.s32 @!p5 $0x13900;
	s11 =	simm.s32 @!p6 $0x8;
	[sflag:s13] =	ssyncadd.s32 @!p5 $0xFFFFC000  }
0x98: {  	[spmem:s3] =	stream.indirect.scatter.add.f32 @!p5 [tilespmem:s20], [sflag:$0xA], $0x80, s9, s0, $0xb8;
	[tilespmem:$0x1FE80] =	vst v63  }
0x99: {  	_ =	swait.ge @!p6 [sflag:s11], $0x4000  }
0x9a: {  	[sflag:s11] =	ssyncset.done @!p6 $0x0  }
0x9b: {  	s0 =	simm.s32 @!p6 $0x13A00;
	s9 =	simm.s32 @!p0 $0x9;
	[sflag:s11] =	ssyncadd.s32 @!p6 $0xFFFFC000  }
0x9c: {  	[spmem:s3] =	stream.indirect.scatter.add.f32 @!p6 [tilespmem:s5], [sflag:$0xB], $0x80, s0, s21, $0xb8;
	[tilespmem:$0x1FE80] =	vst v63  }
0x9d: {  	_ =	swait.ge @!p0 [sflag:s9], $0x4000  }
0x9e: {  	[sflag:s9] =	ssyncset.done @!p0 $0x0  }
0x9f: {  	s0 =	simm.s32 @!p5 $0xA;
	s5 =	simm.s32 @!p0 $0x13B00;
	[sflag:s9] =	ssyncadd.s32 @!p0 $0xFFFFC000  }
0xa0: {  	[spmem:s3] =	stream.indirect.scatter.add.f32 @!p0 [tilespmem:s12], [sflag:$0xC], $0x80, s5, s7, $0xb8;
	[tilespmem:$0x1FE80] =	vst v63  }
0xa1: {  	_ =	swait.ge @!p5 [sflag:s0], $0x4000  }
0xa2: {  	[sflag:s0] =	ssyncset.done @!p5 $0x0  }
0xa3: {  	s7 =	simm.s32 @!p4 $0x4;
	[sflag:s0] =	ssyncadd.s32 @!p5 $0xFFFFC000  }
0xa4: {  	_ =	swait.ge @!p4 [sflag:s7], $0x100  }
0xa5: {  	s11 =	simm.s32 @!p6 $0xB;
	s21 =	simm.s32 @!p4 $0x80;
	[sflag:s7] =	ssyncset.done @!p4 $0x0  }
0xa6: {  	s5 =	simm.s32 @!p4 $0x13E80;
	p5 =	sge.u32 s25, s8;
	[sflag:s7] =	ssyncadd.s32 @!p4 $0xFFFFFF00  }
0xa7: {  	[tilespmem:s5], [sflag:$0x7] =	stream.indirect.gather @!p4 [hbm4b:s1+s21], $0x80, s31, s21, $0xb8;
	[tilespmem:$0x1FE80] =	vst v63  }
0xa8: {  	s0 =	sadd.s32 @!p5 $0xFFFFF800, s26;
	s9 =	simm.s32 @!p5 $0x0;
	s7 =	simm.s32 @!p5 $0x13880  }
0xa9: {  	[tilespmem:s7], [sflag:$0x1] =	stream.linear.gather @!p5 [hbm4b:s0+s9], $0x100, $0x38;
	[tilespmem:$0x1FE80] =	vst v63  }
0xaa: {  	_ =	swait.ge @!p6 [sflag:s11], $0x4000  }
0xab: {  	[sflag:s11] =	ssyncset.done @!p6 $0x0  }
0xac: {  	s7 =	simm.s32 @!p1 $0x5;
	[sflag:s11] =	ssyncadd.s32 @!p6 $0xFFFFC000  }
0xad: {  	s12 =	sadd.s32 $0x7, s24;
	_ =	swait.ge @!p1 [sflag:s7], $0x100  }
0xae: {  	s31 =	simm.s32 @!p1 $0x80;
	p5 =	sge.u32 s12, s8;
	[sflag:s7] =	ssyncset.done @!p1 $0x0  }
0xaf: {  	s0 =	simm.s32 @!p1 $0x17E80;
	s9 =	simm.s32 @!p5 $0x0;
	[sflag:s7] =	ssyncadd.s32 @!p1 $0xFFFFFF00  }
0xb0: {  	[tilespmem:s0], [sflag:$0x8] =	stream.indirect.gather @!p1 [hbm4b:s1+s31], $0x80, s2, s31, $0xb8;
	[tilespmem:$0x1FE80] =	vst v63  }
0xb1: {  	s11 =	simm.s32 @!p0 $0xC;
	s7 =	sadd.s32 @!p5 $0xFFFFFC00, s26;
	s2 =	simm.s32 @!p5 $0x13980  }
0xb2: {  	[tilespmem:s2], [sflag:$0x2] =	stream.linear.gather @!p5 [hbm4b:s7+s9], $0x100, $0x38;
	[tilespmem:$0x1FE80] =	vst v63  }
0xb3: {  	_ =	swait.ge @!p0 [sflag:s11], $0x4000  }
0xb4: {  	[sflag:s11] =	ssyncset.done @!p0 $0x0  }
0xb5: {  	s7 =	simm.s32 @!p2 $0x6;
	[sflag:s11] =	ssyncadd.s32 @!p0 $0xFFFFC000  }
0xb6: {  	s29 =	smov.u32 s28;
	s28 =	sadd.s32 $0x6, s28;
	_ =	swait.ge @!p2 [sflag:s7], $0x100  }
0xb7: {  	s13 =	sadd.s32 $0x8, s24;
	s20 =	simm.s32 @!p2 $0x1BE80;
	[sflag:s7] =	ssyncset.done @!p2 $0x0  }
0xb8: {  	s2 =	simm.s32 @!p2 $0x80;
	p0 =	sge.u32 s13, s8;
	[sflag:s7] =	ssyncadd.s32 @!p2 $0xFFFFFF00  }
0xb9: {  	[tilespmem:s20], [sflag:$0x9] =	stream.indirect.gather @!p2 [hbm4b:s1+s2], $0x80, s19, s2, $0xb8;
	[tilespmem:$0x1FE80] =	vst v63  }
0xba: {  	p3 =	sne.s32 s28, $0x54;
	s9 =	simm.s32 @!p0 $0x13A80;
	s7 =	simm.s32 @!p0 $0x0  }
0xbb: {  	[tilespmem:s9], [sflag:$0x3] =	stream.linear.gather @!p0 [hbm4b:s26+s7], $0x100, $0x38;
	[tilespmem:$0x1FE80] =	vst v63  }
.Ltmp0:
0xbc: {  	s11 =	simm.s32 @!p4 $0x7;
	(pc) =	sbr.rel @p3 .LBB2_2-.Ltmp0, $4  }
0xbd: {  	s30 =	simm.s32 @!p1 $0x13D00;
	s24 =	smov.u32 s29;
	_ =	swait.ge @!p4 [sflag:s11], $0x4000  }
0xbe: {  	s25 =	smov.u32 s28;
	s19 =	sadd.s32 $0xFFFFFFFD, s24;
	[sflag:s11] =	ssyncset.done @!p4 $0x0  }
0xbf: {  	s9 =	simm.s32 @!p4 $0x13C00;
	s7 =	simm.s32 @!p1 $0x8;
	[sflag:s11] =	ssyncadd.s32 @!p4 $0xFFFFC000  }
0xc0: {  	[spmem:s3] =	stream.indirect.scatter.add.f32 @!p4 [tilespmem:s5], [sflag:$0xA], $0x80, s9, s21, $0xb8;
	[tilespmem:$0x1FE80] =	vst v63  }
0xc1: {  	_ =	swait.ge @!p1 [sflag:s7], $0x4000  }
0xc2: {  	[sflag:s7] =	ssyncset.done @!p1 $0x0  }
0xc3: {  	s5 =	simm.s32 @!p2 $0x9;
	[sflag:s7] =	ssyncadd.s32 @!p1 $0xFFFFC000  }
0xc4: {  	[spmem:s3] =	stream.indirect.scatter.add.f32 @!p1 [tilespmem:s0], [sflag:$0xB], $0x80, s30, s31, $0xb8;
	[tilespmem:$0x1FE80] =	vst v63  }
0xc5: {  	_ =	swait.ge @!p2 [sflag:s5], $0x4000  }
0xc6: {  	p0 =	sge.u32 s19, s8;
	[sflag:s5] =	ssyncset.done @!p2 $0x0  }
0xc7: {  	s7 =	simm.s32 @!p2 $0x13E00;
	s0 =	simm.s32 @!p0 $0xA;
	[sflag:s5] =	ssyncadd.s32 @!p2 $0xFFFFC000  }
0xc8: {  	[spmem:s3] =	stream.indirect.scatter.add.f32 @!p2 [tilespmem:s20], [sflag:$0xC], $0x80, s7, s2, $0xb8;
	[tilespmem:$0x1FE80] =	vst v63  }
0xc9: {  	p3 =	sge.u32 s24, s8;
	_ =	swait.ge @!p0 [sflag:s0], $0x4000  }
0xca: {  	s26 =	sadd.s32 $0x1800, s26;
	s11 =	sadd.s32 $0x3, s24;
	[sflag:s0] =	ssyncset.done @!p0 $0x0  }
0xcb: {  	p1 =	sge.u32 s11, s8;
	s2 =	simm.s32 @!p3 $0x1;
	[sflag:s0] =	ssyncadd.s32 @!p0 $0xFFFFC000  }
0xcc: {  	s9 =	sadd.s32 $0xFFFFFFFE, s24;
	s11 =	simm.s32 @!p1 $0x0;
	_ =	swait.ge @!p3 [sflag:s2], $0x100  }
0xcd: {  	s7 =	simm.s32 @!p3 $0x13E80;
	p0 =	sge.u32 s9, s8;
	[sflag:s2] =	ssyncset.done @!p3 $0x0  }
0xce: {  	s9 =	simm.s32 @!p3 $0x80;
	s0 =	simm.s32 @!p3 $0x13880;
	[sflag:s2] =	ssyncadd.s32 @!p3 $0xFFFFFF00  }
0xcf: {  	[tilespmem:s7], [sflag:$0x7] =	stream.indirect.gather @!p3 [hbm4b:s1+s9], $0x80, s0, s9, $0xb8;
	[tilespmem:$0x1FE80] =	vst v63  }
0xd0: {  	s5 =	simm.s32 @!p0 $0xB;
	s2 =	sadd.s32 @!p1 $0xFFFFEC00, s26;
	s0 =	simm.s32 @!p1 $0x13B80  }
0xd1: {  	[tilespmem:s0], [sflag:$0x4] =	stream.linear.gather @!p1 [hbm4b:s2+s11], $0x100, $0x38;
	[tilespmem:$0x1FE80] =	vst v63  }
0xd2: {  	_ =	swait.ge @!p0 [sflag:s5], $0x4000  }
0xd3: {  	s12 =	rddreg [dreg:$0x4]  }
0xd4: {  	s13 =	sadd.s32 $0xFFFFFFFF, s24;
	[sflag:s5] =	ssyncset.done @!p0 $0x0;
	p4 =	sge.u32 s24, s12  }
0xd5: {  	p2 =	sge.u32 s13, s8;
	[sflag:s5] =	ssyncadd.s32 @!p0 $0xFFFFC000;
	s2 =	simm.s32 @!p4 $0x2  }
0xd6: {  	s19 =	sadd.s32 $0x4, s24;
	s11 =	simm.s32 @!p2 $0xC;
	_ =	swait.ge @!p4 [sflag:s2], $0x100  }
0xd7: {  	p0 =	sge.u32 s19, s8;
	s5 =	simm.s32 @!p4 $0x13980;
	[sflag:s2] =	ssyncset.done @!p4 $0x0  }
0xd8: {  	s12 =	simm.s32 @!p4 $0x17E80;
	s13 =	simm.s32 @!p4 $0x80;
	[sflag:s2] =	ssyncadd.s32 @!p4 $0xFFFFFF00  }
0xd9: {  	[tilespmem:s12], [sflag:$0x8] =	stream.indirect.gather @!p4 [hbm4b:s1+s13], $0x80, s5, s13, $0xb8;
	[tilespmem:$0x1FE80] =	vst v63  }
0xda: {  	s19 =	simm.s32 @!p0 $0x0;
	s2 =	simm.s32 @!p0 $0x13C80;
	s5 =	sadd.s32 @!p0 $0xFFFFF000, s26  }
0xdb: {  	[tilespmem:s2], [sflag:$0x5] =	stream.linear.gather @!p0 [hbm4b:s5+s19], $0x100, $0x38;
	[tilespmem:$0x1FE80] =	vst v63  }
0xdc: {  	_ =	swait.ge @!p2 [sflag:s11], $0x4000  }
0xdd: {  	s20 =	rddreg [dreg:$0x5]  }
0xde: {  	[sflag:s11] =	ssyncset.done @!p2 $0x0;
	p5 =	sge.u32 s24, s20  }
0xdf: {  	[sflag:s11] =	ssyncadd.s32 @!p2 $0xFFFFC000;
	s5 =	simm.s32 @!p5 $0x3  }
0xe0: {  	s21 =	sadd.s32 $0x5, s24;
	_ =	swait.ge @!p5 [sflag:s5], $0x100  }
0xe1: {  	p2 =	sge.u32 s21, s8;
	s11 =	simm.s32 @!p5 $0x1BE80;
	[sflag:s5] =	ssyncset.done @!p5 $0x0  }
0xe2: {  	s19 =	simm.s32 @!p5 $0x80;
	[sflag:s5] =	ssyncadd.s32 @!p5 $0xFFFFFF00;
	s5 =	simm.s32 @!p5 $0x13A80  }
0xe3: {  	[tilespmem:s11], [sflag:$0x9] =	stream.indirect.gather @!p5 [hbm4b:s1+s19], $0x80, s5, s19, $0xb8;
	[tilespmem:$0x1FE80] =	vst v63  }
0xe4: {  	s20 =	sadd.s32 @!p2 $0xFFFFF400, s26;
	s21 =	simm.s32 @!p2 $0x0;
	s5 =	simm.s32 @!p2 $0x13D80  }
0xe5: {  	[tilespmem:s5], [sflag:$0x6] =	stream.linear.gather @!p2 [hbm4b:s20+s21], $0x100, $0x38;
	[tilespmem:$0x1FE80] =	vst v63  }
0xe6: {  	s20 =	simm.s32 @!p3 $0x7  }
0xe7: {  	_ =	swait.ge @!p3 [sflag:s20], $0x4000  }
0xe8: {  	[sflag:s20] =	ssyncset.done @!p3 $0x0  }
0xe9: {  	[sflag:s20] =	ssyncadd.s32 @!p3 $0xFFFFC000;
	s20 =	simm.s32 @!p3 $0x13900  }
0xea: {  	[spmem:s3] =	stream.indirect.scatter.add.f32 @!p3 [tilespmem:s7], [sflag:$0xA], $0x80, s20, s9, $0xb8;
	[tilespmem:$0x1FE80] =	vst v63  }
0xeb: {  	s7 =	simm.s32 @!p4 $0x8  }
0xec: {  	_ =	swait.ge @!p4 [sflag:s7], $0x4000  }
0xed: {  	[sflag:s7] =	ssyncset.done @!p4 $0x0  }
0xee: {  	[sflag:s7] =	ssyncadd.s32 @!p4 $0xFFFFC000;
	s7 =	simm.s32 @!p4 $0x13A00  }
0xef: {  	[spmem:s3] =	stream.indirect.scatter.add.f32 @!p4 [tilespmem:s12], [sflag:$0xB], $0x80, s7, s13, $0xb8;
	[tilespmem:$0x1FE80] =	vst v63  }
0xf0: {  	s7 =	simm.s32 @!p5 $0x9  }
0xf1: {  	_ =	swait.ge @!p5 [sflag:s7], $0x4000  }
0xf2: {  	[sflag:s7] =	ssyncset.done @!p5 $0x0  }
0xf3: {  	s9 =	simm.s32 @!p3 $0xA;
	[sflag:s7] =	ssyncadd.s32 @!p5 $0xFFFFC000;
	s7 =	simm.s32 @!p5 $0x13B00  }
0xf4: {  	[spmem:s3] =	stream.indirect.scatter.add.f32 @!p5 [tilespmem:s11], [sflag:$0xC], $0x80, s7, s19, $0xb8;
	[tilespmem:$0x1FE80] =	vst v63  }
0xf5: {  	_ =	swait.ge @!p3 [sflag:s9], $0x4000  }
0xf6: {  	[sflag:s9] =	ssyncset.done @!p3 $0x0  }
0xf7: {  	s7 =	simm.s32 @!p1 $0x4;
	[sflag:s9] =	ssyncadd.s32 @!p3 $0xFFFFC000  }
0xf8: {  	_ =	swait.ge @!p1 [sflag:s7], $0x100  }
0xf9: {  	s13 =	simm.s32 @!p4 $0xB;
	s11 =	simm.s32 @!p1 $0x13E80;
	[sflag:s7] =	ssyncset.done @!p1 $0x0  }
0xfa: {  	s9 =	simm.s32 @!p1 $0x80;
	p3 =	sge.u32 s25, s8;
	[sflag:s7] =	ssyncadd.s32 @!p1 $0xFFFFFF00  }
0xfb: {  	[tilespmem:s11], [sflag:$0x7] =	stream.indirect.gather @!p1 [hbm4b:s1+s9], $0x80, s0, s9, $0xb8;
	[tilespmem:$0x1FE80] =	vst v63  }
0xfc: {  	s12 =	sadd.s32 @!p3 $0xFFFFF800, s26;
	s7 =	simm.s32 @!p3 $0x13880;
	s0 =	simm.s32 @!p3 $0x0  }
0xfd: {  	[tilespmem:s7], [sflag:$0x1] =	stream.linear.gather @!p3 [hbm4b:s12+s0], $0x100, $0x38;
	[tilespmem:$0x1FE80] =	vst v63  }
0xfe: {  	_ =	swait.ge @!p4 [sflag:s13], $0x4000  }
0xff: {  	[sflag:s13] =	ssyncset.done @!p4 $0x0  }
0x100: {  	s0 =	simm.s32 @!p0 $0x5;
	[sflag:s13] =	ssyncadd.s32 @!p4 $0xFFFFC000  }
0x101: {  	_ =	swait.ge @!p0 [sflag:s0], $0x100  }
0x102: {  	s28 =	sadd.s32 $0x7, s24;
	s7 =	simm.s32 @!p0 $0x80;
	[sflag:s0] =	ssyncset.done @!p0 $0x0  }
0x103: {  	p3 =	sge.u32 s28, s8;
	s13 =	simm.s32 @!p0 $0x17E80;
	[sflag:s0] =	ssyncadd.s32 @!p0 $0xFFFFFF00  }
0x104: {  	[tilespmem:s13], [sflag:$0x8] =	stream.indirect.gather @!p0 [hbm4b:s1+s7], $0x80, s2, s7, $0xb8;
	[tilespmem:$0x1FE80] =	vst v63  }
0x105: {  	s12 =	simm.s32 @!p3 $0x13980;
	s0 =	sadd.s32 @!p3 $0xFFFFFC00, s26;
	s2 =	simm.s32 @!p3 $0x0  }
0x106: {  	[tilespmem:s12], [sflag:$0x2] =	stream.linear.gather @!p3 [hbm4b:s0+s2], $0x100, $0x38;
	[tilespmem:$0x1FE80] =	vst v63  }
0x107: {  	s0 =	simm.s32 @!p5 $0xC  }
0x108: {  	_ =	swait.ge @!p5 [sflag:s0], $0x4000  }
0x109: {  	[sflag:s0] =	ssyncset.done @!p5 $0x0  }
0x10a: {  	s2 =	simm.s32 @!p2 $0x6;
	[sflag:s0] =	ssyncadd.s32 @!p5 $0xFFFFC000  }
0x10b: {  	s29 =	sadd.s32 $0x8, s24;
	_ =	swait.ge @!p2 [sflag:s2], $0x100  }
0x10c: {  	p3 =	sge.u32 s29, s8;
	[sflag:s2] =	ssyncset.done @!p2 $0x0  }
0x10d: {  	s0 =	simm.s32 @!p2 $0x80;
	[sflag:s2] =	ssyncadd.s32 @!p2 $0xFFFFFF00;
	s2 =	simm.s32 @!p2 $0x1BE80  }
0x10e: {  	[tilespmem:s2], [sflag:$0x9] =	stream.indirect.gather @!p2 [hbm4b:s1+s0], $0x80, s5, s0, $0xb8;
	[tilespmem:$0x1FE80] =	vst v63  }
0x10f: {  	s12 =	simm.s32 @!p3 $0x13A80;
	s5 =	simm.s32 @!p3 $0x0  }
0x110: {  	[tilespmem:s12], [sflag:$0x3] =	stream.linear.gather @!p3 [hbm4b:s26+s5], $0x100, $0x38;
	[tilespmem:$0x1FE80] =	vst v63  }
0x111: {  	s5 =	simm.s32 @!p1 $0x7  }
0x112: {  	_ =	swait.ge @!p1 [sflag:s5], $0x4000  }
0x113: {  	[sflag:s5] =	ssyncset.done @!p1 $0x0  }
0x114: {  	[sflag:s5] =	ssyncadd.s32 @!p1 $0xFFFFC000;
	s5 =	simm.s32 @!p1 $0x13C00  }
0x115: {  	[spmem:s3] =	stream.indirect.scatter.add.f32 @!p1 [tilespmem:s11], [sflag:$0xA], $0x80, s5, s9, $0xb8;
	[tilespmem:$0x1FE80] =	vst v63  }
0x116: {  	s5 =	simm.s32 @!p0 $0x8  }
0x117: {  	_ =	swait.ge @!p0 [sflag:s5], $0x4000  }
0x118: {  	[sflag:s5] =	ssyncset.done @!p0 $0x0  }
0x119: {  	[sflag:s5] =	ssyncadd.s32 @!p0 $0xFFFFC000;
	s5 =	simm.s32 @!p0 $0x13D00  }
0x11a: {  	[spmem:s3] =	stream.indirect.scatter.add.f32 @!p0 [tilespmem:s13], [sflag:$0xB], $0x80, s5, s7, $0xb8;
	[tilespmem:$0x1FE80] =	vst v63  }
0x11b: {  	s5 =	simm.s32 @!p2 $0x9  }
0x11c: {  	_ =	swait.ge @!p2 [sflag:s5], $0x4000  }
0x11d: {  	[sflag:s5] =	ssyncset.done @!p2 $0x0  }
0x11e: {  	[sflag:s5] =	ssyncadd.s32 @!p2 $0xFFFFC000;
	s5 =	simm.s32 @!p2 $0x13E00  }
0x11f: {  	[spmem:s3] =	stream.indirect.scatter.add.f32 @!p2 [tilespmem:s2], [sflag:$0xC], $0x80, s5, s0, $0xb8;
	[tilespmem:$0x1FE80] =	vst v63  }
0x120: {  	[bflag:$0x0] =	sbarrier.arrive $0xFFFF  }
0x121: {  	s30 =	rddreg [dreg:$0xb]  }
0x122: {  	[hbm:s30], [sflag:s6] =	dma.local [spmem:s17], $0x2700  }
0x123: {  	_ =	swait.ge [sflag:s18], $0x2700  }
0x124: {  	s31 =	sld [smem:$0x7FD];
	_ =	sdelay $0x1  }
0x125: {  	s22 =	sadd.s32 $0x1, s22;
	[sflag:s18] =	ssyncset.done $0x0  }
0x126: {  	p0 =	sne.s32 s22, s15;
	[sflag:s18] =	ssyncadd.s32 $0xFFFFD900;
	p1 =	seq.s32 s31, $0x1  }
0x127: {  	[hbm:s14], [sflag:s6] =	dma.local @!p1 [spmem:s23], $0x100  }
.Ltmp1:
0x128: {  	_ = 	snop;
	(pc) =	sbr.rel @p0 .LBB2_1-.Ltmp1, $4  }
0x129: {  	s0 =	simm.s32 @!p1 $0xD  }
0x12a: {  	_ =	swait.ge @!p1 [sflag:s0], $0x100  }
0x12b: {  	[sflag:s0] =	ssyncset.done @!p1 $0x0  }
0x12c: {  	[sflag:s0] =	ssyncadd.s32 @!p1 $0xFFFFFF00  }
0x12d: {  	_ =	sfence.sel $0x180000  }
0x12e: {  	[bflag:$0x0] =	sbarrier.arrive $0xFFFF  }
0x12f: {  	_ =	strace $0x9000004A  }
0x130: {  	s0 =	stileid.u32;
	[bflag:$0x2] =	sbarrier.arrive $0xFFFF  }
0x131: {  	p0 =	sne.s32 s0, $0x0;
	s0 =	rddreg [dreg:$0x3]  }
0x132: {  	s0 =	sadd.s32 @!p0 $0x100000, s0  }
0x133: {  	[sflag:s0] =	ssyncadd.tile.s32 @!p0 $0x1;
	_ =	shalt  }
.Lfunc_end2:
_tile_overlayer_lowered:
.L_overlay_start_2:
0x134: {  	(tag) =	ssettag $0x2  }
0x135: {  	s0 =	rddreg [dreg:$0x0];
	s2 =	stileid.u32  }
0x136: {  	s1 =	rddreg [dreg:$0x1];
	p0 =	sne.s32 s2, $0x0  }
0x137: {  	s3 =	rddreg [dreg:$0x2];
	[bflag:$0x3] =	sbarrier.arrive $0xFFFF;
	s2 =	simm.s32 @!p0 $0x1C0D  }
0x138: {  	[timem:s3], [sflag:s2] =	dma.local @!p0 [hbm:s0], s1  }
0x139: {  	s0 =	simm.s32 @!p0 $0xD  }
0x13a: {  	_ =	swait.ge @!p0 [sflag:s0], s1  }
0x13b: {  	s1 =	ssub.s32 @!p0 $0x0, s1;
	[sflag:s0] =	ssyncset.done @!p0 $0x0  }
0x13c: {  	[sflag:s0] =	ssyncadd.s32 @!p0 s1  }
0x13d: {  	[bflag:$0x3] =	sbarrier.arrive $0xFFFF  }
0x13e: {  	_ =	shalt  }

// kernel: kernel.17.cloned.1.call-start
scs
__scs_entry_jumppad:
0x0: {  	(pc) =	sbr.rel $0x88, $3  }
0x1: {  	(tag) =	ssettag $0x0;
	lr =	simm.s32 $0x1  }
0x2: {  	[smem:$0x3F96] =	sst lr;
	_ =	strace $0xD0000000  }
0x3: {  	_ = 	snop  }
0x4: {  	_ = 	snop  }
0x5: {  	_ = 	snop  }
0x6: {  	_ = 	snop  }
0x7: {  	_ = 	snop  }
__scs_overlays_trampoline_lowered:
0x8: {  	[smem:$0x3FA5] =	sst s0  }
0x9: {  	[smem:$0x3FA6] =	sst s1  }
0xa: {  	[smem:$0x3FA7] =	sst s2  }
0xb: {  	[smem:$0x3FA8] =	sst s3  }
0xc: {  	[smem:$0x3FA9] =	sst s4  }
0xd: {  	[smem:$0x3FAA] =	sst s5  }
0xe: {  	[smem:$0x3FAB] =	sst s6  }
0xf: {  	[smem:$0x3FAC] =	sst s7  }
0x10: {  	[smem:$0x3FAD] =	sst s8  }
0x11: {  	[smem:$0x3FAE] =	sst s9;
	s0 =	simm.s32 @!p0 $0x0  }
0x12: {  	s1 =	sld [smem:$0x3F94];
	s0 =	simm.s32 @p0 $0x1  }
0x13: {  	[smem:$0x3FAF] =	sst s0;
	s0 =	simm.s32 @!p1 $0x0  }
0x14: {  	s2 =	sld [smem:$0x3F93];
	s0 =	simm.s32 @p1 $0x1  }
0x15: {  	[smem:$0x3FB0] =	sst s0;
	s0 =	simm.s32 @!p2 $0x0  }
0x16: {  	s3 =	sld [smem:$0x3FDB];
	s0 =	simm.s32 @p2 $0x1  }
0x17: {  	s4 =	simm.s32 $0x1BF5;
	[smem:$0x3FB2] =	sst s0  }
0x18: {  	s0 =	sld [smem:$0x3F95];
	_ =	swait.ge [sflag:s4], $0x0  }
0x19: {  	s7 =	sld [smem:$0x3F96]  }
0x1a: {  	s8 =	sadd.s32 $0xFFFFE003, lr  }
0x1b: {  	s9 =	sadd.s32 $0xFFFFFEF7, lr;
	s5 =	simm.s32 $0xFFFFFFFF;
	p2 =	slt.u32 s8, $0xFFFFF086  }
0x1c: {  	p1 =	slt.u32 s9, $0xF7A;
	s5 =	simm.s32 @!p2 $0x0  }
0x1d: {  	s5 =	simm.s32 @p1 $0x1;
	p0 =	seq.s32 s7, s2  }
0x1e: {  	s7 =	smul.u32 @!p0 $0xF7A, s2;
	p2 =	seq.s32 @!p0 s5, $0x0  }
0x1f: {  	s9 =	smul.u32 $0xF7A, s1;
	s8 =	simm.s32 @!p0 $0x1BF5;
	p2 =	por !p2, p0  }
0x20: {  	[sflag:s8] =	ssyncset.s32 @!p0 $0xFFFFF086;
	s6 =	sadd.s32 @!p0 s3, s7;
	s7 =	simm.s32 @!p0 $0x108  }
0x21: {  	s3 =	sadd.s32 s3, s9;
	s6 =	sadd.s32 @!p0 $0x88, s6;
	s7 =	simm.s32 @p2 $0x1082  }
0x22: {  	[simem:s7], [sflag:s8] =	dma.local @!p0 [hbm:s6], $0xF7A  }
0x23: {  	s9 =	sor.u32 $0xD0000000, s2;
	s6 =	simm.s32 $0x108;
	_ =	swait.ge @!p0 [sflag:s8], $0x0  }
0x24: {  	s3 =	sadd.s32 $0x88, s3;
	s6 =	simm.s32 @!p1 $0x1082;
	[sflag:s4] =	ssyncset.s32 $0xFFFFF086  }
0x25: {  	[simem:s6], [sflag:s4] =	dma.local [hbm:s3], $0xF7A  }
0x26: {  	[smem:$0x3F96] =	sst s1;
	(tag) =	ssettag s2;
	_ =	strace s9  }
0x27: {  	s1 =	sld [smem:$0x3FA6]  }
0x28: {  	s2 =	sld [smem:$0x3FA7]  }
0x29: {  	s4 =	sld [smem:$0x3FA9]  }
0x2a: {  	p0 =	seq.s32 s5, $0x0;
	s5 =	sld [smem:$0x3FAA]  }
0x2b: {  	s6 =	sld [smem:$0x3FAB]  }
0x2c: {  	s7 =	sld [smem:$0x3FAC]  }
0x2d: {  	s3 =	simm.s32 $0x108;
	s8 =	sld [smem:$0x3FAD]  }
0x2e: {  	s3 =	simm.s32 @!p0 $0x1082;
	s9 =	sld [smem:$0x3FAE]  }
0x2f: {  	lr =	sadd.s32 s0, s3;
	s0 =	sld [smem:$0x3FA5]  }
0x30: {  	s3 =	sld [smem:$0x3FA8]  }
0x31: {  	[smem:$0x3FB1] =	sst s10  }
0x32: {  	s10 =	sld [smem:$0x3FAF];
	_ =	sdelay $0x3  }
0x33: {  	p0 =	seq.s32 s10, $0x1;
	s10 =	sld [smem:$0x3FB1];
	_ =	sdelay $0x3  }
0x34: {  	[smem:$0x3FB1] =	sst s10  }
0x35: {  	s10 =	sld [smem:$0x3FB0];
	_ =	sdelay $0x3  }
0x36: {  	p1 =	seq.s32 s10, $0x1;
	s10 =	sld [smem:$0x3FB1];
	_ =	sdelay $0x3  }
0x37: {  	[smem:$0x3FB1] =	sst s10  }
0x38: {  	s10 =	sld [smem:$0x3FB2]  }
0x39: {  	_ = 	snop;
	(pc) =	sbr.ind lr, $3  }
0x3a: {  	_ = 	snop  }
0x3b: {  	_ = 	snop  }
0x3c: {  	p2 =	seq.s32 s10, $0x1;
	s10 =	sld [smem:$0x3FB1]  }
0x3d: {  	_ =	shalt  }
0x3e: {  	_ =	shalt  }
0x3f: {  	_ =	shalt  }
0x40: {  	_ =	shalt  }
0x41: {  	_ =	shalt  }
0x42: {  	_ =	shalt  }
0x43: {  	_ =	shalt  }
0x44: {  	_ =	shalt  }
0x45: {  	_ =	shalt  }
0x46: {  	_ =	shalt  }
0x47: {  	_ =	shalt  }
0x48: {  	_ =	shalt  }
0x49: {  	_ =	shalt  }
0x4a: {  	_ =	shalt  }
0x4b: {  	_ =	shalt  }
0x4c: {  	_ =	shalt  }
0x4d: {  	_ =	shalt  }
0x4e: {  	_ =	shalt  }
0x4f: {  	_ =	shalt  }
0x50: {  	_ =	shalt  }
0x51: {  	_ =	shalt  }
0x52: {  	_ =	shalt  }
0x53: {  	_ =	shalt  }
0x54: {  	_ =	shalt  }
0x55: {  	_ =	shalt  }
0x56: {  	_ =	shalt  }
0x57: {  	_ =	shalt  }
0x58: {  	_ =	shalt  }
0x59: {  	_ =	shalt  }
0x5a: {  	_ =	shalt  }
0x5b: {  	_ =	shalt  }
0x5c: {  	_ =	shalt  }
0x5d: {  	_ =	shalt  }
0x5e: {  	_ =	shalt  }
0x5f: {  	_ =	shalt  }
0x60: {  	_ =	shalt  }
0x61: {  	_ =	shalt  }
0x62: {  	_ =	shalt  }
0x63: {  	_ =	shalt  }
0x64: {  	_ =	shalt  }
0x65: {  	_ =	shalt  }
0x66: {  	_ =	shalt  }
0x67: {  	_ =	shalt  }
0x68: {  	_ =	shalt  }
0x69: {  	_ =	shalt  }
0x6a: {  	_ =	shalt  }
0x6b: {  	_ =	shalt  }
0x6c: {  	_ =	shalt  }
0x6d: {  	_ =	shalt  }
0x6e: {  	_ =	shalt  }
0x6f: {  	_ =	shalt  }
0x70: {  	_ =	shalt  }
0x71: {  	_ =	shalt  }
0x72: {  	_ =	shalt  }
0x73: {  	_ =	shalt  }
0x74: {  	_ =	shalt  }
0x75: {  	_ =	shalt  }
0x76: {  	_ =	shalt  }
0x77: {  	_ =	shalt  }
0x78: {  	_ =	shalt  }
0x79: {  	_ =	shalt  }
0x7a: {  	_ =	shalt  }
0x7b: {  	_ =	shalt  }
0x7c: {  	_ =	shalt  }
0x7d: {  	_ =	shalt  }
0x7e: {  	_ =	shalt  }
0x7f: {  	_ =	shalt  }
0x80: {  	_ =	shalt  }
0x81: {  	_ =	shalt  }
0x82: {  	_ =	shalt  }
0x83: {  	_ =	shalt  }
0x84: {  	_ =	shalt  }
0x85: {  	_ =	shalt  }
0x86: {  	_ =	shalt  }
0x87: {  	_ =	shalt  }
.Lfunc_end0:
.L_simem_size_0:
called_computation.2_lowered:
.L_overlay_start_0:
0x88: {  	s2 =	sld [smem:$0x3FD9]  }
0x89: {  	s3 =	sld [smem:$0x3FFE];
	_ =	sdelay $0x1  }
0x8a: {  	s1 =	srdreg.scid  }
0x8b: {  	s0 =	sand.u32 $0x1, s1  }
0x8c: {  	s14 =	sshll.u32 s0, $0xA;
	s2 =	sadd.s32 s3, s2  }
0x8d: {  	s2 =	sadd.s32 s2, s14  }
0x8e: {  	[smem:$0x3FBD] =	sst s2  }
0x8f: {  	_ = 	snop  }
0x90: {  	s2 =	sld [smem:$0x3FD0];
	_ =	sdelay $0x2  }
0x91: {  	s15 =	simm.s32 $0xA;
	s4 =	simm.s32 $0x10  }
0x92: {  	[smem:s4], [sflag:s15] =	dma.local [hbm:s2], $0x1  }
0x93: {  	_ =	swait.eq [sflag:s15], $0x1  }
0x94: {  	[sflag:s15] =	ssyncset.done $0x0  }
0x95: {  	[sflag:s15] =	ssyncadd.s32 $0xFFFFFFFF  }
0x96: {  	s16 =	sld [smem:$0x11];
	(tm) =	ssettm $0x1  }
0x97: {  	s17 =	sld [smem:$0x3FFB];
	_ =	sdelay $0x3  }
0x98: {  	_ =	strace s17  }
0x99: {  	s3 =	sld [smem:$0x3FFC];
	_ =	sdelay $0x3  }
0x9a: {  	_ =	strace s3  }
0x9b: {  	s3 =	sld [smem:$0x3FFD];
	_ =	sdelay $0x3  }
0x9c: {  	_ =	strace s3  }
0x9d: {  	_ =	strace $0x8FFFFFFF  }
0x9e: {  	s18 =	sld [smem:$0x3FDB];
	_ =	sdelay $0x1  }
0x9f: {  	s19 =	simm.s32 $_scs_section_size  }
0xa0: {  	s5 =	simm.s32 $_size__tile_overlayer_lowered;
	s6 =	simm.s32 $_tile_overlayer_lowered  }
0xa1: {  	s22 =	simm.s32 $0x1BFF;
	s21 =	sshll.u32 s6, $0x1;
	s3 =	sadd.s32 s19, s18  }
0xa2: {  	s7 =	simm.s32 $0x0;
	s20 =	sshll.u32 s5, $0x1;
	s5 =	sadd.s32 s21, s3  }
0xa3: {  	[timem:s7], [sflag:s22] =	dma.local [hbm:s5], s20  }
0xa4: {  	_ =	swait.ge [sflag:s22], s20  }
0xa5: {  	s4 =	ssub.s32 $0x0, s20;
	[sflag:s22] =	ssyncset.done $0x0  }
0xa6: {  	[sflag:s22] =	ssyncadd.s32 s4;
	_ =	sdelay $0x1  }
0xa7: {  	s23 =	simm.s32 $0x1B8B  }
0xa8: {  	_ =	swait.ge [sflag:s23], $0x1  }
0xa9: {  	[sflag:s23] =	ssyncset.done $0x0  }
0xaa: {  	s25 =	simm.s32 $0x1B8E;
	s24 =	sld [smem:$0x3FFE];
	[sflag:s23] =	ssyncadd.s32 $0xFFFFFFFF  }
0xab: {  	s26 =	simm.s32 $execute0_lowered;
	[smem:$0x3FD2] =	sst s25  }
0xac: {  	s5 =	sshll.u32 s26, $0x1;
	_ =	strace $0x8000004C;
	[dreg:$0x1] =	wrdreg $0xFFFFFFFF  }
0xad: {  	s28 =	simm.s32 $_size_execute0_lowered;
	s3 =	sadd.s32 s3, s5;
	[dreg:$0x0] =	wrdreg $0x0  }
0xae: {  	s5 =	sshll.u32 s28, $0x1;
	[dreg:$0x2] =	wrdreg s3  }
0xaf: {  	[dreg:$0x3] =	wrdreg s5  }
0xb0: {  	[dreg:$0x4] =	wrdreg $0xC0  }
0xb1: {  	_ =	task [dreg:s7], $0x5FFFF  }
0xb2: {  	[dreg:$0x1] =	wrdreg $0xFFFFFFFF  }
0xb3: {  	[dreg:$0x0] =	wrdreg $0x60  }
0xb4: {  	[dreg:$0x2] =	wrdreg s16  }
0xb5: {  	[dreg:$0x3] =	wrdreg s24  }
0xb6: {  	[dreg:$0x4] =	wrdreg $0x0  }
0xb7: {  	[dreg:$0x5] =	wrdreg $0x9  }
0xb8: {  	_ =	task.clear_ibuf [dreg:s7], $0x6FFFF;
	_ =	strace $0x9000004C  }
0xb9: {  	s29 =	simm.s32 $0x9;
	_ =	strace $0x8000004E  }
0xba: {  	_ =	swait.ge [sflag:s29], $0x1  }
0xbb: {  	[sflag:s29] =	ssyncadd.s32 $0xFFFFFFFF  }
0xbc: {  	_ =	strace $0x9000004E  }
0xbd: {  	_ =	sfence  }
0xbe: {  	s30 =	sld [smem:$0x0];
	_ =	sdelay $0x2  }
0xbf: {  	s31 =	sshll.u32 s1, $0xD;
	s1 =	sshrl.u32 s1, $0x2  }
0xc0: {  	s3 =	sand.u32 $0x4000, s31;
	s1 =	sadd.s32 s1, s30  }
0xc1: {  	s0 =	sor.u32 s3, s0;
	s1 =	sshll.u32 s1, $0x11  }
0xc2: {  	s0 =	sor.u32 s1, s0  }
0xc3: {  	s0 =	sadd.s32 $0x8F2B, s0  }
0xc4: {  	[sflag:s0] =	ssyncadd.remote.s32 $0x1  }
0xc5: {  	_ =	sfence.sel $0xFFFF  }
0xc6: {  	[dreg:$0x0] =	wrdreg $0xFFFFFFFF;
	(pc) =	sbr.abs _section_cstart, $3  }
0xc7: {  	[dreg:$0x1] =	wrdreg $0xFFFFFFFF  }
0xc8: {  	_ =	task.clear_ibuf [dreg:s7], $0x2FFFF;
	_ =	strace $0x9FFFFFFF  }
0xc9: {  	(tm) =	ssettm $0x7FFFFFFF  }
tec
execute0_lowered:
.L_overlay_start_1:
0x0: {  	(tag) =	ssettag $0x1  }
0x1: {  	s1 =	rddreg [dreg:$0x0]  }
0x2: {  	s0 =	rddreg [dreg:$0x1]  }
0x3: {  	s3 =	rddreg [dreg:$0x2];
	s4 =	simm.s32 $0x0;
	s11 =	stileid.u32  }
0x4: {  	s2 =	srdreg.scid;
	s18 =	simm.s32 $0xD;
	[smem:$0x7FF] =	sst s4  }
0x5: {  	s5 =	smul.u32 $0x13800, s11;
	s2 =	sand.u32 $0x1, s2;
	s7 =	sadd.s32 $0x26800, s0  }
0x6: {  	s13 =	sadd.s32 $0x3A200, s0;
	s14 =	sshll.u32 s11, $0x6;
	s23 =	sadd.s32 $0x138000, s3  }
0x7: {  	p0 =	slt.u32 s11, $0x2;
	p1 =	sne.s32 s11, $0xF;
	_ =	strace $0x8000004D  }
0x8: {  	s6 =	ssub.s32 $0x2, s2;
	[dreg:$0x7] =	wrdreg s23;
	s16 =	sshll.u32 s2, $0x5  }
0x9: {  	s2 =	smul.u32 $0x138800, s2;
	s30 =	sadd.s32 s14, s7;
	s8 =	sshrl.u32 s5, $0x3  }
0xa: {  	s9 =	sshrl.u32 s6, $0x1;
	s17 =	sadd.s32 s5, s3;
	s10 =	sor.u32 s16, s14  }
0xb: {  	s31 =	sadd.s32 s16, s30;
	s8 =	sadd.s32 s8, s0;
	s15 =	ssub.s32 s6, s9  }
0xc: {  	s6 =	sor.u32 $0x1C0D, s14;
	s0 =	sadd.s32 $0xAF400, s0;
	s10 =	sadd.s32 s7, s10  }
0xd: {  	s29 =	sadd.s32 s5, s2;
	s2 =	sshrl.u32 s2, $0x3;
	s16 =	sadd.s32 $0x2000, s31  }
0xe: {  	s17 =	sshrl.u32 s17, $0x3;
	s22 =	sadd.s32 $0x88400, s8;
	[dreg:$0x8] =	wrdreg s0  }
0xf: {  	s8 =	simm.s32 $0x4F;
	s24 =	sadd.s32 $0x400, s10;
	[dreg:$0x6] =	wrdreg s22  }
0x10: {  	s26 =	sadd.s32 $0x800, s10;
	s0 =	sshrl.u32 s29, $0x3;
	[dreg:$0x9] =	wrdreg s24  }
0x11: {  	s8 =	simm.s32 @!p0 $0x4E;
	[dreg:$0xa] =	wrdreg s26;
	s0 =	sadd.s32 s13, s0  }
0x12: {  	s2 =	sadd.s32 s13, s2;
	s25 =	sadd.s32 $0xFFFFFFFF, s8;
	[dreg:$0xb] =	wrdreg s0  }
0x13: {  	s28 =	sadd.s32 $0xFFFFFFFE, s8;
	s0 =	simm.s32 @!p1 $0x0;
	[dreg:$0x4] =	wrdreg s25  }
0x14: {  	s15 =	smax.u32 s15, $0x1;
	[dreg:$0x5] =	wrdreg s28;
	s0 =	simm.s32 @p1 $0x1  }
0x15: {  	s14 =	sadd.s32 $0x27000, s2;
	s22 =	simm.s32 $0x0;
	[smem:$0x7FD] =	sst s0  }
.LBB2_1:
0x16: {  	s0 =	rddreg [dreg:$0x6]  }
0x17: {  	[spmem:s17], [sflag:s6] =	dma.local [hbm:s0], $0x2700  }
0x18: {  	_ =	swait.ge [sflag:s18], $0x2700  }
0x19: {  	[sflag:s18] =	ssyncset.done $0x0;
	s0 =	rddreg [dreg:$0x7]  }
0x1a: {  	[sflag:s18] =	ssyncadd.s32 $0xFFFFD900;
	s23 =	sshrl.u32 @!p1 s0, $0x3;
	s0 =	rddreg [dreg:$0x8]  }
0x1b: {  	[spmem:s23], [sflag:s6] =	dma.local @!p1 [hbm:s0], $0x100  }
0x1c: {  	s0 =	simm.s32 @!p1 $0xD  }
0x1d: {  	_ =	swait.ge @!p1 [sflag:s0], $0x100  }
0x1e: {  	[sflag:s0] =	ssyncset.done @!p1 $0x0  }
0x1f: {  	[sflag:s0] =	ssyncadd.s32 @!p1 $0xFFFFFF00  }
0x20: {  	s20 =	simm.s32 $0x13880;
	[bflag:$0x0] =	sbarrier.arrive $0xFFFF  }
0x21: {  	[tilespmem:s20], [sflag:$0x1] =	stream.linear.gather [hbm4b:s10+s4], $0x100, $0x38;
	[tilespmem:$0x1FE80] =	vst v63  }
0x22: {  	s2 =	simm.s32 $0x13980;
	p1 =	sle.u32 s8, $0xFFFFFFFD;
	s21 =	rddreg [dreg:$0x9]  }
0x23: {  	[tilespmem:s2], [sflag:$0x2] =	stream.linear.gather [hbm4b:s21+s4], $0x100, $0x38;
	[tilespmem:$0x1FE80] =	vst v63  }
0x24: {  	s25 =	simm.s32 $0x13A80;
	s0 =	simm.s32 @!p1 $0xA;
	s24 =	rddreg [dreg:$0xa]  }
0x25: {  	[tilespmem:s25], [sflag:$0x3] =	stream.linear.gather [hbm4b:s24+s4], $0x100, $0x38;
	[tilespmem:$0x1FE80] =	vst v63  }
0x26: {  	_ =	swait.ge @!p1 [sflag:s0], $0x4000  }
0x27: {  	p0 =	sle.u32 s8, $0x0;
	[sflag:s0] =	ssyncset.done @!p1 $0x0  }
0x28: {  	s2 =	simm.s32 @!p0 $0x1;
	[sflag:s0] =	ssyncadd.s32 @!p1 $0xFFFFC000  }
0x29: {  	p3 =	sle.u32 s8, $0x3;
	s7 =	simm.s32 @!p0 $0x80;
	_ =	swait.ge @!p0 [sflag:s2], $0x100  }
0x2a: {  	s19 =	simm.s32 @!p0 $0x13E80;
	s20 =	simm.s32 @!p3 $0x0;
	[sflag:s2] =	ssyncset.done @!p0 $0x0  }
0x2b: {  	p1 =	sle.u32 s8, $0xFFFFFFFE;
	s0 =	simm.s32 @!p0 $0x13880;
	[sflag:s2] =	ssyncadd.s32 @!p0 $0xFFFFFF00  }
0x2c: {  	[tilespmem:s19], [sflag:$0x7] =	stream.indirect.gather @!p0 [hbm4b:s1+s7], $0x80, s0, s7, $0xb8;
	[tilespmem:$0x1FE80] =	vst v63  }
0x2d: {  	s5 =	simm.s32 @!p1 $0xB;
	s2 =	sadd.s32 @!p3 $0xFFFFEC00, s16;
	s0 =	simm.s32 @!p3 $0x13B80  }
0x2e: {  	[tilespmem:s0], [sflag:$0x4] =	stream.linear.gather @!p3 [hbm4b:s2+s20], $0x100, $0x38;
	[tilespmem:$0x1FE80] =	vst v63  }
0x2f: {  	_ =	swait.ge @!p1 [sflag:s5], $0x4000  }
0x30: {  	s26 =	rddreg [dreg:$0x4]  }
0x31: {  	[sflag:s5] =	ssyncset.done @!p1 $0x0;
	p4 =	sle.u32 s26, $0x0  }
0x32: {  	p2 =	sle.u32 s8, $0xFFFFFFFF;
	[sflag:s5] =	ssyncadd.s32 @!p1 $0xFFFFC000;
	s2 =	simm.s32 @!p4 $0x2  }
0x33: {  	s5 =	simm.s32 @!p2 $0xC;
	_ =	swait.ge @!p4 [sflag:s2], $0x100  }
0x34: {  	p1 =	sle.u32 s8, $0x4;
	s20 =	simm.s32 @!p4 $0x13980;
	[sflag:s2] =	ssyncset.done @!p4 $0x0  }
0x35: {  	s21 =	simm.s32 @!p4 $0x17E80;
	s24 =	simm.s32 @!p4 $0x80;
	[sflag:s2] =	ssyncadd.s32 @!p4 $0xFFFFFF00  }
0x36: {  	[tilespmem:s21], [sflag:$0x8] =	stream.indirect.gather @!p4 [hbm4b:s1+s24], $0x80, s20, s24, $0xb8;
	[tilespmem:$0x1FE80] =	vst v63  }
0x37: {  	s25 =	simm.s32 @!p1 $0x0;
	s2 =	simm.s32 @!p1 $0x13C80;
	s20 =	sadd.s32 @!p1 $0xFFFFF000, s16  }
0x38: {  	[tilespmem:s2], [sflag:$0x5] =	stream.linear.gather @!p1 [hbm4b:s20+s25], $0x100, $0x38;
	[tilespmem:$0x1FE80] =	vst v63  }
0x39: {  	_ =	swait.ge @!p2 [sflag:s5], $0x4000  }
0x3a: {  	s29 =	rddreg [dreg:$0x5]  }
0x3b: {  	[sflag:s5] =	ssyncset.done @!p2 $0x0;
	p5 =	sle.u32 s29, $0x0  }
0x3c: {  	[sflag:s5] =	ssyncadd.s32 @!p2 $0xFFFFC000;
	s5 =	simm.s32 @!p5 $0x3  }
0x3d: {  	_ =	swait.ge @!p5 [sflag:s5], $0x100  }
0x3e: {  	p2 =	sle.u32 s8, $0x5;
	s20 =	simm.s32 @!p5 $0x1BE80;
	[sflag:s5] =	ssyncset.done @!p5 $0x0  }
0x3f: {  	s25 =	simm.s32 @!p5 $0x80;
	[sflag:s5] =	ssyncadd.s32 @!p5 $0xFFFFFF00;
	s5 =	simm.s32 @!p5 $0x13A80  }
0x40: {  	[tilespmem:s20], [sflag:$0x9] =	stream.indirect.gather @!p5 [hbm4b:s1+s25], $0x80, s5, s25, $0xb8;
	[tilespmem:$0x1FE80] =	vst v63  }
0x41: {  	s26 =	sadd.s32 @!p2 $0xFFFFF400, s16;
	s28 =	simm.s32 @!p2 $0x0;
	s5 =	simm.s32 @!p2 $0x13D80  }
0x42: {  	[tilespmem:s5], [sflag:$0x6] =	stream.linear.gather @!p2 [hbm4b:s26+s28], $0x100, $0x38;
	[tilespmem:$0x1FE80] =	vst v63  }
0x43: {  	s26 =	simm.s32 @!p0 $0x7  }
0x44: {  	_ =	swait.ge @!p0 [sflag:s26], $0x4000  }
0x45: {  	[sflag:s26] =	ssyncset.done @!p0 $0x0  }
0x46: {  	s28 =	simm.s32 @!p0 $0x13900;
	[sflag:s26] =	ssyncadd.s32 @!p0 $0xFFFFC000;
	s26 =	simm.s32 @!p4 $0x8  }
0x47: {  	[spmem:s3] =	stream.indirect.scatter.add.f32 @!p0 [tilespmem:s19], [sflag:$0xA], $0x80, s28, s7, $0xb8;
	[tilespmem:$0x1FE80] =	vst v63  }
0x48: {  	_ =	swait.ge @!p4 [sflag:s26], $0x4000  }
0x49: {  	[sflag:s26] =	ssyncset.done @!p4 $0x0  }
0x4a: {  	s7 =	simm.s32 @!p4 $0x13A00;
	s19 =	simm.s32 @!p5 $0x9;
	[sflag:s26] =	ssyncadd.s32 @!p4 $0xFFFFC000  }
0x4b: {  	[spmem:s3] =	stream.indirect.scatter.add.f32 @!p4 [tilespmem:s21], [sflag:$0xB], $0x80, s7, s24, $0xb8;
	[tilespmem:$0x1FE80] =	vst v63  }
0x4c: {  	_ =	swait.ge @!p5 [sflag:s19], $0x4000  }
0x4d: {  	[sflag:s19] =	ssyncset.done @!p5 $0x0  }
0x4e: {  	s7 =	simm.s32 @!p0 $0xA;
	s21 =	simm.s32 @!p5 $0x13B00;
	[sflag:s19] =	ssyncadd.s32 @!p5 $0xFFFFC000  }
0x4f: {  	[spmem:s3] =	stream.indirect.scatter.add.f32 @!p5 [tilespmem:s20], [sflag:$0xC], $0x80, s21, s25, $0xb8;
	[tilespmem:$0x1FE80] =	vst v63  }
0x50: {  	_ =	swait.ge @!p0 [sflag:s7], $0x4000  }
0x51: {  	[sflag:s7] =	ssyncset.done @!p0 $0x0  }
0x52: {  	s19 =	simm.s32 @!p3 $0x4;
	[sflag:s7] =	ssyncadd.s32 @!p0 $0xFFFFC000  }
0x53: {  	_ =	swait.ge @!p3 [sflag:s19], $0x100  }
0x54: {  	s24 =	simm.s32 @!p4 $0xB;
	s21 =	simm.s32 @!p3 $0x13E80;
	[sflag:s19] =	ssyncset.done @!p3 $0x0  }
0x55: {  	s7 =	simm.s32 @!p3 $0x80;
	p0 =	sle.u32 s8, $0x6;
	[sflag:s19] =	ssyncadd.s32 @!p3 $0xFFFFFF00  }
0x56: {  	[tilespmem:s21], [sflag:$0x7] =	stream.indirect.gather @!p3 [hbm4b:s1+s7], $0x80, s0, s7, $0xb8;
	[tilespmem:$0x1FE80] =	vst v63  }
0x57: {  	s20 =	sadd.s32 @!p0 $0xFFFFF800, s16;
	s19 =	simm.s32 @!p0 $0x13880;
	s0 =	simm.s32 @!p0 $0x0  }
0x58: {  	[tilespmem:s19], [sflag:$0x1] =	stream.linear.gather @!p0 [hbm4b:s20+s0], $0x100, $0x38;
	[tilespmem:$0x1FE80] =	vst v63  }
0x59: {  	_ =	swait.ge @!p4 [sflag:s24], $0x4000  }
0x5a: {  	[sflag:s24] =	ssyncset.done @!p4 $0x0  }
0x5b: {  	s19 =	simm.s32 @!p1 $0x5;
	[sflag:s24] =	ssyncadd.s32 @!p4 $0xFFFFC000  }
0x5c: {  	_ =	swait.ge @!p1 [sflag:s19], $0x100  }
0x5d: {  	s31 =	simm.s32 @!p1 $0x80;
	p0 =	sle.u32 s8, $0x7;
	[sflag:s19] =	ssyncset.done @!p1 $0x0  }
0x5e: {  	s0 =	simm.s32 @!p1 $0x17E80;
	s20 =	simm.s32 @!p0 $0x13980;
	[sflag:s19] =	ssyncadd.s32 @!p1 $0xFFFFFF00  }
0x5f: {  	[tilespmem:s0], [sflag:$0x8] =	stream.indirect.gather @!p1 [hbm4b:s1+s31], $0x80, s2, s31, $0xb8;
	[tilespmem:$0x1FE80] =	vst v63  }
0x60: {  	s24 =	simm.s32 @!p5 $0xC;
	s19 =	sadd.s32 @!p0 $0xFFFFFC00, s16;
	s2 =	simm.s32 @!p0 $0x0  }
0x61: {  	[tilespmem:s20], [sflag:$0x2] =	stream.linear.gather @!p0 [hbm4b:s19+s2], $0x100, $0x38;
	[tilespmem:$0x1FE80] =	vst v63  }
0x62: {  	_ =	swait.ge @!p5 [sflag:s24], $0x4000  }
0x63: {  	[sflag:s24] =	ssyncset.done @!p5 $0x0  }
0x64: {  	s19 =	simm.s32 @!p2 $0x6;
	[sflag:s24] =	ssyncadd.s32 @!p5 $0xFFFFC000  }
0x65: {  	_ =	swait.ge @!p2 [sflag:s19], $0x100  }
0x66: {  	s2 =	simm.s32 @!p2 $0x80;
	[sflag:s19] =	ssyncset.done @!p2 $0x0  }
0x67: {  	s20 =	simm.s32 @!p2 $0x1BE80;
	p0 =	sle.u32 s8, $0x8;
	[sflag:s19] =	ssyncadd.s32 @!p2 $0xFFFFFF00  }
0x68: {  	[tilespmem:s20], [sflag:$0x9] =	stream.indirect.gather @!p2 [hbm4b:s1+s2], $0x80, s5, s2, $0xb8;
	[tilespmem:$0x1FE80] =	vst v63  }
0x69: {  	s24 =	simm.s32 @!p3 $0x7;
	s19 =	simm.s32 @!p0 $0x13A80;
	s5 =	simm.s32 @!p0 $0x0  }
0x6a: {  	[tilespmem:s19], [sflag:$0x3] =	stream.linear.gather @!p0 [hbm4b:s16+s5], $0x100, $0x38;
	[tilespmem:$0x1FE80] =	vst v63  }
0x6b: {  	s30 =	simm.s32 @!p1 $0x13D00;
	_ =	swait.ge @!p3 [sflag:s24], $0x4000  }
0x6c: {  	s28 =	simm.s32 $0xC;
	s26 =	smov.u32 s16;
	[sflag:s24] =	ssyncset.done @!p3 $0x0  }
0x6d: {  	s25 =	simm.s32 $0xC;
	s5 =	simm.s32 @!p3 $0x13C00;
	[sflag:s24] =	ssyncadd.s32 @!p3 $0xFFFFC000  }
0x6e: {  	[spmem:s3] =	stream.indirect.scatter.add.f32 @!p3 [tilespmem:s21], [sflag:$0xA], $0x80, s5, s7, $0xb8;
	[tilespmem:$0x1FE80] =	vst v63  }
0x6f: {  	s19 =	simm.s32 $0x3;
	s24 =	simm.s32 $0x6;
	s7 =	simm.s32 @!p1 $0x8  }
.LBB2_2:
0x70: {  	_ =	swait.ge @!p1 [sflag:s7], $0x4000  }
0x71: {  	[sflag:s7] =	ssyncset.done @!p1 $0x0  }
0x72: {  	s5 =	simm.s32 @!p2 $0x9;
	[sflag:s7] =	ssyncadd.s32 @!p1 $0xFFFFC000  }
0x73: {  	[spmem:s3] =	stream.indirect.scatter.add.f32 @!p1 [tilespmem:s0], [sflag:$0xB], $0x80, s30, s31, $0xb8;
	[tilespmem:$0x1FE80] =	vst v63  }
0x74: {  	_ =	swait.ge @!p2 [sflag:s5], $0x4000  }
0x75: {  	p6 =	sge.u32 s19, s8;
	[sflag:s5] =	ssyncset.done @!p2 $0x0  }
0x76: {  	s21 =	simm.s32 @!p2 $0x13E00;
	s7 =	simm.s32 @!p6 $0xA;
	[sflag:s5] =	ssyncadd.s32 @!p2 $0xFFFFC000  }
0x77: {  	[spmem:s3] =	stream.indirect.scatter.add.f32 @!p2 [tilespmem:s20], [sflag:$0xC], $0x80, s21, s2, $0xb8;
	[tilespmem:$0x1FE80] =	vst v63  }
0x78: {  	s26 =	sadd.s32 $0x1800, s26;
	_ =	swait.ge @!p6 [sflag:s7], $0x4000  }
0x79: {  	p5 =	sge.u32 s24, s8;
	s11 =	sadd.s32 $0xFFFFFFFE, s24;
	[sflag:s7] =	ssyncset.done @!p6 $0x0  }
0x7a: {  	s19 =	simm.s32 @!p5 $0x1;
	s30 =	sadd.s32 $0x3, s24;
	[sflag:s7] =	ssyncadd.s32 @!p6 $0xFFFFC000  }
0x7b: {  	p0 =	sge.u32 s11, s8;
	p4 =	sge.u32 s30, s8;
	_ =	swait.ge @!p5 [sflag:s19], $0x100  }
0x7c: {  	s0 =	simm.s32 @!p5 $0x80;
	s31 =	simm.s32 @!p4 $0x13B80;
	[sflag:s19] =	ssyncset.done @!p5 $0x0  }
0x7d: {  	s5 =	simm.s32 @!p5 $0x13880;
	s20 =	simm.s32 @!p5 $0x13E80;
	[sflag:s19] =	ssyncadd.s32 @!p5 $0xFFFFFF00  }
0x7e: {  	[tilespmem:s20], [sflag:$0x7] =	stream.indirect.gather @!p5 [hbm4b:s1+s0], $0x80, s5, s0, $0xb8;
	[tilespmem:$0x1FE80] =	vst v63  }
0x7f: {  	s2 =	simm.s32 @!p0 $0xB;
	s7 =	simm.s32 @!p4 $0x0;
	s5 =	sadd.s32 @!p4 $0xFFFFEC00, s26  }
0x80: {  	[tilespmem:s31], [sflag:$0x4] =	stream.linear.gather @!p4 [hbm4b:s5+s7], $0x100, $0x38;
	[tilespmem:$0x1FE80] =	vst v63  }
0x81: {  	_ =	swait.ge @!p0 [sflag:s2], $0x4000  }
0x82: {  	s12 =	rddreg [dreg:$0x4]  }
0x83: {  	s13 =	sadd.s32 $0x4, s24;
	[sflag:s2] =	ssyncset.done @!p0 $0x0;
	p6 =	sge.u32 s24, s12  }
0x84: {  	p1 =	sge.u32 s13, s8;
	[sflag:s2] =	ssyncadd.s32 @!p0 $0xFFFFC000;
	s2 =	simm.s32 @!p6 $0x2  }
0x85: {  	s9 =	simm.s32 @!p1 $0x0;
	s21 =	sadd.s32 $0xFFFFFFFF, s24;
	_ =	swait.ge @!p6 [sflag:s2], $0x100  }
0x86: {  	p0 =	sge.u32 s21, s8;
	s7 =	simm.s32 @!p6 $0x13980;
	[sflag:s2] =	ssyncset.done @!p6 $0x0  }
0x87: {  	s5 =	simm.s32 @!p6 $0x17E80;
	s21 =	simm.s32 @!p6 $0x80;
	[sflag:s2] =	ssyncadd.s32 @!p6 $0xFFFFFF00  }
0x88: {  	[tilespmem:s5], [sflag:$0x8] =	stream.indirect.gather @!p6 [hbm4b:s1+s21], $0x80, s7, s21, $0xb8;
	[tilespmem:$0x1FE80] =	vst v63  }
0x89: {  	s19 =	simm.s32 @!p0 $0xC;
	s2 =	simm.s32 @!p1 $0x13C80;
	s7 =	sadd.s32 @!p1 $0xFFFFF000, s26  }
0x8a: {  	[tilespmem:s2], [sflag:$0x5] =	stream.linear.gather @!p1 [hbm4b:s7+s9], $0x100, $0x38;
	[tilespmem:$0x1FE80] =	vst v63  }
0x8b: {  	_ =	swait.ge @!p0 [sflag:s19], $0x4000  }
0x8c: {  	[sflag:s19] =	ssyncset.done @!p0 $0x0;
	s9 =	rddreg [dreg:$0x5]  }
0x8d: {  	[sflag:s19] =	ssyncadd.s32 @!p0 $0xFFFFC000;
	p0 =	sge.u32 s24, s9  }
0x8e: {  	s7 =	simm.s32 @!p0 $0x3  }
0x8f: {  	s11 =	sadd.s32 $0x5, s24;
	s13 =	simm.s32 @!p5 $0x7;
	_ =	swait.ge @!p0 [sflag:s7], $0x100  }
0x90: {  	p2 =	sge.u32 s11, s8;
	s12 =	simm.s32 @!p0 $0x1BE80;
	[sflag:s7] =	ssyncset.done @!p0 $0x0  }
0x91: {  	s19 =	simm.s32 @!p0 $0x13A80;
	[sflag:s7] =	ssyncadd.s32 @!p0 $0xFFFFFF00;
	s7 =	simm.s32 @!p0 $0x80  }
0x92: {  	[tilespmem:s12], [sflag:$0x9] =	stream.indirect.gather @!p0 [hbm4b:s1+s7], $0x80, s19, s7, $0xb8;
	[tilespmem:$0x1FE80] =	vst v63  }
0x93: {  	s11 =	simm.s32 @!p2 $0x0;
	s9 =	sadd.s32 @!p2 $0xFFFFF400, s26;
	s19 =	simm.s32 @!p2 $0x13D80  }
0x94: {  	[tilespmem:s19], [sflag:$0x6] =	stream.linear.gather @!p2 [hbm4b:s9+s11], $0x100, $0x38;
	[tilespmem:$0x1FE80] =	vst v63  }
0x95: {  	_ =	swait.ge @!p5 [sflag:s13], $0x4000  }
0x96: {  	[sflag:s13] =	ssyncset.done @!p5 $0x0  }
0x97: {  	s9 =	simm.s32 @!p5 $0x13900;
	s11 =	simm.s32 @!p6 $0x8;
	[sflag:s13] =	ssyncadd.s32 @!p5 $0xFFFFC000  }
0x98: {  	[spmem:s3] =	stream.indirect.scatter.add.f32 @!p5 [tilespmem:s20], [sflag:$0xA], $0x80, s9, s0, $0xb8;
	[tilespmem:$0x1FE80] =	vst v63  }
0x99: {  	_ =	swait.ge @!p6 [sflag:s11], $0x4000  }
0x9a: {  	[sflag:s11] =	ssyncset.done @!p6 $0x0  }
0x9b: {  	s0 =	simm.s32 @!p6 $0x13A00;
	s9 =	simm.s32 @!p0 $0x9;
	[sflag:s11] =	ssyncadd.s32 @!p6 $0xFFFFC000  }
0x9c: {  	[spmem:s3] =	stream.indirect.scatter.add.f32 @!p6 [tilespmem:s5], [sflag:$0xB], $0x80, s0, s21, $0xb8;
	[tilespmem:$0x1FE80] =	vst v63  }
0x9d: {  	_ =	swait.ge @!p0 [sflag:s9], $0x4000  }
0x9e: {  	[sflag:s9] =	ssyncset.done @!p0 $0x0  }
0x9f: {  	s0 =	simm.s32 @!p5 $0xA;
	s5 =	simm.s32 @!p0 $0x13B00;
	[sflag:s9] =	ssyncadd.s32 @!p0 $0xFFFFC000  }
0xa0: {  	[spmem:s3] =	stream.indirect.scatter.add.f32 @!p0 [tilespmem:s12], [sflag:$0xC], $0x80, s5, s7, $0xb8;
	[tilespmem:$0x1FE80] =	vst v63  }
0xa1: {  	_ =	swait.ge @!p5 [sflag:s0], $0x4000  }
0xa2: {  	[sflag:s0] =	ssyncset.done @!p5 $0x0  }
0xa3: {  	s7 =	simm.s32 @!p4 $0x4;
	[sflag:s0] =	ssyncadd.s32 @!p5 $0xFFFFC000  }
0xa4: {  	_ =	swait.ge @!p4 [sflag:s7], $0x100  }
0xa5: {  	s11 =	simm.s32 @!p6 $0xB;
	s21 =	simm.s32 @!p4 $0x80;
	[sflag:s7] =	ssyncset.done @!p4 $0x0  }
0xa6: {  	s5 =	simm.s32 @!p4 $0x13E80;
	p5 =	sge.u32 s25, s8;
	[sflag:s7] =	ssyncadd.s32 @!p4 $0xFFFFFF00  }
0xa7: {  	[tilespmem:s5], [sflag:$0x7] =	stream.indirect.gather @!p4 [hbm4b:s1+s21], $0x80, s31, s21, $0xb8;
	[tilespmem:$0x1FE80] =	vst v63  }
0xa8: {  	s0 =	sadd.s32 @!p5 $0xFFFFF800, s26;
	s9 =	simm.s32 @!p5 $0x0;
	s7 =	simm.s32 @!p5 $0x13880  }
0xa9: {  	[tilespmem:s7], [sflag:$0x1] =	stream.linear.gather @!p5 [hbm4b:s0+s9], $0x100, $0x38;
	[tilespmem:$0x1FE80] =	vst v63  }
0xaa: {  	_ =	swait.ge @!p6 [sflag:s11], $0x4000  }
0xab: {  	[sflag:s11] =	ssyncset.done @!p6 $0x0  }
0xac: {  	s7 =	simm.s32 @!p1 $0x5;
	[sflag:s11] =	ssyncadd.s32 @!p6 $0xFFFFC000  }
0xad: {  	s12 =	sadd.s32 $0x7, s24;
	_ =	swait.ge @!p1 [sflag:s7], $0x100  }
0xae: {  	s31 =	simm.s32 @!p1 $0x80;
	p5 =	sge.u32 s12, s8;
	[sflag:s7] =	ssyncset.done @!p1 $0x0  }
0xaf: {  	s0 =	simm.s32 @!p1 $0x17E80;
	s9 =	simm.s32 @!p5 $0x0;
	[sflag:s7] =	ssyncadd.s32 @!p1 $0xFFFFFF00  }
0xb0: {  	[tilespmem:s0], [sflag:$0x8] =	stream.indirect.gather @!p1 [hbm4b:s1+s31], $0x80, s2, s31, $0xb8;
	[tilespmem:$0x1FE80] =	vst v63  }
0xb1: {  	s11 =	simm.s32 @!p0 $0xC;
	s7 =	sadd.s32 @!p5 $0xFFFFFC00, s26;
	s2 =	simm.s32 @!p5 $0x13980  }
0xb2: {  	[tilespmem:s2], [sflag:$0x2] =	stream.linear.gather @!p5 [hbm4b:s7+s9], $0x100, $0x38;
	[tilespmem:$0x1FE80] =	vst v63  }
0xb3: {  	_ =	swait.ge @!p0 [sflag:s11], $0x4000  }
0xb4: {  	[sflag:s11] =	ssyncset.done @!p0 $0x0  }
0xb5: {  	s7 =	simm.s32 @!p2 $0x6;
	[sflag:s11] =	ssyncadd.s32 @!p0 $0xFFFFC000  }
0xb6: {  	s29 =	smov.u32 s28;
	s28 =	sadd.s32 $0x6, s28;
	_ =	swait.ge @!p2 [sflag:s7], $0x100  }
0xb7: {  	s13 =	sadd.s32 $0x8, s24;
	s20 =	simm.s32 @!p2 $0x1BE80;
	[sflag:s7] =	ssyncset.done @!p2 $0x0  }
0xb8: {  	s2 =	simm.s32 @!p2 $0x80;
	p0 =	sge.u32 s13, s8;
	[sflag:s7] =	ssyncadd.s32 @!p2 $0xFFFFFF00  }
0xb9: {  	[tilespmem:s20], [sflag:$0x9] =	stream.indirect.gather @!p2 [hbm4b:s1+s2], $0x80, s19, s2, $0xb8;
	[tilespmem:$0x1FE80] =	vst v63  }
0xba: {  	p3 =	sne.s32 s28, $0x54;
	s9 =	simm.s32 @!p0 $0x13A80;
	s7 =	simm.s32 @!p0 $0x0  }
0xbb: {  	[tilespmem:s9], [sflag:$0x3] =	stream.linear.gather @!p0 [hbm4b:s26+s7], $0x100, $0x38;
	[tilespmem:$0x1FE80] =	vst v63  }
.Ltmp0:
0xbc: {  	s11 =	simm.s32 @!p4 $0x7;
	(pc) =	sbr.rel @p3 .LBB2_2-.Ltmp0, $4  }
0xbd: {  	s30 =	simm.s32 @!p1 $0x13D00;
	s24 =	smov.u32 s29;
	_ =	swait.ge @!p4 [sflag:s11], $0x4000  }
0xbe: {  	s25 =	smov.u32 s28;
	s19 =	sadd.s32 $0xFFFFFFFD, s24;
	[sflag:s11] =	ssyncset.done @!p4 $0x0  }
0xbf: {  	s9 =	simm.s32 @!p4 $0x13C00;
	s7 =	simm.s32 @!p1 $0x8;
	[sflag:s11] =	ssyncadd.s32 @!p4 $0xFFFFC000  }
0xc0: {  	[spmem:s3] =	stream.indirect.scatter.add.f32 @!p4 [tilespmem:s5], [sflag:$0xA], $0x80, s9, s21, $0xb8;
	[tilespmem:$0x1FE80] =	vst v63  }
0xc1: {  	_ =	swait.ge @!p1 [sflag:s7], $0x4000  }
0xc2: {  	[sflag:s7] =	ssyncset.done @!p1 $0x0  }
0xc3: {  	s5 =	simm.s32 @!p2 $0x9;
	[sflag:s7] =	ssyncadd.s32 @!p1 $0xFFFFC000  }
0xc4: {  	[spmem:s3] =	stream.indirect.scatter.add.f32 @!p1 [tilespmem:s0], [sflag:$0xB], $0x80, s30, s31, $0xb8;
	[tilespmem:$0x1FE80] =	vst v63  }
0xc5: {  	_ =	swait.ge @!p2 [sflag:s5], $0x4000  }
0xc6: {  	p0 =	sge.u32 s19, s8;
	[sflag:s5] =	ssyncset.done @!p2 $0x0  }
0xc7: {  	s7 =	simm.s32 @!p2 $0x13E00;
	s0 =	simm.s32 @!p0 $0xA;
	[sflag:s5] =	ssyncadd.s32 @!p2 $0xFFFFC000  }
0xc8: {  	[spmem:s3] =	stream.indirect.scatter.add.f32 @!p2 [tilespmem:s20], [sflag:$0xC], $0x80, s7, s2, $0xb8;
	[tilespmem:$0x1FE80] =	vst v63  }
0xc9: {  	p3 =	sge.u32 s24, s8;
	_ =	swait.ge @!p0 [sflag:s0], $0x4000  }
0xca: {  	s26 =	sadd.s32 $0x1800, s26;
	s11 =	sadd.s32 $0x3, s24;
	[sflag:s0] =	ssyncset.done @!p0 $0x0  }
0xcb: {  	p1 =	sge.u32 s11, s8;
	s2 =	simm.s32 @!p3 $0x1;
	[sflag:s0] =	ssyncadd.s32 @!p0 $0xFFFFC000  }
0xcc: {  	s9 =	sadd.s32 $0xFFFFFFFE, s24;
	s11 =	simm.s32 @!p1 $0x0;
	_ =	swait.ge @!p3 [sflag:s2], $0x100  }
0xcd: {  	s7 =	simm.s32 @!p3 $0x13E80;
	p0 =	sge.u32 s9, s8;
	[sflag:s2] =	ssyncset.done @!p3 $0x0  }
0xce: {  	s9 =	simm.s32 @!p3 $0x80;
	s0 =	simm.s32 @!p3 $0x13880;
	[sflag:s2] =	ssyncadd.s32 @!p3 $0xFFFFFF00  }
0xcf: {  	[tilespmem:s7], [sflag:$0x7] =	stream.indirect.gather @!p3 [hbm4b:s1+s9], $0x80, s0, s9, $0xb8;
	[tilespmem:$0x1FE80] =	vst v63  }
0xd0: {  	s5 =	simm.s32 @!p0 $0xB;
	s2 =	sadd.s32 @!p1 $0xFFFFEC00, s26;
	s0 =	simm.s32 @!p1 $0x13B80  }
0xd1: {  	[tilespmem:s0], [sflag:$0x4] =	stream.linear.gather @!p1 [hbm4b:s2+s11], $0x100, $0x38;
	[tilespmem:$0x1FE80] =	vst v63  }
0xd2: {  	_ =	swait.ge @!p0 [sflag:s5], $0x4000  }
0xd3: {  	s12 =	rddreg [dreg:$0x4]  }
0xd4: {  	s13 =	sadd.s32 $0xFFFFFFFF, s24;
	[sflag:s5] =	ssyncset.done @!p0 $0x0;
	p4 =	sge.u32 s24, s12  }
0xd5: {  	p2 =	sge.u32 s13, s8;
	[sflag:s5] =	ssyncadd.s32 @!p0 $0xFFFFC000;
	s2 =	simm.s32 @!p4 $0x2  }
0xd6: {  	s19 =	sadd.s32 $0x4, s24;
	s11 =	simm.s32 @!p2 $0xC;
	_ =	swait.ge @!p4 [sflag:s2], $0x100  }
0xd7: {  	p0 =	sge.u32 s19, s8;
	s5 =	simm.s32 @!p4 $0x13980;
	[sflag:s2] =	ssyncset.done @!p4 $0x0  }
0xd8: {  	s12 =	simm.s32 @!p4 $0x17E80;
	s13 =	simm.s32 @!p4 $0x80;
	[sflag:s2] =	ssyncadd.s32 @!p4 $0xFFFFFF00  }
0xd9: {  	[tilespmem:s12], [sflag:$0x8] =	stream.indirect.gather @!p4 [hbm4b:s1+s13], $0x80, s5, s13, $0xb8;
	[tilespmem:$0x1FE80] =	vst v63  }
0xda: {  	s19 =	simm.s32 @!p0 $0x0;
	s2 =	simm.s32 @!p0 $0x13C80;
	s5 =	sadd.s32 @!p0 $0xFFFFF000, s26  }
0xdb: {  	[tilespmem:s2], [sflag:$0x5] =	stream.linear.gather @!p0 [hbm4b:s5+s19], $0x100, $0x38;
	[tilespmem:$0x1FE80] =	vst v63  }
0xdc: {  	_ =	swait.ge @!p2 [sflag:s11], $0x4000  }
0xdd: {  	s20 =	rddreg [dreg:$0x5]  }
0xde: {  	[sflag:s11] =	ssyncset.done @!p2 $0x0;
	p5 =	sge.u32 s24, s20  }
0xdf: {  	[sflag:s11] =	ssyncadd.s32 @!p2 $0xFFFFC000;
	s5 =	simm.s32 @!p5 $0x3  }
0xe0: {  	s21 =	sadd.s32 $0x5, s24;
	_ =	swait.ge @!p5 [sflag:s5], $0x100  }
0xe1: {  	p2 =	sge.u32 s21, s8;
	s11 =	simm.s32 @!p5 $0x1BE80;
	[sflag:s5] =	ssyncset.done @!p5 $0x0  }
0xe2: {  	s19 =	simm.s32 @!p5 $0x80;
	[sflag:s5] =	ssyncadd.s32 @!p5 $0xFFFFFF00;
	s5 =	simm.s32 @!p5 $0x13A80  }
0xe3: {  	[tilespmem:s11], [sflag:$0x9] =	stream.indirect.gather @!p5 [hbm4b:s1+s19], $0x80, s5, s19, $0xb8;
	[tilespmem:$0x1FE80] =	vst v63  }
0xe4: {  	s20 =	sadd.s32 @!p2 $0xFFFFF400, s26;
	s21 =	simm.s32 @!p2 $0x0;
	s5 =	simm.s32 @!p2 $0x13D80  }
0xe5: {  	[tilespmem:s5], [sflag:$0x6] =	stream.linear.gather @!p2 [hbm4b:s20+s21], $0x100, $0x38;
	[tilespmem:$0x1FE80] =	vst v63  }
0xe6: {  	s20 =	simm.s32 @!p3 $0x7  }
0xe7: {  	_ =	swait.ge @!p3 [sflag:s20], $0x4000  }
0xe8: {  	[sflag:s20] =	ssyncset.done @!p3 $0x0  }
0xe9: {  	[sflag:s20] =	ssyncadd.s32 @!p3 $0xFFFFC000;
	s20 =	simm.s32 @!p3 $0x13900  }
0xea: {  	[spmem:s3] =	stream.indirect.scatter.add.f32 @!p3 [tilespmem:s7], [sflag:$0xA], $0x80, s20, s9, $0xb8;
	[tilespmem:$0x1FE80] =	vst v63  }
0xeb: {  	s7 =	simm.s32 @!p4 $0x8  }
0xec: {  	_ =	swait.ge @!p4 [sflag:s7], $0x4000  }
0xed: {  	[sflag:s7] =	ssyncset.done @!p4 $0x0  }
0xee: {  	[sflag:s7] =	ssyncadd.s32 @!p4 $0xFFFFC000;
	s7 =	simm.s32 @!p4 $0x13A00  }
0xef: {  	[spmem:s3] =	stream.indirect.scatter.add.f32 @!p4 [tilespmem:s12], [sflag:$0xB], $0x80, s7, s13, $0xb8;
	[tilespmem:$0x1FE80] =	vst v63  }
0xf0: {  	s7 =	simm.s32 @!p5 $0x9  }
0xf1: {  	_ =	swait.ge @!p5 [sflag:s7], $0x4000  }
0xf2: {  	[sflag:s7] =	ssyncset.done @!p5 $0x0  }
0xf3: {  	s9 =	simm.s32 @!p3 $0xA;
	[sflag:s7] =	ssyncadd.s32 @!p5 $0xFFFFC000;
	s7 =	simm.s32 @!p5 $0x13B00  }
0xf4: {  	[spmem:s3] =	stream.indirect.scatter.add.f32 @!p5 [tilespmem:s11], [sflag:$0xC], $0x80, s7, s19, $0xb8;
	[tilespmem:$0x1FE80] =	vst v63  }
0xf5: {  	_ =	swait.ge @!p3 [sflag:s9], $0x4000  }
0xf6: {  	[sflag:s9] =	ssyncset.done @!p3 $0x0  }
0xf7: {  	s7 =	simm.s32 @!p1 $0x4;
	[sflag:s9] =	ssyncadd.s32 @!p3 $0xFFFFC000  }
0xf8: {  	_ =	swait.ge @!p1 [sflag:s7], $0x100  }
0xf9: {  	s13 =	simm.s32 @!p4 $0xB;
	s11 =	simm.s32 @!p1 $0x13E80;
	[sflag:s7] =	ssyncset.done @!p1 $0x0  }
0xfa: {  	s9 =	simm.s32 @!p1 $0x80;
	p3 =	sge.u32 s25, s8;
	[sflag:s7] =	ssyncadd.s32 @!p1 $0xFFFFFF00  }
0xfb: {  	[tilespmem:s11], [sflag:$0x7] =	stream.indirect.gather @!p1 [hbm4b:s1+s9], $0x80, s0, s9, $0xb8;
	[tilespmem:$0x1FE80] =	vst v63  }
0xfc: {  	s12 =	sadd.s32 @!p3 $0xFFFFF800, s26;
	s7 =	simm.s32 @!p3 $0x13880;
	s0 =	simm.s32 @!p3 $0x0  }
0xfd: {  	[tilespmem:s7], [sflag:$0x1] =	stream.linear.gather @!p3 [hbm4b:s12+s0], $0x100, $0x38;
	[tilespmem:$0x1FE80] =	vst v63  }
0xfe: {  	_ =	swait.ge @!p4 [sflag:s13], $0x4000  }
0xff: {  	[sflag:s13] =	ssyncset.done @!p4 $0x0  }
0x100: {  	s0 =	simm.s32 @!p0 $0x5;
	[sflag:s13] =	ssyncadd.s32 @!p4 $0xFFFFC000  }
0x101: {  	_ =	swait.ge @!p0 [sflag:s0], $0x100  }
0x102: {  	s28 =	sadd.s32 $0x7, s24;
	s7 =	simm.s32 @!p0 $0x80;
	[sflag:s0] =	ssyncset.done @!p0 $0x0  }
0x103: {  	p3 =	sge.u32 s28, s8;
	s13 =	simm.s32 @!p0 $0x17E80;
	[sflag:s0] =	ssyncadd.s32 @!p0 $0xFFFFFF00  }
0x104: {  	[tilespmem:s13], [sflag:$0x8] =	stream.indirect.gather @!p0 [hbm4b:s1+s7], $0x80, s2, s7, $0xb8;
	[tilespmem:$0x1FE80] =	vst v63  }
0x105: {  	s12 =	simm.s32 @!p3 $0x13980;
	s0 =	sadd.s32 @!p3 $0xFFFFFC00, s26;
	s2 =	simm.s32 @!p3 $0x0  }
0x106: {  	[tilespmem:s12], [sflag:$0x2] =	stream.linear.gather @!p3 [hbm4b:s0+s2], $0x100, $0x38;
	[tilespmem:$0x1FE80] =	vst v63  }
0x107: {  	s0 =	simm.s32 @!p5 $0xC  }
0x108: {  	_ =	swait.ge @!p5 [sflag:s0], $0x4000  }
0x109: {  	[sflag:s0] =	ssyncset.done @!p5 $0x0  }
0x10a: {  	s2 =	simm.s32 @!p2 $0x6;
	[sflag:s0] =	ssyncadd.s32 @!p5 $0xFFFFC000  }
0x10b: {  	s29 =	sadd.s32 $0x8, s24;
	_ =	swait.ge @!p2 [sflag:s2], $0x100  }
0x10c: {  	p3 =	sge.u32 s29, s8;
	[sflag:s2] =	ssyncset.done @!p2 $0x0  }
0x10d: {  	s0 =	simm.s32 @!p2 $0x80;
	[sflag:s2] =	ssyncadd.s32 @!p2 $0xFFFFFF00;
	s2 =	simm.s32 @!p2 $0x1BE80  }
0x10e: {  	[tilespmem:s2], [sflag:$0x9] =	stream.indirect.gather @!p2 [hbm4b:s1+s0], $0x80, s5, s0, $0xb8;
	[tilespmem:$0x1FE80] =	vst v63  }
0x10f: {  	s12 =	simm.s32 @!p3 $0x13A80;
	s5 =	simm.s32 @!p3 $0x0  }
0x110: {  	[tilespmem:s12], [sflag:$0x3] =	stream.linear.gather @!p3 [hbm4b:s26+s5], $0x100, $0x38;
	[tilespmem:$0x1FE80] =	vst v63  }
0x111: {  	s5 =	simm.s32 @!p1 $0x7  }
0x112: {  	_ =	swait.ge @!p1 [sflag:s5], $0x4000  }
0x113: {  	[sflag:s5] =	ssyncset.done @!p1 $0x0  }
0x114: {  	[sflag:s5] =	ssyncadd.s32 @!p1 $0xFFFFC000;
	s5 =	simm.s32 @!p1 $0x13C00  }
0x115: {  	[spmem:s3] =	stream.indirect.scatter.add.f32 @!p1 [tilespmem:s11], [sflag:$0xA], $0x80, s5, s9, $0xb8;
	[tilespmem:$0x1FE80] =	vst v63  }
0x116: {  	s5 =	simm.s32 @!p0 $0x8  }
0x117: {  	_ =	swait.ge @!p0 [sflag:s5], $0x4000  }
0x118: {  	[sflag:s5] =	ssyncset.done @!p0 $0x0  }
0x119: {  	[sflag:s5] =	ssyncadd.s32 @!p0 $0xFFFFC000;
	s5 =	simm.s32 @!p0 $0x13D00  }
0x11a: {  	[spmem:s3] =	stream.indirect.scatter.add.f32 @!p0 [tilespmem:s13], [sflag:$0xB], $0x80, s5, s7, $0xb8;
	[tilespmem:$0x1FE80] =	vst v63  }
0x11b: {  	s5 =	simm.s32 @!p2 $0x9  }
0x11c: {  	_ =	swait.ge @!p2 [sflag:s5], $0x4000  }
0x11d: {  	[sflag:s5] =	ssyncset.done @!p2 $0x0  }
0x11e: {  	[sflag:s5] =	ssyncadd.s32 @!p2 $0xFFFFC000;
	s5 =	simm.s32 @!p2 $0x13E00  }
0x11f: {  	[spmem:s3] =	stream.indirect.scatter.add.f32 @!p2 [tilespmem:s2], [sflag:$0xC], $0x80, s5, s0, $0xb8;
	[tilespmem:$0x1FE80] =	vst v63  }
0x120: {  	[bflag:$0x0] =	sbarrier.arrive $0xFFFF  }
0x121: {  	s30 =	rddreg [dreg:$0xb]  }
0x122: {  	[hbm:s30], [sflag:s6] =	dma.local [spmem:s17], $0x2700  }
0x123: {  	_ =	swait.ge [sflag:s18], $0x2700  }
0x124: {  	s31 =	sld [smem:$0x7FD];
	_ =	sdelay $0x1  }
0x125: {  	s22 =	sadd.s32 $0x1, s22;
	[sflag:s18] =	ssyncset.done $0x0  }
0x126: {  	p0 =	sne.s32 s22, s15;
	[sflag:s18] =	ssyncadd.s32 $0xFFFFD900;
	p1 =	seq.s32 s31, $0x1  }
0x127: {  	[hbm:s14], [sflag:s6] =	dma.local @!p1 [spmem:s23], $0x100  }
.Ltmp1:
0x128: {  	_ = 	snop;
	(pc) =	sbr.rel @p0 .LBB2_1-.Ltmp1, $4  }
0x129: {  	s0 =	simm.s32 @!p1 $0xD  }
0x12a: {  	_ =	swait.ge @!p1 [sflag:s0], $0x100  }
0x12b: {  	[sflag:s0] =	ssyncset.done @!p1 $0x0  }
0x12c: {  	[sflag:s0] =	ssyncadd.s32 @!p1 $0xFFFFFF00  }
0x12d: {  	_ =	sfence.sel $0x180000  }
0x12e: {  	[bflag:$0x0] =	sbarrier.arrive $0xFFFF  }
0x12f: {  	_ =	strace $0x9000004D  }
0x130: {  	s0 =	stileid.u32;
	[bflag:$0x2] =	sbarrier.arrive $0xFFFF  }
0x131: {  	p0 =	sne.s32 s0, $0x0;
	s0 =	rddreg [dreg:$0x3]  }
0x132: {  	s0 =	sadd.s32 @!p0 $0x100000, s0  }
0x133: {  	[sflag:s0] =	ssyncadd.tile.s32 @!p0 $0x1;
	_ =	shalt  }
.Lfunc_end2:
_tile_overlayer_lowered:
.L_overlay_start_2:
0x134: {  	(tag) =	ssettag $0x2  }
0x135: {  	s0 =	rddreg [dreg:$0x0];
	s2 =	stileid.u32  }
0x136: {  	s1 =	rddreg [dreg:$0x1];
	p0 =	sne.s32 s2, $0x0  }
0x137: {  	s3 =	rddreg [dreg:$0x2];
	[bflag:$0x3] =	sbarrier.arrive $0xFFFF;
	s2 =	simm.s32 @!p0 $0x1C0D  }
0x138: {  	[timem:s3], [sflag:s2] =	dma.local @!p0 [hbm:s0], s1  }
0x139: {  	s0 =	simm.s32 @!p0 $0xD  }
0x13a: {  	_ =	swait.ge @!p0 [sflag:s0], s1  }
0x13b: {  	s1 =	ssub.s32 @!p0 $0x0, s1;
	[sflag:s0] =	ssyncset.done @!p0 $0x0  }
0x13c: {  	[sflag:s0] =	ssyncadd.s32 @!p0 s1  }
0x13d: {  	[bflag:$0x3] =	sbarrier.arrive $0xFFFF  }
0x13e: {  	_ =	shalt  }

// kernel: kernel.20.cloned.1.call-start
scs
__scs_entry_jumppad:
0x0: {  	(pc) =	sbr.rel $0x88, $3  }
0x1: {  	(tag) =	ssettag $0x0;
	lr =	simm.s32 $0x1  }
0x2: {  	[smem:$0x3F96] =	sst lr;
	_ =	strace $0xD0000000  }
0x3: {  	_ = 	snop  }
0x4: {  	_ = 	snop  }
0x5: {  	_ = 	snop  }
0x6: {  	_ = 	snop  }
0x7: {  	_ = 	snop  }
__scs_overlays_trampoline_lowered:
0x8: {  	[smem:$0x3FA5] =	sst s0  }
0x9: {  	[smem:$0x3FA6] =	sst s1  }
0xa: {  	[smem:$0x3FA7] =	sst s2  }
0xb: {  	[smem:$0x3FA8] =	sst s3  }
0xc: {  	[smem:$0x3FA9] =	sst s4  }
0xd: {  	[smem:$0x3FAA] =	sst s5  }
0xe: {  	[smem:$0x3FAB] =	sst s6  }
0xf: {  	[smem:$0x3FAC] =	sst s7  }
0x10: {  	[smem:$0x3FAD] =	sst s8  }
0x11: {  	[smem:$0x3FAE] =	sst s9;
	s0 =	simm.s32 @!p0 $0x0  }
0x12: {  	s1 =	sld [smem:$0x3F94];
	s0 =	simm.s32 @p0 $0x1  }
0x13: {  	[smem:$0x3FAF] =	sst s0;
	s0 =	simm.s32 @!p1 $0x0  }
0x14: {  	s2 =	sld [smem:$0x3F93];
	s0 =	simm.s32 @p1 $0x1  }
0x15: {  	[smem:$0x3FB0] =	sst s0;
	s0 =	simm.s32 @!p2 $0x0  }
0x16: {  	s3 =	sld [smem:$0x3FDB];
	s0 =	simm.s32 @p2 $0x1  }
0x17: {  	s4 =	simm.s32 $0x1BF5;
	[smem:$0x3FB2] =	sst s0  }
0x18: {  	s0 =	sld [smem:$0x3F95];
	_ =	swait.ge [sflag:s4], $0x0  }
0x19: {  	s7 =	sld [smem:$0x3F96]  }
0x1a: {  	s8 =	sadd.s32 $0xFFFFE003, lr  }
0x1b: {  	s9 =	sadd.s32 $0xFFFFFEF7, lr;
	s5 =	simm.s32 $0xFFFFFFFF;
	p2 =	slt.u32 s8, $0xFFFFF086  }
0x1c: {  	p1 =	slt.u32 s9, $0xF7A;
	s5 =	simm.s32 @!p2 $0x0  }
0x1d: {  	s5 =	simm.s32 @p1 $0x1;
	p0 =	seq.s32 s7, s2  }
0x1e: {  	s7 =	smul.u32 @!p0 $0xF7A, s2;
	p2 =	seq.s32 @!p0 s5, $0x0  }
0x1f: {  	s9 =	smul.u32 $0xF7A, s1;
	s8 =	simm.s32 @!p0 $0x1BF5;
	p2 =	por !p2, p0  }
0x20: {  	[sflag:s8] =	ssyncset.s32 @!p0 $0xFFFFF086;
	s6 =	sadd.s32 @!p0 s3, s7;
	s7 =	simm.s32 @!p0 $0x108  }
0x21: {  	s3 =	sadd.s32 s3, s9;
	s6 =	sadd.s32 @!p0 $0x88, s6;
	s7 =	simm.s32 @p2 $0x1082  }
0x22: {  	[simem:s7], [sflag:s8] =	dma.local @!p0 [hbm:s6], $0xF7A  }
0x23: {  	s9 =	sor.u32 $0xD0000000, s2;
	s6 =	simm.s32 $0x108;
	_ =	swait.ge @!p0 [sflag:s8], $0x0  }
0x24: {  	s3 =	sadd.s32 $0x88, s3;
	s6 =	simm.s32 @!p1 $0x1082;
	[sflag:s4] =	ssyncset.s32 $0xFFFFF086  }
0x25: {  	[simem:s6], [sflag:s4] =	dma.local [hbm:s3], $0xF7A  }
0x26: {  	[smem:$0x3F96] =	sst s1;
	(tag) =	ssettag s2;
	_ =	strace s9  }
0x27: {  	s1 =	sld [smem:$0x3FA6]  }
0x28: {  	s2 =	sld [smem:$0x3FA7]  }
0x29: {  	s4 =	sld [smem:$0x3FA9]  }
0x2a: {  	p0 =	seq.s32 s5, $0x0;
	s5 =	sld [smem:$0x3FAA]  }
0x2b: {  	s6 =	sld [smem:$0x3FAB]  }
0x2c: {  	s7 =	sld [smem:$0x3FAC]  }
0x2d: {  	s3 =	simm.s32 $0x108;
	s8 =	sld [smem:$0x3FAD]  }
0x2e: {  	s3 =	simm.s32 @!p0 $0x1082;
	s9 =	sld [smem:$0x3FAE]  }
0x2f: {  	lr =	sadd.s32 s0, s3;
	s0 =	sld [smem:$0x3FA5]  }
0x30: {  	s3 =	sld [smem:$0x3FA8]  }
0x31: {  	[smem:$0x3FB1] =	sst s10  }
0x32: {  	s10 =	sld [smem:$0x3FAF];
	_ =	sdelay $0x3  }
0x33: {  	p0 =	seq.s32 s10, $0x1;
	s10 =	sld [smem:$0x3FB1];
	_ =	sdelay $0x3  }
0x34: {  	[smem:$0x3FB1] =	sst s10  }
0x35: {  	s10 =	sld [smem:$0x3FB0];
	_ =	sdelay $0x3  }
0x36: {  	p1 =	seq.s32 s10, $0x1;
	s10 =	sld [smem:$0x3FB1];
	_ =	sdelay $0x3  }
0x37: {  	[smem:$0x3FB1] =	sst s10  }
0x38: {  	s10 =	sld [smem:$0x3FB2]  }
0x39: {  	_ = 	snop;
	(pc) =	sbr.ind lr, $3  }
0x3a: {  	_ = 	snop  }
0x3b: {  	_ = 	snop  }
0x3c: {  	p2 =	seq.s32 s10, $0x1;
	s10 =	sld [smem:$0x3FB1]  }
0x3d: {  	_ =	shalt  }
0x3e: {  	_ =	shalt  }
0x3f: {  	_ =	shalt  }
0x40: {  	_ =	shalt  }
0x41: {  	_ =	shalt  }
0x42: {  	_ =	shalt  }
0x43: {  	_ =	shalt  }
0x44: {  	_ =	shalt  }
0x45: {  	_ =	shalt  }
0x46: {  	_ =	shalt  }
0x47: {  	_ =	shalt  }
0x48: {  	_ =	shalt  }
0x49: {  	_ =	shalt  }
0x4a: {  	_ =	shalt  }
0x4b: {  	_ =	shalt  }
0x4c: {  	_ =	shalt  }
0x4d: {  	_ =	shalt  }
0x4e: {  	_ =	shalt  }
0x4f: {  	_ =	shalt  }
0x50: {  	_ =	shalt  }
0x51: {  	_ =	shalt  }
0x52: {  	_ =	shalt  }
0x53: {  	_ =	shalt  }
0x54: {  	_ =	shalt  }
0x55: {  	_ =	shalt  }
0x56: {  	_ =	shalt  }
0x57: {  	_ =	shalt  }
0x58: {  	_ =	shalt  }
0x59: {  	_ =	shalt  }
0x5a: {  	_ =	shalt  }
0x5b: {  	_ =	shalt  }
0x5c: {  	_ =	shalt  }
0x5d: {  	_ =	shalt  }
0x5e: {  	_ =	shalt  }
0x5f: {  	_ =	shalt  }
0x60: {  	_ =	shalt  }
0x61: {  	_ =	shalt  }
0x62: {  	_ =	shalt  }
0x63: {  	_ =	shalt  }
0x64: {  	_ =	shalt  }
0x65: {  	_ =	shalt  }
0x66: {  	_ =	shalt  }
0x67: {  	_ =	shalt  }
0x68: {  	_ =	shalt  }
0x69: {  	_ =	shalt  }
0x6a: {  	_ =	shalt  }
0x6b: {  	_ =	shalt  }
0x6c: {  	_ =	shalt  }
0x6d: {  	_ =	shalt  }
0x6e: {  	_ =	shalt  }
0x6f: {  	_ =	shalt  }
0x70: {  	_ =	shalt  }
0x71: {  	_ =	shalt  }
0x72: {  	_ =	shalt  }
0x73: {  	_ =	shalt  }
0x74: {  	_ =	shalt  }
0x75: {  	_ =	shalt  }
0x76: {  	_ =	shalt  }
0x77: {  	_ =	shalt  }
0x78: {  	_ =	shalt  }
0x79: {  	_ =	shalt  }
0x7a: {  	_ =	shalt  }
0x7b: {  	_ =	shalt  }
0x7c: {  	_ =	shalt  }
0x7d: {  	_ =	shalt  }
0x7e: {  	_ =	shalt  }
0x7f: {  	_ =	shalt  }
0x80: {  	_ =	shalt  }
0x81: {  	_ =	shalt  }
0x82: {  	_ =	shalt  }
0x83: {  	_ =	shalt  }
0x84: {  	_ =	shalt  }
0x85: {  	_ =	shalt  }
0x86: {  	_ =	shalt  }
0x87: {  	_ =	shalt  }
.Lfunc_end0:
.L_simem_size_0:
called_computation.3_lowered:
.L_overlay_start_0:
0x88: {  	s2 =	sld [smem:$0x3FD9]  }
0x89: {  	s3 =	sld [smem:$0x3FFE];
	_ =	sdelay $0x1  }
0x8a: {  	s1 =	srdreg.scid  }
0x8b: {  	s0 =	sand.u32 $0x1, s1  }
0x8c: {  	s14 =	sshll.u32 s0, $0xA;
	s2 =	sadd.s32 s3, s2  }
0x8d: {  	s2 =	sadd.s32 s2, s14  }
0x8e: {  	[smem:$0x3FBD] =	sst s2  }
0x8f: {  	_ = 	snop  }
0x90: {  	s2 =	sld [smem:$0x3FD0];
	_ =	sdelay $0x2  }
0x91: {  	s4 =	simm.s32 $0xA;
	s5 =	simm.s32 $0x10;
	s15 =	sld [smem:$0x3FBF]  }
0x92: {  	[smem:s5], [sflag:s4] =	dma.local [hbm:s2], $0x1  }
0x93: {  	_ =	swait.eq [sflag:s4], $0x1  }
0x94: {  	[sflag:s4] =	ssyncset.done $0x0  }
0x95: {  	[sflag:s4] =	ssyncadd.s32 $0xFFFFFFFF  }
0x96: {  	s16 =	sld [smem:$0x11];
	(tm) =	ssettm $0x1  }
0x97: {  	s17 =	sld [smem:$0x3FFB];
	_ =	sdelay $0x3  }
0x98: {  	_ =	strace s17  }
0x99: {  	s4 =	sld [smem:$0x3FFC];
	_ =	sdelay $0x3  }
0x9a: {  	_ =	strace s4  }
0x9b: {  	s4 =	sld [smem:$0x3FFD];
	_ =	sdelay $0x3  }
0x9c: {  	_ =	strace s4  }
0x9d: {  	_ =	strace $0x8FFFFFFF  }
0x9e: {  	s18 =	sld [smem:$0x3FDB];
	_ =	sdelay $0x1  }
0x9f: {  	s19 =	simm.s32 $_scs_section_size  }
0xa0: {  	s6 =	simm.s32 $_size__tile_overlayer_lowered;
	s7 =	simm.s32 $_tile_overlayer_lowered  }
0xa1: {  	s22 =	simm.s32 $0x1BFF;
	s21 =	sshll.u32 s7, $0x1;
	s4 =	sadd.s32 s19, s18  }
0xa2: {  	s8 =	simm.s32 $0x0;
	s20 =	sshll.u32 s6, $0x1;
	s6 =	sadd.s32 s21, s4  }
0xa3: {  	[timem:s8], [sflag:s22] =	dma.local [hbm:s6], s20  }
0xa4: {  	_ =	swait.ge [sflag:s22], s20  }
0xa5: {  	s5 =	ssub.s32 $0x0, s20;
	[sflag:s22] =	ssyncset.done $0x0  }
0xa6: {  	[sflag:s22] =	ssyncadd.s32 s5;
	_ =	sdelay $0x1  }
0xa7: {  	s23 =	simm.s32 $0x1B8B  }
0xa8: {  	_ =	swait.ge [sflag:s23], $0x1  }
0xa9: {  	[sflag:s23] =	ssyncset.done $0x0  }
0xaa: {  	s25 =	simm.s32 $0x1B8E;
	s24 =	sld [smem:$0x3FFE];
	[sflag:s23] =	ssyncadd.s32 $0xFFFFFFFF  }
0xab: {  	s26 =	simm.s32 $execute0_lowered;
	[smem:$0x3FD2] =	sst s25  }
0xac: {  	s6 =	sshll.u32 s26, $0x1;
	_ =	strace $0x8000004F;
	[dreg:$0x1] =	wrdreg $0xFFFFFFFF  }
0xad: {  	s28 =	simm.s32 $_size_execute0_lowered;
	s4 =	sadd.s32 s4, s6;
	[dreg:$0x0] =	wrdreg $0x0  }
0xae: {  	s6 =	sshll.u32 s28, $0x1;
	[dreg:$0x2] =	wrdreg s4  }
0xaf: {  	[dreg:$0x3] =	wrdreg s6  }
0xb0: {  	[dreg:$0x4] =	wrdreg $0xC0  }
0xb1: {  	_ =	task [dreg:s8], $0x5FFFF  }
0xb2: {  	[dreg:$0x1] =	wrdreg $0xFFFFFFFF  }
0xb3: {  	[dreg:$0x0] =	wrdreg $0x60  }
0xb4: {  	[dreg:$0x2] =	wrdreg s16  }
0xb5: {  	[dreg:$0x3] =	wrdreg s15  }
0xb6: {  	[dreg:$0x4] =	wrdreg s24  }
0xb7: {  	[dreg:$0x5] =	wrdreg $0x9  }
0xb8: {  	_ =	task.clear_ibuf [dreg:s8], $0x6FFFF;
	_ =	strace $0x9000004F  }
0xb9: {  	s29 =	simm.s32 $0x9;
	_ =	strace $0x80000051  }
0xba: {  	_ =	swait.ge [sflag:s29], $0x1  }
0xbb: {  	[sflag:s29] =	ssyncadd.s32 $0xFFFFFFFF  }
0xbc: {  	_ =	strace $0x90000051  }
0xbd: {  	_ =	sfence  }
0xbe: {  	s30 =	sld [smem:$0x0];
	_ =	sdelay $0x2  }
0xbf: {  	s31 =	sshll.u32 s1, $0xD;
	s1 =	sshrl.u32 s1, $0x2  }
0xc0: {  	s3 =	sand.u32 $0x4000, s31;
	s1 =	sadd.s32 s1, s30  }
0xc1: {  	s0 =	sor.u32 s3, s0;
	s1 =	sshll.u32 s1, $0x11  }
0xc2: {  	s0 =	sor.u32 s1, s0  }
0xc3: {  	s0 =	sadd.s32 $0x8F2B, s0  }
0xc4: {  	[sflag:s0] =	ssyncadd.remote.s32 $0x1  }
0xc5: {  	_ =	sfence.sel $0xFFFF  }
0xc6: {  	[dreg:$0x0] =	wrdreg $0xFFFFFFFF;
	(pc) =	sbr.abs _section_cstart, $3  }
0xc7: {  	[dreg:$0x1] =	wrdreg $0xFFFFFFFF  }
0xc8: {  	_ =	task.clear_ibuf [dreg:s8], $0x2FFFF;
	_ =	strace $0x9FFFFFFF  }
0xc9: {  	(tm) =	ssettm $0x7FFFFFFF  }
tec
execute0_lowered:
.L_overlay_start_1:
0x0: {  	(tag) =	ssettag $0x1  }
0x1: {  	s1 =	rddreg [dreg:$0x0];
	s2 =	srdreg.scid  }
0x2: {  	s4 =	rddreg [dreg:$0x1];
	s0 =	stileid.u32  }
0x3: {  	s9 =	rddreg [dreg:$0x2];
	s3 =	simm.s32 $0x0;
	s6 =	sand.u32 $0x1, s2  }
0x4: {  	s5 =	sshll.u32 s0, $0x7;
	s2 =	rddreg [dreg:$0x3];
	s7 =	sshll.u32 s6, $0x6  }
0x5: {  	s8 =	simm.s32 $0x1;
	[smem:$0x7FF] =	sst s3;
	s10 =	sor.u32 s7, s5  }
0x6: {  	_ =	strace $0x80000050;
	s11 =	ssub.s32 $0x2, s6;
	s5 =	sshrl.u32 s10, $0x3  }
0x7: {  	s6 =	simm.s32 $0x40;
	s5 =	sadd.s32 s4, s5;
	s4 =	simm.s32 $0x2  }
0x8: {  	[tilespmem:s3], [sflag:$0x2] =	stream.linear.gather [hbm4b:s5+s3], $0x40, $0x38;
	[tilespmem:$0x2080] =	vst v63  }
0x9: {  	s7 =	simm.s32 $0x80;
	s12 =	sshrl.u32 s11, $0x1;
	_ =	swait.ge [sflag:s4], $0x40  }
0xa: {  	s10 =	sshll.u32 s10, $0x4;
	s31 =	ssub.s32 s11, s12;
	[sflag:s4] =	ssyncset.done $0x0  }
0xb: {  	s9 =	sadd.s32 s10, s9;
	s10 =	smax.u32 s31, $0x1;
	[sflag:s4] =	ssyncadd.s32 $0xFFFFFFC0  }
0xc: {  	[tilespmem:s7], [sflag:$0x1] =	stream.indirect.gather [hbm4b:s1+s6], $0x80, s3, s6, $0xb8;
	[tilespmem:$0x2080] =	vst v63  }
0xd: {  	p0 =	sne.s32 s10, $0x1;
	_ =	swait.ge [sflag:s8], $0x2000  }
.Ltmp0:
0xe: {  	[sflag:s8] =	ssyncset.done $0x0;
	(pc) =	sbr.rel @!p0 .LBB2_2-.Ltmp0, $4  }
0xf: {  	s9 =	sadd.s32 $0x3E00, s9;
	[sflag:s8] =	ssyncadd.s32 $0xFFFFE000  }
0x10: {  	[hbm4b:s9+s3] =	stream.linear.scatter [tilespmem:s7], [sflag:$0x2], $0x2000, $0x38;
	[tilespmem:$0x2080] =	vst v63  }
0x11: {  	_ =	swait.ge [sflag:s4], $0x2000  }
0x12: {  	s10 =	sadd.s32 $0xFFFFFFFF, s10;
	[sflag:s4] =	ssyncset.done $0x0  }
.LBB2_1:
0x13: {  	p0 =	sne.s32 s10, $0x1;
	s10 =	sadd.s32 $0xFFFFFFFF, s10;
	[sflag:s4] =	ssyncadd.s32 $0xFFFFE000  }
0x14: {  	[tilespmem:s3], [sflag:$0x2] =	stream.linear.gather [hbm4b:s5+s3], $0x40, $0x38;
	[tilespmem:$0x2080] =	vst v63  }
0x15: {  	_ =	swait.ge [sflag:s4], $0x40  }
0x16: {  	[sflag:s4] =	ssyncset.done $0x0  }
0x17: {  	[sflag:s4] =	ssyncadd.s32 $0xFFFFFFC0  }
0x18: {  	[tilespmem:s7], [sflag:$0x1] =	stream.indirect.gather [hbm4b:s1+s6], $0x80, s3, s6, $0xb8;
	[tilespmem:$0x2080] =	vst v63  }
0x19: {  	_ =	swait.ge [sflag:s8], $0x2000  }
.Ltmp1:
0x1a: {  	[sflag:s8] =	ssyncset.done $0x0;
	(pc) =	sbr.rel @p0 .LBB2_1-.Ltmp1, $4  }
0x1b: {  	[sflag:s8] =	ssyncadd.s32 $0xFFFFE000  }
0x1c: {  	[hbm4b:s9+s3] =	stream.linear.scatter [tilespmem:s7], [sflag:$0x2], $0x2000, $0x38;
	[tilespmem:$0x2080] =	vst v63  }
0x1d: {  	_ =	swait.ge [sflag:s4], $0x2000  }
0x1e: {  	[sflag:s4] =	ssyncset.done $0x0  }
.LBB2_2:
0x1f: {  	[sflag:s4] =	ssyncadd.s32 $0xFFFFE000  }
0x20: {  	_ =	sfence.sel $0x180000  }
0x21: {  	[bflag:$0x0] =	sbarrier.arrive $0xFFFF  }
0x22: {  	p0 =	sne.s32 s0, $0x0;
	_ =	strace $0x90000050  }
0x23: {  	s0 =	sadd.s32 @!p0 $0x100000, s2;
	[bflag:$0x2] =	sbarrier.arrive $0xFFFF  }
0x24: {  	[sflag:s0] =	ssyncadd.tile.s32 @!p0 $0x1;
	_ =	shalt  }
.Lfunc_end2:
_tile_overlayer_lowered:
.L_overlay_start_2:
0x25: {  	(tag) =	ssettag $0x2  }
0x26: {  	s0 =	rddreg [dreg:$0x0];
	s2 =	stileid.u32  }
0x27: {  	s1 =	rddreg [dreg:$0x1];
	p0 =	sne.s32 s2, $0x0  }
0x28: {  	s3 =	rddreg [dreg:$0x2];
	[bflag:$0x3] =	sbarrier.arrive $0xFFFF;
	s2 =	simm.s32 @!p0 $0x1C02  }
0x29: {  	[timem:s3], [sflag:s2] =	dma.local @!p0 [hbm:s0], s1  }
0x2a: {  	s0 =	simm.s32 @!p0 $0x2  }
0x2b: {  	_ =	swait.ge @!p0 [sflag:s0], s1  }
0x2c: {  	s1 =	ssub.s32 @!p0 $0x0, s1;
	[sflag:s0] =	ssyncset.done @!p0 $0x0  }
0x2d: {  	[sflag:s0] =	ssyncadd.s32 @!p0 s1  }
0x2e: {  	[bflag:$0x3] =	sbarrier.arrive $0xFFFF  }
0x2f: {  	_ =	shalt  }

</sc_bundles>
